<compile_context>
chip_gen: v7x
topology: tpu7x:2x2x1
jax: 0.10.2.dev20260603
libtpu: 0.0.44.dev20260713+nightly
codegen_flags: <defaults>
</compile_context>

<pallas_src>
import jax
import jax.numpy as jnp
from jax import lax
from jax.experimental import pallas as pl
from jax.experimental.pallas import tpu as pltpu
from jax.experimental.pallas import tpu_sc as plsc

N = 10000
D = 128
E = 320000
NC = 2
NS = 16
NW = NC * NS
CHUNK = 128
CHUNKS = 80
HALF = 40
EP = NW * CHUNKS * CHUNK
NPAD = 10240
RPT = NPAD // NS
TCB = 2000

_MESH = plsc.VectorSubcoreMesh(
    core_axis_name="c", subcore_axis_name="s", num_cores=NC, num_subcores=NS)


def _zero_rows(ref, nrows):
    zeros16 = jnp.zeros((16,), jnp.float32)

    def body(i, carry):
        for j in range(8):
            ref[i, pl.ds(j * 16, 16)] = zeros16
        return carry

    lax.fori_loop(0, nrows, body, None)


def _sc_deg_body(dst_hbm, out0, out1, dst_v, ones_v, buf_v, hist,
                 sem0, sem1, sem2, sem3):
    cid = lax.axis_index("c")
    sid = lax.axis_index("s")
    wid = cid * NS + sid
    sems = (sem0, sem1, sem2, sem3)

    pltpu.async_copy(dst_hbm.at[pl.ds(wid * CHUNKS, CHUNKS)], dst_v, sem0)

    def fill(i, carry):
        ones_v[pl.ds(i * 16, 16)] = jnp.ones((16,), jnp.float32)
        buf_v[pl.ds(i * 16, 16)] = jnp.zeros((16,), jnp.float32)
        return carry

    lax.fori_loop(0, CHUNK // 16, fill, None)
    for k in range(RPT // CHUNK):
        pltpu.async_copy(buf_v, hist.at[pl.ds(sid * RPT + k * CHUNK, CHUNK)], sem1)
    for k in range(RPT // CHUNK):
        pltpu.make_async_copy(
            buf_v, hist.at[pl.ds(sid * RPT + k * CHUNK, CHUNK)], sem1).wait()
    pltpu.make_async_copy(dst_hbm.at[pl.ds(wid * CHUNKS, CHUNKS)], dst_v, sem0).wait()
    plsc.subcore_barrier()

    def fire(j, b):
        pltpu.async_copy(ones_v, hist.at[dst_v.at[j]], sems[b], add=True)

    for j in range(4):
        fire(j, j)

    def body(i, carry):
        for b in range(4):
            j = 4 * i + b
            pltpu.make_async_copy(ones_v, hist.at[dst_v.at[j]], sems[b]).wait()

            @pl.when(j + 4 < CHUNKS)
            def _():
                fire(j + 4, b)

        return carry

    lax.fori_loop(0, CHUNKS // 4, body, None)
    plsc.subcore_barrier()

    sl = pl.ds(sid * RPT, RPT)

    @pl.when(cid == 0)
    def _():
        pltpu.sync_copy(hist.at[sl], out0.at[sl])

    @pl.when(cid == 1)
    def _():
        pltpu.sync_copy(hist.at[sl], out1.at[sl])


_sc_deg = pl.kernel(
    _sc_deg_body,
    out_type=(jax.ShapeDtypeStruct((NPAD,), jnp.float32),
              jax.ShapeDtypeStruct((NPAD,), jnp.float32)),
    mesh=_MESH,
    scratch_types=[
        pltpu.VMEM((CHUNKS, CHUNK), jnp.int32),
        pltpu.VMEM((CHUNK,), jnp.float32),
        pltpu.VMEM((CHUNK,), jnp.float32),
        pltpu.VMEM_SHARED((NPAD,), jnp.float32),
        pltpu.SemaphoreType.DMA,
        pltpu.SemaphoreType.DMA,
        pltpu.SemaphoreType.DMA,
        pltpu.SemaphoreType.DMA,
    ],
)


def _sc_agg_body(y_hbm, src_hbm, dst_hbm, out0, out1,
                 src_v, dst_v, rows0, rows1, partial,
                 sem0, sem1, ssem0, ssem1):
    cid = lax.axis_index("c")
    sid = lax.axis_index("s")
    wid = cid * NS + sid

    _zero_rows(rows0, CHUNK)
    for k in range(RPT // CHUNK):
        pltpu.async_copy(rows0, partial.at[pl.ds(sid * RPT + k * CHUNK, CHUNK)], ssem0)
    for k in range(RPT // CHUNK):
        pltpu.make_async_copy(
            rows0, partial.at[pl.ds(sid * RPT + k * CHUNK, CHUNK)], ssem0).wait()
    plsc.subcore_barrier()

    rows = (rows0, rows1)
    gsem = (sem0, sem1)
    ssem = (ssem0, ssem1)

    def wait_g(b, j):
        pltpu.make_async_copy(y_hbm.at[src_v.at[j]], rows[b], gsem[b]).wait()

    def wait_s(b, j):
        pltpu.make_async_copy(rows[b], partial.at[dst_v.at[j]], ssem[b]).wait()

    for h in range(CHUNKS // HALF):
        base = wid * CHUNKS + h * HALF
        pltpu.sync_copy(src_hbm.at[pl.ds(base, HALF)], src_v)
        pltpu.sync_copy(dst_hbm.at[pl.ds(base, HALF)], dst_v)
        pltpu.async_copy(y_hbm.at[src_v.at[0]], rows0, sem0)

        def body(i, carry):
            for b in range(2):
                j = 2 * i + b
                nb = 1 - b

                @pl.when(j >= 1)
                def _():
                    wait_s(nb, j - 1)

                @pl.when(j + 1 < HALF)
                def _():
                    pltpu.async_copy(y_hbm.at[src_v.at[j + 1]], rows[nb], gsem[nb])

                wait_g(b, j)
                pltpu.async_copy(rows[b], partial.at[dst_v.at[j]], ssem[b], add=True)
            return carry

        lax.fori_loop(0, HALF // 2, body, None)
        wait_s(1, HALF - 1)
    plsc.subcore_barrier()

    @pl.when(cid == 0)
    def _():
        for k in range(RPT // CHUNK):
            sl = pl.ds(sid * RPT + k * CHUNK, CHUNK)
            pltpu.async_copy(partial.at[sl], out0.at[sl], sem0)
        for k in range(RPT // CHUNK):
            sl = pl.ds(sid * RPT + k * CHUNK, CHUNK)
            pltpu.make_async_copy(partial.at[sl], out0.at[sl], sem0).wait()

    @pl.when(cid == 1)
    def _():
        for k in range(RPT // CHUNK):
            sl = pl.ds(sid * RPT + k * CHUNK, CHUNK)
            pltpu.async_copy(partial.at[sl], out1.at[sl], sem0)
        for k in range(RPT // CHUNK):
            sl = pl.ds(sid * RPT + k * CHUNK, CHUNK)
            pltpu.make_async_copy(partial.at[sl], out1.at[sl], sem0).wait()


_sc_agg = pl.kernel(
    _sc_agg_body,
    out_type=(jax.ShapeDtypeStruct((NPAD, D), jnp.float32),
              jax.ShapeDtypeStruct((NPAD, D), jnp.float32)),
    mesh=_MESH,
    scratch_types=[
        pltpu.VMEM((HALF, CHUNK), jnp.int32),
        pltpu.VMEM((HALF, CHUNK), jnp.int32),
        pltpu.VMEM((CHUNK, D), jnp.float32),
        pltpu.VMEM((CHUNK, D), jnp.float32),
        pltpu.VMEM_SHARED((NPAD, D), jnp.float32),
        pltpu.SemaphoreType.DMA,
        pltpu.SemaphoreType.DMA,
        pltpu.SemaphoreType.DMA,
        pltpu.SemaphoreType.DMA,
    ],
)


def _dis(h0, h1):
    return lax.rsqrt(h0[...] + h1[...] + 1.0)


def _tc_first_body(x_ref, w_ref, h0_ref, h1_ref, o_ref):
    o_ref[...] = jnp.dot(x_ref[...], w_ref[...],
                         preferred_element_type=jnp.float32) * _dis(h0_ref, h1_ref)


def _tc_mid_body(y_ref, p0_ref, p1_ref, h0_ref, h1_ref, b_ref, w_ref, o_ref):
    dis = _dis(h0_ref, h1_ref)
    h = dis * (p0_ref[...] + p1_ref[...] + y_ref[...]) + b_ref[...]
    h = jnp.maximum(h, 0.0)
    o_ref[...] = jnp.dot(h, w_ref[...],
                         preferred_element_type=jnp.float32) * dis


def _tc_last_body(y_ref, p0_ref, p1_ref, h0_ref, h1_ref, b_ref, o_ref):
    dis = _dis(h0_ref, h1_ref)
    o_ref[...] = dis * (p0_ref[...] + p1_ref[...] + y_ref[...]) + b_ref[...]


_GRID = N // TCB
_row_spec = pl.BlockSpec((TCB, D), lambda i: (i, 0))
_w_spec = pl.BlockSpec((D, D), lambda i: (0, 0))
_h_spec = pl.BlockSpec((TCB, 1), lambda i: (i, 0))
_b_spec = pl.BlockSpec((1, D), lambda i: (0, 0))
_out_shape = jax.ShapeDtypeStruct((N, D), jnp.float32)

_tc_first = pl.pallas_call(
    _tc_first_body, grid=(_GRID,),
    in_specs=[_row_spec, _w_spec, _h_spec, _h_spec],
    out_specs=_row_spec, out_shape=_out_shape)

_tc_mid = pl.pallas_call(
    _tc_mid_body, grid=(_GRID,),
    in_specs=[_row_spec, _row_spec, _row_spec, _h_spec, _h_spec, _b_spec, _w_spec],
    out_specs=_row_spec, out_shape=_out_shape)

_tc_last = pl.pallas_call(
    _tc_last_body, grid=(_GRID,),
    in_specs=[_row_spec, _row_spec, _row_spec, _h_spec, _h_spec, _b_spec],
    out_specs=_row_spec, out_shape=_out_shape)


def kernel(x, W1, b1, W2, b2, W3, b3, edge_index):
    src = edge_index[0].astype(jnp.int32)
    dst = edge_index[1].astype(jnp.int32)
    npad_e = EP - E
    pad = jnp.arange(npad_e, dtype=jnp.int32)
    src_p = jnp.concatenate([src, pad % N]).reshape(EP // CHUNK, CHUNK)
    dst_p = jnp.concatenate([dst, N + pad % (NPAD - N)]).reshape(EP // CHUNK, CHUNK)

    h0, h1 = _sc_deg(dst_p)
    h0 = h0.reshape(NPAD, 1)
    h1 = h1.reshape(NPAD, 1)
    b1r = b1.reshape(1, D)
    b2r = b2.reshape(1, D)
    b3r = b3.reshape(1, D)

    y1 = _tc_first(x, W1, h0, h1)
    p0, p1 = _sc_agg(y1, src_p, dst_p)
    y2 = _tc_mid(y1, p0, p1, h0, h1, b1r, W2)
    p0, p1 = _sc_agg(y2, src_p, dst_p)
    y3 = _tc_mid(y2, p0, p1, h0, h1, b2r, W3)
    p0, p1 = _sc_agg(y3, src_p, dst_p)
    return _tc_last(y3, p0, p1, h0, h1, b3r)

# --- scband reference (transcript-rebuilt; emitter-appended) ---
"""Pipeline reference for scband-gcn-15590731285080 (READ-ONLY COPY).

The authoritative reference and input builder live on the scoring server;
editing this copy changes nothing except your own understanding.
"""

import jax, jax.numpy as jnp
import numpy as np

N_NODES = 10000
N_EDGES = 320000
D_IN = 128
D_HID = 128
D_OUT = 128


def _glorot(key, shape):
    fan_in, fan_out = shape[0], shape[1]
    limit = jnp.sqrt(6.0 / (fan_in + fan_out))
    return jax.random.uniform(key, shape, minval=-limit, maxval=limit, dtype=jnp.float32)


def setup_inputs(seed: int = 0) -> dict:
    key = jax.random.key(seed)
    k_x, k_e, k_w1, k_w2, k_w3 = jax.random.split(key, 5)
    x = jax.random.normal(k_x, (N_NODES, D_IN), dtype=jnp.float32)
    edge_index = jax.random.randint(k_e, (2, N_EDGES), 0, N_NODES, dtype=jnp.int64)
    W1 = _glorot(k_w1, (D_IN, D_HID))
    b1 = jnp.zeros((D_HID,), dtype=jnp.float32)
    W2 = _glorot(k_w2, (D_HID, D_HID))
    b2 = jnp.zeros((D_HID,), dtype=jnp.float32)
    W3 = _glorot(k_w3, (D_HID, D_OUT))
    b3 = jnp.zeros((D_OUT,), dtype=jnp.float32)
    return {"x": x, "W1": W1, "b1": b1, "W2": W2, "b2": b2, "W3": W3, "b3": b3, "edge_index": edge_index}


def _gcn_conv(x, W, b, src, dst, norm, n):
    # x' = D^{-1/2} (A + I) D^{-1/2} X W + b
    xw = x @ W
    msg = jnp.take(xw, src, axis=0) * norm[:, None]
    out = jnp.zeros((n, xw.shape[1]), dtype=xw.dtype).at[dst].add(msg)
    return out + b


def reference(x, W1, b1, W2, b2, W3, b3, edge_index):
    n = x.shape[0]
    loop = jnp.arange(n, dtype=edge_index.dtype)
    src = jnp.concatenate([edge_index[0], loop])
    dst = jnp.concatenate([edge_index[1], loop])
    # symmetric normalization with self-loops (GCNConv default)
    deg = jnp.zeros((n,), dtype=jnp.float32).at[dst].add(1.0)
    deg_inv_sqrt = jnp.where(deg > 0, jax.lax.rsqrt(jnp.maximum(deg, 1e-12)), 0.0)
    norm = jnp.take(deg_inv_sqrt, src) * jnp.take(deg_inv_sqrt, dst)

    h = _gcn_conv(x, W1, b1, src, dst, norm, n)
    h = jax.nn.relu(h)  # dropout p=0.0 in eval -> identity
    h = _gcn_conv(h, W2, b2, src, dst, norm, n)
    h = jax.nn.relu(h)
    out = _gcn_conv(h, W3, b3, src, dst, norm, n)
    return out

if __name__ == "__main__":
    import jax
    _d = setup_inputs()
    print(jax.jit(kernel)(*tuple(_d.values())))

</pallas_src>

<mosaic_0001>
#map = affine_map<(d0, d1) -> (0, 0)>
#map1 = affine_map<(d0, d1) -> (0)>
module attributes {stable_mosaic.version = 14 : i64} {
  func.func @_sc_deg_body(%arg0: i32, %arg1: i32, %arg2: memref<2560x128xi32, #tpu.memory_space<hbm>>, %arg3: memref<10240xf32, #tpu.memory_space<hbm>>, %arg4: memref<10240xf32, #tpu.memory_space<hbm>>, %arg5: memref<80x128xi32, #tpu.memory_space<vmem>>, %arg6: memref<128xf32, #tpu.memory_space<vmem>>, %arg7: memref<128xf32, #tpu.memory_space<vmem>>, %arg8: memref<10240xf32, #tpu.memory_space<vmem_shared>>, %arg9: memref<!tpu.dma_semaphore, #tpu.memory_space<semaphore_mem>>, %arg10: memref<!tpu.dma_semaphore, #tpu.memory_space<semaphore_mem>>, %arg11: memref<!tpu.dma_semaphore, #tpu.memory_space<semaphore_mem>>, %arg12: memref<!tpu.dma_semaphore, #tpu.memory_space<semaphore_mem>>) attributes {dimension_semantics = [#tpu.dimension_semantics<core_parallel>, #tpu.dimension_semantics<subcore_parallel>], iteration_bounds = array<i64: 2, 16>, scalar_prefetch = 0 : i64, scratch_operands = 8 : i64, tpu.core_type = #tpu.core_type<sc_vector_subcore>, window_params = [{transform_indices = #map}, {transform_indices = #map1}, {transform_indices = #map1}]} {
    %mul3A = arith.constant 16 : i32
    %mul3A_0 = arith.muli %arg0, %mul3A : i32
    %add3A = arith.addi %mul3A_0, %arg1 : i32
    %mul3A_1 = arith.constant 80 : i32
    %mul3A_2 = arith.muli %add3A, %mul3A_1 : i32
    %dma_start3A = arith.constant 0 : i32
    %dma_start3A_3 = tpu.memref_slice %arg2[%mul3A_2, %dma_start3A] : memref<2560x128xi32, #tpu.memory_space<hbm>> -> memref<80x128xi32, #tpu.memory_space<hbm>>
    %dma_start3A_4 = arith.constant 0 : i32
    %dma_start3A_5 = tpu.memref_slice %arg2[%mul3A_2, %dma_start3A_4] : memref<2560x128xi32, #tpu.memory_space<hbm>> -> memref<80x128xi32, #tpu.memory_space<hbm>>
    tpu.enqueue_dma source(%dma_start3A_5 : memref<80x128xi32, #tpu.memory_space<hbm>>) target(%arg5 : memref<80x128xi32, #tpu.memory_space<vmem>>) target_semaphore(%arg9 : memref<!tpu.dma_semaphore, #tpu.memory_space<semaphore_mem>>)
    %scan3A = arith.constant 0 : i32
    %scan3A_6 = arith.constant 8 : i32
    %scan3A_7 = arith.addi %scan3A, %scan3A_6 : i32
    %scan3A_8 = arith.constant 1 : i32
    scf.for %scan3A_114 = %scan3A to %scan3A_7 step %scan3A_8  : i32 {
      %broadcast_in_dim3A = arith.constant 1.000000e+00 : f32
      %broadcast_in_dim3A_115 = vector.broadcast %broadcast_in_dim3A : f32 to vector<16xf32>
      %mul3A_116 = arith.constant 16 : i32
      %mul3A_117 = arith.muli %scan3A_114, %mul3A_116 : i32
      %swap3A = arith.index_cast %mul3A_117 : i32 to index
      %swap3A_118 = tpu.vector_load %arg6[%swap3A] {strides = array<i32>} : memref<128xf32, #tpu.memory_space<vmem>>, vector<16xf32>,
      %swap3A_119 = vector.shape_cast %swap3A_118 : vector<16xf32> to vector<16xf32>
      %swap3A_120 = vector.shape_cast %broadcast_in_dim3A_115 : vector<16xf32> to vector<16xf32>
      tpu.vector_store %arg6[%swap3A], %swap3A_120 {strides = array<i32>} : memref<128xf32, #tpu.memory_space<vmem>>, vector<16xf32>,
      %broadcast_in_dim3A_121 = arith.constant 0.000000e+00 : f32
      %broadcast_in_dim3A_122 = vector.broadcast %broadcast_in_dim3A_121 : f32 to vector<16xf32>
      %mul3A_123 = arith.constant 16 : i32
      %mul3A_124 = arith.muli %scan3A_114, %mul3A_123 : i32
      %swap3A_125 = arith.index_cast %mul3A_124 : i32 to index
      %swap3A_126 = tpu.vector_load %arg7[%swap3A_125] {strides = array<i32>} : memref<128xf32, #tpu.memory_space<vmem>>, vector<16xf32>,
      %swap3A_127 = vector.shape_cast %swap3A_126 : vector<16xf32> to vector<16xf32>
      %swap3A_128 = vector.shape_cast %broadcast_in_dim3A_122 : vector<16xf32> to vector<16xf32>
      tpu.vector_store %arg7[%swap3A_125], %swap3A_128 {strides = array<i32>} : memref<128xf32, #tpu.memory_space<vmem>>, vector<16xf32>,
    }
    %scan3A_9 = arith.constant 8 : i32
    %mul3A_10 = arith.constant 640 : i32
    %mul3A_11 = arith.muli %arg1, %mul3A_10 : i32
    %add3A_12 = arith.constant 0 : i32
    %add3A_13 = arith.addi %mul3A_11, %add3A_12 : i32
    %dma_start3A_14 = tpu.memref_slice %arg8[%add3A_13] : memref<10240xf32, #tpu.memory_space<vmem_shared>> -> memref<128xf32, #tpu.memory_space<vmem_shared>>
    %dma_start3A_15 = tpu.memref_slice %arg8[%add3A_13] : memref<10240xf32, #tpu.memory_space<vmem_shared>> -> memref<128xf32, #tpu.memory_space<vmem_shared>>
    tpu.enqueue_dma source(%arg7 : memref<128xf32, #tpu.memory_space<vmem>>) target(%dma_start3A_15 : memref<128xf32, #tpu.memory_space<vmem_shared>>) target_semaphore(%arg10 : memref<!tpu.dma_semaphore, #tpu.memory_space<semaphore_mem>>)
    %mul3A_16 = arith.constant 640 : i32
    %mul3A_17 = arith.muli %arg1, %mul3A_16 : i32
    %add3A_18 = arith.constant 128 : i32
    %add3A_19 = arith.addi %mul3A_17, %add3A_18 : i32
    %dma_start3A_20 = tpu.memref_slice %arg8[%add3A_19] : memref<10240xf32, #tpu.memory_space<vmem_shared>> -> memref<128xf32, #tpu.memory_space<vmem_shared>>
    %dma_start3A_21 = tpu.memref_slice %arg8[%add3A_19] : memref<10240xf32, #tpu.memory_space<vmem_shared>> -> memref<128xf32, #tpu.memory_space<vmem_shared>>
    tpu.enqueue_dma source(%arg7 : memref<128xf32, #tpu.memory_space<vmem>>) target(%dma_start3A_21 : memref<128xf32, #tpu.memory_space<vmem_shared>>) target_semaphore(%arg10 : memref<!tpu.dma_semaphore, #tpu.memory_space<semaphore_mem>>)
    %mul3A_22 = arith.constant 640 : i32
    %mul3A_23 = arith.muli %arg1, %mul3A_22 : i32
    %add3A_24 = arith.constant 256 : i32
    %add3A_25 = arith.addi %mul3A_23, %add3A_24 : i32
    %dma_start3A_26 = tpu.memref_slice %arg8[%add3A_25] : memref<10240xf32, #tpu.memory_space<vmem_shared>> -> memref<128xf32, #tpu.memory_space<vmem_shared>>
    %dma_start3A_27 = tpu.memref_slice %arg8[%add3A_25] : memref<10240xf32, #tpu.memory_space<vmem_shared>> -> memref<128xf32, #tpu.memory_space<vmem_shared>>
    tpu.enqueue_dma source(%arg7 : memref<128xf32, #tpu.memory_space<vmem>>) target(%dma_start3A_27 : memref<128xf32, #tpu.memory_space<vmem_shared>>) target_semaphore(%arg10 : memref<!tpu.dma_semaphore, #tpu.memory_space<semaphore_mem>>)
    %mul3A_28 = arith.constant 640 : i32
    %mul3A_29 = arith.muli %arg1, %mul3A_28 : i32
    %add3A_30 = arith.constant 384 : i32
    %add3A_31 = arith.addi %mul3A_29, %add3A_30 : i32
    %dma_start3A_32 = tpu.memref_slice %arg8[%add3A_31] : memref<10240xf32, #tpu.memory_space<vmem_shared>> -> memref<128xf32, #tpu.memory_space<vmem_shared>>
    %dma_start3A_33 = tpu.memref_slice %arg8[%add3A_31] : memref<10240xf32, #tpu.memory_space<vmem_shared>> -> memref<128xf32, #tpu.memory_space<vmem_shared>>
    tpu.enqueue_dma source(%arg7 : memref<128xf32, #tpu.memory_space<vmem>>) target(%dma_start3A_33 : memref<128xf32, #tpu.memory_space<vmem_shared>>) target_semaphore(%arg10 : memref<!tpu.dma_semaphore, #tpu.memory_space<semaphore_mem>>)
    %mul3A_34 = arith.constant 640 : i32
    %mul3A_35 = arith.muli %arg1, %mul3A_34 : i32
    %add3A_36 = arith.constant 512 : i32
    %add3A_37 = arith.addi %mul3A_35, %add3A_36 : i32
    %dma_start3A_38 = tpu.memref_slice %arg8[%add3A_37] : memref<10240xf32, #tpu.memory_space<vmem_shared>> -> memref<128xf32, #tpu.memory_space<vmem_shared>>
    %dma_start3A_39 = tpu.memref_slice %arg8[%add3A_37] : memref<10240xf32, #tpu.memory_space<vmem_shared>> -> memref<128xf32, #tpu.memory_space<vmem_shared>>
    tpu.enqueue_dma source(%arg7 : memref<128xf32, #tpu.memory_space<vmem>>) target(%dma_start3A_39 : memref<128xf32, #tpu.memory_space<vmem_shared>>) target_semaphore(%arg10 : memref<!tpu.dma_semaphore, #tpu.memory_space<semaphore_mem>>)
    %mul3A_40 = arith.constant 640 : i32
    %mul3A_41 = arith.muli %arg1, %mul3A_40 : i32
    %add3A_42 = arith.constant 0 : i32
    %add3A_43 = arith.addi %mul3A_41, %add3A_42 : i32
    %dma_wait3A = tpu.memref_slice %arg8[%add3A_43] : memref<10240xf32, #tpu.memory_space<vmem_shared>> -> memref<128xf32, #tpu.memory_space<vmem_shared>>
    %dma_wait3A_44 = tpu.memref_slice %arg8[%add3A_43] : memref<10240xf32, #tpu.memory_space<vmem_shared>> -> memref<128xf32, #tpu.memory_space<vmem_shared>>
    tpu.wait_dma2 semaphore(%arg10 : memref<!tpu.dma_semaphore, #tpu.memory_space<semaphore_mem>>) src(%arg7 : memref<128xf32, #tpu.memory_space<vmem>>) dst(%dma_wait3A_44 : memref<128xf32, #tpu.memory_space<vmem_shared>>)
    %mul3A_45 = arith.constant 640 : i32
    %mul3A_46 = arith.muli %arg1, %mul3A_45 : i32
    %add3A_47 = arith.constant 128 : i32
    %add3A_48 = arith.addi %mul3A_46, %add3A_47 : i32
    %dma_wait3A_49 = tpu.memref_slice %arg8[%add3A_48] : memref<10240xf32, #tpu.memory_space<vmem_shared>> -> memref<128xf32, #tpu.memory_space<vmem_shared>>
    %dma_wait3A_50 = tpu.memref_slice %arg8[%add3A_48] : memref<10240xf32, #tpu.memory_space<vmem_shared>> -> memref<128xf32, #tpu.memory_space<vmem_shared>>
    tpu.wait_dma2 semaphore(%arg10 : memref<!tpu.dma_semaphore, #tpu.memory_space<semaphore_mem>>) src(%arg7 : memref<128xf32, #tpu.memory_space<vmem>>) dst(%dma_wait3A_50 : memref<128xf32, #tpu.memory_space<vmem_shared>>)
    %mul3A_51 = arith.constant 640 : i32
    %mul3A_52 = arith.muli %arg1, %mul3A_51 : i32
    %add3A_53 = arith.constant 256 : i32
    %add3A_54 = arith.addi %mul3A_52, %add3A_53 : i32
    %dma_wait3A_55 = tpu.memref_slice %arg8[%add3A_54] : memref<10240xf32, #tpu.memory_space<vmem_shared>> -> memref<128xf32, #tpu.memory_space<vmem_shared>>
    %dma_wait3A_56 = tpu.memref_slice %arg8[%add3A_54] : memref<10240xf32, #tpu.memory_space<vmem_shared>> -> memref<128xf32, #tpu.memory_space<vmem_shared>>
    tpu.wait_dma2 semaphore(%arg10 : memref<!tpu.dma_semaphore, #tpu.memory_space<semaphore_mem>>) src(%arg7 : memref<128xf32, #tpu.memory_space<vmem>>) dst(%dma_wait3A_56 : memref<128xf32, #tpu.memory_space<vmem_shared>>)
    %mul3A_57 = arith.constant 640 : i32
    %mul3A_58 = arith.muli %arg1, %mul3A_57 : i32
    %add3A_59 = arith.constant 384 : i32
    %add3A_60 = arith.addi %mul3A_58, %add3A_59 : i32
    %dma_wait3A_61 = tpu.memref_slice %arg8[%add3A_60] : memref<10240xf32, #tpu.memory_space<vmem_shared>> -> memref<128xf32, #tpu.memory_space<vmem_shared>>
    %dma_wait3A_62 = tpu.memref_slice %arg8[%add3A_60] : memref<10240xf32, #tpu.memory_space<vmem_shared>> -> memref<128xf32, #tpu.memory_space<vmem_shared>>
    tpu.wait_dma2 semaphore(%arg10 : memref<!tpu.dma_semaphore, #tpu.memory_space<semaphore_mem>>) src(%arg7 : memref<128xf32, #tpu.memory_space<vmem>>) dst(%dma_wait3A_62 : memref<128xf32, #tpu.memory_space<vmem_shared>>)
    %mul3A_63 = arith.constant 640 : i32
    %mul3A_64 = arith.muli %arg1, %mul3A_63 : i32
    %add3A_65 = arith.constant 512 : i32
    %add3A_66 = arith.addi %mul3A_64, %add3A_65 : i32
    %dma_wait3A_67 = tpu.memref_slice %arg8[%add3A_66] : memref<10240xf32, #tpu.memory_space<vmem_shared>> -> memref<128xf32, #tpu.memory_space<vmem_shared>>
    %dma_wait3A_68 = tpu.memref_slice %arg8[%add3A_66] : memref<10240xf32, #tpu.memory_space<vmem_shared>> -> memref<128xf32, #tpu.memory_space<vmem_shared>>
    tpu.wait_dma2 semaphore(%arg10 : memref<!tpu.dma_semaphore, #tpu.memory_space<semaphore_mem>>) src(%arg7 : memref<128xf32, #tpu.memory_space<vmem>>) dst(%dma_wait3A_68 : memref<128xf32, #tpu.memory_space<vmem_shared>>)
    %mul3A_69 = arith.constant 80 : i32
    %mul3A_70 = arith.muli %add3A, %mul3A_69 : i32
    %dma_wait3A_71 = arith.constant 0 : i32
    %dma_wait3A_72 = tpu.memref_slice %arg2[%mul3A_70, %dma_wait3A_71] : memref<2560x128xi32, #tpu.memory_space<hbm>> -> memref<80x128xi32, #tpu.memory_space<hbm>>
    %dma_wait3A_73 = arith.constant 0 : i32
    %dma_wait3A_74 = tpu.memref_slice %arg2[%mul3A_70, %dma_wait3A_73] : memref<2560x128xi32, #tpu.memory_space<hbm>> -> memref<80x128xi32, #tpu.memory_space<hbm>>
    tpu.wait_dma2 semaphore(%arg9 : memref<!tpu.dma_semaphore, #tpu.memory_space<semaphore_mem>>) src(%dma_wait3A_74 : memref<80x128xi32, #tpu.memory_space<hbm>>) dst(%arg5 : memref<80x128xi32, #tpu.memory_space<vmem>>)
    %barrier3A = arith.constant 0 : index
    tpu.barrier barrier_id(%barrier3A)
    %dma_start3A_75 = arith.constant 0 : i32
    %dma_start3A_76 = arith.constant 0 : i32
    %dma_start3A_77 = tpu.memref_slice %arg5[%dma_start3A_75, %dma_start3A_76] : memref<80x128xi32, #tpu.memory_space<vmem>> -> memref<1x128xi32, #tpu.memory_space<vmem>>
    %dma_start3A_78 = tpu.memref_squeeze %dma_start3A_77 : memref<1x128xi32, #tpu.memory_space<vmem>> -> memref<128xi32, #tpu.memory_space<vmem>>
    %dma_start3A_79 = arith.constant 0 : i32
    %dma_start3A_80 = tpu.memref_slice %arg8[%dma_start3A_79] : memref<10240xf32, #tpu.memory_space<vmem_shared>> -> memref<10240xf32, #tpu.memory_space<vmem_shared>>
    tpu.enqueue_indirect_dma source(%arg6 : memref<128xf32, #tpu.memory_space<vmem>>) target(%dma_start3A_80 : memref<10240xf32, #tpu.memory_space<vmem_shared>>) offsets(%dma_start3A_78 : memref<128xi32, #tpu.memory_space<vmem>>) semaphore(%arg9 : memref<!tpu.dma_semaphore, #tpu.memory_space<semaphore_mem>>) {add = true}
    %dma_start3A_81 = arith.constant 1 : i32
    %dma_start3A_82 = arith.constant 0 : i32
    %dma_start3A_83 = tpu.memref_slice %arg5[%dma_start3A_81, %dma_start3A_82] : memref<80x128xi32, #tpu.memory_space<vmem>> -> memref<1x128xi32, #tpu.memory_space<vmem>>
    %dma_start3A_84 = tpu.memref_squeeze %dma_start3A_83 : memref<1x128xi32, #tpu.memory_space<vmem>> -> memref<128xi32, #tpu.memory_space<vmem>>
    %dma_start3A_85 = arith.constant 0 : i32
    %dma_start3A_86 = tpu.memref_slice %arg8[%dma_start3A_85] : memref<10240xf32, #tpu.memory_space<vmem_shared>> -> memref<10240xf32, #tpu.memory_space<vmem_shared>>
    tpu.enqueue_indirect_dma source(%arg6 : memref<128xf32, #tpu.memory_space<vmem>>) target(%dma_start3A_86 : memref<10240xf32, #tpu.memory_space<vmem_shared>>) offsets(%dma_start3A_84 : memref<128xi32, #tpu.memory_space<vmem>>) semaphore(%arg10 : memref<!tpu.dma_semaphore, #tpu.memory_space<semaphore_mem>>) {add = true}
    %dma_start3A_87 = arith.constant 2 : i32
    %dma_start3A_88 = arith.constant 0 : i32
    %dma_start3A_89 = tpu.memref_slice %arg5[%dma_start3A_87, %dma_start3A_88] : memref<80x128xi32, #tpu.memory_space<vmem>> -> memref<1x128xi32, #tpu.memory_space<vmem>>
    %dma_start3A_90 = tpu.memref_squeeze %dma_start3A_89 : memref<1x128xi32, #tpu.memory_space<vmem>> -> memref<128xi32, #tpu.memory_space<vmem>>
    %dma_start3A_91 = arith.constant 0 : i32
    %dma_start3A_92 = tpu.memref_slice %arg8[%dma_start3A_91] : memref<10240xf32, #tpu.memory_space<vmem_shared>> -> memref<10240xf32, #tpu.memory_space<vmem_shared>>
    tpu.enqueue_indirect_dma source(%arg6 : memref<128xf32, #tpu.memory_space<vmem>>) target(%dma_start3A_92 : memref<10240xf32, #tpu.memory_space<vmem_shared>>) offsets(%dma_start3A_90 : memref<128xi32, #tpu.memory_space<vmem>>) semaphore(%arg11 : memref<!tpu.dma_semaphore, #tpu.memory_space<semaphore_mem>>) {add = true}
    %dma_start3A_93 = arith.constant 3 : i32
    %dma_start3A_94 = arith.constant 0 : i32
    %dma_start3A_95 = tpu.memref_slice %arg5[%dma_start3A_93, %dma_start3A_94] : memref<80x128xi32, #tpu.memory_space<vmem>> -> memref<1x128xi32, #tpu.memory_space<vmem>>
    %dma_start3A_96 = tpu.memref_squeeze %dma_start3A_95 : memref<1x128xi32, #tpu.memory_space<vmem>> -> memref<128xi32, #tpu.memory_space<vmem>>
    %dma_start3A_97 = arith.constant 0 : i32
    %dma_start3A_98 = tpu.memref_slice %arg8[%dma_start3A_97] : memref<10240xf32, #tpu.memory_space<vmem_shared>> -> memref<10240xf32, #tpu.memory_space<vmem_shared>>
    tpu.enqueue_indirect_dma source(%arg6 : memref<128xf32, #tpu.memory_space<vmem>>) target(%dma_start3A_98 : memref<10240xf32, #tpu.memory_space<vmem_shared>>) offsets(%dma_start3A_96 : memref<128xi32, #tpu.memory_space<vmem>>) semaphore(%arg12 : memref<!tpu.dma_semaphore, #tpu.memory_space<semaphore_mem>>) {add = true}
    %scan3A_99 = arith.constant 0 : i32
    %scan3A_100 = arith.constant 20 : i32
    %scan3A_101 = arith.addi %scan3A_99, %scan3A_100 : i32
    %scan3A_102 = arith.constant 1 : i32
    scf.for %scan3A_114 = %scan3A_99 to %scan3A_101 step %scan3A_102  : i32 {
      %mul3A_115 = arith.constant 4 : i32
      %mul3A_116 = arith.muli %mul3A_115, %scan3A_114 : i32
      %add3A_117 = arith.constant 0 : i32
      %add3A_118 = arith.addi %mul3A_116, %add3A_117 : i32
      %dma_wait3A_119 = arith.constant 0 : i32
      %dma_wait3A_120 = tpu.memref_slice %arg5[%add3A_118, %dma_wait3A_119] : memref<80x128xi32, #tpu.memory_space<vmem>> -> memref<1x128xi32, #tpu.memory_space<vmem>>
      %dma_wait3A_121 = tpu.memref_squeeze %dma_wait3A_120 : memref<1x128xi32, #tpu.memory_space<vmem>> -> memref<128xi32, #tpu.memory_space<vmem>>
      %dma_wait3A_122 = arith.constant 0 : i32
      %dma_wait3A_123 = tpu.memref_slice %arg8[%dma_wait3A_122] : memref<10240xf32, #tpu.memory_space<vmem_shared>> -> memref<10240xf32, #tpu.memory_space<vmem_shared>>
      tpu.wait_indirect_dma semaphore(%arg9 : memref<!tpu.dma_semaphore, #tpu.memory_space<semaphore_mem>>) src(%arg6 : memref<128xf32, #tpu.memory_space<vmem>>) dst(%dma_wait3A_123 : memref<10240xf32, #tpu.memory_space<vmem_shared>>)
      %add3A_124 = arith.constant 4 : i32
      %add3A_125 = arith.addi %add3A_118, %add3A_124 : i32
      %lt3A = arith.constant 80 : i32
      %lt3A_126 = arith.cmpi slt, %add3A_125, %lt3A : i32
      %convert_element_type3A_127 = arith.extui %lt3A_126 : i1 to i32
      %cond3A_128 = arith.constant 0 : i32
      %cond3A_129 = arith.cmpi ne, %convert_element_type3A_127, %cond3A_128 : i32
      scf.if %cond3A_129 {
        %add3A_178 = arith.constant 4 : i32
        %add3A_179 = arith.addi %add3A_118, %add3A_178 : i32
        %dma_start3A_180 = arith.constant 0 : i32
        %dma_start3A_181 = tpu.memref_slice %arg5[%add3A_179, %dma_start3A_180] : memref<80x128xi32, #tpu.memory_space<vmem>> -> memref<1x128xi32, #tpu.memory_space<vmem>>
        %dma_start3A_182 = tpu.memref_squeeze %dma_start3A_181 : memref<1x128xi32, #tpu.memory_space<vmem>> -> memref<128xi32, #tpu.memory_space<vmem>>
        %dma_start3A_183 = arith.constant 0 : i32
        %dma_start3A_184 = tpu.memref_slice %arg8[%dma_start3A_183] : memref<10240xf32, #tpu.memory_space<vmem_shared>> -> memref<10240xf32, #tpu.memory_space<vmem_shared>>
        tpu.enqueue_indirect_dma source(%arg6 : memref<128xf32, #tpu.memory_space<vmem>>) target(%dma_start3A_184 : memref<10240xf32, #tpu.memory_space<vmem_shared>>) offsets(%dma_start3A_182 : memref<128xi32, #tpu.memory_space<vmem>>) semaphore(%arg9 : memref<!tpu.dma_semaphore, #tpu.memory_space<semaphore_mem>>) {add = true}
      } else {
      }
      %mul3A_130 = arith.constant 4 : i32
      %mul3A_131 = arith.muli %mul3A_130, %scan3A_114 : i32
      %add3A_132 = arith.constant 1 : i32
      %add3A_133 = arith.addi %mul3A_131, %add3A_132 : i32
      %dma_wait3A_134 = arith.constant 0 : i32
      %dma_wait3A_135 = tpu.memref_slice %arg5[%add3A_133, %dma_wait3A_134] : memref<80x128xi32, #tpu.memory_space<vmem>> -> memref<1x128xi32, #tpu.memory_space<vmem>>
      %dma_wait3A_136 = tpu.memref_squeeze %dma_wait3A_135 : memref<1x128xi32, #tpu.memory_space<vmem>> -> memref<128xi32, #tpu.memory_space<vmem>>
      %dma_wait3A_137 = arith.constant 0 : i32
      %dma_wait3A_138 = tpu.memref_slice %arg8[%dma_wait3A_137] : memref<10240xf32, #tpu.memory_space<vmem_shared>> -> memref<10240xf32, #tpu.memory_space<vmem_shared>>
      tpu.wait_indirect_dma semaphore(%arg10 : memref<!tpu.dma_semaphore, #tpu.memory_space<semaphore_mem>>) src(%arg6 : memref<128xf32, #tpu.memory_space<vmem>>) dst(%dma_wait3A_138 : memref<10240xf32, #tpu.memory_space<vmem_shared>>)
      %add3A_139 = arith.constant 4 : i32
      %add3A_140 = arith.addi %add3A_133, %add3A_139 : i32
      %lt3A_141 = arith.constant 80 : i32
      %lt3A_142 = arith.cmpi slt, %add3A_140, %lt3A_141 : i32
      %convert_element_type3A_143 = arith.extui %lt3A_142 : i1 to i32
      %cond3A_144 = arith.constant 0 : i32
      %cond3A_145 = arith.cmpi ne, %convert_element_type3A_143, %cond3A_144 : i32
      scf.if %cond3A_145 {
        %add3A_178 = arith.constant 4 : i32
        %add3A_179 = arith.addi %add3A_133, %add3A_178 : i32
        %dma_start3A_180 = arith.constant 0 : i32
        %dma_start3A_181 = tpu.memref_slice %arg5[%add3A_179, %dma_start3A_180] : memref<80x128xi32, #tpu.memory_space<vmem>> -> memref<1x128xi32, #tpu.memory_space<vmem>>
        %dma_start3A_182 = tpu.memref_squeeze %dma_start3A_181 : memref<1x128xi32, #tpu.memory_space<vmem>> -> memref<128xi32, #tpu.memory_space<vmem>>
        %dma_start3A_183 = arith.constant 0 : i32
        %dma_start3A_184 = tpu.memref_slice %arg8[%dma_start3A_183] : memref<10240xf32, #tpu.memory_space<vmem_shared>> -> memref<10240xf32, #tpu.memory_space<vmem_shared>>
        tpu.enqueue_indirect_dma source(%arg6 : memref<128xf32, #tpu.memory_space<vmem>>) target(%dma_start3A_184 : memref<10240xf32, #tpu.memory_space<vmem_shared>>) offsets(%dma_start3A_182 : memref<128xi32, #tpu.memory_space<vmem>>) semaphore(%arg10 : memref<!tpu.dma_semaphore, #tpu.memory_space<semaphore_mem>>) {add = true}
      } else {
      }
      %mul3A_146 = arith.constant 4 : i32
      %mul3A_147 = arith.muli %mul3A_146, %scan3A_114 : i32
      %add3A_148 = arith.constant 2 : i32
      %add3A_149 = arith.addi %mul3A_147, %add3A_148 : i32
      %dma_wait3A_150 = arith.constant 0 : i32
      %dma_wait3A_151 = tpu.memref_slice %arg5[%add3A_149, %dma_wait3A_150] : memref<80x128xi32, #tpu.memory_space<vmem>> -> memref<1x128xi32, #tpu.memory_space<vmem>>
      %dma_wait3A_152 = tpu.memref_squeeze %dma_wait3A_151 : memref<1x128xi32, #tpu.memory_space<vmem>> -> memref<128xi32, #tpu.memory_space<vmem>>
      %dma_wait3A_153 = arith.constant 0 : i32
      %dma_wait3A_154 = tpu.memref_slice %arg8[%dma_wait3A_153] : memref<10240xf32, #tpu.memory_space<vmem_shared>> -> memref<10240xf32, #tpu.memory_space<vmem_shared>>
      tpu.wait_indirect_dma semaphore(%arg11 : memref<!tpu.dma_semaphore, #tpu.memory_space<semaphore_mem>>) src(%arg6 : memref<128xf32, #tpu.memory_space<vmem>>) dst(%dma_wait3A_154 : memref<10240xf32, #tpu.memory_space<vmem_shared>>)
      %add3A_155 = arith.constant 4 : i32
      %add3A_156 = arith.addi %add3A_149, %add3A_155 : i32
      %lt3A_157 = arith.constant 80 : i32
      %lt3A_158 = arith.cmpi slt, %add3A_156, %lt3A_157 : i32
      %convert_element_type3A_159 = arith.extui %lt3A_158 : i1 to i32
      %cond3A_160 = arith.constant 0 : i32
      %cond3A_161 = arith.cmpi ne, %convert_element_type3A_159, %cond3A_160 : i32
      scf.if %cond3A_161 {
        %add3A_178 = arith.constant 4 : i32
        %add3A_179 = arith.addi %add3A_149, %add3A_178 : i32
        %dma_start3A_180 = arith.constant 0 : i32
        %dma_start3A_181 = tpu.memref_slice %arg5[%add3A_179, %dma_start3A_180] : memref<80x128xi32, #tpu.memory_space<vmem>> -> memref<1x128xi32, #tpu.memory_space<vmem>>
        %dma_start3A_182 = tpu.memref_squeeze %dma_start3A_181 : memref<1x128xi32, #tpu.memory_space<vmem>> -> memref<128xi32, #tpu.memory_space<vmem>>
        %dma_start3A_183 = arith.constant 0 : i32
        %dma_start3A_184 = tpu.memref_slice %arg8[%dma_start3A_183] : memref<10240xf32, #tpu.memory_space<vmem_shared>> -> memref<10240xf32, #tpu.memory_space<vmem_shared>>
        tpu.enqueue_indirect_dma source(%arg6 : memref<128xf32, #tpu.memory_space<vmem>>) target(%dma_start3A_184 : memref<10240xf32, #tpu.memory_space<vmem_shared>>) offsets(%dma_start3A_182 : memref<128xi32, #tpu.memory_space<vmem>>) semaphore(%arg11 : memref<!tpu.dma_semaphore, #tpu.memory_space<semaphore_mem>>) {add = true}
      } else {
      }
      %mul3A_162 = arith.constant 4 : i32
      %mul3A_163 = arith.muli %mul3A_162, %scan3A_114 : i32
      %add3A_164 = arith.constant 3 : i32
      %add3A_165 = arith.addi %mul3A_163, %add3A_164 : i32
      %dma_wait3A_166 = arith.constant 0 : i32
      %dma_wait3A_167 = tpu.memref_slice %arg5[%add3A_165, %dma_wait3A_166] : memref<80x128xi32, #tpu.memory_space<vmem>> -> memref<1x128xi32, #tpu.memory_space<vmem>>
      %dma_wait3A_168 = tpu.memref_squeeze %dma_wait3A_167 : memref<1x128xi32, #tpu.memory_space<vmem>> -> memref<128xi32, #tpu.memory_space<vmem>>
      %dma_wait3A_169 = arith.constant 0 : i32
      %dma_wait3A_170 = tpu.memref_slice %arg8[%dma_wait3A_169] : memref<10240xf32, #tpu.memory_space<vmem_shared>> -> memref<10240xf32, #tpu.memory_space<vmem_shared>>
      tpu.wait_indirect_dma semaphore(%arg12 : memref<!tpu.dma_semaphore, #tpu.memory_space<semaphore_mem>>) src(%arg6 : memref<128xf32, #tpu.memory_space<vmem>>) dst(%dma_wait3A_170 : memref<10240xf32, #tpu.memory_space<vmem_shared>>)
      %add3A_171 = arith.constant 4 : i32
      %add3A_172 = arith.addi %add3A_165, %add3A_171 : i32
      %lt3A_173 = arith.constant 80 : i32
      %lt3A_174 = arith.cmpi slt, %add3A_172, %lt3A_173 : i32
      %convert_element_type3A_175 = arith.extui %lt3A_174 : i1 to i32
      %cond3A_176 = arith.constant 0 : i32
      %cond3A_177 = arith.cmpi ne, %convert_element_type3A_175, %cond3A_176 : i32
      scf.if %cond3A_177 {
        %add3A_178 = arith.constant 4 : i32
        %add3A_179 = arith.addi %add3A_165, %add3A_178 : i32
        %dma_start3A_180 = arith.constant 0 : i32
        %dma_start3A_181 = tpu.memref_slice %arg5[%add3A_179, %dma_start3A_180] : memref<80x128xi32, #tpu.memory_space<vmem>> -> memref<1x128xi32, #tpu.memory_space<vmem>>
        %dma_start3A_182 = tpu.memref_squeeze %dma_start3A_181 : memref<1x128xi32, #tpu.memory_space<vmem>> -> memref<128xi32, #tpu.memory_space<vmem>>
        %dma_start3A_183 = arith.constant 0 : i32
        %dma_start3A_184 = tpu.memref_slice %arg8[%dma_start3A_183] : memref<10240xf32, #tpu.memory_space<vmem_shared>> -> memref<10240xf32, #tpu.memory_space<vmem_shared>>
        tpu.enqueue_indirect_dma source(%arg6 : memref<128xf32, #tpu.memory_space<vmem>>) target(%dma_start3A_184 : memref<10240xf32, #tpu.memory_space<vmem_shared>>) offsets(%dma_start3A_182 : memref<128xi32, #tpu.memory_space<vmem>>) semaphore(%arg12 : memref<!tpu.dma_semaphore, #tpu.memory_space<semaphore_mem>>) {add = true}
      } else {
      }
    }
    %scan3A_103 = arith.constant 20 : i32
    %barrier3A_104 = arith.constant 0 : index
    tpu.barrier barrier_id(%barrier3A_104)
    %mul3A_105 = arith.constant 640 : i32
    %mul3A_106 = arith.muli %arg1, %mul3A_105 : i32
    %eq3A = arith.constant 0 : i32
    %eq3A_107 = arith.cmpi eq, %arg0, %eq3A : i32
    %convert_element_type3A = arith.extui %eq3A_107 : i1 to i32
    %cond3A = arith.constant 0 : i32
    %cond3A_108 = arith.cmpi ne, %convert_element_type3A, %cond3A : i32
    scf.if %cond3A_108 {
      "tpu.region"() ({
        %run_scoped3A = tpu.sem_alloc : memref<!tpu.dma_semaphore, #tpu.memory_space<semaphore_mem>>
        %dma_start3A_114 = tpu.memref_slice %arg3[%mul3A_106] : memref<10240xf32, #tpu.memory_space<hbm>> -> memref<640xf32, #tpu.memory_space<hbm>>
        %dma_start3A_115 = tpu.memref_slice %arg8[%mul3A_106] : memref<10240xf32, #tpu.memory_space<vmem_shared>> -> memref<640xf32, #tpu.memory_space<vmem_shared>>
        tpu.enqueue_dma source(%dma_start3A_115 : memref<640xf32, #tpu.memory_space<vmem_shared>>) target(%dma_start3A_114 : memref<640xf32, #tpu.memory_space<hbm>>) target_semaphore(%run_scoped3A : memref<!tpu.dma_semaphore, #tpu.memory_space<semaphore_mem>>)
        %dma_wait3A_116 = tpu.memref_slice %arg3[%mul3A_106] : memref<10240xf32, #tpu.memory_space<hbm>> -> memref<640xf32, #tpu.memory_space<hbm>>
        %dma_wait3A_117 = tpu.memref_slice %arg8[%mul3A_106] : memref<10240xf32, #tpu.memory_space<vmem_shared>> -> memref<640xf32, #tpu.memory_space<vmem_shared>>
        tpu.wait_dma2 semaphore(%run_scoped3A : memref<!tpu.dma_semaphore, #tpu.memory_space<semaphore_mem>>) src(%dma_wait3A_117 : memref<640xf32, #tpu.memory_space<vmem_shared>>) dst(%dma_wait3A_116 : memref<640xf32, #tpu.memory_space<hbm>>)
        tpu.yield
      }) : () -> ()
    } else {
    }
    %eq3A_109 = arith.constant 1 : i32
    %eq3A_110 = arith.cmpi eq, %arg0, %eq3A_109 : i32
    %convert_element_type3A_111 = arith.extui %eq3A_110 : i1 to i32
    %cond3A_112 = arith.constant 0 : i32
    %cond3A_113 = arith.cmpi ne, %convert_element_type3A_111, %cond3A_112 : i32
    scf.if %cond3A_113 {
      "tpu.region"() ({
        %run_scoped3A = tpu.sem_alloc : memref<!tpu.dma_semaphore, #tpu.memory_space<semaphore_mem>>
        %dma_start3A_114 = tpu.memref_slice %arg4[%mul3A_106] : memref<10240xf32, #tpu.memory_space<hbm>> -> memref<640xf32, #tpu.memory_space<hbm>>
        %dma_start3A_115 = tpu.memref_slice %arg8[%mul3A_106] : memref<10240xf32, #tpu.memory_space<vmem_shared>> -> memref<640xf32, #tpu.memory_space<vmem_shared>>
        tpu.enqueue_dma source(%dma_start3A_115 : memref<640xf32, #tpu.memory_space<vmem_shared>>) target(%dma_start3A_114 : memref<640xf32, #tpu.memory_space<hbm>>) target_semaphore(%run_scoped3A : memref<!tpu.dma_semaphore, #tpu.memory_space<semaphore_mem>>)
        %dma_wait3A_116 = tpu.memref_slice %arg4[%mul3A_106] : memref<10240xf32, #tpu.memory_space<hbm>> -> memref<640xf32, #tpu.memory_space<hbm>>
        %dma_wait3A_117 = tpu.memref_slice %arg8[%mul3A_106] : memref<10240xf32, #tpu.memory_space<vmem_shared>> -> memref<640xf32, #tpu.memory_space<vmem_shared>>
        tpu.wait_dma2 semaphore(%run_scoped3A : memref<!tpu.dma_semaphore, #tpu.memory_space<semaphore_mem>>) src(%dma_wait3A_117 : memref<640xf32, #tpu.memory_space<vmem_shared>>) dst(%dma_wait3A_116 : memref<640xf32, #tpu.memory_space<hbm>>)
        tpu.yield
      }) : () -> ()
    } else {
    }
    return
  }
}

#map = affine_map<(d0, d1) -> (0, 0)>
module attributes {stable_mosaic.version = 14 : i64} {
  func.func @_sc_agg_body(%arg0: i32, %arg1: i32, %arg2: memref<10000x128xf32, #tpu.memory_space<hbm>>, %arg3: memref<2560x128xi32, #tpu.memory_space<hbm>>, %arg4: memref<2560x128xi32, #tpu.memory_space<hbm>>, %arg5: memref<10240x128xf32, #tpu.memory_space<hbm>>, %arg6: memref<10240x128xf32, #tpu.memory_space<hbm>>, %arg7: memref<40x128xi32, #tpu.memory_space<vmem>>, %arg8: memref<40x128xi32, #tpu.memory_space<vmem>>, %arg9: memref<128x128xf32, #tpu.memory_space<vmem>>, %arg10: memref<128x128xf32, #tpu.memory_space<vmem>>, %arg11: memref<10240x128xf32, #tpu.memory_space<vmem_shared>>, %arg12: memref<!tpu.dma_semaphore, #tpu.memory_space<semaphore_mem>>, %arg13: memref<!tpu.dma_semaphore, #tpu.memory_space<semaphore_mem>>, %arg14: memref<!tpu.dma_semaphore, #tpu.memory_space<semaphore_mem>>, %arg15: memref<!tpu.dma_semaphore, #tpu.memory_space<semaphore_mem>>) attributes {dimension_semantics = [#tpu.dimension_semantics<core_parallel>, #tpu.dimension_semantics<subcore_parallel>], iteration_bounds = array<i64: 2, 16>, scalar_prefetch = 0 : i64, scratch_operands = 9 : i64, tpu.core_type = #tpu.core_type<sc_vector_subcore>, window_params = [{transform_indices = #map}, {transform_indices = #map}, {transform_indices = #map}, {transform_indices = #map}, {transform_indices = #map}]} {
    %mul3A = arith.constant 16 : i32
    %mul3A_0 = arith.muli %arg0, %mul3A : i32
    %add3A = arith.addi %mul3A_0, %arg1 : i32
    %broadcast_in_dim3A = arith.constant 0.000000e+00 : f32
    %broadcast_in_dim3A_1 = vector.broadcast %broadcast_in_dim3A : f32 to vector<16xf32>
    %scan3A = arith.constant 0 : i32
    %scan3A_2 = arith.constant 128 : i32
    %scan3A_3 = arith.addi %scan3A, %scan3A_2 : i32
    %scan3A_4 = arith.constant 1 : i32
    scf.for %scan3A_138 = %scan3A to %scan3A_3 step %scan3A_4  : i32 {
      %swap3A = arith.index_cast %scan3A_138 : i32 to index
      %swap3A_139 = arith.constant 0 : index
      %swap3A_140 = tpu.vector_load %arg9[%swap3A, %swap3A_139] {strides = array<i32>} : memref<128x128xf32, #tpu.memory_space<vmem>>, vector<1x16xf32>,
      %swap3A_141 = vector.shape_cast %swap3A_140 : vector<1x16xf32> to vector<16xf32>
      %swap3A_142 = vector.shape_cast %broadcast_in_dim3A_1 : vector<16xf32> to vector<1x16xf32>
      tpu.vector_store %arg9[%swap3A, %swap3A_139], %swap3A_142 {strides = array<i32>} : memref<128x128xf32, #tpu.memory_space<vmem>>, vector<1x16xf32>,
      %swap3A_143 = arith.index_cast %scan3A_138 : i32 to index
      %swap3A_144 = arith.constant 16 : index
      %swap3A_145 = tpu.vector_load %arg9[%swap3A_143, %swap3A_144] {strides = array<i32>} : memref<128x128xf32, #tpu.memory_space<vmem>>, vector<1x16xf32>,
      %swap3A_146 = vector.shape_cast %swap3A_145 : vector<1x16xf32> to vector<16xf32>
      %swap3A_147 = vector.shape_cast %broadcast_in_dim3A_1 : vector<16xf32> to vector<1x16xf32>
      tpu.vector_store %arg9[%swap3A_143, %swap3A_144], %swap3A_147 {strides = array<i32>} : memref<128x128xf32, #tpu.memory_space<vmem>>, vector<1x16xf32>,
      %swap3A_148 = arith.index_cast %scan3A_138 : i32 to index
      %swap3A_149 = arith.constant 32 : index
      %swap3A_150 = tpu.vector_load %arg9[%swap3A_148, %swap3A_149] {strides = array<i32>} : memref<128x128xf32, #tpu.memory_space<vmem>>, vector<1x16xf32>,
      %swap3A_151 = vector.shape_cast %swap3A_150 : vector<1x16xf32> to vector<16xf32>
      %swap3A_152 = vector.shape_cast %broadcast_in_dim3A_1 : vector<16xf32> to vector<1x16xf32>
      tpu.vector_store %arg9[%swap3A_148, %swap3A_149], %swap3A_152 {strides = array<i32>} : memref<128x128xf32, #tpu.memory_space<vmem>>, vector<1x16xf32>,
      %swap3A_153 = arith.index_cast %scan3A_138 : i32 to index
      %swap3A_154 = arith.constant 48 : index
      %swap3A_155 = tpu.vector_load %arg9[%swap3A_153, %swap3A_154] {strides = array<i32>} : memref<128x128xf32, #tpu.memory_space<vmem>>, vector<1x16xf32>,
      %swap3A_156 = vector.shape_cast %swap3A_155 : vector<1x16xf32> to vector<16xf32>
      %swap3A_157 = vector.shape_cast %broadcast_in_dim3A_1 : vector<16xf32> to vector<1x16xf32>
      tpu.vector_store %arg9[%swap3A_153, %swap3A_154], %swap3A_157 {strides = array<i32>} : memref<128x128xf32, #tpu.memory_space<vmem>>, vector<1x16xf32>,
      %swap3A_158 = arith.index_cast %scan3A_138 : i32 to index
      %swap3A_159 = arith.constant 64 : index
      %swap3A_160 = tpu.vector_load %arg9[%swap3A_158, %swap3A_159] {strides = array<i32>} : memref<128x128xf32, #tpu.memory_space<vmem>>, vector<1x16xf32>,
      %swap3A_161 = vector.shape_cast %swap3A_160 : vector<1x16xf32> to vector<16xf32>
      %swap3A_162 = vector.shape_cast %broadcast_in_dim3A_1 : vector<16xf32> to vector<1x16xf32>
      tpu.vector_store %arg9[%swap3A_158, %swap3A_159], %swap3A_162 {strides = array<i32>} : memref<128x128xf32, #tpu.memory_space<vmem>>, vector<1x16xf32>,
      %swap3A_163 = arith.index_cast %scan3A_138 : i32 to index
      %swap3A_164 = arith.constant 80 : index
      %swap3A_165 = tpu.vector_load %arg9[%swap3A_163, %swap3A_164] {strides = array<i32>} : memref<128x128xf32, #tpu.memory_space<vmem>>, vector<1x16xf32>,
      %swap3A_166 = vector.shape_cast %swap3A_165 : vector<1x16xf32> to vector<16xf32>
      %swap3A_167 = vector.shape_cast %broadcast_in_dim3A_1 : vector<16xf32> to vector<1x16xf32>
      tpu.vector_store %arg9[%swap3A_163, %swap3A_164], %swap3A_167 {strides = array<i32>} : memref<128x128xf32, #tpu.memory_space<vmem>>, vector<1x16xf32>,
      %swap3A_168 = arith.index_cast %scan3A_138 : i32 to index
      %swap3A_169 = arith.constant 96 : index
      %swap3A_170 = tpu.vector_load %arg9[%swap3A_168, %swap3A_169] {strides = array<i32>} : memref<128x128xf32, #tpu.memory_space<vmem>>, vector<1x16xf32>,
      %swap3A_171 = vector.shape_cast %swap3A_170 : vector<1x16xf32> to vector<16xf32>
      %swap3A_172 = vector.shape_cast %broadcast_in_dim3A_1 : vector<16xf32> to vector<1x16xf32>
      tpu.vector_store %arg9[%swap3A_168, %swap3A_169], %swap3A_172 {strides = array<i32>} : memref<128x128xf32, #tpu.memory_space<vmem>>, vector<1x16xf32>,
      %swap3A_173 = arith.index_cast %scan3A_138 : i32 to index
      %swap3A_174 = arith.constant 112 : index
      %swap3A_175 = tpu.vector_load %arg9[%swap3A_173, %swap3A_174] {strides = array<i32>} : memref<128x128xf32, #tpu.memory_space<vmem>>, vector<1x16xf32>,
      %swap3A_176 = vector.shape_cast %swap3A_175 : vector<1x16xf32> to vector<16xf32>
      %swap3A_177 = vector.shape_cast %broadcast_in_dim3A_1 : vector<16xf32> to vector<1x16xf32>
      tpu.vector_store %arg9[%swap3A_173, %swap3A_174], %swap3A_177 {strides = array<i32>} : memref<128x128xf32, #tpu.memory_space<vmem>>, vector<1x16xf32>,
    }
    %scan3A_5 = arith.constant 128 : i32
    %mul3A_6 = arith.constant 640 : i32
    %mul3A_7 = arith.muli %arg1, %mul3A_6 : i32
    %add3A_8 = arith.constant 0 : i32
    %add3A_9 = arith.addi %mul3A_7, %add3A_8 : i32
    %dma_start3A = arith.constant 0 : i32
    %dma_start3A_10 = tpu.memref_slice %arg11[%add3A_9, %dma_start3A] : memref<10240x128xf32, #tpu.memory_space<vmem_shared>> -> memref<128x128xf32, #tpu.memory_space<vmem_shared>>
    %dma_start3A_11 = arith.constant 0 : i32
    %dma_start3A_12 = tpu.memref_slice %arg11[%add3A_9, %dma_start3A_11] : memref<10240x128xf32, #tpu.memory_space<vmem_shared>> -> memref<128x128xf32, #tpu.memory_space<vmem_shared>>
    tpu.enqueue_dma source(%arg9 : memref<128x128xf32, #tpu.memory_space<vmem>>) target(%dma_start3A_12 : memref<128x128xf32, #tpu.memory_space<vmem_shared>>) target_semaphore(%arg14 : memref<!tpu.dma_semaphore, #tpu.memory_space<semaphore_mem>>)
    %mul3A_13 = arith.constant 640 : i32
    %mul3A_14 = arith.muli %arg1, %mul3A_13 : i32
    %add3A_15 = arith.constant 128 : i32
    %add3A_16 = arith.addi %mul3A_14, %add3A_15 : i32
    %dma_start3A_17 = arith.constant 0 : i32
    %dma_start3A_18 = tpu.memref_slice %arg11[%add3A_16, %dma_start3A_17] : memref<10240x128xf32, #tpu.memory_space<vmem_shared>> -> memref<128x128xf32, #tpu.memory_space<vmem_shared>>
    %dma_start3A_19 = arith.constant 0 : i32
    %dma_start3A_20 = tpu.memref_slice %arg11[%add3A_16, %dma_start3A_19] : memref<10240x128xf32, #tpu.memory_space<vmem_shared>> -> memref<128x128xf32, #tpu.memory_space<vmem_shared>>
    tpu.enqueue_dma source(%arg9 : memref<128x128xf32, #tpu.memory_space<vmem>>) target(%dma_start3A_20 : memref<128x128xf32, #tpu.memory_space<vmem_shared>>) target_semaphore(%arg14 : memref<!tpu.dma_semaphore, #tpu.memory_space<semaphore_mem>>)
    %mul3A_21 = arith.constant 640 : i32
    %mul3A_22 = arith.muli %arg1, %mul3A_21 : i32
    %add3A_23 = arith.constant 256 : i32
    %add3A_24 = arith.addi %mul3A_22, %add3A_23 : i32
    %dma_start3A_25 = arith.constant 0 : i32
    %dma_start3A_26 = tpu.memref_slice %arg11[%add3A_24, %dma_start3A_25] : memref<10240x128xf32, #tpu.memory_space<vmem_shared>> -> memref<128x128xf32, #tpu.memory_space<vmem_shared>>
    %dma_start3A_27 = arith.constant 0 : i32
    %dma_start3A_28 = tpu.memref_slice %arg11[%add3A_24, %dma_start3A_27] : memref<10240x128xf32, #tpu.memory_space<vmem_shared>> -> memref<128x128xf32, #tpu.memory_space<vmem_shared>>
    tpu.enqueue_dma source(%arg9 : memref<128x128xf32, #tpu.memory_space<vmem>>) target(%dma_start3A_28 : memref<128x128xf32, #tpu.memory_space<vmem_shared>>) target_semaphore(%arg14 : memref<!tpu.dma_semaphore, #tpu.memory_space<semaphore_mem>>)
    %mul3A_29 = arith.constant 640 : i32
    %mul3A_30 = arith.muli %arg1, %mul3A_29 : i32
    %add3A_31 = arith.constant 384 : i32
    %add3A_32 = arith.addi %mul3A_30, %add3A_31 : i32
    %dma_start3A_33 = arith.constant 0 : i32
    %dma_start3A_34 = tpu.memref_slice %arg11[%add3A_32, %dma_start3A_33] : memref<10240x128xf32, #tpu.memory_space<vmem_shared>> -> memref<128x128xf32, #tpu.memory_space<vmem_shared>>
    %dma_start3A_35 = arith.constant 0 : i32
    %dma_start3A_36 = tpu.memref_slice %arg11[%add3A_32, %dma_start3A_35] : memref<10240x128xf32, #tpu.memory_space<vmem_shared>> -> memref<128x128xf32, #tpu.memory_space<vmem_shared>>
    tpu.enqueue_dma source(%arg9 : memref<128x128xf32, #tpu.memory_space<vmem>>) target(%dma_start3A_36 : memref<128x128xf32, #tpu.memory_space<vmem_shared>>) target_semaphore(%arg14 : memref<!tpu.dma_semaphore, #tpu.memory_space<semaphore_mem>>)
    %mul3A_37 = arith.constant 640 : i32
    %mul3A_38 = arith.muli %arg1, %mul3A_37 : i32
    %add3A_39 = arith.constant 512 : i32
    %add3A_40 = arith.addi %mul3A_38, %add3A_39 : i32
    %dma_start3A_41 = arith.constant 0 : i32
    %dma_start3A_42 = tpu.memref_slice %arg11[%add3A_40, %dma_start3A_41] : memref<10240x128xf32, #tpu.memory_space<vmem_shared>> -> memref<128x128xf32, #tpu.memory_space<vmem_shared>>
    %dma_start3A_43 = arith.constant 0 : i32
    %dma_start3A_44 = tpu.memref_slice %arg11[%add3A_40, %dma_start3A_43] : memref<10240x128xf32, #tpu.memory_space<vmem_shared>> -> memref<128x128xf32, #tpu.memory_space<vmem_shared>>
    tpu.enqueue_dma source(%arg9 : memref<128x128xf32, #tpu.memory_space<vmem>>) target(%dma_start3A_44 : memref<128x128xf32, #tpu.memory_space<vmem_shared>>) target_semaphore(%arg14 : memref<!tpu.dma_semaphore, #tpu.memory_space<semaphore_mem>>)
    %mul3A_45 = arith.constant 640 : i32
    %mul3A_46 = arith.muli %arg1, %mul3A_45 : i32
    %add3A_47 = arith.constant 0 : i32
    %add3A_48 = arith.addi %mul3A_46, %add3A_47 : i32
    %dma_wait3A = arith.constant 0 : i32
    %dma_wait3A_49 = tpu.memref_slice %arg11[%add3A_48, %dma_wait3A] : memref<10240x128xf32, #tpu.memory_space<vmem_shared>> -> memref<128x128xf32, #tpu.memory_space<vmem_shared>>
    %dma_wait3A_50 = arith.constant 0 : i32
    %dma_wait3A_51 = tpu.memref_slice %arg11[%add3A_48, %dma_wait3A_50] : memref<10240x128xf32, #tpu.memory_space<vmem_shared>> -> memref<128x128xf32, #tpu.memory_space<vmem_shared>>
    tpu.wait_dma2 semaphore(%arg14 : memref<!tpu.dma_semaphore, #tpu.memory_space<semaphore_mem>>) src(%arg9 : memref<128x128xf32, #tpu.memory_space<vmem>>) dst(%dma_wait3A_51 : memref<128x128xf32, #tpu.memory_space<vmem_shared>>)
    %mul3A_52 = arith.constant 640 : i32
    %mul3A_53 = arith.muli %arg1, %mul3A_52 : i32
    %add3A_54 = arith.constant 128 : i32
    %add3A_55 = arith.addi %mul3A_53, %add3A_54 : i32
    %dma_wait3A_56 = arith.constant 0 : i32
    %dma_wait3A_57 = tpu.memref_slice %arg11[%add3A_55, %dma_wait3A_56] : memref<10240x128xf32, #tpu.memory_space<vmem_shared>> -> memref<128x128xf32, #tpu.memory_space<vmem_shared>>
    %dma_wait3A_58 = arith.constant 0 : i32
    %dma_wait3A_59 = tpu.memref_slice %arg11[%add3A_55, %dma_wait3A_58] : memref<10240x128xf32, #tpu.memory_space<vmem_shared>> -> memref<128x128xf32, #tpu.memory_space<vmem_shared>>
    tpu.wait_dma2 semaphore(%arg14 : memref<!tpu.dma_semaphore, #tpu.memory_space<semaphore_mem>>) src(%arg9 : memref<128x128xf32, #tpu.memory_space<vmem>>) dst(%dma_wait3A_59 : memref<128x128xf32, #tpu.memory_space<vmem_shared>>)
    %mul3A_60 = arith.constant 640 : i32
    %mul3A_61 = arith.muli %arg1, %mul3A_60 : i32
    %add3A_62 = arith.constant 256 : i32
    %add3A_63 = arith.addi %mul3A_61, %add3A_62 : i32
    %dma_wait3A_64 = arith.constant 0 : i32
    %dma_wait3A_65 = tpu.memref_slice %arg11[%add3A_63, %dma_wait3A_64] : memref<10240x128xf32, #tpu.memory_space<vmem_shared>> -> memref<128x128xf32, #tpu.memory_space<vmem_shared>>
    %dma_wait3A_66 = arith.constant 0 : i32
    %dma_wait3A_67 = tpu.memref_slice %arg11[%add3A_63, %dma_wait3A_66] : memref<10240x128xf32, #tpu.memory_space<vmem_shared>> -> memref<128x128xf32, #tpu.memory_space<vmem_shared>>
    tpu.wait_dma2 semaphore(%arg14 : memref<!tpu.dma_semaphore, #tpu.memory_space<semaphore_mem>>) src(%arg9 : memref<128x128xf32, #tpu.memory_space<vmem>>) dst(%dma_wait3A_67 : memref<128x128xf32, #tpu.memory_space<vmem_shared>>)
    %mul3A_68 = arith.constant 640 : i32
    %mul3A_69 = arith.muli %arg1, %mul3A_68 : i32
    %add3A_70 = arith.constant 384 : i32
    %add3A_71 = arith.addi %mul3A_69, %add3A_70 : i32
    %dma_wait3A_72 = arith.constant 0 : i32
    %dma_wait3A_73 = tpu.memref_slice %arg11[%add3A_71, %dma_wait3A_72] : memref<10240x128xf32, #tpu.memory_space<vmem_shared>> -> memref<128x128xf32, #tpu.memory_space<vmem_shared>>
    %dma_wait3A_74 = arith.constant 0 : i32
    %dma_wait3A_75 = tpu.memref_slice %arg11[%add3A_71, %dma_wait3A_74] : memref<10240x128xf32, #tpu.memory_space<vmem_shared>> -> memref<128x128xf32, #tpu.memory_space<vmem_shared>>
    tpu.wait_dma2 semaphore(%arg14 : memref<!tpu.dma_semaphore, #tpu.memory_space<semaphore_mem>>) src(%arg9 : memref<128x128xf32, #tpu.memory_space<vmem>>) dst(%dma_wait3A_75 : memref<128x128xf32, #tpu.memory_space<vmem_shared>>)
    %mul3A_76 = arith.constant 640 : i32
    %mul3A_77 = arith.muli %arg1, %mul3A_76 : i32
    %add3A_78 = arith.constant 512 : i32
    %add3A_79 = arith.addi %mul3A_77, %add3A_78 : i32
    %dma_wait3A_80 = arith.constant 0 : i32
    %dma_wait3A_81 = tpu.memref_slice %arg11[%add3A_79, %dma_wait3A_80] : memref<10240x128xf32, #tpu.memory_space<vmem_shared>> -> memref<128x128xf32, #tpu.memory_space<vmem_shared>>
    %dma_wait3A_82 = arith.constant 0 : i32
    %dma_wait3A_83 = tpu.memref_slice %arg11[%add3A_79, %dma_wait3A_82] : memref<10240x128xf32, #tpu.memory_space<vmem_shared>> -> memref<128x128xf32, #tpu.memory_space<vmem_shared>>
    tpu.wait_dma2 semaphore(%arg14 : memref<!tpu.dma_semaphore, #tpu.memory_space<semaphore_mem>>) src(%arg9 : memref<128x128xf32, #tpu.memory_space<vmem>>) dst(%dma_wait3A_83 : memref<128x128xf32, #tpu.memory_space<vmem_shared>>)
    %barrier3A = arith.constant 0 : index
    tpu.barrier barrier_id(%barrier3A)
    %mul3A_84 = arith.constant 80 : i32
    %mul3A_85 = arith.muli %add3A, %mul3A_84 : i32
    %add3A_86 = arith.constant 0 : i32
    %add3A_87 = arith.addi %mul3A_85, %add3A_86 : i32
    "tpu.region"() ({
      %run_scoped3A = tpu.sem_alloc : memref<!tpu.dma_semaphore, #tpu.memory_space<semaphore_mem>>
      %dma_start3A_138 = arith.constant 0 : i32
      %dma_start3A_139 = tpu.memref_slice %arg3[%add3A_87, %dma_start3A_138] : memref<2560x128xi32, #tpu.memory_space<hbm>> -> memref<40x128xi32, #tpu.memory_space<hbm>>
      %dma_start3A_140 = arith.constant 0 : i32
      %dma_start3A_141 = tpu.memref_slice %arg3[%add3A_87, %dma_start3A_140] : memref<2560x128xi32, #tpu.memory_space<hbm>> -> memref<40x128xi32, #tpu.memory_space<hbm>>
      tpu.enqueue_dma source(%dma_start3A_141 : memref<40x128xi32, #tpu.memory_space<hbm>>) target(%arg7 : memref<40x128xi32, #tpu.memory_space<vmem>>) target_semaphore(%run_scoped3A : memref<!tpu.dma_semaphore, #tpu.memory_space<semaphore_mem>>)
      %dma_wait3A_142 = arith.constant 0 : i32
      %dma_wait3A_143 = tpu.memref_slice %arg3[%add3A_87, %dma_wait3A_142] : memref<2560x128xi32, #tpu.memory_space<hbm>> -> memref<40x128xi32, #tpu.memory_space<hbm>>
      %dma_wait3A_144 = arith.constant 0 : i32
      %dma_wait3A_145 = tpu.memref_slice %arg3[%add3A_87, %dma_wait3A_144] : memref<2560x128xi32, #tpu.memory_space<hbm>> -> memref<40x128xi32, #tpu.memory_space<hbm>>
      tpu.wait_dma2 semaphore(%run_scoped3A : memref<!tpu.dma_semaphore, #tpu.memory_space<semaphore_mem>>) src(%dma_wait3A_145 : memref<40x128xi32, #tpu.memory_space<hbm>>) dst(%arg7 : memref<40x128xi32, #tpu.memory_space<vmem>>)
      tpu.yield
    }) : () -> ()
    "tpu.region"() ({
      %run_scoped3A = tpu.sem_alloc : memref<!tpu.dma_semaphore, #tpu.memory_space<semaphore_mem>>
      %dma_start3A_138 = arith.constant 0 : i32
      %dma_start3A_139 = tpu.memref_slice %arg4[%add3A_87, %dma_start3A_138] : memref<2560x128xi32, #tpu.memory_space<hbm>> -> memref<40x128xi32, #tpu.memory_space<hbm>>
      %dma_start3A_140 = arith.constant 0 : i32
      %dma_start3A_141 = tpu.memref_slice %arg4[%add3A_87, %dma_start3A_140] : memref<2560x128xi32, #tpu.memory_space<hbm>> -> memref<40x128xi32, #tpu.memory_space<hbm>>
      tpu.enqueue_dma source(%dma_start3A_141 : memref<40x128xi32, #tpu.memory_space<hbm>>) target(%arg8 : memref<40x128xi32, #tpu.memory_space<vmem>>) target_semaphore(%run_scoped3A : memref<!tpu.dma_semaphore, #tpu.memory_space<semaphore_mem>>)
      %dma_wait3A_142 = arith.constant 0 : i32
      %dma_wait3A_143 = tpu.memref_slice %arg4[%add3A_87, %dma_wait3A_142] : memref<2560x128xi32, #tpu.memory_space<hbm>> -> memref<40x128xi32, #tpu.memory_space<hbm>>
      %dma_wait3A_144 = arith.constant 0 : i32
      %dma_wait3A_145 = tpu.memref_slice %arg4[%add3A_87, %dma_wait3A_144] : memref<2560x128xi32, #tpu.memory_space<hbm>> -> memref<40x128xi32, #tpu.memory_space<hbm>>
      tpu.wait_dma2 semaphore(%run_scoped3A : memref<!tpu.dma_semaphore, #tpu.memory_space<semaphore_mem>>) src(%dma_wait3A_145 : memref<40x128xi32, #tpu.memory_space<hbm>>) dst(%arg8 : memref<40x128xi32, #tpu.memory_space<vmem>>)
      tpu.yield
    }) : () -> ()
    %dma_start3A_88 = arith.constant 0 : i32
    %dma_start3A_89 = arith.constant 0 : i32
    %dma_start3A_90 = tpu.memref_slice %arg7[%dma_start3A_88, %dma_start3A_89] : memref<40x128xi32, #tpu.memory_space<vmem>> -> memref<1x128xi32, #tpu.memory_space<vmem>>
    %dma_start3A_91 = tpu.memref_squeeze %dma_start3A_90 : memref<1x128xi32, #tpu.memory_space<vmem>> -> memref<128xi32, #tpu.memory_space<vmem>>
    %dma_start3A_92 = arith.constant 0 : i32
    %dma_start3A_93 = arith.constant 0 : i32
    %dma_start3A_94 = tpu.memref_slice %arg2[%dma_start3A_92, %dma_start3A_93] : memref<10000x128xf32, #tpu.memory_space<hbm>> -> memref<10000x128xf32, #tpu.memory_space<hbm>>
    tpu.enqueue_indirect_dma source(%dma_start3A_94 : memref<10000x128xf32, #tpu.memory_space<hbm>>) target(%arg9 : memref<128x128xf32, #tpu.memory_space<vmem>>) offsets(%dma_start3A_91 : memref<128xi32, #tpu.memory_space<vmem>>) semaphore(%arg12 : memref<!tpu.dma_semaphore, #tpu.memory_space<semaphore_mem>>)
    %scan3A_95 = arith.constant 0 : i32
    %scan3A_96 = arith.constant 20 : i32
    %scan3A_97 = arith.addi %scan3A_95, %scan3A_96 : i32
    %scan3A_98 = arith.constant 1 : i32
    scf.for %scan3A_138 = %scan3A_95 to %scan3A_97 step %scan3A_98  : i32 {
      %mul3A_139 = arith.constant 2 : i32
      %mul3A_140 = arith.muli %mul3A_139, %scan3A_138 : i32
      %add3A_141 = arith.constant 0 : i32
      %add3A_142 = arith.addi %mul3A_140, %add3A_141 : i32
      %ge3A = arith.constant 1 : i32
      %ge3A_143 = arith.cmpi sge, %add3A_142, %ge3A : i32
      %convert_element_type3A_144 = arith.extui %ge3A_143 : i1 to i32
      %cond3A_145 = arith.constant 0 : i32
      %cond3A_146 = arith.cmpi ne, %convert_element_type3A_144, %cond3A_145 : i32
      scf.if %cond3A_146 {
        %sub3A = arith.constant 1 : i32
        %sub3A_193 = arith.subi %add3A_142, %sub3A : i32
        %dma_wait3A_194 = arith.constant 0 : i32
        %dma_wait3A_195 = tpu.memref_slice %arg8[%sub3A_193, %dma_wait3A_194] : memref<40x128xi32, #tpu.memory_space<vmem>> -> memref<1x128xi32, #tpu.memory_space<vmem>>
        %dma_wait3A_196 = tpu.memref_squeeze %dma_wait3A_195 : memref<1x128xi32, #tpu.memory_space<vmem>> -> memref<128xi32, #tpu.memory_space<vmem>>
        %dma_wait3A_197 = arith.constant 0 : i32
        %dma_wait3A_198 = arith.constant 0 : i32
        %dma_wait3A_199 = tpu.memref_slice %arg11[%dma_wait3A_197, %dma_wait3A_198] : memref<10240x128xf32, #tpu.memory_space<vmem_shared>> -> memref<10240x128xf32, #tpu.memory_space<vmem_shared>>
        tpu.wait_indirect_dma semaphore(%arg15 : memref<!tpu.dma_semaphore, #tpu.memory_space<semaphore_mem>>) src(%arg10 : memref<128x128xf32, #tpu.memory_space<vmem>>) dst(%dma_wait3A_199 : memref<10240x128xf32, #tpu.memory_space<vmem_shared>>)
      } else {
      }
      %add3A_147 = arith.constant 1 : i32
      %add3A_148 = arith.addi %add3A_142, %add3A_147 : i32
      %lt3A = arith.constant 40 : i32
      %lt3A_149 = arith.cmpi slt, %add3A_148, %lt3A : i32
      %convert_element_type3A_150 = arith.extui %lt3A_149 : i1 to i32
      %cond3A_151 = arith.constant 0 : i32
      %cond3A_152 = arith.cmpi ne, %convert_element_type3A_150, %cond3A_151 : i32
      scf.if %cond3A_152 {
        %add3A_193 = arith.constant 1 : i32
        %add3A_194 = arith.addi %add3A_142, %add3A_193 : i32
        %dma_start3A_195 = arith.constant 0 : i32
        %dma_start3A_196 = tpu.memref_slice %arg7[%add3A_194, %dma_start3A_195] : memref<40x128xi32, #tpu.memory_space<vmem>> -> memref<1x128xi32, #tpu.memory_space<vmem>>
        %dma_start3A_197 = tpu.memref_squeeze %dma_start3A_196 : memref<1x128xi32, #tpu.memory_space<vmem>> -> memref<128xi32, #tpu.memory_space<vmem>>
        %dma_start3A_198 = arith.constant 0 : i32
        %dma_start3A_199 = arith.constant 0 : i32
        %dma_start3A_200 = tpu.memref_slice %arg2[%dma_start3A_198, %dma_start3A_199] : memref<10000x128xf32, #tpu.memory_space<hbm>> -> memref<10000x128xf32, #tpu.memory_space<hbm>>
        tpu.enqueue_indirect_dma source(%dma_start3A_200 : memref<10000x128xf32, #tpu.memory_space<hbm>>) target(%arg10 : memref<128x128xf32, #tpu.memory_space<vmem>>) offsets(%dma_start3A_197 : memref<128xi32, #tpu.memory_space<vmem>>) semaphore(%arg13 : memref<!tpu.dma_semaphore, #tpu.memory_space<semaphore_mem>>)
      } else {
      }
      %dma_wait3A_153 = arith.constant 0 : i32
      %dma_wait3A_154 = tpu.memref_slice %arg7[%add3A_142, %dma_wait3A_153] : memref<40x128xi32, #tpu.memory_space<vmem>> -> memref<1x128xi32, #tpu.memory_space<vmem>>
      %dma_wait3A_155 = tpu.memref_squeeze %dma_wait3A_154 : memref<1x128xi32, #tpu.memory_space<vmem>> -> memref<128xi32, #tpu.memory_space<vmem>>
      %dma_wait3A_156 = arith.constant 0 : i32
      %dma_wait3A_157 = arith.constant 0 : i32
      %dma_wait3A_158 = tpu.memref_slice %arg2[%dma_wait3A_156, %dma_wait3A_157] : memref<10000x128xf32, #tpu.memory_space<hbm>> -> memref<10000x128xf32, #tpu.memory_space<hbm>>
      tpu.wait_indirect_dma semaphore(%arg12 : memref<!tpu.dma_semaphore, #tpu.memory_space<semaphore_mem>>) src(%dma_wait3A_158 : memref<10000x128xf32, #tpu.memory_space<hbm>>) dst(%arg9 : memref<128x128xf32, #tpu.memory_space<vmem>>)
      %dma_start3A_159 = arith.constant 0 : i32
      %dma_start3A_160 = tpu.memref_slice %arg8[%add3A_142, %dma_start3A_159] : memref<40x128xi32, #tpu.memory_space<vmem>> -> memref<1x128xi32, #tpu.memory_space<vmem>>
      %dma_start3A_161 = tpu.memref_squeeze %dma_start3A_160 : memref<1x128xi32, #tpu.memory_space<vmem>> -> memref<128xi32, #tpu.memory_space<vmem>>
      %dma_start3A_162 = arith.constant 0 : i32
      %dma_start3A_163 = arith.constant 0 : i32
      %dma_start3A_164 = tpu.memref_slice %arg11[%dma_start3A_162, %dma_start3A_163] : memref<10240x128xf32, #tpu.memory_space<vmem_shared>> -> memref<10240x128xf32, #tpu.memory_space<vmem_shared>>
      tpu.enqueue_indirect_dma source(%arg9 : memref<128x128xf32, #tpu.memory_space<vmem>>) target(%dma_start3A_164 : memref<10240x128xf32, #tpu.memory_space<vmem_shared>>) offsets(%dma_start3A_161 : memref<128xi32, #tpu.memory_space<vmem>>) semaphore(%arg14 : memref<!tpu.dma_semaphore, #tpu.memory_space<semaphore_mem>>) {add = true}
      %mul3A_165 = arith.constant 2 : i32
      %mul3A_166 = arith.muli %mul3A_165, %scan3A_138 : i32
      %add3A_167 = arith.constant 1 : i32
      %add3A_168 = arith.addi %mul3A_166, %add3A_167 : i32
      %ge3A_169 = arith.constant 1 : i32
      %ge3A_170 = arith.cmpi sge, %add3A_168, %ge3A_169 : i32
      %convert_element_type3A_171 = arith.extui %ge3A_170 : i1 to i32
      %cond3A_172 = arith.constant 0 : i32
      %cond3A_173 = arith.cmpi ne, %convert_element_type3A_171, %cond3A_172 : i32
      scf.if %cond3A_173 {
        %sub3A = arith.constant 1 : i32
        %sub3A_193 = arith.subi %add3A_168, %sub3A : i32
        %dma_wait3A_194 = arith.constant 0 : i32
        %dma_wait3A_195 = tpu.memref_slice %arg8[%sub3A_193, %dma_wait3A_194] : memref<40x128xi32, #tpu.memory_space<vmem>> -> memref<1x128xi32, #tpu.memory_space<vmem>>
        %dma_wait3A_196 = tpu.memref_squeeze %dma_wait3A_195 : memref<1x128xi32, #tpu.memory_space<vmem>> -> memref<128xi32, #tpu.memory_space<vmem>>
        %dma_wait3A_197 = arith.constant 0 : i32
        %dma_wait3A_198 = arith.constant 0 : i32
        %dma_wait3A_199 = tpu.memref_slice %arg11[%dma_wait3A_197, %dma_wait3A_198] : memref<10240x128xf32, #tpu.memory_space<vmem_shared>> -> memref<10240x128xf32, #tpu.memory_space<vmem_shared>>
        tpu.wait_indirect_dma semaphore(%arg14 : memref<!tpu.dma_semaphore, #tpu.memory_space<semaphore_mem>>) src(%arg9 : memref<128x128xf32, #tpu.memory_space<vmem>>) dst(%dma_wait3A_199 : memref<10240x128xf32, #tpu.memory_space<vmem_shared>>)
      } else {
      }
      %add3A_174 = arith.constant 1 : i32
      %add3A_175 = arith.addi %add3A_168, %add3A_174 : i32
      %lt3A_176 = arith.constant 40 : i32
      %lt3A_177 = arith.cmpi slt, %add3A_175, %lt3A_176 : i32
      %convert_element_type3A_178 = arith.extui %lt3A_177 : i1 to i32
      %cond3A_179 = arith.constant 0 : i32
      %cond3A_180 = arith.cmpi ne, %convert_element_type3A_178, %cond3A_179 : i32
      scf.if %cond3A_180 {
        %add3A_193 = arith.constant 1 : i32
        %add3A_194 = arith.addi %add3A_168, %add3A_193 : i32
        %dma_start3A_195 = arith.constant 0 : i32
        %dma_start3A_196 = tpu.memref_slice %arg7[%add3A_194, %dma_start3A_195] : memref<40x128xi32, #tpu.memory_space<vmem>> -> memref<1x128xi32, #tpu.memory_space<vmem>>
        %dma_start3A_197 = tpu.memref_squeeze %dma_start3A_196 : memref<1x128xi32, #tpu.memory_space<vmem>> -> memref<128xi32, #tpu.memory_space<vmem>>
        %dma_start3A_198 = arith.constant 0 : i32
        %dma_start3A_199 = arith.constant 0 : i32
        %dma_start3A_200 = tpu.memref_slice %arg2[%dma_start3A_198, %dma_start3A_199] : memref<10000x128xf32, #tpu.memory_space<hbm>> -> memref<10000x128xf32, #tpu.memory_space<hbm>>
        tpu.enqueue_indirect_dma source(%dma_start3A_200 : memref<10000x128xf32, #tpu.memory_space<hbm>>) target(%arg9 : memref<128x128xf32, #tpu.memory_space<vmem>>) offsets(%dma_start3A_197 : memref<128xi32, #tpu.memory_space<vmem>>) semaphore(%arg12 : memref<!tpu.dma_semaphore, #tpu.memory_space<semaphore_mem>>)
      } else {
      }
      %dma_wait3A_181 = arith.constant 0 : i32
      %dma_wait3A_182 = tpu.memref_slice %arg7[%add3A_168, %dma_wait3A_181] : memref<40x128xi32, #tpu.memory_space<vmem>> -> memref<1x128xi32, #tpu.memory_space<vmem>>
      %dma_wait3A_183 = tpu.memref_squeeze %dma_wait3A_182 : memref<1x128xi32, #tpu.memory_space<vmem>> -> memref<128xi32, #tpu.memory_space<vmem>>
      %dma_wait3A_184 = arith.constant 0 : i32
      %dma_wait3A_185 = arith.constant 0 : i32
      %dma_wait3A_186 = tpu.memref_slice %arg2[%dma_wait3A_184, %dma_wait3A_185] : memref<10000x128xf32, #tpu.memory_space<hbm>> -> memref<10000x128xf32, #tpu.memory_space<hbm>>
      tpu.wait_indirect_dma semaphore(%arg13 : memref<!tpu.dma_semaphore, #tpu.memory_space<semaphore_mem>>) src(%dma_wait3A_186 : memref<10000x128xf32, #tpu.memory_space<hbm>>) dst(%arg10 : memref<128x128xf32, #tpu.memory_space<vmem>>)
      %dma_start3A_187 = arith.constant 0 : i32
      %dma_start3A_188 = tpu.memref_slice %arg8[%add3A_168, %dma_start3A_187] : memref<40x128xi32, #tpu.memory_space<vmem>> -> memref<1x128xi32, #tpu.memory_space<vmem>>
      %dma_start3A_189 = tpu.memref_squeeze %dma_start3A_188 : memref<1x128xi32, #tpu.memory_space<vmem>> -> memref<128xi32, #tpu.memory_space<vmem>>
      %dma_start3A_190 = arith.constant 0 : i32
      %dma_start3A_191 = arith.constant 0 : i32
      %dma_start3A_192 = tpu.memref_slice %arg11[%dma_start3A_190, %dma_start3A_191] : memref<10240x128xf32, #tpu.memory_space<vmem_shared>> -> memref<10240x128xf32, #tpu.memory_space<vmem_shared>>
      tpu.enqueue_indirect_dma source(%arg10 : memref<128x128xf32, #tpu.memory_space<vmem>>) target(%dma_start3A_192 : memref<10240x128xf32, #tpu.memory_space<vmem_shared>>) offsets(%dma_start3A_189 : memref<128xi32, #tpu.memory_space<vmem>>) semaphore(%arg15 : memref<!tpu.dma_semaphore, #tpu.memory_space<semaphore_mem>>) {add = true}
    }
    %scan3A_99 = arith.constant 20 : i32
    %dma_wait3A_100 = arith.constant 39 : i32
    %dma_wait3A_101 = arith.constant 0 : i32
    %dma_wait3A_102 = tpu.memref_slice %arg8[%dma_wait3A_100, %dma_wait3A_101] : memref<40x128xi32, #tpu.memory_space<vmem>> -> memref<1x128xi32, #tpu.memory_space<vmem>>
    %dma_wait3A_103 = tpu.memref_squeeze %dma_wait3A_102 : memref<1x128xi32, #tpu.memory_space<vmem>> -> memref<128xi32, #tpu.memory_space<vmem>>
    %dma_wait3A_104 = arith.constant 0 : i32
    %dma_wait3A_105 = arith.constant 0 : i32
    %dma_wait3A_106 = tpu.memref_slice %arg11[%dma_wait3A_104, %dma_wait3A_105] : memref<10240x128xf32, #tpu.memory_space<vmem_shared>> -> memref<10240x128xf32, #tpu.memory_space<vmem_shared>>
    tpu.wait_indirect_dma semaphore(%arg15 : memref<!tpu.dma_semaphore, #tpu.memory_space<semaphore_mem>>) src(%arg10 : memref<128x128xf32, #tpu.memory_space<vmem>>) dst(%dma_wait3A_106 : memref<10240x128xf32, #tpu.memory_space<vmem_shared>>)
    %mul3A_107 = arith.constant 80 : i32
    %mul3A_108 = arith.muli %add3A, %mul3A_107 : i32
    %add3A_109 = arith.constant 40 : i32
    %add3A_110 = arith.addi %mul3A_108, %add3A_109 : i32
    "tpu.region"() ({
      %run_scoped3A = tpu.sem_alloc : memref<!tpu.dma_semaphore, #tpu.memory_space<semaphore_mem>>
      %dma_start3A_138 = arith.constant 0 : i32
      %dma_start3A_139 = tpu.memref_slice %arg3[%add3A_110, %dma_start3A_138] : memref<2560x128xi32, #tpu.memory_space<hbm>> -> memref<40x128xi32, #tpu.memory_space<hbm>>
      %dma_start3A_140 = arith.constant 0 : i32
      %dma_start3A_141 = tpu.memref_slice %arg3[%add3A_110, %dma_start3A_140] : memref<2560x128xi32, #tpu.memory_space<hbm>> -> memref<40x128xi32, #tpu.memory_space<hbm>>
      tpu.enqueue_dma source(%dma_start3A_141 : memref<40x128xi32, #tpu.memory_space<hbm>>) target(%arg7 : memref<40x128xi32, #tpu.memory_space<vmem>>) target_semaphore(%run_scoped3A : memref<!tpu.dma_semaphore, #tpu.memory_space<semaphore_mem>>)
      %dma_wait3A_142 = arith.constant 0 : i32
      %dma_wait3A_143 = tpu.memref_slice %arg3[%add3A_110, %dma_wait3A_142] : memref<2560x128xi32, #tpu.memory_space<hbm>> -> memref<40x128xi32, #tpu.memory_space<hbm>>
      %dma_wait3A_144 = arith.constant 0 : i32
      %dma_wait3A_145 = tpu.memref_slice %arg3[%add3A_110, %dma_wait3A_144] : memref<2560x128xi32, #tpu.memory_space<hbm>> -> memref<40x128xi32, #tpu.memory_space<hbm>>
      tpu.wait_dma2 semaphore(%run_scoped3A : memref<!tpu.dma_semaphore, #tpu.memory_space<semaphore_mem>>) src(%dma_wait3A_145 : memref<40x128xi32, #tpu.memory_space<hbm>>) dst(%arg7 : memref<40x128xi32, #tpu.memory_space<vmem>>)
      tpu.yield
    }) : () -> ()
    "tpu.region"() ({
      %run_scoped3A = tpu.sem_alloc : memref<!tpu.dma_semaphore, #tpu.memory_space<semaphore_mem>>
      %dma_start3A_138 = arith.constant 0 : i32
      %dma_start3A_139 = tpu.memref_slice %arg4[%add3A_110, %dma_start3A_138] : memref<2560x128xi32, #tpu.memory_space<hbm>> -> memref<40x128xi32, #tpu.memory_space<hbm>>
      %dma_start3A_140 = arith.constant 0 : i32
      %dma_start3A_141 = tpu.memref_slice %arg4[%add3A_110, %dma_start3A_140] : memref<2560x128xi32, #tpu.memory_space<hbm>> -> memref<40x128xi32, #tpu.memory_space<hbm>>
      tpu.enqueue_dma source(%dma_start3A_141 : memref<40x128xi32, #tpu.memory_space<hbm>>) target(%arg8 : memref<40x128xi32, #tpu.memory_space<vmem>>) target_semaphore(%run_scoped3A : memref<!tpu.dma_semaphore, #tpu.memory_space<semaphore_mem>>)
      %dma_wait3A_142 = arith.constant 0 : i32
      %dma_wait3A_143 = tpu.memref_slice %arg4[%add3A_110, %dma_wait3A_142] : memref<2560x128xi32, #tpu.memory_space<hbm>> -> memref<40x128xi32, #tpu.memory_space<hbm>>
      %dma_wait3A_144 = arith.constant 0 : i32
      %dma_wait3A_145 = tpu.memref_slice %arg4[%add3A_110, %dma_wait3A_144] : memref<2560x128xi32, #tpu.memory_space<hbm>> -> memref<40x128xi32, #tpu.memory_space<hbm>>
      tpu.wait_dma2 semaphore(%run_scoped3A : memref<!tpu.dma_semaphore, #tpu.memory_space<semaphore_mem>>) src(%dma_wait3A_145 : memref<40x128xi32, #tpu.memory_space<hbm>>) dst(%arg8 : memref<40x128xi32, #tpu.memory_space<vmem>>)
      tpu.yield
    }) : () -> ()
    %dma_start3A_111 = arith.constant 0 : i32
    %dma_start3A_112 = arith.constant 0 : i32
    %dma_start3A_113 = tpu.memref_slice %arg7[%dma_start3A_111, %dma_start3A_112] : memref<40x128xi32, #tpu.memory_space<vmem>> -> memref<1x128xi32, #tpu.memory_space<vmem>>
    %dma_start3A_114 = tpu.memref_squeeze %dma_start3A_113 : memref<1x128xi32, #tpu.memory_space<vmem>> -> memref<128xi32, #tpu.memory_space<vmem>>
    %dma_start3A_115 = arith.constant 0 : i32
    %dma_start3A_116 = arith.constant 0 : i32
    %dma_start3A_117 = tpu.memref_slice %arg2[%dma_start3A_115, %dma_start3A_116] : memref<10000x128xf32, #tpu.memory_space<hbm>> -> memref<10000x128xf32, #tpu.memory_space<hbm>>
    tpu.enqueue_indirect_dma source(%dma_start3A_117 : memref<10000x128xf32, #tpu.memory_space<hbm>>) target(%arg9 : memref<128x128xf32, #tpu.memory_space<vmem>>) offsets(%dma_start3A_114 : memref<128xi32, #tpu.memory_space<vmem>>) semaphore(%arg12 : memref<!tpu.dma_semaphore, #tpu.memory_space<semaphore_mem>>)
    %scan3A_118 = arith.constant 0 : i32
    %scan3A_119 = arith.constant 20 : i32
    %scan3A_120 = arith.addi %scan3A_118, %scan3A_119 : i32
    %scan3A_121 = arith.constant 1 : i32
    scf.for %scan3A_138 = %scan3A_118 to %scan3A_120 step %scan3A_121  : i32 {
      %mul3A_139 = arith.constant 2 : i32
      %mul3A_140 = arith.muli %mul3A_139, %scan3A_138 : i32
      %add3A_141 = arith.constant 0 : i32
      %add3A_142 = arith.addi %mul3A_140, %add3A_141 : i32
      %ge3A = arith.constant 1 : i32
      %ge3A_143 = arith.cmpi sge, %add3A_142, %ge3A : i32
      %convert_element_type3A_144 = arith.extui %ge3A_143 : i1 to i32
      %cond3A_145 = arith.constant 0 : i32
      %cond3A_146 = arith.cmpi ne, %convert_element_type3A_144, %cond3A_145 : i32
      scf.if %cond3A_146 {
        %sub3A = arith.constant 1 : i32
        %sub3A_193 = arith.subi %add3A_142, %sub3A : i32
        %dma_wait3A_194 = arith.constant 0 : i32
        %dma_wait3A_195 = tpu.memref_slice %arg8[%sub3A_193, %dma_wait3A_194] : memref<40x128xi32, #tpu.memory_space<vmem>> -> memref<1x128xi32, #tpu.memory_space<vmem>>
        %dma_wait3A_196 = tpu.memref_squeeze %dma_wait3A_195 : memref<1x128xi32, #tpu.memory_space<vmem>> -> memref<128xi32, #tpu.memory_space<vmem>>
        %dma_wait3A_197 = arith.constant 0 : i32
        %dma_wait3A_198 = arith.constant 0 : i32
        %dma_wait3A_199 = tpu.memref_slice %arg11[%dma_wait3A_197, %dma_wait3A_198] : memref<10240x128xf32, #tpu.memory_space<vmem_shared>> -> memref<10240x128xf32, #tpu.memory_space<vmem_shared>>
        tpu.wait_indirect_dma semaphore(%arg15 : memref<!tpu.dma_semaphore, #tpu.memory_space<semaphore_mem>>) src(%arg10 : memref<128x128xf32, #tpu.memory_space<vmem>>) dst(%dma_wait3A_199 : memref<10240x128xf32, #tpu.memory_space<vmem_shared>>)
      } else {
      }
      %add3A_147 = arith.constant 1 : i32
      %add3A_148 = arith.addi %add3A_142, %add3A_147 : i32
      %lt3A = arith.constant 40 : i32
      %lt3A_149 = arith.cmpi slt, %add3A_148, %lt3A : i32
      %convert_element_type3A_150 = arith.extui %lt3A_149 : i1 to i32
      %cond3A_151 = arith.constant 0 : i32
      %cond3A_152 = arith.cmpi ne, %convert_element_type3A_150, %cond3A_151 : i32
      scf.if %cond3A_152 {
        %add3A_193 = arith.constant 1 : i32
        %add3A_194 = arith.addi %add3A_142, %add3A_193 : i32
        %dma_start3A_195 = arith.constant 0 : i32
        %dma_start3A_196 = tpu.memref_slice %arg7[%add3A_194, %dma_start3A_195] : memref<40x128xi32, #tpu.memory_space<vmem>> -> memref<1x128xi32, #tpu.memory_space<vmem>>
        %dma_start3A_197 = tpu.memref_squeeze %dma_start3A_196 : memref<1x128xi32, #tpu.memory_space<vmem>> -> memref<128xi32, #tpu.memory_space<vmem>>
        %dma_start3A_198 = arith.constant 0 : i32
        %dma_start3A_199 = arith.constant 0 : i32
        %dma_start3A_200 = tpu.memref_slice %arg2[%dma_start3A_198, %dma_start3A_199] : memref<10000x128xf32, #tpu.memory_space<hbm>> -> memref<10000x128xf32, #tpu.memory_space<hbm>>
        tpu.enqueue_indirect_dma source(%dma_start3A_200 : memref<10000x128xf32, #tpu.memory_space<hbm>>) target(%arg10 : memref<128x128xf32, #tpu.memory_space<vmem>>) offsets(%dma_start3A_197 : memref<128xi32, #tpu.memory_space<vmem>>) semaphore(%arg13 : memref<!tpu.dma_semaphore, #tpu.memory_space<semaphore_mem>>)
      } else {
      }
      %dma_wait3A_153 = arith.constant 0 : i32
      %dma_wait3A_154 = tpu.memref_slice %arg7[%add3A_142, %dma_wait3A_153] : memref<40x128xi32, #tpu.memory_space<vmem>> -> memref<1x128xi32, #tpu.memory_space<vmem>>
      %dma_wait3A_155 = tpu.memref_squeeze %dma_wait3A_154 : memref<1x128xi32, #tpu.memory_space<vmem>> -> memref<128xi32, #tpu.memory_space<vmem>>
      %dma_wait3A_156 = arith.constant 0 : i32
      %dma_wait3A_157 = arith.constant 0 : i32
      %dma_wait3A_158 = tpu.memref_slice %arg2[%dma_wait3A_156, %dma_wait3A_157] : memref<10000x128xf32, #tpu.memory_space<hbm>> -> memref<10000x128xf32, #tpu.memory_space<hbm>>
      tpu.wait_indirect_dma semaphore(%arg12 : memref<!tpu.dma_semaphore, #tpu.memory_space<semaphore_mem>>) src(%dma_wait3A_158 : memref<10000x128xf32, #tpu.memory_space<hbm>>) dst(%arg9 : memref<128x128xf32, #tpu.memory_space<vmem>>)
      %dma_start3A_159 = arith.constant 0 : i32
      %dma_start3A_160 = tpu.memref_slice %arg8[%add3A_142, %dma_start3A_159] : memref<40x128xi32, #tpu.memory_space<vmem>> -> memref<1x128xi32, #tpu.memory_space<vmem>>
      %dma_start3A_161 = tpu.memref_squeeze %dma_start3A_160 : memref<1x128xi32, #tpu.memory_space<vmem>> -> memref<128xi32, #tpu.memory_space<vmem>>
      %dma_start3A_162 = arith.constant 0 : i32
      %dma_start3A_163 = arith.constant 0 : i32
      %dma_start3A_164 = tpu.memref_slice %arg11[%dma_start3A_162, %dma_start3A_163] : memref<10240x128xf32, #tpu.memory_space<vmem_shared>> -> memref<10240x128xf32, #tpu.memory_space<vmem_shared>>
      tpu.enqueue_indirect_dma source(%arg9 : memref<128x128xf32, #tpu.memory_space<vmem>>) target(%dma_start3A_164 : memref<10240x128xf32, #tpu.memory_space<vmem_shared>>) offsets(%dma_start3A_161 : memref<128xi32, #tpu.memory_space<vmem>>) semaphore(%arg14 : memref<!tpu.dma_semaphore, #tpu.memory_space<semaphore_mem>>) {add = true}
      %mul3A_165 = arith.constant 2 : i32
      %mul3A_166 = arith.muli %mul3A_165, %scan3A_138 : i32
      %add3A_167 = arith.constant 1 : i32
      %add3A_168 = arith.addi %mul3A_166, %add3A_167 : i32
      %ge3A_169 = arith.constant 1 : i32
      %ge3A_170 = arith.cmpi sge, %add3A_168, %ge3A_169 : i32
      %convert_element_type3A_171 = arith.extui %ge3A_170 : i1 to i32
      %cond3A_172 = arith.constant 0 : i32
      %cond3A_173 = arith.cmpi ne, %convert_element_type3A_171, %cond3A_172 : i32
      scf.if %cond3A_173 {
        %sub3A = arith.constant 1 : i32
        %sub3A_193 = arith.subi %add3A_168, %sub3A : i32
        %dma_wait3A_194 = arith.constant 0 : i32
        %dma_wait3A_195 = tpu.memref_slice %arg8[%sub3A_193, %dma_wait3A_194] : memref<40x128xi32, #tpu.memory_space<vmem>> -> memref<1x128xi32, #tpu.memory_space<vmem>>
        %dma_wait3A_196 = tpu.memref_squeeze %dma_wait3A_195 : memref<1x128xi32, #tpu.memory_space<vmem>> -> memref<128xi32, #tpu.memory_space<vmem>>
        %dma_wait3A_197 = arith.constant 0 : i32
        %dma_wait3A_198 = arith.constant 0 : i32
        %dma_wait3A_199 = tpu.memref_slice %arg11[%dma_wait3A_197, %dma_wait3A_198] : memref<10240x128xf32, #tpu.memory_space<vmem_shared>> -> memref<10240x128xf32, #tpu.memory_space<vmem_shared>>
        tpu.wait_indirect_dma semaphore(%arg14 : memref<!tpu.dma_semaphore, #tpu.memory_space<semaphore_mem>>) src(%arg9 : memref<128x128xf32, #tpu.memory_space<vmem>>) dst(%dma_wait3A_199 : memref<10240x128xf32, #tpu.memory_space<vmem_shared>>)
      } else {
      }
      %add3A_174 = arith.constant 1 : i32
      %add3A_175 = arith.addi %add3A_168, %add3A_174 : i32
      %lt3A_176 = arith.constant 40 : i32
      %lt3A_177 = arith.cmpi slt, %add3A_175, %lt3A_176 : i32
      %convert_element_type3A_178 = arith.extui %lt3A_177 : i1 to i32
      %cond3A_179 = arith.constant 0 : i32
      %cond3A_180 = arith.cmpi ne, %convert_element_type3A_178, %cond3A_179 : i32
      scf.if %cond3A_180 {
        %add3A_193 = arith.constant 1 : i32
        %add3A_194 = arith.addi %add3A_168, %add3A_193 : i32
        %dma_start3A_195 = arith.constant 0 : i32
        %dma_start3A_196 = tpu.memref_slice %arg7[%add3A_194, %dma_start3A_195] : memref<40x128xi32, #tpu.memory_space<vmem>> -> memref<1x128xi32, #tpu.memory_space<vmem>>
        %dma_start3A_197 = tpu.memref_squeeze %dma_start3A_196 : memref<1x128xi32, #tpu.memory_space<vmem>> -> memref<128xi32, #tpu.memory_space<vmem>>
        %dma_start3A_198 = arith.constant 0 : i32
        %dma_start3A_199 = arith.constant 0 : i32
        %dma_start3A_200 = tpu.memref_slice %arg2[%dma_start3A_198, %dma_start3A_199] : memref<10000x128xf32, #tpu.memory_space<hbm>> -> memref<10000x128xf32, #tpu.memory_space<hbm>>
        tpu.enqueue_indirect_dma source(%dma_start3A_200 : memref<10000x128xf32, #tpu.memory_space<hbm>>) target(%arg9 : memref<128x128xf32, #tpu.memory_space<vmem>>) offsets(%dma_start3A_197 : memref<128xi32, #tpu.memory_space<vmem>>) semaphore(%arg12 : memref<!tpu.dma_semaphore, #tpu.memory_space<semaphore_mem>>)
      } else {
      }
      %dma_wait3A_181 = arith.constant 0 : i32
      %dma_wait3A_182 = tpu.memref_slice %arg7[%add3A_168, %dma_wait3A_181] : memref<40x128xi32, #tpu.memory_space<vmem>> -> memref<1x128xi32, #tpu.memory_space<vmem>>
      %dma_wait3A_183 = tpu.memref_squeeze %dma_wait3A_182 : memref<1x128xi32, #tpu.memory_space<vmem>> -> memref<128xi32, #tpu.memory_space<vmem>>
      %dma_wait3A_184 = arith.constant 0 : i32
      %dma_wait3A_185 = arith.constant 0 : i32
      %dma_wait3A_186 = tpu.memref_slice %arg2[%dma_wait3A_184, %dma_wait3A_185] : memref<10000x128xf32, #tpu.memory_space<hbm>> -> memref<10000x128xf32, #tpu.memory_space<hbm>>
      tpu.wait_indirect_dma semaphore(%arg13 : memref<!tpu.dma_semaphore, #tpu.memory_space<semaphore_mem>>) src(%dma_wait3A_186 : memref<10000x128xf32, #tpu.memory_space<hbm>>) dst(%arg10 : memref<128x128xf32, #tpu.memory_space<vmem>>)
      %dma_start3A_187 = arith.constant 0 : i32
      %dma_start3A_188 = tpu.memref_slice %arg8[%add3A_168, %dma_start3A_187] : memref<40x128xi32, #tpu.memory_space<vmem>> -> memref<1x128xi32, #tpu.memory_space<vmem>>
      %dma_start3A_189 = tpu.memref_squeeze %dma_start3A_188 : memref<1x128xi32, #tpu.memory_space<vmem>> -> memref<128xi32, #tpu.memory_space<vmem>>
      %dma_start3A_190 = arith.constant 0 : i32
      %dma_start3A_191 = arith.constant 0 : i32
      %dma_start3A_192 = tpu.memref_slice %arg11[%dma_start3A_190, %dma_start3A_191] : memref<10240x128xf32, #tpu.memory_space<vmem_shared>> -> memref<10240x128xf32, #tpu.memory_space<vmem_shared>>
      tpu.enqueue_indirect_dma source(%arg10 : memref<128x128xf32, #tpu.memory_space<vmem>>) target(%dma_start3A_192 : memref<10240x128xf32, #tpu.memory_space<vmem_shared>>) offsets(%dma_start3A_189 : memref<128xi32, #tpu.memory_space<vmem>>) semaphore(%arg15 : memref<!tpu.dma_semaphore, #tpu.memory_space<semaphore_mem>>) {add = true}
    }
    %scan3A_122 = arith.constant 20 : i32
    %dma_wait3A_123 = arith.constant 39 : i32
    %dma_wait3A_124 = arith.constant 0 : i32
    %dma_wait3A_125 = tpu.memref_slice %arg8[%dma_wait3A_123, %dma_wait3A_124] : memref<40x128xi32, #tpu.memory_space<vmem>> -> memref<1x128xi32, #tpu.memory_space<vmem>>
    %dma_wait3A_126 = tpu.memref_squeeze %dma_wait3A_125 : memref<1x128xi32, #tpu.memory_space<vmem>> -> memref<128xi32, #tpu.memory_space<vmem>>
    %dma_wait3A_127 = arith.constant 0 : i32
    %dma_wait3A_128 = arith.constant 0 : i32
    %dma_wait3A_129 = tpu.memref_slice %arg11[%dma_wait3A_127, %dma_wait3A_128] : memref<10240x128xf32, #tpu.memory_space<vmem_shared>> -> memref<10240x128xf32, #tpu.memory_space<vmem_shared>>
    tpu.wait_indirect_dma semaphore(%arg15 : memref<!tpu.dma_semaphore, #tpu.memory_space<semaphore_mem>>) src(%arg10 : memref<128x128xf32, #tpu.memory_space<vmem>>) dst(%dma_wait3A_129 : memref<10240x128xf32, #tpu.memory_space<vmem_shared>>)
    %barrier3A_130 = arith.constant 0 : index
    tpu.barrier barrier_id(%barrier3A_130)
    %eq3A = arith.constant 0 : i32
    %eq3A_131 = arith.cmpi eq, %arg0, %eq3A : i32
    %convert_element_type3A = arith.extui %eq3A_131 : i1 to i32
    %cond3A = arith.constant 0 : i32
    %cond3A_132 = arith.cmpi ne, %convert_element_type3A, %cond3A : i32
    scf.if %cond3A_132 {
      %mul3A_138 = arith.constant 640 : i32
      %mul3A_139 = arith.muli %arg1, %mul3A_138 : i32
      %add3A_140 = arith.constant 0 : i32
      %add3A_141 = arith.addi %mul3A_139, %add3A_140 : i32
      %dma_start3A_142 = arith.constant 0 : i32
      %dma_start3A_143 = tpu.memref_slice %arg5[%add3A_141, %dma_start3A_142] : memref<10240x128xf32, #tpu.memory_space<hbm>> -> memref<128x128xf32, #tpu.memory_space<hbm>>
      %dma_start3A_144 = arith.constant 0 : i32
      %dma_start3A_145 = tpu.memref_slice %arg11[%add3A_141, %dma_start3A_144] : memref<10240x128xf32, #tpu.memory_space<vmem_shared>> -> memref<128x128xf32, #tpu.memory_space<vmem_shared>>
      tpu.enqueue_dma source(%dma_start3A_145 : memref<128x128xf32, #tpu.memory_space<vmem_shared>>) target(%dma_start3A_143 : memref<128x128xf32, #tpu.memory_space<hbm>>) target_semaphore(%arg12 : memref<!tpu.dma_semaphore, #tpu.memory_space<semaphore_mem>>)
      %mul3A_146 = arith.constant 640 : i32
      %mul3A_147 = arith.muli %arg1, %mul3A_146 : i32
      %add3A_148 = arith.constant 128 : i32
      %add3A_149 = arith.addi %mul3A_147, %add3A_148 : i32
      %dma_start3A_150 = arith.constant 0 : i32
      %dma_start3A_151 = tpu.memref_slice %arg5[%add3A_149, %dma_start3A_150] : memref<10240x128xf32, #tpu.memory_space<hbm>> -> memref<128x128xf32, #tpu.memory_space<hbm>>
      %dma_start3A_152 = arith.constant 0 : i32
      %dma_start3A_153 = tpu.memref_slice %arg11[%add3A_149, %dma_start3A_152] : memref<10240x128xf32, #tpu.memory_space<vmem_shared>> -> memref<128x128xf32, #tpu.memory_space<vmem_shared>>
      tpu.enqueue_dma source(%dma_start3A_153 : memref<128x128xf32, #tpu.memory_space<vmem_shared>>) target(%dma_start3A_151 : memref<128x128xf32, #tpu.memory_space<hbm>>) target_semaphore(%arg12 : memref<!tpu.dma_semaphore, #tpu.memory_space<semaphore_mem>>)
      %mul3A_154 = arith.constant 640 : i32
      %mul3A_155 = arith.muli %arg1, %mul3A_154 : i32
      %add3A_156 = arith.constant 256 : i32
      %add3A_157 = arith.addi %mul3A_155, %add3A_156 : i32
      %dma_start3A_158 = arith.constant 0 : i32
      %dma_start3A_159 = tpu.memref_slice %arg5[%add3A_157, %dma_start3A_158] : memref<10240x128xf32, #tpu.memory_space<hbm>> -> memref<128x128xf32, #tpu.memory_space<hbm>>
      %dma_start3A_160 = arith.constant 0 : i32
      %dma_start3A_161 = tpu.memref_slice %arg11[%add3A_157, %dma_start3A_160] : memref<10240x128xf32, #tpu.memory_space<vmem_shared>> -> memref<128x128xf32, #tpu.memory_space<vmem_shared>>
      tpu.enqueue_dma source(%dma_start3A_161 : memref<128x128xf32, #tpu.memory_space<vmem_shared>>) target(%dma_start3A_159 : memref<128x128xf32, #tpu.memory_space<hbm>>) target_semaphore(%arg12 : memref<!tpu.dma_semaphore, #tpu.memory_space<semaphore_mem>>)
      %mul3A_162 = arith.constant 640 : i32
      %mul3A_163 = arith.muli %arg1, %mul3A_162 : i32
      %add3A_164 = arith.constant 384 : i32
      %add3A_165 = arith.addi %mul3A_163, %add3A_164 : i32
      %dma_start3A_166 = arith.constant 0 : i32
      %dma_start3A_167 = tpu.memref_slice %arg5[%add3A_165, %dma_start3A_166] : memref<10240x128xf32, #tpu.memory_space<hbm>> -> memref<128x128xf32, #tpu.memory_space<hbm>>
      %dma_start3A_168 = arith.constant 0 : i32
      %dma_start3A_169 = tpu.memref_slice %arg11[%add3A_165, %dma_start3A_168] : memref<10240x128xf32, #tpu.memory_space<vmem_shared>> -> memref<128x128xf32, #tpu.memory_space<vmem_shared>>
      tpu.enqueue_dma source(%dma_start3A_169 : memref<128x128xf32, #tpu.memory_space<vmem_shared>>) target(%dma_start3A_167 : memref<128x128xf32, #tpu.memory_space<hbm>>) target_semaphore(%arg12 : memref<!tpu.dma_semaphore, #tpu.memory_space<semaphore_mem>>)
      %mul3A_170 = arith.constant 640 : i32
      %mul3A_171 = arith.muli %arg1, %mul3A_170 : i32
      %add3A_172 = arith.constant 512 : i32
      %add3A_173 = arith.addi %mul3A_171, %add3A_172 : i32
      %dma_start3A_174 = arith.constant 0 : i32
      %dma_start3A_175 = tpu.memref_slice %arg5[%add3A_173, %dma_start3A_174] : memref<10240x128xf32, #tpu.memory_space<hbm>> -> memref<128x128xf32, #tpu.memory_space<hbm>>
      %dma_start3A_176 = arith.constant 0 : i32
      %dma_start3A_177 = tpu.memref_slice %arg11[%add3A_173, %dma_start3A_176] : memref<10240x128xf32, #tpu.memory_space<vmem_shared>> -> memref<128x128xf32, #tpu.memory_space<vmem_shared>>
      tpu.enqueue_dma source(%dma_start3A_177 : memref<128x128xf32, #tpu.memory_space<vmem_shared>>) target(%dma_start3A_175 : memref<128x128xf32, #tpu.memory_space<hbm>>) target_semaphore(%arg12 : memref<!tpu.dma_semaphore, #tpu.memory_space<semaphore_mem>>)
      %mul3A_178 = arith.constant 640 : i32
      %mul3A_179 = arith.muli %arg1, %mul3A_178 : i32
      %add3A_180 = arith.constant 0 : i32
      %add3A_181 = arith.addi %mul3A_179, %add3A_180 : i32
      %dma_wait3A_182 = arith.constant 0 : i32
      %dma_wait3A_183 = tpu.memref_slice %arg5[%add3A_181, %dma_wait3A_182] : memref<10240x128xf32, #tpu.memory_space<hbm>> -> memref<128x128xf32, #tpu.memory_space<hbm>>
      %dma_wait3A_184 = arith.constant 0 : i32
      %dma_wait3A_185 = tpu.memref_slice %arg11[%add3A_181, %dma_wait3A_184] : memref<10240x128xf32, #tpu.memory_space<vmem_shared>> -> memref<128x128xf32, #tpu.memory_space<vmem_shared>>
      tpu.wait_dma2 semaphore(%arg12 : memref<!tpu.dma_semaphore, #tpu.memory_space<semaphore_mem>>) src(%dma_wait3A_185 : memref<128x128xf32, #tpu.memory_space<vmem_shared>>) dst(%dma_wait3A_183 : memref<128x128xf32, #tpu.memory_space<hbm>>)
      %mul3A_186 = arith.constant 640 : i32
      %mul3A_187 = arith.muli %arg1, %mul3A_186 : i32
      %add3A_188 = arith.constant 128 : i32
      %add3A_189 = arith.addi %mul3A_187, %add3A_188 : i32
      %dma_wait3A_190 = arith.constant 0 : i32
      %dma_wait3A_191 = tpu.memref_slice %arg5[%add3A_189, %dma_wait3A_190] : memref<10240x128xf32, #tpu.memory_space<hbm>> -> memref<128x128xf32, #tpu.memory_space<hbm>>
      %dma_wait3A_192 = arith.constant 0 : i32
      %dma_wait3A_193 = tpu.memref_slice %arg11[%add3A_189, %dma_wait3A_192] : memref<10240x128xf32, #tpu.memory_space<vmem_shared>> -> memref<128x128xf32, #tpu.memory_space<vmem_shared>>
      tpu.wait_dma2 semaphore(%arg12 : memref<!tpu.dma_semaphore, #tpu.memory_space<semaphore_mem>>) src(%dma_wait3A_193 : memref<128x128xf32, #tpu.memory_space<vmem_shared>>) dst(%dma_wait3A_191 : memref<128x128xf32, #tpu.memory_space<hbm>>)
      %mul3A_194 = arith.constant 640 : i32
      %mul3A_195 = arith.muli %arg1, %mul3A_194 : i32
      %add3A_196 = arith.constant 256 : i32
      %add3A_197 = arith.addi %mul3A_195, %add3A_196 : i32
      %dma_wait3A_198 = arith.constant 0 : i32
      %dma_wait3A_199 = tpu.memref_slice %arg5[%add3A_197, %dma_wait3A_198] : memref<10240x128xf32, #tpu.memory_space<hbm>> -> memref<128x128xf32, #tpu.memory_space<hbm>>
      %dma_wait3A_200 = arith.constant 0 : i32
      %dma_wait3A_201 = tpu.memref_slice %arg11[%add3A_197, %dma_wait3A_200] : memref<10240x128xf32, #tpu.memory_space<vmem_shared>> -> memref<128x128xf32, #tpu.memory_space<vmem_shared>>
      tpu.wait_dma2 semaphore(%arg12 : memref<!tpu.dma_semaphore, #tpu.memory_space<semaphore_mem>>) src(%dma_wait3A_201 : memref<128x128xf32, #tpu.memory_space<vmem_shared>>) dst(%dma_wait3A_199 : memref<128x128xf32, #tpu.memory_space<hbm>>)
      %mul3A_202 = arith.constant 640 : i32
      %mul3A_203 = arith.muli %arg1, %mul3A_202 : i32
      %add3A_204 = arith.constant 384 : i32
      %add3A_205 = arith.addi %mul3A_203, %add3A_204 : i32
      %dma_wait3A_206 = arith.constant 0 : i32
      %dma_wait3A_207 = tpu.memref_slice %arg5[%add3A_205, %dma_wait3A_206] : memref<10240x128xf32, #tpu.memory_space<hbm>> -> memref<128x128xf32, #tpu.memory_space<hbm>>
      %dma_wait3A_208 = arith.constant 0 : i32
      %dma_wait3A_209 = tpu.memref_slice %arg11[%add3A_205, %dma_wait3A_208] : memref<10240x128xf32, #tpu.memory_space<vmem_shared>> -> memref<128x128xf32, #tpu.memory_space<vmem_shared>>
      tpu.wait_dma2 semaphore(%arg12 : memref<!tpu.dma_semaphore, #tpu.memory_space<semaphore_mem>>) src(%dma_wait3A_209 : memref<128x128xf32, #tpu.memory_space<vmem_shared>>) dst(%dma_wait3A_207 : memref<128x128xf32, #tpu.memory_space<hbm>>)
      %mul3A_210 = arith.constant 640 : i32
      %mul3A_211 = arith.muli %arg1, %mul3A_210 : i32
      %add3A_212 = arith.constant 512 : i32
      %add3A_213 = arith.addi %mul3A_211, %add3A_212 : i32
      %dma_wait3A_214 = arith.constant 0 : i32
      %dma_wait3A_215 = tpu.memref_slice %arg5[%add3A_213, %dma_wait3A_214] : memref<10240x128xf32, #tpu.memory_space<hbm>> -> memref<128x128xf32, #tpu.memory_space<hbm>>
      %dma_wait3A_216 = arith.constant 0 : i32
      %dma_wait3A_217 = tpu.memref_slice %arg11[%add3A_213, %dma_wait3A_216] : memref<10240x128xf32, #tpu.memory_space<vmem_shared>> -> memref<128x128xf32, #tpu.memory_space<vmem_shared>>
      tpu.wait_dma2 semaphore(%arg12 : memref<!tpu.dma_semaphore, #tpu.memory_space<semaphore_mem>>) src(%dma_wait3A_217 : memref<128x128xf32, #tpu.memory_space<vmem_shared>>) dst(%dma_wait3A_215 : memref<128x128xf32, #tpu.memory_space<hbm>>)
    } else {
    }
    %eq3A_133 = arith.constant 1 : i32
    %eq3A_134 = arith.cmpi eq, %arg0, %eq3A_133 : i32
    %convert_element_type3A_135 = arith.extui %eq3A_134 : i1 to i32
    %cond3A_136 = arith.constant 0 : i32
    %cond3A_137 = arith.cmpi ne, %convert_element_type3A_135, %cond3A_136 : i32
    scf.if %cond3A_137 {
      %mul3A_138 = arith.constant 640 : i32
      %mul3A_139 = arith.muli %arg1, %mul3A_138 : i32
      %add3A_140 = arith.constant 0 : i32
      %add3A_141 = arith.addi %mul3A_139, %add3A_140 : i32
      %dma_start3A_142 = arith.constant 0 : i32
      %dma_start3A_143 = tpu.memref_slice %arg6[%add3A_141, %dma_start3A_142] : memref<10240x128xf32, #tpu.memory_space<hbm>> -> memref<128x128xf32, #tpu.memory_space<hbm>>
      %dma_start3A_144 = arith.constant 0 : i32
      %dma_start3A_145 = tpu.memref_slice %arg11[%add3A_141, %dma_start3A_144] : memref<10240x128xf32, #tpu.memory_space<vmem_shared>> -> memref<128x128xf32, #tpu.memory_space<vmem_shared>>
      tpu.enqueue_dma source(%dma_start3A_145 : memref<128x128xf32, #tpu.memory_space<vmem_shared>>) target(%dma_start3A_143 : memref<128x128xf32, #tpu.memory_space<hbm>>) target_semaphore(%arg12 : memref<!tpu.dma_semaphore, #tpu.memory_space<semaphore_mem>>)
      %mul3A_146 = arith.constant 640 : i32
      %mul3A_147 = arith.muli %arg1, %mul3A_146 : i32
      %add3A_148 = arith.constant 128 : i32
      %add3A_149 = arith.addi %mul3A_147, %add3A_148 : i32
      %dma_start3A_150 = arith.constant 0 : i32
      %dma_start3A_151 = tpu.memref_slice %arg6[%add3A_149, %dma_start3A_150] : memref<10240x128xf32, #tpu.memory_space<hbm>> -> memref<128x128xf32, #tpu.memory_space<hbm>>
      %dma_start3A_152 = arith.constant 0 : i32
      %dma_start3A_153 = tpu.memref_slice %arg11[%add3A_149, %dma_start3A_152] : memref<10240x128xf32, #tpu.memory_space<vmem_shared>> -> memref<128x128xf32, #tpu.memory_space<vmem_shared>>
      tpu.enqueue_dma source(%dma_start3A_153 : memref<128x128xf32, #tpu.memory_space<vmem_shared>>) target(%dma_start3A_151 : memref<128x128xf32, #tpu.memory_space<hbm>>) target_semaphore(%arg12 : memref<!tpu.dma_semaphore, #tpu.memory_space<semaphore_mem>>)
      %mul3A_154 = arith.constant 640 : i32
      %mul3A_155 = arith.muli %arg1, %mul3A_154 : i32
      %add3A_156 = arith.constant 256 : i32
      %add3A_157 = arith.addi %mul3A_155, %add3A_156 : i32
      %dma_start3A_158 = arith.constant 0 : i32
      %dma_start3A_159 = tpu.memref_slice %arg6[%add3A_157, %dma_start3A_158] : memref<10240x128xf32, #tpu.memory_space<hbm>> -> memref<128x128xf32, #tpu.memory_space<hbm>>
      %dma_start3A_160 = arith.constant 0 : i32
      %dma_start3A_161 = tpu.memref_slice %arg11[%add3A_157, %dma_start3A_160] : memref<10240x128xf32, #tpu.memory_space<vmem_shared>> -> memref<128x128xf32, #tpu.memory_space<vmem_shared>>
      tpu.enqueue_dma source(%dma_start3A_161 : memref<128x128xf32, #tpu.memory_space<vmem_shared>>) target(%dma_start3A_159 : memref<128x128xf32, #tpu.memory_space<hbm>>) target_semaphore(%arg12 : memref<!tpu.dma_semaphore, #tpu.memory_space<semaphore_mem>>)
      %mul3A_162 = arith.constant 640 : i32
      %mul3A_163 = arith.muli %arg1, %mul3A_162 : i32
      %add3A_164 = arith.constant 384 : i32
      %add3A_165 = arith.addi %mul3A_163, %add3A_164 : i32
      %dma_start3A_166 = arith.constant 0 : i32
      %dma_start3A_167 = tpu.memref_slice %arg6[%add3A_165, %dma_start3A_166] : memref<10240x128xf32, #tpu.memory_space<hbm>> -> memref<128x128xf32, #tpu.memory_space<hbm>>
      %dma_start3A_168 = arith.constant 0 : i32
      %dma_start3A_169 = tpu.memref_slice %arg11[%add3A_165, %dma_start3A_168] : memref<10240x128xf32, #tpu.memory_space<vmem_shared>> -> memref<128x128xf32, #tpu.memory_space<vmem_shared>>
      tpu.enqueue_dma source(%dma_start3A_169 : memref<128x128xf32, #tpu.memory_space<vmem_shared>>) target(%dma_start3A_167 : memref<128x128xf32, #tpu.memory_space<hbm>>) target_semaphore(%arg12 : memref<!tpu.dma_semaphore, #tpu.memory_space<semaphore_mem>>)
      %mul3A_170 = arith.constant 640 : i32
      %mul3A_171 = arith.muli %arg1, %mul3A_170 : i32
      %add3A_172 = arith.constant 512 : i32
      %add3A_173 = arith.addi %mul3A_171, %add3A_172 : i32
      %dma_start3A_174 = arith.constant 0 : i32
      %dma_start3A_175 = tpu.memref_slice %arg6[%add3A_173, %dma_start3A_174] : memref<10240x128xf32, #tpu.memory_space<hbm>> -> memref<128x128xf32, #tpu.memory_space<hbm>>
      %dma_start3A_176 = arith.constant 0 : i32
      %dma_start3A_177 = tpu.memref_slice %arg11[%add3A_173, %dma_start3A_176] : memref<10240x128xf32, #tpu.memory_space<vmem_shared>> -> memref<128x128xf32, #tpu.memory_space<vmem_shared>>
      tpu.enqueue_dma source(%dma_start3A_177 : memref<128x128xf32, #tpu.memory_space<vmem_shared>>) target(%dma_start3A_175 : memref<128x128xf32, #tpu.memory_space<hbm>>) target_semaphore(%arg12 : memref<!tpu.dma_semaphore, #tpu.memory_space<semaphore_mem>>)
      %mul3A_178 = arith.constant 640 : i32
      %mul3A_179 = arith.muli %arg1, %mul3A_178 : i32
      %add3A_180 = arith.constant 0 : i32
      %add3A_181 = arith.addi %mul3A_179, %add3A_180 : i32
      %dma_wait3A_182 = arith.constant 0 : i32
      %dma_wait3A_183 = tpu.memref_slice %arg6[%add3A_181, %dma_wait3A_182] : memref<10240x128xf32, #tpu.memory_space<hbm>> -> memref<128x128xf32, #tpu.memory_space<hbm>>
      %dma_wait3A_184 = arith.constant 0 : i32
      %dma_wait3A_185 = tpu.memref_slice %arg11[%add3A_181, %dma_wait3A_184] : memref<10240x128xf32, #tpu.memory_space<vmem_shared>> -> memref<128x128xf32, #tpu.memory_space<vmem_shared>>
      tpu.wait_dma2 semaphore(%arg12 : memref<!tpu.dma_semaphore, #tpu.memory_space<semaphore_mem>>) src(%dma_wait3A_185 : memref<128x128xf32, #tpu.memory_space<vmem_shared>>) dst(%dma_wait3A_183 : memref<128x128xf32, #tpu.memory_space<hbm>>)
      %mul3A_186 = arith.constant 640 : i32
      %mul3A_187 = arith.muli %arg1, %mul3A_186 : i32
      %add3A_188 = arith.constant 128 : i32
      %add3A_189 = arith.addi %mul3A_187, %add3A_188 : i32
      %dma_wait3A_190 = arith.constant 0 : i32
      %dma_wait3A_191 = tpu.memref_slice %arg6[%add3A_189, %dma_wait3A_190] : memref<10240x128xf32, #tpu.memory_space<hbm>> -> memref<128x128xf32, #tpu.memory_space<hbm>>
      %dma_wait3A_192 = arith.constant 0 : i32
      %dma_wait3A_193 = tpu.memref_slice %arg11[%add3A_189, %dma_wait3A_192] : memref<10240x128xf32, #tpu.memory_space<vmem_shared>> -> memref<128x128xf32, #tpu.memory_space<vmem_shared>>
      tpu.wait_dma2 semaphore(%arg12 : memref<!tpu.dma_semaphore, #tpu.memory_space<semaphore_mem>>) src(%dma_wait3A_193 : memref<128x128xf32, #tpu.memory_space<vmem_shared>>) dst(%dma_wait3A_191 : memref<128x128xf32, #tpu.memory_space<hbm>>)
      %mul3A_194 = arith.constant 640 : i32
      %mul3A_195 = arith.muli %arg1, %mul3A_194 : i32
      %add3A_196 = arith.constant 256 : i32
      %add3A_197 = arith.addi %mul3A_195, %add3A_196 : i32
      %dma_wait3A_198 = arith.constant 0 : i32
      %dma_wait3A_199 = tpu.memref_slice %arg6[%add3A_197, %dma_wait3A_198] : memref<10240x128xf32, #tpu.memory_space<hbm>> -> memref<128x128xf32, #tpu.memory_space<hbm>>
      %dma_wait3A_200 = arith.constant 0 : i32
      %dma_wait3A_201 = tpu.memref_slice %arg11[%add3A_197, %dma_wait3A_200] : memref<10240x128xf32, #tpu.memory_space<vmem_shared>> -> memref<128x128xf32, #tpu.memory_space<vmem_shared>>
      tpu.wait_dma2 semaphore(%arg12 : memref<!tpu.dma_semaphore, #tpu.memory_space<semaphore_mem>>) src(%dma_wait3A_201 : memref<128x128xf32, #tpu.memory_space<vmem_shared>>) dst(%dma_wait3A_199 : memref<128x128xf32, #tpu.memory_space<hbm>>)
      %mul3A_202 = arith.constant 640 : i32
      %mul3A_203 = arith.muli %arg1, %mul3A_202 : i32
      %add3A_204 = arith.constant 384 : i32
      %add3A_205 = arith.addi %mul3A_203, %add3A_204 : i32
      %dma_wait3A_206 = arith.constant 0 : i32
      %dma_wait3A_207 = tpu.memref_slice %arg6[%add3A_205, %dma_wait3A_206] : memref<10240x128xf32, #tpu.memory_space<hbm>> -> memref<128x128xf32, #tpu.memory_space<hbm>>
      %dma_wait3A_208 = arith.constant 0 : i32
      %dma_wait3A_209 = tpu.memref_slice %arg11[%add3A_205, %dma_wait3A_208] : memref<10240x128xf32, #tpu.memory_space<vmem_shared>> -> memref<128x128xf32, #tpu.memory_space<vmem_shared>>
      tpu.wait_dma2 semaphore(%arg12 : memref<!tpu.dma_semaphore, #tpu.memory_space<semaphore_mem>>) src(%dma_wait3A_209 : memref<128x128xf32, #tpu.memory_space<vmem_shared>>) dst(%dma_wait3A_207 : memref<128x128xf32, #tpu.memory_space<hbm>>)
      %mul3A_210 = arith.constant 640 : i32
      %mul3A_211 = arith.muli %arg1, %mul3A_210 : i32
      %add3A_212 = arith.constant 512 : i32
      %add3A_213 = arith.addi %mul3A_211, %add3A_212 : i32
      %dma_wait3A_214 = arith.constant 0 : i32
      %dma_wait3A_215 = tpu.memref_slice %arg6[%add3A_213, %dma_wait3A_214] : memref<10240x128xf32, #tpu.memory_space<hbm>> -> memref<128x128xf32, #tpu.memory_space<hbm>>
      %dma_wait3A_216 = arith.constant 0 : i32
      %dma_wait3A_217 = tpu.memref_slice %arg11[%add3A_213, %dma_wait3A_216] : memref<10240x128xf32, #tpu.memory_space<vmem_shared>> -> memref<128x128xf32, #tpu.memory_space<vmem_shared>>
      tpu.wait_dma2 semaphore(%arg12 : memref<!tpu.dma_semaphore, #tpu.memory_space<semaphore_mem>>) src(%dma_wait3A_217 : memref<128x128xf32, #tpu.memory_space<vmem_shared>>) dst(%dma_wait3A_215 : memref<128x128xf32, #tpu.memory_space<hbm>>)
    } else {
    }
    return
  }
}

#map = affine_map<(d0, d1) -> (0, 0)>
module attributes {stable_mosaic.version = 14 : i64} {
  func.func @_sc_agg_body(%arg0: i32, %arg1: i32, %arg2: memref<10000x128xf32, #tpu.memory_space<hbm>>, %arg3: memref<2560x128xi32, #tpu.memory_space<hbm>>, %arg4: memref<2560x128xi32, #tpu.memory_space<hbm>>, %arg5: memref<10240x128xf32, #tpu.memory_space<hbm>>, %arg6: memref<10240x128xf32, #tpu.memory_space<hbm>>, %arg7: memref<40x128xi32, #tpu.memory_space<vmem>>, %arg8: memref<40x128xi32, #tpu.memory_space<vmem>>, %arg9: memref<128x128xf32, #tpu.memory_space<vmem>>, %arg10: memref<128x128xf32, #tpu.memory_space<vmem>>, %arg11: memref<10240x128xf32, #tpu.memory_space<vmem_shared>>, %arg12: memref<!tpu.dma_semaphore, #tpu.memory_space<semaphore_mem>>, %arg13: memref<!tpu.dma_semaphore, #tpu.memory_space<semaphore_mem>>, %arg14: memref<!tpu.dma_semaphore, #tpu.memory_space<semaphore_mem>>, %arg15: memref<!tpu.dma_semaphore, #tpu.memory_space<semaphore_mem>>) attributes {dimension_semantics = [#tpu.dimension_semantics<core_parallel>, #tpu.dimension_semantics<subcore_parallel>], iteration_bounds = array<i64: 2, 16>, scalar_prefetch = 0 : i64, scratch_operands = 9 : i64, tpu.core_type = #tpu.core_type<sc_vector_subcore>, window_params = [{transform_indices = #map}, {transform_indices = #map}, {transform_indices = #map}, {transform_indices = #map}, {transform_indices = #map}]} {
    %mul3A = arith.constant 16 : i32
    %mul3A_0 = arith.muli %arg0, %mul3A : i32
    %add3A = arith.addi %mul3A_0, %arg1 : i32
    %broadcast_in_dim3A = arith.constant 0.000000e+00 : f32
    %broadcast_in_dim3A_1 = vector.broadcast %broadcast_in_dim3A : f32 to vector<16xf32>
    %scan3A = arith.constant 0 : i32
    %scan3A_2 = arith.constant 128 : i32
    %scan3A_3 = arith.addi %scan3A, %scan3A_2 : i32
    %scan3A_4 = arith.constant 1 : i32
    scf.for %scan3A_138 = %scan3A to %scan3A_3 step %scan3A_4  : i32 {
      %swap3A = arith.index_cast %scan3A_138 : i32 to index
      %swap3A_139 = arith.constant 0 : index
      %swap3A_140 = tpu.vector_load %arg9[%swap3A, %swap3A_139] {strides = array<i32>} : memref<128x128xf32, #tpu.memory_space<vmem>>, vector<1x16xf32>,
      %swap3A_141 = vector.shape_cast %swap3A_140 : vector<1x16xf32> to vector<16xf32>
      %swap3A_142 = vector.shape_cast %broadcast_in_dim3A_1 : vector<16xf32> to vector<1x16xf32>
      tpu.vector_store %arg9[%swap3A, %swap3A_139], %swap3A_142 {strides = array<i32>} : memref<128x128xf32, #tpu.memory_space<vmem>>, vector<1x16xf32>,
      %swap3A_143 = arith.index_cast %scan3A_138 : i32 to index
      %swap3A_144 = arith.constant 16 : index
      %swap3A_145 = tpu.vector_load %arg9[%swap3A_143, %swap3A_144] {strides = array<i32>} : memref<128x128xf32, #tpu.memory_space<vmem>>, vector<1x16xf32>,
      %swap3A_146 = vector.shape_cast %swap3A_145 : vector<1x16xf32> to vector<16xf32>
      %swap3A_147 = vector.shape_cast %broadcast_in_dim3A_1 : vector<16xf32> to vector<1x16xf32>
      tpu.vector_store %arg9[%swap3A_143, %swap3A_144], %swap3A_147 {strides = array<i32>} : memref<128x128xf32, #tpu.memory_space<vmem>>, vector<1x16xf32>,
      %swap3A_148 = arith.index_cast %scan3A_138 : i32 to index
      %swap3A_149 = arith.constant 32 : index
      %swap3A_150 = tpu.vector_load %arg9[%swap3A_148, %swap3A_149] {strides = array<i32>} : memref<128x128xf32, #tpu.memory_space<vmem>>, vector<1x16xf32>,
      %swap3A_151 = vector.shape_cast %swap3A_150 : vector<1x16xf32> to vector<16xf32>
      %swap3A_152 = vector.shape_cast %broadcast_in_dim3A_1 : vector<16xf32> to vector<1x16xf32>
      tpu.vector_store %arg9[%swap3A_148, %swap3A_149], %swap3A_152 {strides = array<i32>} : memref<128x128xf32, #tpu.memory_space<vmem>>, vector<1x16xf32>,
      %swap3A_153 = arith.index_cast %scan3A_138 : i32 to index
      %swap3A_154 = arith.constant 48 : index
      %swap3A_155 = tpu.vector_load %arg9[%swap3A_153, %swap3A_154] {strides = array<i32>} : memref<128x128xf32, #tpu.memory_space<vmem>>, vector<1x16xf32>,
      %swap3A_156 = vector.shape_cast %swap3A_155 : vector<1x16xf32> to vector<16xf32>
      %swap3A_157 = vector.shape_cast %broadcast_in_dim3A_1 : vector<16xf32> to vector<1x16xf32>
      tpu.vector_store %arg9[%swap3A_153, %swap3A_154], %swap3A_157 {strides = array<i32>} : memref<128x128xf32, #tpu.memory_space<vmem>>, vector<1x16xf32>,
      %swap3A_158 = arith.index_cast %scan3A_138 : i32 to index
      %swap3A_159 = arith.constant 64 : index
      %swap3A_160 = tpu.vector_load %arg9[%swap3A_158, %swap3A_159] {strides = array<i32>} : memref<128x128xf32, #tpu.memory_space<vmem>>, vector<1x16xf32>,
      %swap3A_161 = vector.shape_cast %swap3A_160 : vector<1x16xf32> to vector<16xf32>
      %swap3A_162 = vector.shape_cast %broadcast_in_dim3A_1 : vector<16xf32> to vector<1x16xf32>
      tpu.vector_store %arg9[%swap3A_158, %swap3A_159], %swap3A_162 {strides = array<i32>} : memref<128x128xf32, #tpu.memory_space<vmem>>, vector<1x16xf32>,
      %swap3A_163 = arith.index_cast %scan3A_138 : i32 to index
      %swap3A_164 = arith.constant 80 : index
      %swap3A_165 = tpu.vector_load %arg9[%swap3A_163, %swap3A_164] {strides = array<i32>} : memref<128x128xf32, #tpu.memory_space<vmem>>, vector<1x16xf32>,
      %swap3A_166 = vector.shape_cast %swap3A_165 : vector<1x16xf32> to vector<16xf32>
      %swap3A_167 = vector.shape_cast %broadcast_in_dim3A_1 : vector<16xf32> to vector<1x16xf32>
      tpu.vector_store %arg9[%swap3A_163, %swap3A_164], %swap3A_167 {strides = array<i32>} : memref<128x128xf32, #tpu.memory_space<vmem>>, vector<1x16xf32>,
      %swap3A_168 = arith.index_cast %scan3A_138 : i32 to index
      %swap3A_169 = arith.constant 96 : index
      %swap3A_170 = tpu.vector_load %arg9[%swap3A_168, %swap3A_169] {strides = array<i32>} : memref<128x128xf32, #tpu.memory_space<vmem>>, vector<1x16xf32>,
      %swap3A_171 = vector.shape_cast %swap3A_170 : vector<1x16xf32> to vector<16xf32>
      %swap3A_172 = vector.shape_cast %broadcast_in_dim3A_1 : vector<16xf32> to vector<1x16xf32>
      tpu.vector_store %arg9[%swap3A_168, %swap3A_169], %swap3A_172 {strides = array<i32>} : memref<128x128xf32, #tpu.memory_space<vmem>>, vector<1x16xf32>,
      %swap3A_173 = arith.index_cast %scan3A_138 : i32 to index
      %swap3A_174 = arith.constant 112 : index
      %swap3A_175 = tpu.vector_load %arg9[%swap3A_173, %swap3A_174] {strides = array<i32>} : memref<128x128xf32, #tpu.memory_space<vmem>>, vector<1x16xf32>,
      %swap3A_176 = vector.shape_cast %swap3A_175 : vector<1x16xf32> to vector<16xf32>
      %swap3A_177 = vector.shape_cast %broadcast_in_dim3A_1 : vector<16xf32> to vector<1x16xf32>
      tpu.vector_store %arg9[%swap3A_173, %swap3A_174], %swap3A_177 {strides = array<i32>} : memref<128x128xf32, #tpu.memory_space<vmem>>, vector<1x16xf32>,
    }
    %scan3A_5 = arith.constant 128 : i32
    %mul3A_6 = arith.constant 640 : i32
    %mul3A_7 = arith.muli %arg1, %mul3A_6 : i32
    %add3A_8 = arith.constant 0 : i32
    %add3A_9 = arith.addi %mul3A_7, %add3A_8 : i32
    %dma_start3A = arith.constant 0 : i32
    %dma_start3A_10 = tpu.memref_slice %arg11[%add3A_9, %dma_start3A] : memref<10240x128xf32, #tpu.memory_space<vmem_shared>> -> memref<128x128xf32, #tpu.memory_space<vmem_shared>>
    %dma_start3A_11 = arith.constant 0 : i32
    %dma_start3A_12 = tpu.memref_slice %arg11[%add3A_9, %dma_start3A_11] : memref<10240x128xf32, #tpu.memory_space<vmem_shared>> -> memref<128x128xf32, #tpu.memory_space<vmem_shared>>
    tpu.enqueue_dma source(%arg9 : memref<128x128xf32, #tpu.memory_space<vmem>>) target(%dma_start3A_12 : memref<128x128xf32, #tpu.memory_space<vmem_shared>>) target_semaphore(%arg14 : memref<!tpu.dma_semaphore, #tpu.memory_space<semaphore_mem>>)
    %mul3A_13 = arith.constant 640 : i32
    %mul3A_14 = arith.muli %arg1, %mul3A_13 : i32
    %add3A_15 = arith.constant 128 : i32
    %add3A_16 = arith.addi %mul3A_14, %add3A_15 : i32
    %dma_start3A_17 = arith.constant 0 : i32
    %dma_start3A_18 = tpu.memref_slice %arg11[%add3A_16, %dma_start3A_17] : memref<10240x128xf32, #tpu.memory_space<vmem_shared>> -> memref<128x128xf32, #tpu.memory_space<vmem_shared>>
    %dma_start3A_19 = arith.constant 0 : i32
    %dma_start3A_20 = tpu.memref_slice %arg11[%add3A_16, %dma_start3A_19] : memref<10240x128xf32, #tpu.memory_space<vmem_shared>> -> memref<128x128xf32, #tpu.memory_space<vmem_shared>>
    tpu.enqueue_dma source(%arg9 : memref<128x128xf32, #tpu.memory_space<vmem>>) target(%dma_start3A_20 : memref<128x128xf32, #tpu.memory_space<vmem_shared>>) target_semaphore(%arg14 : memref<!tpu.dma_semaphore, #tpu.memory_space<semaphore_mem>>)
    %mul3A_21 = arith.constant 640 : i32
    %mul3A_22 = arith.muli %arg1, %mul3A_21 : i32
    %add3A_23 = arith.constant 256 : i32
    %add3A_24 = arith.addi %mul3A_22, %add3A_23 : i32
    %dma_start3A_25 = arith.constant 0 : i32
    %dma_start3A_26 = tpu.memref_slice %arg11[%add3A_24, %dma_start3A_25] : memref<10240x128xf32, #tpu.memory_space<vmem_shared>> -> memref<128x128xf32, #tpu.memory_space<vmem_shared>>
    %dma_start3A_27 = arith.constant 0 : i32
    %dma_start3A_28 = tpu.memref_slice %arg11[%add3A_24, %dma_start3A_27] : memref<10240x128xf32, #tpu.memory_space<vmem_shared>> -> memref<128x128xf32, #tpu.memory_space<vmem_shared>>
    tpu.enqueue_dma source(%arg9 : memref<128x128xf32, #tpu.memory_space<vmem>>) target(%dma_start3A_28 : memref<128x128xf32, #tpu.memory_space<vmem_shared>>) target_semaphore(%arg14 : memref<!tpu.dma_semaphore, #tpu.memory_space<semaphore_mem>>)
    %mul3A_29 = arith.constant 640 : i32
    %mul3A_30 = arith.muli %arg1, %mul3A_29 : i32
    %add3A_31 = arith.constant 384 : i32
    %add3A_32 = arith.addi %mul3A_30, %add3A_31 : i32
    %dma_start3A_33 = arith.constant 0 : i32
    %dma_start3A_34 = tpu.memref_slice %arg11[%add3A_32, %dma_start3A_33] : memref<10240x128xf32, #tpu.memory_space<vmem_shared>> -> memref<128x128xf32, #tpu.memory_space<vmem_shared>>
    %dma_start3A_35 = arith.constant 0 : i32
    %dma_start3A_36 = tpu.memref_slice %arg11[%add3A_32, %dma_start3A_35] : memref<10240x128xf32, #tpu.memory_space<vmem_shared>> -> memref<128x128xf32, #tpu.memory_space<vmem_shared>>
    tpu.enqueue_dma source(%arg9 : memref<128x128xf32, #tpu.memory_space<vmem>>) target(%dma_start3A_36 : memref<128x128xf32, #tpu.memory_space<vmem_shared>>) target_semaphore(%arg14 : memref<!tpu.dma_semaphore, #tpu.memory_space<semaphore_mem>>)
    %mul3A_37 = arith.constant 640 : i32
    %mul3A_38 = arith.muli %arg1, %mul3A_37 : i32
    %add3A_39 = arith.constant 512 : i32
    %add3A_40 = arith.addi %mul3A_38, %add3A_39 : i32
    %dma_start3A_41 = arith.constant 0 : i32
    %dma_start3A_42 = tpu.memref_slice %arg11[%add3A_40, %dma_start3A_41] : memref<10240x128xf32, #tpu.memory_space<vmem_shared>> -> memref<128x128xf32, #tpu.memory_space<vmem_shared>>
    %dma_start3A_43 = arith.constant 0 : i32
    %dma_start3A_44 = tpu.memref_slice %arg11[%add3A_40, %dma_start3A_43] : memref<10240x128xf32, #tpu.memory_space<vmem_shared>> -> memref<128x128xf32, #tpu.memory_space<vmem_shared>>
    tpu.enqueue_dma source(%arg9 : memref<128x128xf32, #tpu.memory_space<vmem>>) target(%dma_start3A_44 : memref<128x128xf32, #tpu.memory_space<vmem_shared>>) target_semaphore(%arg14 : memref<!tpu.dma_semaphore, #tpu.memory_space<semaphore_mem>>)
    %mul3A_45 = arith.constant 640 : i32
    %mul3A_46 = arith.muli %arg1, %mul3A_45 : i32
    %add3A_47 = arith.constant 0 : i32
    %add3A_48 = arith.addi %mul3A_46, %add3A_47 : i32
    %dma_wait3A = arith.constant 0 : i32
    %dma_wait3A_49 = tpu.memref_slice %arg11[%add3A_48, %dma_wait3A] : memref<10240x128xf32, #tpu.memory_space<vmem_shared>> -> memref<128x128xf32, #tpu.memory_space<vmem_shared>>
    %dma_wait3A_50 = arith.constant 0 : i32
    %dma_wait3A_51 = tpu.memref_slice %arg11[%add3A_48, %dma_wait3A_50] : memref<10240x128xf32, #tpu.memory_space<vmem_shared>> -> memref<128x128xf32, #tpu.memory_space<vmem_shared>>
    tpu.wait_dma2 semaphore(%arg14 : memref<!tpu.dma_semaphore, #tpu.memory_space<semaphore_mem>>) src(%arg9 : memref<128x128xf32, #tpu.memory_space<vmem>>) dst(%dma_wait3A_51 : memref<128x128xf32, #tpu.memory_space<vmem_shared>>)
    %mul3A_52 = arith.constant 640 : i32
    %mul3A_53 = arith.muli %arg1, %mul3A_52 : i32
    %add3A_54 = arith.constant 128 : i32
    %add3A_55 = arith.addi %mul3A_53, %add3A_54 : i32
    %dma_wait3A_56 = arith.constant 0 : i32
    %dma_wait3A_57 = tpu.memref_slice %arg11[%add3A_55, %dma_wait3A_56] : memref<10240x128xf32, #tpu.memory_space<vmem_shared>> -> memref<128x128xf32, #tpu.memory_space<vmem_shared>>
    %dma_wait3A_58 = arith.constant 0 : i32
    %dma_wait3A_59 = tpu.memref_slice %arg11[%add3A_55, %dma_wait3A_58] : memref<10240x128xf32, #tpu.memory_space<vmem_shared>> -> memref<128x128xf32, #tpu.memory_space<vmem_shared>>
    tpu.wait_dma2 semaphore(%arg14 : memref<!tpu.dma_semaphore, #tpu.memory_space<semaphore_mem>>) src(%arg9 : memref<128x128xf32, #tpu.memory_space<vmem>>) dst(%dma_wait3A_59 : memref<128x128xf32, #tpu.memory_space<vmem_shared>>)
    %mul3A_60 = arith.constant 640 : i32
    %mul3A_61 = arith.muli %arg1, %mul3A_60 : i32
    %add3A_62 = arith.constant 256 : i32
    %add3A_63 = arith.addi %mul3A_61, %add3A_62 : i32
    %dma_wait3A_64 = arith.constant 0 : i32
    %dma_wait3A_65 = tpu.memref_slice %arg11[%add3A_63, %dma_wait3A_64] : memref<10240x128xf32, #tpu.memory_space<vmem_shared>> -> memref<128x128xf32, #tpu.memory_space<vmem_shared>>
    %dma_wait3A_66 = arith.constant 0 : i32
    %dma_wait3A_67 = tpu.memref_slice %arg11[%add3A_63, %dma_wait3A_66] : memref<10240x128xf32, #tpu.memory_space<vmem_shared>> -> memref<128x128xf32, #tpu.memory_space<vmem_shared>>
    tpu.wait_dma2 semaphore(%arg14 : memref<!tpu.dma_semaphore, #tpu.memory_space<semaphore_mem>>) src(%arg9 : memref<128x128xf32, #tpu.memory_space<vmem>>) dst(%dma_wait3A_67 : memref<128x128xf32, #tpu.memory_space<vmem_shared>>)
    %mul3A_68 = arith.constant 640 : i32
    %mul3A_69 = arith.muli %arg1, %mul3A_68 : i32
    %add3A_70 = arith.constant 384 : i32
    %add3A_71 = arith.addi %mul3A_69, %add3A_70 : i32
    %dma_wait3A_72 = arith.constant 0 : i32
    %dma_wait3A_73 = tpu.memref_slice %arg11[%add3A_71, %dma_wait3A_72] : memref<10240x128xf32, #tpu.memory_space<vmem_shared>> -> memref<128x128xf32, #tpu.memory_space<vmem_shared>>
    %dma_wait3A_74 = arith.constant 0 : i32
    %dma_wait3A_75 = tpu.memref_slice %arg11[%add3A_71, %dma_wait3A_74] : memref<10240x128xf32, #tpu.memory_space<vmem_shared>> -> memref<128x128xf32, #tpu.memory_space<vmem_shared>>
    tpu.wait_dma2 semaphore(%arg14 : memref<!tpu.dma_semaphore, #tpu.memory_space<semaphore_mem>>) src(%arg9 : memref<128x128xf32, #tpu.memory_space<vmem>>) dst(%dma_wait3A_75 : memref<128x128xf32, #tpu.memory_space<vmem_shared>>)
    %mul3A_76 = arith.constant 640 : i32
    %mul3A_77 = arith.muli %arg1, %mul3A_76 : i32
    %add3A_78 = arith.constant 512 : i32
    %add3A_79 = arith.addi %mul3A_77, %add3A_78 : i32
    %dma_wait3A_80 = arith.constant 0 : i32
    %dma_wait3A_81 = tpu.memref_slice %arg11[%add3A_79, %dma_wait3A_80] : memref<10240x128xf32, #tpu.memory_space<vmem_shared>> -> memref<128x128xf32, #tpu.memory_space<vmem_shared>>
    %dma_wait3A_82 = arith.constant 0 : i32
    %dma_wait3A_83 = tpu.memref_slice %arg11[%add3A_79, %dma_wait3A_82] : memref<10240x128xf32, #tpu.memory_space<vmem_shared>> -> memref<128x128xf32, #tpu.memory_space<vmem_shared>>
    tpu.wait_dma2 semaphore(%arg14 : memref<!tpu.dma_semaphore, #tpu.memory_space<semaphore_mem>>) src(%arg9 : memref<128x128xf32, #tpu.memory_space<vmem>>) dst(%dma_wait3A_83 : memref<128x128xf32, #tpu.memory_space<vmem_shared>>)
    %barrier3A = arith.constant 0 : index
    tpu.barrier barrier_id(%barrier3A)
    %mul3A_84 = arith.constant 80 : i32
    %mul3A_85 = arith.muli %add3A, %mul3A_84 : i32
    %add3A_86 = arith.constant 0 : i32
    %add3A_87 = arith.addi %mul3A_85, %add3A_86 : i32
    "tpu.region"() ({
      %run_scoped3A = tpu.sem_alloc : memref<!tpu.dma_semaphore, #tpu.memory_space<semaphore_mem>>
      %dma_start3A_138 = arith.constant 0 : i32
      %dma_start3A_139 = tpu.memref_slice %arg3[%add3A_87, %dma_start3A_138] : memref<2560x128xi32, #tpu.memory_space<hbm>> -> memref<40x128xi32, #tpu.memory_space<hbm>>
      %dma_start3A_140 = arith.constant 0 : i32
      %dma_start3A_141 = tpu.memref_slice %arg3[%add3A_87, %dma_start3A_140] : memref<2560x128xi32, #tpu.memory_space<hbm>> -> memref<40x128xi32, #tpu.memory_space<hbm>>
      tpu.enqueue_dma source(%dma_start3A_141 : memref<40x128xi32, #tpu.memory_space<hbm>>) target(%arg7 : memref<40x128xi32, #tpu.memory_space<vmem>>) target_semaphore(%run_scoped3A : memref<!tpu.dma_semaphore, #tpu.memory_space<semaphore_mem>>)
      %dma_wait3A_142 = arith.constant 0 : i32
      %dma_wait3A_143 = tpu.memref_slice %arg3[%add3A_87, %dma_wait3A_142] : memref<2560x128xi32, #tpu.memory_space<hbm>> -> memref<40x128xi32, #tpu.memory_space<hbm>>
      %dma_wait3A_144 = arith.constant 0 : i32
      %dma_wait3A_145 = tpu.memref_slice %arg3[%add3A_87, %dma_wait3A_144] : memref<2560x128xi32, #tpu.memory_space<hbm>> -> memref<40x128xi32, #tpu.memory_space<hbm>>
      tpu.wait_dma2 semaphore(%run_scoped3A : memref<!tpu.dma_semaphore, #tpu.memory_space<semaphore_mem>>) src(%dma_wait3A_145 : memref<40x128xi32, #tpu.memory_space<hbm>>) dst(%arg7 : memref<40x128xi32, #tpu.memory_space<vmem>>)
      tpu.yield
    }) : () -> ()
    "tpu.region"() ({
      %run_scoped3A = tpu.sem_alloc : memref<!tpu.dma_semaphore, #tpu.memory_space<semaphore_mem>>
      %dma_start3A_138 = arith.constant 0 : i32
      %dma_start3A_139 = tpu.memref_slice %arg4[%add3A_87, %dma_start3A_138] : memref<2560x128xi32, #tpu.memory_space<hbm>> -> memref<40x128xi32, #tpu.memory_space<hbm>>
      %dma_start3A_140 = arith.constant 0 : i32
      %dma_start3A_141 = tpu.memref_slice %arg4[%add3A_87, %dma_start3A_140] : memref<2560x128xi32, #tpu.memory_space<hbm>> -> memref<40x128xi32, #tpu.memory_space<hbm>>
      tpu.enqueue_dma source(%dma_start3A_141 : memref<40x128xi32, #tpu.memory_space<hbm>>) target(%arg8 : memref<40x128xi32, #tpu.memory_space<vmem>>) target_semaphore(%run_scoped3A : memref<!tpu.dma_semaphore, #tpu.memory_space<semaphore_mem>>)
      %dma_wait3A_142 = arith.constant 0 : i32
      %dma_wait3A_143 = tpu.memref_slice %arg4[%add3A_87, %dma_wait3A_142] : memref<2560x128xi32, #tpu.memory_space<hbm>> -> memref<40x128xi32, #tpu.memory_space<hbm>>
      %dma_wait3A_144 = arith.constant 0 : i32
      %dma_wait3A_145 = tpu.memref_slice %arg4[%add3A_87, %dma_wait3A_144] : memref<2560x128xi32, #tpu.memory_space<hbm>> -> memref<40x128xi32, #tpu.memory_space<hbm>>
      tpu.wait_dma2 semaphore(%run_scoped3A : memref<!tpu.dma_semaphore, #tpu.memory_space<semaphore_mem>>) src(%dma_wait3A_145 : memref<40x128xi32, #tpu.memory_space<hbm>>) dst(%arg8 : memref<40x128xi32, #tpu.memory_space<vmem>>)
      tpu.yield
    }) : () -> ()
    %dma_start3A_88 = arith.constant 0 : i32
    %dma_start3A_89 = arith.constant 0 : i32
    %dma_start3A_90 = tpu.memref_slice %arg7[%dma_start3A_88, %dma_start3A_89] : memref<40x128xi32, #tpu.memory_space<vmem>> -> memref<1x128xi32, #tpu.memory_space<vmem>>
    %dma_start3A_91 = tpu.memref_squeeze %dma_start3A_90 : memref<1x128xi32, #tpu.memory_space<vmem>> -> memref<128xi32, #tpu.memory_space<vmem>>
    %dma_start3A_92 = arith.constant 0 : i32
    %dma_start3A_93 = arith.constant 0 : i32
    %dma_start3A_94 = tpu.memref_slice %arg2[%dma_start3A_92, %dma_start3A_93] : memref<10000x128xf32, #tpu.memory_space<hbm>> -> memref<10000x128xf32, #tpu.memory_space<hbm>>
    tpu.enqueue_indirect_dma source(%dma_start3A_94 : memref<10000x128xf32, #tpu.memory_space<hbm>>) target(%arg9 : memref<128x128xf32, #tpu.memory_space<vmem>>) offsets(%dma_start3A_91 : memref<128xi32, #tpu.memory_space<vmem>>) semaphore(%arg12 : memref<!tpu.dma_semaphore, #tpu.memory_space<semaphore_mem>>)
    %scan3A_95 = arith.constant 0 : i32
    %scan3A_96 = arith.constant 20 : i32
    %scan3A_97 = arith.addi %scan3A_95, %scan3A_96 : i32
    %scan3A_98 = arith.constant 1 : i32
    scf.for %scan3A_138 = %scan3A_95 to %scan3A_97 step %scan3A_98  : i32 {
      %mul3A_139 = arith.constant 2 : i32
      %mul3A_140 = arith.muli %mul3A_139, %scan3A_138 : i32
      %add3A_141 = arith.constant 0 : i32
      %add3A_142 = arith.addi %mul3A_140, %add3A_141 : i32
      %ge3A = arith.constant 1 : i32
      %ge3A_143 = arith.cmpi sge, %add3A_142, %ge3A : i32
      %convert_element_type3A_144 = arith.extui %ge3A_143 : i1 to i32
      %cond3A_145 = arith.constant 0 : i32
      %cond3A_146 = arith.cmpi ne, %convert_element_type3A_144, %cond3A_145 : i32
      scf.if %cond3A_146 {
        %sub3A = arith.constant 1 : i32
        %sub3A_193 = arith.subi %add3A_142, %sub3A : i32
        %dma_wait3A_194 = arith.constant 0 : i32
        %dma_wait3A_195 = tpu.memref_slice %arg8[%sub3A_193, %dma_wait3A_194] : memref<40x128xi32, #tpu.memory_space<vmem>> -> memref<1x128xi32, #tpu.memory_space<vmem>>
        %dma_wait3A_196 = tpu.memref_squeeze %dma_wait3A_195 : memref<1x128xi32, #tpu.memory_space<vmem>> -> memref<128xi32, #tpu.memory_space<vmem>>
        %dma_wait3A_197 = arith.constant 0 : i32
        %dma_wait3A_198 = arith.constant 0 : i32
        %dma_wait3A_199 = tpu.memref_slice %arg11[%dma_wait3A_197, %dma_wait3A_198] : memref<10240x128xf32, #tpu.memory_space<vmem_shared>> -> memref<10240x128xf32, #tpu.memory_space<vmem_shared>>
        tpu.wait_indirect_dma semaphore(%arg15 : memref<!tpu.dma_semaphore, #tpu.memory_space<semaphore_mem>>) src(%arg10 : memref<128x128xf32, #tpu.memory_space<vmem>>) dst(%dma_wait3A_199 : memref<10240x128xf32, #tpu.memory_space<vmem_shared>>)
      } else {
      }
      %add3A_147 = arith.constant 1 : i32
      %add3A_148 = arith.addi %add3A_142, %add3A_147 : i32
      %lt3A = arith.constant 40 : i32
      %lt3A_149 = arith.cmpi slt, %add3A_148, %lt3A : i32
      %convert_element_type3A_150 = arith.extui %lt3A_149 : i1 to i32
      %cond3A_151 = arith.constant 0 : i32
      %cond3A_152 = arith.cmpi ne, %convert_element_type3A_150, %cond3A_151 : i32
      scf.if %cond3A_152 {
        %add3A_193 = arith.constant 1 : i32
        %add3A_194 = arith.addi %add3A_142, %add3A_193 : i32
        %dma_start3A_195 = arith.constant 0 : i32
        %dma_start3A_196 = tpu.memref_slice %arg7[%add3A_194, %dma_start3A_195] : memref<40x128xi32, #tpu.memory_space<vmem>> -> memref<1x128xi32, #tpu.memory_space<vmem>>
        %dma_start3A_197 = tpu.memref_squeeze %dma_start3A_196 : memref<1x128xi32, #tpu.memory_space<vmem>> -> memref<128xi32, #tpu.memory_space<vmem>>
        %dma_start3A_198 = arith.constant 0 : i32
        %dma_start3A_199 = arith.constant 0 : i32
        %dma_start3A_200 = tpu.memref_slice %arg2[%dma_start3A_198, %dma_start3A_199] : memref<10000x128xf32, #tpu.memory_space<hbm>> -> memref<10000x128xf32, #tpu.memory_space<hbm>>
        tpu.enqueue_indirect_dma source(%dma_start3A_200 : memref<10000x128xf32, #tpu.memory_space<hbm>>) target(%arg10 : memref<128x128xf32, #tpu.memory_space<vmem>>) offsets(%dma_start3A_197 : memref<128xi32, #tpu.memory_space<vmem>>) semaphore(%arg13 : memref<!tpu.dma_semaphore, #tpu.memory_space<semaphore_mem>>)
      } else {
      }
      %dma_wait3A_153 = arith.constant 0 : i32
      %dma_wait3A_154 = tpu.memref_slice %arg7[%add3A_142, %dma_wait3A_153] : memref<40x128xi32, #tpu.memory_space<vmem>> -> memref<1x128xi32, #tpu.memory_space<vmem>>
      %dma_wait3A_155 = tpu.memref_squeeze %dma_wait3A_154 : memref<1x128xi32, #tpu.memory_space<vmem>> -> memref<128xi32, #tpu.memory_space<vmem>>
      %dma_wait3A_156 = arith.constant 0 : i32
      %dma_wait3A_157 = arith.constant 0 : i32
      %dma_wait3A_158 = tpu.memref_slice %arg2[%dma_wait3A_156, %dma_wait3A_157] : memref<10000x128xf32, #tpu.memory_space<hbm>> -> memref<10000x128xf32, #tpu.memory_space<hbm>>
      tpu.wait_indirect_dma semaphore(%arg12 : memref<!tpu.dma_semaphore, #tpu.memory_space<semaphore_mem>>) src(%dma_wait3A_158 : memref<10000x128xf32, #tpu.memory_space<hbm>>) dst(%arg9 : memref<128x128xf32, #tpu.memory_space<vmem>>)
      %dma_start3A_159 = arith.constant 0 : i32
      %dma_start3A_160 = tpu.memref_slice %arg8[%add3A_142, %dma_start3A_159] : memref<40x128xi32, #tpu.memory_space<vmem>> -> memref<1x128xi32, #tpu.memory_space<vmem>>
      %dma_start3A_161 = tpu.memref_squeeze %dma_start3A_160 : memref<1x128xi32, #tpu.memory_space<vmem>> -> memref<128xi32, #tpu.memory_space<vmem>>
      %dma_start3A_162 = arith.constant 0 : i32
      %dma_start3A_163 = arith.constant 0 : i32
      %dma_start3A_164 = tpu.memref_slice %arg11[%dma_start3A_162, %dma_start3A_163] : memref<10240x128xf32, #tpu.memory_space<vmem_shared>> -> memref<10240x128xf32, #tpu.memory_space<vmem_shared>>
      tpu.enqueue_indirect_dma source(%arg9 : memref<128x128xf32, #tpu.memory_space<vmem>>) target(%dma_start3A_164 : memref<10240x128xf32, #tpu.memory_space<vmem_shared>>) offsets(%dma_start3A_161 : memref<128xi32, #tpu.memory_space<vmem>>) semaphore(%arg14 : memref<!tpu.dma_semaphore, #tpu.memory_space<semaphore_mem>>) {add = true}
      %mul3A_165 = arith.constant 2 : i32
      %mul3A_166 = arith.muli %mul3A_165, %scan3A_138 : i32
      %add3A_167 = arith.constant 1 : i32
      %add3A_168 = arith.addi %mul3A_166, %add3A_167 : i32
      %ge3A_169 = arith.constant 1 : i32
      %ge3A_170 = arith.cmpi sge, %add3A_168, %ge3A_169 : i32
      %convert_element_type3A_171 = arith.extui %ge3A_170 : i1 to i32
      %cond3A_172 = arith.constant 0 : i32
      %cond3A_173 = arith.cmpi ne, %convert_element_type3A_171, %cond3A_172 : i32
      scf.if %cond3A_173 {
        %sub3A = arith.constant 1 : i32
        %sub3A_193 = arith.subi %add3A_168, %sub3A : i32
        %dma_wait3A_194 = arith.constant 0 : i32
        %dma_wait3A_195 = tpu.memref_slice %arg8[%sub3A_193, %dma_wait3A_194] : memref<40x128xi32, #tpu.memory_space<vmem>> -> memref<1x128xi32, #tpu.memory_space<vmem>>
        %dma_wait3A_196 = tpu.memref_squeeze %dma_wait3A_195 : memref<1x128xi32, #tpu.memory_space<vmem>> -> memref<128xi32, #tpu.memory_space<vmem>>
        %dma_wait3A_197 = arith.constant 0 : i32
        %dma_wait3A_198 = arith.constant 0 : i32
        %dma_wait3A_199 = tpu.memref_slice %arg11[%dma_wait3A_197, %dma_wait3A_198] : memref<10240x128xf32, #tpu.memory_space<vmem_shared>> -> memref<10240x128xf32, #tpu.memory_space<vmem_shared>>
        tpu.wait_indirect_dma semaphore(%arg14 : memref<!tpu.dma_semaphore, #tpu.memory_space<semaphore_mem>>) src(%arg9 : memref<128x128xf32, #tpu.memory_space<vmem>>) dst(%dma_wait3A_199 : memref<10240x128xf32, #tpu.memory_space<vmem_shared>>)
      } else {
      }
      %add3A_174 = arith.constant 1 : i32
      %add3A_175 = arith.addi %add3A_168, %add3A_174 : i32
      %lt3A_176 = arith.constant 40 : i32
      %lt3A_177 = arith.cmpi slt, %add3A_175, %lt3A_176 : i32
      %convert_element_type3A_178 = arith.extui %lt3A_177 : i1 to i32
      %cond3A_179 = arith.constant 0 : i32
      %cond3A_180 = arith.cmpi ne, %convert_element_type3A_178, %cond3A_179 : i32
      scf.if %cond3A_180 {
        %add3A_193 = arith.constant 1 : i32
        %add3A_194 = arith.addi %add3A_168, %add3A_193 : i32
        %dma_start3A_195 = arith.constant 0 : i32
        %dma_start3A_196 = tpu.memref_slice %arg7[%add3A_194, %dma_start3A_195] : memref<40x128xi32, #tpu.memory_space<vmem>> -> memref<1x128xi32, #tpu.memory_space<vmem>>
        %dma_start3A_197 = tpu.memref_squeeze %dma_start3A_196 : memref<1x128xi32, #tpu.memory_space<vmem>> -> memref<128xi32, #tpu.memory_space<vmem>>
        %dma_start3A_198 = arith.constant 0 : i32
        %dma_start3A_199 = arith.constant 0 : i32
        %dma_start3A_200 = tpu.memref_slice %arg2[%dma_start3A_198, %dma_start3A_199] : memref<10000x128xf32, #tpu.memory_space<hbm>> -> memref<10000x128xf32, #tpu.memory_space<hbm>>
        tpu.enqueue_indirect_dma source(%dma_start3A_200 : memref<10000x128xf32, #tpu.memory_space<hbm>>) target(%arg9 : memref<128x128xf32, #tpu.memory_space<vmem>>) offsets(%dma_start3A_197 : memref<128xi32, #tpu.memory_space<vmem>>) semaphore(%arg12 : memref<!tpu.dma_semaphore, #tpu.memory_space<semaphore_mem>>)
      } else {
      }
      %dma_wait3A_181 = arith.constant 0 : i32
      %dma_wait3A_182 = tpu.memref_slice %arg7[%add3A_168, %dma_wait3A_181] : memref<40x128xi32, #tpu.memory_space<vmem>> -> memref<1x128xi32, #tpu.memory_space<vmem>>
      %dma_wait3A_183 = tpu.memref_squeeze %dma_wait3A_182 : memref<1x128xi32, #tpu.memory_space<vmem>> -> memref<128xi32, #tpu.memory_space<vmem>>
      %dma_wait3A_184 = arith.constant 0 : i32
      %dma_wait3A_185 = arith.constant 0 : i32
      %dma_wait3A_186 = tpu.memref_slice %arg2[%dma_wait3A_184, %dma_wait3A_185] : memref<10000x128xf32, #tpu.memory_space<hbm>> -> memref<10000x128xf32, #tpu.memory_space<hbm>>
      tpu.wait_indirect_dma semaphore(%arg13 : memref<!tpu.dma_semaphore, #tpu.memory_space<semaphore_mem>>) src(%dma_wait3A_186 : memref<10000x128xf32, #tpu.memory_space<hbm>>) dst(%arg10 : memref<128x128xf32, #tpu.memory_space<vmem>>)
      %dma_start3A_187 = arith.constant 0 : i32
      %dma_start3A_188 = tpu.memref_slice %arg8[%add3A_168, %dma_start3A_187] : memref<40x128xi32, #tpu.memory_space<vmem>> -> memref<1x128xi32, #tpu.memory_space<vmem>>
      %dma_start3A_189 = tpu.memref_squeeze %dma_start3A_188 : memref<1x128xi32, #tpu.memory_space<vmem>> -> memref<128xi32, #tpu.memory_space<vmem>>
      %dma_start3A_190 = arith.constant 0 : i32
      %dma_start3A_191 = arith.constant 0 : i32
      %dma_start3A_192 = tpu.memref_slice %arg11[%dma_start3A_190, %dma_start3A_191] : memref<10240x128xf32, #tpu.memory_space<vmem_shared>> -> memref<10240x128xf32, #tpu.memory_space<vmem_shared>>
      tpu.enqueue_indirect_dma source(%arg10 : memref<128x128xf32, #tpu.memory_space<vmem>>) target(%dma_start3A_192 : memref<10240x128xf32, #tpu.memory_space<vmem_shared>>) offsets(%dma_start3A_189 : memref<128xi32, #tpu.memory_space<vmem>>) semaphore(%arg15 : memref<!tpu.dma_semaphore, #tpu.memory_space<semaphore_mem>>) {add = true}
    }
    %scan3A_99 = arith.constant 20 : i32
    %dma_wait3A_100 = arith.constant 39 : i32
    %dma_wait3A_101 = arith.constant 0 : i32
    %dma_wait3A_102 = tpu.memref_slice %arg8[%dma_wait3A_100, %dma_wait3A_101] : memref<40x128xi32, #tpu.memory_space<vmem>> -> memref<1x128xi32, #tpu.memory_space<vmem>>
    %dma_wait3A_103 = tpu.memref_squeeze %dma_wait3A_102 : memref<1x128xi32, #tpu.memory_space<vmem>> -> memref<128xi32, #tpu.memory_space<vmem>>
    %dma_wait3A_104 = arith.constant 0 : i32
    %dma_wait3A_105 = arith.constant 0 : i32
    %dma_wait3A_106 = tpu.memref_slice %arg11[%dma_wait3A_104, %dma_wait3A_105] : memref<10240x128xf32, #tpu.memory_space<vmem_shared>> -> memref<10240x128xf32, #tpu.memory_space<vmem_shared>>
    tpu.wait_indirect_dma semaphore(%arg15 : memref<!tpu.dma_semaphore, #tpu.memory_space<semaphore_mem>>) src(%arg10 : memref<128x128xf32, #tpu.memory_space<vmem>>) dst(%dma_wait3A_106 : memref<10240x128xf32, #tpu.memory_space<vmem_shared>>)
    %mul3A_107 = arith.constant 80 : i32
    %mul3A_108 = arith.muli %add3A, %mul3A_107 : i32
    %add3A_109 = arith.constant 40 : i32
    %add3A_110 = arith.addi %mul3A_108, %add3A_109 : i32
    "tpu.region"() ({
      %run_scoped3A = tpu.sem_alloc : memref<!tpu.dma_semaphore, #tpu.memory_space<semaphore_mem>>
      %dma_start3A_138 = arith.constant 0 : i32
      %dma_start3A_139 = tpu.memref_slice %arg3[%add3A_110, %dma_start3A_138] : memref<2560x128xi32, #tpu.memory_space<hbm>> -> memref<40x128xi32, #tpu.memory_space<hbm>>
      %dma_start3A_140 = arith.constant 0 : i32
      %dma_start3A_141 = tpu.memref_slice %arg3[%add3A_110, %dma_start3A_140] : memref<2560x128xi32, #tpu.memory_space<hbm>> -> memref<40x128xi32, #tpu.memory_space<hbm>>
      tpu.enqueue_dma source(%dma_start3A_141 : memref<40x128xi32, #tpu.memory_space<hbm>>) target(%arg7 : memref<40x128xi32, #tpu.memory_space<vmem>>) target_semaphore(%run_scoped3A : memref<!tpu.dma_semaphore, #tpu.memory_space<semaphore_mem>>)
      %dma_wait3A_142 = arith.constant 0 : i32
      %dma_wait3A_143 = tpu.memref_slice %arg3[%add3A_110, %dma_wait3A_142] : memref<2560x128xi32, #tpu.memory_space<hbm>> -> memref<40x128xi32, #tpu.memory_space<hbm>>
      %dma_wait3A_144 = arith.constant 0 : i32
      %dma_wait3A_145 = tpu.memref_slice %arg3[%add3A_110, %dma_wait3A_144] : memref<2560x128xi32, #tpu.memory_space<hbm>> -> memref<40x128xi32, #tpu.memory_space<hbm>>
      tpu.wait_dma2 semaphore(%run_scoped3A : memref<!tpu.dma_semaphore, #tpu.memory_space<semaphore_mem>>) src(%dma_wait3A_145 : memref<40x128xi32, #tpu.memory_space<hbm>>) dst(%arg7 : memref<40x128xi32, #tpu.memory_space<vmem>>)
      tpu.yield
    }) : () -> ()
    "tpu.region"() ({
      %run_scoped3A = tpu.sem_alloc : memref<!tpu.dma_semaphore, #tpu.memory_space<semaphore_mem>>
      %dma_start3A_138 = arith.constant 0 : i32
      %dma_start3A_139 = tpu.memref_slice %arg4[%add3A_110, %dma_start3A_138] : memref<2560x128xi32, #tpu.memory_space<hbm>> -> memref<40x128xi32, #tpu.memory_space<hbm>>
      %dma_start3A_140 = arith.constant 0 : i32
      %dma_start3A_141 = tpu.memref_slice %arg4[%add3A_110, %dma_start3A_140] : memref<2560x128xi32, #tpu.memory_space<hbm>> -> memref<40x128xi32, #tpu.memory_space<hbm>>
      tpu.enqueue_dma source(%dma_start3A_141 : memref<40x128xi32, #tpu.memory_space<hbm>>) target(%arg8 : memref<40x128xi32, #tpu.memory_space<vmem>>) target_semaphore(%run_scoped3A : memref<!tpu.dma_semaphore, #tpu.memory_space<semaphore_mem>>)
      %dma_wait3A_142 = arith.constant 0 : i32
      %dma_wait3A_143 = tpu.memref_slice %arg4[%add3A_110, %dma_wait3A_142] : memref<2560x128xi32, #tpu.memory_space<hbm>> -> memref<40x128xi32, #tpu.memory_space<hbm>>
      %dma_wait3A_144 = arith.constant 0 : i32
      %dma_wait3A_145 = tpu.memref_slice %arg4[%add3A_110, %dma_wait3A_144] : memref<2560x128xi32, #tpu.memory_space<hbm>> -> memref<40x128xi32, #tpu.memory_space<hbm>>
      tpu.wait_dma2 semaphore(%run_scoped3A : memref<!tpu.dma_semaphore, #tpu.memory_space<semaphore_mem>>) src(%dma_wait3A_145 : memref<40x128xi32, #tpu.memory_space<hbm>>) dst(%arg8 : memref<40x128xi32, #tpu.memory_space<vmem>>)
      tpu.yield
    }) : () -> ()
    %dma_start3A_111 = arith.constant 0 : i32
    %dma_start3A_112 = arith.constant 0 : i32
    %dma_start3A_113 = tpu.memref_slice %arg7[%dma_start3A_111, %dma_start3A_112] : memref<40x128xi32, #tpu.memory_space<vmem>> -> memref<1x128xi32, #tpu.memory_space<vmem>>
    %dma_start3A_114 = tpu.memref_squeeze %dma_start3A_113 : memref<1x128xi32, #tpu.memory_space<vmem>> -> memref<128xi32, #tpu.memory_space<vmem>>
    %dma_start3A_115 = arith.constant 0 : i32
    %dma_start3A_116 = arith.constant 0 : i32
    %dma_start3A_117 = tpu.memref_slice %arg2[%dma_start3A_115, %dma_start3A_116] : memref<10000x128xf32, #tpu.memory_space<hbm>> -> memref<10000x128xf32, #tpu.memory_space<hbm>>
    tpu.enqueue_indirect_dma source(%dma_start3A_117 : memref<10000x128xf32, #tpu.memory_space<hbm>>) target(%arg9 : memref<128x128xf32, #tpu.memory_space<vmem>>) offsets(%dma_start3A_114 : memref<128xi32, #tpu.memory_space<vmem>>) semaphore(%arg12 : memref<!tpu.dma_semaphore, #tpu.memory_space<semaphore_mem>>)
    %scan3A_118 = arith.constant 0 : i32
    %scan3A_119 = arith.constant 20 : i32
    %scan3A_120 = arith.addi %scan3A_118, %scan3A_119 : i32
    %scan3A_121 = arith.constant 1 : i32
    scf.for %scan3A_138 = %scan3A_118 to %scan3A_120 step %scan3A_121  : i32 {
      %mul3A_139 = arith.constant 2 : i32
      %mul3A_140 = arith.muli %mul3A_139, %scan3A_138 : i32
      %add3A_141 = arith.constant 0 : i32
      %add3A_142 = arith.addi %mul3A_140, %add3A_141 : i32
      %ge3A = arith.constant 1 : i32
      %ge3A_143 = arith.cmpi sge, %add3A_142, %ge3A : i32
      %convert_element_type3A_144 = arith.extui %ge3A_143 : i1 to i32
      %cond3A_145 = arith.constant 0 : i32
      %cond3A_146 = arith.cmpi ne, %convert_element_type3A_144, %cond3A_145 : i32
      scf.if %cond3A_146 {
        %sub3A = arith.constant 1 : i32
        %sub3A_193 = arith.subi %add3A_142, %sub3A : i32
        %dma_wait3A_194 = arith.constant 0 : i32
        %dma_wait3A_195 = tpu.memref_slice %arg8[%sub3A_193, %dma_wait3A_194] : memref<40x128xi32, #tpu.memory_space<vmem>> -> memref<1x128xi32, #tpu.memory_space<vmem>>
        %dma_wait3A_196 = tpu.memref_squeeze %dma_wait3A_195 : memref<1x128xi32, #tpu.memory_space<vmem>> -> memref<128xi32, #tpu.memory_space<vmem>>
        %dma_wait3A_197 = arith.constant 0 : i32
        %dma_wait3A_198 = arith.constant 0 : i32
        %dma_wait3A_199 = tpu.memref_slice %arg11[%dma_wait3A_197, %dma_wait3A_198] : memref<10240x128xf32, #tpu.memory_space<vmem_shared>> -> memref<10240x128xf32, #tpu.memory_space<vmem_shared>>
        tpu.wait_indirect_dma semaphore(%arg15 : memref<!tpu.dma_semaphore, #tpu.memory_space<semaphore_mem>>) src(%arg10 : memref<128x128xf32, #tpu.memory_space<vmem>>) dst(%dma_wait3A_199 : memref<10240x128xf32, #tpu.memory_space<vmem_shared>>)
      } else {
      }
      %add3A_147 = arith.constant 1 : i32
      %add3A_148 = arith.addi %add3A_142, %add3A_147 : i32
      %lt3A = arith.constant 40 : i32
      %lt3A_149 = arith.cmpi slt, %add3A_148, %lt3A : i32
      %convert_element_type3A_150 = arith.extui %lt3A_149 : i1 to i32
      %cond3A_151 = arith.constant 0 : i32
      %cond3A_152 = arith.cmpi ne, %convert_element_type3A_150, %cond3A_151 : i32
      scf.if %cond3A_152 {
        %add3A_193 = arith.constant 1 : i32
        %add3A_194 = arith.addi %add3A_142, %add3A_193 : i32
        %dma_start3A_195 = arith.constant 0 : i32
        %dma_start3A_196 = tpu.memref_slice %arg7[%add3A_194, %dma_start3A_195] : memref<40x128xi32, #tpu.memory_space<vmem>> -> memref<1x128xi32, #tpu.memory_space<vmem>>
        %dma_start3A_197 = tpu.memref_squeeze %dma_start3A_196 : memref<1x128xi32, #tpu.memory_space<vmem>> -> memref<128xi32, #tpu.memory_space<vmem>>
        %dma_start3A_198 = arith.constant 0 : i32
        %dma_start3A_199 = arith.constant 0 : i32
        %dma_start3A_200 = tpu.memref_slice %arg2[%dma_start3A_198, %dma_start3A_199] : memref<10000x128xf32, #tpu.memory_space<hbm>> -> memref<10000x128xf32, #tpu.memory_space<hbm>>
        tpu.enqueue_indirect_dma source(%dma_start3A_200 : memref<10000x128xf32, #tpu.memory_space<hbm>>) target(%arg10 : memref<128x128xf32, #tpu.memory_space<vmem>>) offsets(%dma_start3A_197 : memref<128xi32, #tpu.memory_space<vmem>>) semaphore(%arg13 : memref<!tpu.dma_semaphore, #tpu.memory_space<semaphore_mem>>)
      } else {
      }
      %dma_wait3A_153 = arith.constant 0 : i32
      %dma_wait3A_154 = tpu.memref_slice %arg7[%add3A_142, %dma_wait3A_153] : memref<40x128xi32, #tpu.memory_space<vmem>> -> memref<1x128xi32, #tpu.memory_space<vmem>>
      %dma_wait3A_155 = tpu.memref_squeeze %dma_wait3A_154 : memref<1x128xi32, #tpu.memory_space<vmem>> -> memref<128xi32, #tpu.memory_space<vmem>>
      %dma_wait3A_156 = arith.constant 0 : i32
      %dma_wait3A_157 = arith.constant 0 : i32
      %dma_wait3A_158 = tpu.memref_slice %arg2[%dma_wait3A_156, %dma_wait3A_157] : memref<10000x128xf32, #tpu.memory_space<hbm>> -> memref<10000x128xf32, #tpu.memory_space<hbm>>
      tpu.wait_indirect_dma semaphore(%arg12 : memref<!tpu.dma_semaphore, #tpu.memory_space<semaphore_mem>>) src(%dma_wait3A_158 : memref<10000x128xf32, #tpu.memory_space<hbm>>) dst(%arg9 : memref<128x128xf32, #tpu.memory_space<vmem>>)
      %dma_start3A_159 = arith.constant 0 : i32
      %dma_start3A_160 = tpu.memref_slice %arg8[%add3A_142, %dma_start3A_159] : memref<40x128xi32, #tpu.memory_space<vmem>> -> memref<1x128xi32, #tpu.memory_space<vmem>>
      %dma_start3A_161 = tpu.memref_squeeze %dma_start3A_160 : memref<1x128xi32, #tpu.memory_space<vmem>> -> memref<128xi32, #tpu.memory_space<vmem>>
      %dma_start3A_162 = arith.constant 0 : i32
      %dma_start3A_163 = arith.constant 0 : i32
      %dma_start3A_164 = tpu.memref_slice %arg11[%dma_start3A_162, %dma_start3A_163] : memref<10240x128xf32, #tpu.memory_space<vmem_shared>> -> memref<10240x128xf32, #tpu.memory_space<vmem_shared>>
      tpu.enqueue_indirect_dma source(%arg9 : memref<128x128xf32, #tpu.memory_space<vmem>>) target(%dma_start3A_164 : memref<10240x128xf32, #tpu.memory_space<vmem_shared>>) offsets(%dma_start3A_161 : memref<128xi32, #tpu.memory_space<vmem>>) semaphore(%arg14 : memref<!tpu.dma_semaphore, #tpu.memory_space<semaphore_mem>>) {add = true}
      %mul3A_165 = arith.constant 2 : i32
      %mul3A_166 = arith.muli %mul3A_165, %scan3A_138 : i32
      %add3A_167 = arith.constant 1 : i32
      %add3A_168 = arith.addi %mul3A_166, %add3A_167 : i32
      %ge3A_169 = arith.constant 1 : i32
      %ge3A_170 = arith.cmpi sge, %add3A_168, %ge3A_169 : i32
      %convert_element_type3A_171 = arith.extui %ge3A_170 : i1 to i32
      %cond3A_172 = arith.constant 0 : i32
      %cond3A_173 = arith.cmpi ne, %convert_element_type3A_171, %cond3A_172 : i32
      scf.if %cond3A_173 {
        %sub3A = arith.constant 1 : i32
        %sub3A_193 = arith.subi %add3A_168, %sub3A : i32
        %dma_wait3A_194 = arith.constant 0 : i32
        %dma_wait3A_195 = tpu.memref_slice %arg8[%sub3A_193, %dma_wait3A_194] : memref<40x128xi32, #tpu.memory_space<vmem>> -> memref<1x128xi32, #tpu.memory_space<vmem>>
        %dma_wait3A_196 = tpu.memref_squeeze %dma_wait3A_195 : memref<1x128xi32, #tpu.memory_space<vmem>> -> memref<128xi32, #tpu.memory_space<vmem>>
        %dma_wait3A_197 = arith.constant 0 : i32
        %dma_wait3A_198 = arith.constant 0 : i32
        %dma_wait3A_199 = tpu.memref_slice %arg11[%dma_wait3A_197, %dma_wait3A_198] : memref<10240x128xf32, #tpu.memory_space<vmem_shared>> -> memref<10240x128xf32, #tpu.memory_space<vmem_shared>>
        tpu.wait_indirect_dma semaphore(%arg14 : memref<!tpu.dma_semaphore, #tpu.memory_space<semaphore_mem>>) src(%arg9 : memref<128x128xf32, #tpu.memory_space<vmem>>) dst(%dma_wait3A_199 : memref<10240x128xf32, #tpu.memory_space<vmem_shared>>)
      } else {
      }
      %add3A_174 = arith.constant 1 : i32
      %add3A_175 = arith.addi %add3A_168, %add3A_174 : i32
      %lt3A_176 = arith.constant 40 : i32
      %lt3A_177 = arith.cmpi slt, %add3A_175, %lt3A_176 : i32
      %convert_element_type3A_178 = arith.extui %lt3A_177 : i1 to i32
      %cond3A_179 = arith.constant 0 : i32
      %cond3A_180 = arith.cmpi ne, %convert_element_type3A_178, %cond3A_179 : i32
      scf.if %cond3A_180 {
        %add3A_193 = arith.constant 1 : i32
        %add3A_194 = arith.addi %add3A_168, %add3A_193 : i32
        %dma_start3A_195 = arith.constant 0 : i32
        %dma_start3A_196 = tpu.memref_slice %arg7[%add3A_194, %dma_start3A_195] : memref<40x128xi32, #tpu.memory_space<vmem>> -> memref<1x128xi32, #tpu.memory_space<vmem>>
        %dma_start3A_197 = tpu.memref_squeeze %dma_start3A_196 : memref<1x128xi32, #tpu.memory_space<vmem>> -> memref<128xi32, #tpu.memory_space<vmem>>
        %dma_start3A_198 = arith.constant 0 : i32
        %dma_start3A_199 = arith.constant 0 : i32
        %dma_start3A_200 = tpu.memref_slice %arg2[%dma_start3A_198, %dma_start3A_199] : memref<10000x128xf32, #tpu.memory_space<hbm>> -> memref<10000x128xf32, #tpu.memory_space<hbm>>
        tpu.enqueue_indirect_dma source(%dma_start3A_200 : memref<10000x128xf32, #tpu.memory_space<hbm>>) target(%arg9 : memref<128x128xf32, #tpu.memory_space<vmem>>) offsets(%dma_start3A_197 : memref<128xi32, #tpu.memory_space<vmem>>) semaphore(%arg12 : memref<!tpu.dma_semaphore, #tpu.memory_space<semaphore_mem>>)
      } else {
      }
      %dma_wait3A_181 = arith.constant 0 : i32
      %dma_wait3A_182 = tpu.memref_slice %arg7[%add3A_168, %dma_wait3A_181] : memref<40x128xi32, #tpu.memory_space<vmem>> -> memref<1x128xi32, #tpu.memory_space<vmem>>
      %dma_wait3A_183 = tpu.memref_squeeze %dma_wait3A_182 : memref<1x128xi32, #tpu.memory_space<vmem>> -> memref<128xi32, #tpu.memory_space<vmem>>
      %dma_wait3A_184 = arith.constant 0 : i32
      %dma_wait3A_185 = arith.constant 0 : i32
      %dma_wait3A_186 = tpu.memref_slice %arg2[%dma_wait3A_184, %dma_wait3A_185] : memref<10000x128xf32, #tpu.memory_space<hbm>> -> memref<10000x128xf32, #tpu.memory_space<hbm>>
      tpu.wait_indirect_dma semaphore(%arg13 : memref<!tpu.dma_semaphore, #tpu.memory_space<semaphore_mem>>) src(%dma_wait3A_186 : memref<10000x128xf32, #tpu.memory_space<hbm>>) dst(%arg10 : memref<128x128xf32, #tpu.memory_space<vmem>>)
      %dma_start3A_187 = arith.constant 0 : i32
      %dma_start3A_188 = tpu.memref_slice %arg8[%add3A_168, %dma_start3A_187] : memref<40x128xi32, #tpu.memory_space<vmem>> -> memref<1x128xi32, #tpu.memory_space<vmem>>
      %dma_start3A_189 = tpu.memref_squeeze %dma_start3A_188 : memref<1x128xi32, #tpu.memory_space<vmem>> -> memref<128xi32, #tpu.memory_space<vmem>>
      %dma_start3A_190 = arith.constant 0 : i32
      %dma_start3A_191 = arith.constant 0 : i32
      %dma_start3A_192 = tpu.memref_slice %arg11[%dma_start3A_190, %dma_start3A_191] : memref<10240x128xf32, #tpu.memory_space<vmem_shared>> -> memref<10240x128xf32, #tpu.memory_space<vmem_shared>>
      tpu.enqueue_indirect_dma source(%arg10 : memref<128x128xf32, #tpu.memory_space<vmem>>) target(%dma_start3A_192 : memref<10240x128xf32, #tpu.memory_space<vmem_shared>>) offsets(%dma_start3A_189 : memref<128xi32, #tpu.memory_space<vmem>>) semaphore(%arg15 : memref<!tpu.dma_semaphore, #tpu.memory_space<semaphore_mem>>) {add = true}
    }
    %scan3A_122 = arith.constant 20 : i32
    %dma_wait3A_123 = arith.constant 39 : i32
    %dma_wait3A_124 = arith.constant 0 : i32
    %dma_wait3A_125 = tpu.memref_slice %arg8[%dma_wait3A_123, %dma_wait3A_124] : memref<40x128xi32, #tpu.memory_space<vmem>> -> memref<1x128xi32, #tpu.memory_space<vmem>>
    %dma_wait3A_126 = tpu.memref_squeeze %dma_wait3A_125 : memref<1x128xi32, #tpu.memory_space<vmem>> -> memref<128xi32, #tpu.memory_space<vmem>>
    %dma_wait3A_127 = arith.constant 0 : i32
    %dma_wait3A_128 = arith.constant 0 : i32
    %dma_wait3A_129 = tpu.memref_slice %arg11[%dma_wait3A_127, %dma_wait3A_128] : memref<10240x128xf32, #tpu.memory_space<vmem_shared>> -> memref<10240x128xf32, #tpu.memory_space<vmem_shared>>
    tpu.wait_indirect_dma semaphore(%arg15 : memref<!tpu.dma_semaphore, #tpu.memory_space<semaphore_mem>>) src(%arg10 : memref<128x128xf32, #tpu.memory_space<vmem>>) dst(%dma_wait3A_129 : memref<10240x128xf32, #tpu.memory_space<vmem_shared>>)
    %barrier3A_130 = arith.constant 0 : index
    tpu.barrier barrier_id(%barrier3A_130)
    %eq3A = arith.constant 0 : i32
    %eq3A_131 = arith.cmpi eq, %arg0, %eq3A : i32
    %convert_element_type3A = arith.extui %eq3A_131 : i1 to i32
    %cond3A = arith.constant 0 : i32
    %cond3A_132 = arith.cmpi ne, %convert_element_type3A, %cond3A : i32
    scf.if %cond3A_132 {
      %mul3A_138 = arith.constant 640 : i32
      %mul3A_139 = arith.muli %arg1, %mul3A_138 : i32
      %add3A_140 = arith.constant 0 : i32
      %add3A_141 = arith.addi %mul3A_139, %add3A_140 : i32
      %dma_start3A_142 = arith.constant 0 : i32
      %dma_start3A_143 = tpu.memref_slice %arg5[%add3A_141, %dma_start3A_142] : memref<10240x128xf32, #tpu.memory_space<hbm>> -> memref<128x128xf32, #tpu.memory_space<hbm>>
      %dma_start3A_144 = arith.constant 0 : i32
      %dma_start3A_145 = tpu.memref_slice %arg11[%add3A_141, %dma_start3A_144] : memref<10240x128xf32, #tpu.memory_space<vmem_shared>> -> memref<128x128xf32, #tpu.memory_space<vmem_shared>>
      tpu.enqueue_dma source(%dma_start3A_145 : memref<128x128xf32, #tpu.memory_space<vmem_shared>>) target(%dma_start3A_143 : memref<128x128xf32, #tpu.memory_space<hbm>>) target_semaphore(%arg12 : memref<!tpu.dma_semaphore, #tpu.memory_space<semaphore_mem>>)
      %mul3A_146 = arith.constant 640 : i32
      %mul3A_147 = arith.muli %arg1, %mul3A_146 : i32
      %add3A_148 = arith.constant 128 : i32
      %add3A_149 = arith.addi %mul3A_147, %add3A_148 : i32
      %dma_start3A_150 = arith.constant 0 : i32
      %dma_start3A_151 = tpu.memref_slice %arg5[%add3A_149, %dma_start3A_150] : memref<10240x128xf32, #tpu.memory_space<hbm>> -> memref<128x128xf32, #tpu.memory_space<hbm>>
      %dma_start3A_152 = arith.constant 0 : i32
      %dma_start3A_153 = tpu.memref_slice %arg11[%add3A_149, %dma_start3A_152] : memref<10240x128xf32, #tpu.memory_space<vmem_shared>> -> memref<128x128xf32, #tpu.memory_space<vmem_shared>>
      tpu.enqueue_dma source(%dma_start3A_153 : memref<128x128xf32, #tpu.memory_space<vmem_shared>>) target(%dma_start3A_151 : memref<128x128xf32, #tpu.memory_space<hbm>>) target_semaphore(%arg12 : memref<!tpu.dma_semaphore, #tpu.memory_space<semaphore_mem>>)
      %mul3A_154 = arith.constant 640 : i32
      %mul3A_155 = arith.muli %arg1, %mul3A_154 : i32
      %add3A_156 = arith.constant 256 : i32
      %add3A_157 = arith.addi %mul3A_155, %add3A_156 : i32
      %dma_start3A_158 = arith.constant 0 : i32
      %dma_start3A_159 = tpu.memref_slice %arg5[%add3A_157, %dma_start3A_158] : memref<10240x128xf32, #tpu.memory_space<hbm>> -> memref<128x128xf32, #tpu.memory_space<hbm>>
      %dma_start3A_160 = arith.constant 0 : i32
      %dma_start3A_161 = tpu.memref_slice %arg11[%add3A_157, %dma_start3A_160] : memref<10240x128xf32, #tpu.memory_space<vmem_shared>> -> memref<128x128xf32, #tpu.memory_space<vmem_shared>>
      tpu.enqueue_dma source(%dma_start3A_161 : memref<128x128xf32, #tpu.memory_space<vmem_shared>>) target(%dma_start3A_159 : memref<128x128xf32, #tpu.memory_space<hbm>>) target_semaphore(%arg12 : memref<!tpu.dma_semaphore, #tpu.memory_space<semaphore_mem>>)
      %mul3A_162 = arith.constant 640 : i32
      %mul3A_163 = arith.muli %arg1, %mul3A_162 : i32
      %add3A_164 = arith.constant 384 : i32
      %add3A_165 = arith.addi %mul3A_163, %add3A_164 : i32
      %dma_start3A_166 = arith.constant 0 : i32
      %dma_start3A_167 = tpu.memref_slice %arg5[%add3A_165, %dma_start3A_166] : memref<10240x128xf32, #tpu.memory_space<hbm>> -> memref<128x128xf32, #tpu.memory_space<hbm>>
      %dma_start3A_168 = arith.constant 0 : i32
      %dma_start3A_169 = tpu.memref_slice %arg11[%add3A_165, %dma_start3A_168] : memref<10240x128xf32, #tpu.memory_space<vmem_shared>> -> memref<128x128xf32, #tpu.memory_space<vmem_shared>>
      tpu.enqueue_dma source(%dma_start3A_169 : memref<128x128xf32, #tpu.memory_space<vmem_shared>>) target(%dma_start3A_167 : memref<128x128xf32, #tpu.memory_space<hbm>>) target_semaphore(%arg12 : memref<!tpu.dma_semaphore, #tpu.memory_space<semaphore_mem>>)
      %mul3A_170 = arith.constant 640 : i32
      %mul3A_171 = arith.muli %arg1, %mul3A_170 : i32
      %add3A_172 = arith.constant 512 : i32
      %add3A_173 = arith.addi %mul3A_171, %add3A_172 : i32
      %dma_start3A_174 = arith.constant 0 : i32
      %dma_start3A_175 = tpu.memref_slice %arg5[%add3A_173, %dma_start3A_174] : memref<10240x128xf32, #tpu.memory_space<hbm>> -> memref<128x128xf32, #tpu.memory_space<hbm>>
      %dma_start3A_176 = arith.constant 0 : i32
      %dma_start3A_177 = tpu.memref_slice %arg11[%add3A_173, %dma_start3A_176] : memref<10240x128xf32, #tpu.memory_space<vmem_shared>> -> memref<128x128xf32, #tpu.memory_space<vmem_shared>>
      tpu.enqueue_dma source(%dma_start3A_177 : memref<128x128xf32, #tpu.memory_space<vmem_shared>>) target(%dma_start3A_175 : memref<128x128xf32, #tpu.memory_space<hbm>>) target_semaphore(%arg12 : memref<!tpu.dma_semaphore, #tpu.memory_space<semaphore_mem>>)
      %mul3A_178 = arith.constant 640 : i32
      %mul3A_179 = arith.muli %arg1, %mul3A_178 : i32
      %add3A_180 = arith.constant 0 : i32
      %add3A_181 = arith.addi %mul3A_179, %add3A_180 : i32
      %dma_wait3A_182 = arith.constant 0 : i32
      %dma_wait3A_183 = tpu.memref_slice %arg5[%add3A_181, %dma_wait3A_182] : memref<10240x128xf32, #tpu.memory_space<hbm>> -> memref<128x128xf32, #tpu.memory_space<hbm>>
      %dma_wait3A_184 = arith.constant 0 : i32
      %dma_wait3A_185 = tpu.memref_slice %arg11[%add3A_181, %dma_wait3A_184] : memref<10240x128xf32, #tpu.memory_space<vmem_shared>> -> memref<128x128xf32, #tpu.memory_space<vmem_shared>>
      tpu.wait_dma2 semaphore(%arg12 : memref<!tpu.dma_semaphore, #tpu.memory_space<semaphore_mem>>) src(%dma_wait3A_185 : memref<128x128xf32, #tpu.memory_space<vmem_shared>>) dst(%dma_wait3A_183 : memref<128x128xf32, #tpu.memory_space<hbm>>)
      %mul3A_186 = arith.constant 640 : i32
      %mul3A_187 = arith.muli %arg1, %mul3A_186 : i32
      %add3A_188 = arith.constant 128 : i32
      %add3A_189 = arith.addi %mul3A_187, %add3A_188 : i32
      %dma_wait3A_190 = arith.constant 0 : i32
      %dma_wait3A_191 = tpu.memref_slice %arg5[%add3A_189, %dma_wait3A_190] : memref<10240x128xf32, #tpu.memory_space<hbm>> -> memref<128x128xf32, #tpu.memory_space<hbm>>
      %dma_wait3A_192 = arith.constant 0 : i32
      %dma_wait3A_193 = tpu.memref_slice %arg11[%add3A_189, %dma_wait3A_192] : memref<10240x128xf32, #tpu.memory_space<vmem_shared>> -> memref<128x128xf32, #tpu.memory_space<vmem_shared>>
      tpu.wait_dma2 semaphore(%arg12 : memref<!tpu.dma_semaphore, #tpu.memory_space<semaphore_mem>>) src(%dma_wait3A_193 : memref<128x128xf32, #tpu.memory_space<vmem_shared>>) dst(%dma_wait3A_191 : memref<128x128xf32, #tpu.memory_space<hbm>>)
      %mul3A_194 = arith.constant 640 : i32
      %mul3A_195 = arith.muli %arg1, %mul3A_194 : i32
      %add3A_196 = arith.constant 256 : i32
      %add3A_197 = arith.addi %mul3A_195, %add3A_196 : i32
      %dma_wait3A_198 = arith.constant 0 : i32
      %dma_wait3A_199 = tpu.memref_slice %arg5[%add3A_197, %dma_wait3A_198] : memref<10240x128xf32, #tpu.memory_space<hbm>> -> memref<128x128xf32, #tpu.memory_space<hbm>>
      %dma_wait3A_200 = arith.constant 0 : i32
      %dma_wait3A_201 = tpu.memref_slice %arg11[%add3A_197, %dma_wait3A_200] : memref<10240x128xf32, #tpu.memory_space<vmem_shared>> -> memref<128x128xf32, #tpu.memory_space<vmem_shared>>
      tpu.wait_dma2 semaphore(%arg12 : memref<!tpu.dma_semaphore, #tpu.memory_space<semaphore_mem>>) src(%dma_wait3A_201 : memref<128x128xf32, #tpu.memory_space<vmem_shared>>) dst(%dma_wait3A_199 : memref<128x128xf32, #tpu.memory_space<hbm>>)
      %mul3A_202 = arith.constant 640 : i32
      %mul3A_203 = arith.muli %arg1, %mul3A_202 : i32
      %add3A_204 = arith.constant 384 : i32
      %add3A_205 = arith.addi %mul3A_203, %add3A_204 : i32
      %dma_wait3A_206 = arith.constant 0 : i32
      %dma_wait3A_207 = tpu.memref_slice %arg5[%add3A_205, %dma_wait3A_206] : memref<10240x128xf32, #tpu.memory_space<hbm>> -> memref<128x128xf32, #tpu.memory_space<hbm>>
      %dma_wait3A_208 = arith.constant 0 : i32
      %dma_wait3A_209 = tpu.memref_slice %arg11[%add3A_205, %dma_wait3A_208] : memref<10240x128xf32, #tpu.memory_space<vmem_shared>> -> memref<128x128xf32, #tpu.memory_space<vmem_shared>>
      tpu.wait_dma2 semaphore(%arg12 : memref<!tpu.dma_semaphore, #tpu.memory_space<semaphore_mem>>) src(%dma_wait3A_209 : memref<128x128xf32, #tpu.memory_space<vmem_shared>>) dst(%dma_wait3A_207 : memref<128x128xf32, #tpu.memory_space<hbm>>)
      %mul3A_210 = arith.constant 640 : i32
      %mul3A_211 = arith.muli %arg1, %mul3A_210 : i32
      %add3A_212 = arith.constant 512 : i32
      %add3A_213 = arith.addi %mul3A_211, %add3A_212 : i32
      %dma_wait3A_214 = arith.constant 0 : i32
      %dma_wait3A_215 = tpu.memref_slice %arg5[%add3A_213, %dma_wait3A_214] : memref<10240x128xf32, #tpu.memory_space<hbm>> -> memref<128x128xf32, #tpu.memory_space<hbm>>
      %dma_wait3A_216 = arith.constant 0 : i32
      %dma_wait3A_217 = tpu.memref_slice %arg11[%add3A_213, %dma_wait3A_216] : memref<10240x128xf32, #tpu.memory_space<vmem_shared>> -> memref<128x128xf32, #tpu.memory_space<vmem_shared>>
      tpu.wait_dma2 semaphore(%arg12 : memref<!tpu.dma_semaphore, #tpu.memory_space<semaphore_mem>>) src(%dma_wait3A_217 : memref<128x128xf32, #tpu.memory_space<vmem_shared>>) dst(%dma_wait3A_215 : memref<128x128xf32, #tpu.memory_space<hbm>>)
    } else {
    }
    %eq3A_133 = arith.constant 1 : i32
    %eq3A_134 = arith.cmpi eq, %arg0, %eq3A_133 : i32
    %convert_element_type3A_135 = arith.extui %eq3A_134 : i1 to i32
    %cond3A_136 = arith.constant 0 : i32
    %cond3A_137 = arith.cmpi ne, %convert_element_type3A_135, %cond3A_136 : i32
    scf.if %cond3A_137 {
      %mul3A_138 = arith.constant 640 : i32
      %mul3A_139 = arith.muli %arg1, %mul3A_138 : i32
      %add3A_140 = arith.constant 0 : i32
      %add3A_141 = arith.addi %mul3A_139, %add3A_140 : i32
      %dma_start3A_142 = arith.constant 0 : i32
      %dma_start3A_143 = tpu.memref_slice %arg6[%add3A_141, %dma_start3A_142] : memref<10240x128xf32, #tpu.memory_space<hbm>> -> memref<128x128xf32, #tpu.memory_space<hbm>>
      %dma_start3A_144 = arith.constant 0 : i32
      %dma_start3A_145 = tpu.memref_slice %arg11[%add3A_141, %dma_start3A_144] : memref<10240x128xf32, #tpu.memory_space<vmem_shared>> -> memref<128x128xf32, #tpu.memory_space<vmem_shared>>
      tpu.enqueue_dma source(%dma_start3A_145 : memref<128x128xf32, #tpu.memory_space<vmem_shared>>) target(%dma_start3A_143 : memref<128x128xf32, #tpu.memory_space<hbm>>) target_semaphore(%arg12 : memref<!tpu.dma_semaphore, #tpu.memory_space<semaphore_mem>>)
      %mul3A_146 = arith.constant 640 : i32
      %mul3A_147 = arith.muli %arg1, %mul3A_146 : i32
      %add3A_148 = arith.constant 128 : i32
      %add3A_149 = arith.addi %mul3A_147, %add3A_148 : i32
      %dma_start3A_150 = arith.constant 0 : i32
      %dma_start3A_151 = tpu.memref_slice %arg6[%add3A_149, %dma_start3A_150] : memref<10240x128xf32, #tpu.memory_space<hbm>> -> memref<128x128xf32, #tpu.memory_space<hbm>>
      %dma_start3A_152 = arith.constant 0 : i32
      %dma_start3A_153 = tpu.memref_slice %arg11[%add3A_149, %dma_start3A_152] : memref<10240x128xf32, #tpu.memory_space<vmem_shared>> -> memref<128x128xf32, #tpu.memory_space<vmem_shared>>
      tpu.enqueue_dma source(%dma_start3A_153 : memref<128x128xf32, #tpu.memory_space<vmem_shared>>) target(%dma_start3A_151 : memref<128x128xf32, #tpu.memory_space<hbm>>) target_semaphore(%arg12 : memref<!tpu.dma_semaphore, #tpu.memory_space<semaphore_mem>>)
      %mul3A_154 = arith.constant 640 : i32
      %mul3A_155 = arith.muli %arg1, %mul3A_154 : i32
      %add3A_156 = arith.constant 256 : i32
      %add3A_157 = arith.addi %mul3A_155, %add3A_156 : i32
      %dma_start3A_158 = arith.constant 0 : i32
      %dma_start3A_159 = tpu.memref_slice %arg6[%add3A_157, %dma_start3A_158] : memref<10240x128xf32, #tpu.memory_space<hbm>> -> memref<128x128xf32, #tpu.memory_space<hbm>>
      %dma_start3A_160 = arith.constant 0 : i32
      %dma_start3A_161 = tpu.memref_slice %arg11[%add3A_157, %dma_start3A_160] : memref<10240x128xf32, #tpu.memory_space<vmem_shared>> -> memref<128x128xf32, #tpu.memory_space<vmem_shared>>
      tpu.enqueue_dma source(%dma_start3A_161 : memref<128x128xf32, #tpu.memory_space<vmem_shared>>) target(%dma_start3A_159 : memref<128x128xf32, #tpu.memory_space<hbm>>) target_semaphore(%arg12 : memref<!tpu.dma_semaphore, #tpu.memory_space<semaphore_mem>>)
      %mul3A_162 = arith.constant 640 : i32
      %mul3A_163 = arith.muli %arg1, %mul3A_162 : i32
      %add3A_164 = arith.constant 384 : i32
      %add3A_165 = arith.addi %mul3A_163, %add3A_164 : i32
      %dma_start3A_166 = arith.constant 0 : i32
      %dma_start3A_167 = tpu.memref_slice %arg6[%add3A_165, %dma_start3A_166] : memref<10240x128xf32, #tpu.memory_space<hbm>> -> memref<128x128xf32, #tpu.memory_space<hbm>>
      %dma_start3A_168 = arith.constant 0 : i32
      %dma_start3A_169 = tpu.memref_slice %arg11[%add3A_165, %dma_start3A_168] : memref<10240x128xf32, #tpu.memory_space<vmem_shared>> -> memref<128x128xf32, #tpu.memory_space<vmem_shared>>
      tpu.enqueue_dma source(%dma_start3A_169 : memref<128x128xf32, #tpu.memory_space<vmem_shared>>) target(%dma_start3A_167 : memref<128x128xf32, #tpu.memory_space<hbm>>) target_semaphore(%arg12 : memref<!tpu.dma_semaphore, #tpu.memory_space<semaphore_mem>>)
      %mul3A_170 = arith.constant 640 : i32
      %mul3A_171 = arith.muli %arg1, %mul3A_170 : i32
      %add3A_172 = arith.constant 512 : i32
      %add3A_173 = arith.addi %mul3A_171, %add3A_172 : i32
      %dma_start3A_174 = arith.constant 0 : i32
      %dma_start3A_175 = tpu.memref_slice %arg6[%add3A_173, %dma_start3A_174] : memref<10240x128xf32, #tpu.memory_space<hbm>> -> memref<128x128xf32, #tpu.memory_space<hbm>>
      %dma_start3A_176 = arith.constant 0 : i32
      %dma_start3A_177 = tpu.memref_slice %arg11[%add3A_173, %dma_start3A_176] : memref<10240x128xf32, #tpu.memory_space<vmem_shared>> -> memref<128x128xf32, #tpu.memory_space<vmem_shared>>
      tpu.enqueue_dma source(%dma_start3A_177 : memref<128x128xf32, #tpu.memory_space<vmem_shared>>) target(%dma_start3A_175 : memref<128x128xf32, #tpu.memory_space<hbm>>) target_semaphore(%arg12 : memref<!tpu.dma_semaphore, #tpu.memory_space<semaphore_mem>>)
      %mul3A_178 = arith.constant 640 : i32
      %mul3A_179 = arith.muli %arg1, %mul3A_178 : i32
      %add3A_180 = arith.constant 0 : i32
      %add3A_181 = arith.addi %mul3A_179, %add3A_180 : i32
      %dma_wait3A_182 = arith.constant 0 : i32
      %dma_wait3A_183 = tpu.memref_slice %arg6[%add3A_181, %dma_wait3A_182] : memref<10240x128xf32, #tpu.memory_space<hbm>> -> memref<128x128xf32, #tpu.memory_space<hbm>>
      %dma_wait3A_184 = arith.constant 0 : i32
      %dma_wait3A_185 = tpu.memref_slice %arg11[%add3A_181, %dma_wait3A_184] : memref<10240x128xf32, #tpu.memory_space<vmem_shared>> -> memref<128x128xf32, #tpu.memory_space<vmem_shared>>
      tpu.wait_dma2 semaphore(%arg12 : memref<!tpu.dma_semaphore, #tpu.memory_space<semaphore_mem>>) src(%dma_wait3A_185 : memref<128x128xf32, #tpu.memory_space<vmem_shared>>) dst(%dma_wait3A_183 : memref<128x128xf32, #tpu.memory_space<hbm>>)
      %mul3A_186 = arith.constant 640 : i32
      %mul3A_187 = arith.muli %arg1, %mul3A_186 : i32
      %add3A_188 = arith.constant 128 : i32
      %add3A_189 = arith.addi %mul3A_187, %add3A_188 : i32
      %dma_wait3A_190 = arith.constant 0 : i32
      %dma_wait3A_191 = tpu.memref_slice %arg6[%add3A_189, %dma_wait3A_190] : memref<10240x128xf32, #tpu.memory_space<hbm>> -> memref<128x128xf32, #tpu.memory_space<hbm>>
      %dma_wait3A_192 = arith.constant 0 : i32
      %dma_wait3A_193 = tpu.memref_slice %arg11[%add3A_189, %dma_wait3A_192] : memref<10240x128xf32, #tpu.memory_space<vmem_shared>> -> memref<128x128xf32, #tpu.memory_space<vmem_shared>>
      tpu.wait_dma2 semaphore(%arg12 : memref<!tpu.dma_semaphore, #tpu.memory_space<semaphore_mem>>) src(%dma_wait3A_193 : memref<128x128xf32, #tpu.memory_space<vmem_shared>>) dst(%dma_wait3A_191 : memref<128x128xf32, #tpu.memory_space<hbm>>)
      %mul3A_194 = arith.constant 640 : i32
      %mul3A_195 = arith.muli %arg1, %mul3A_194 : i32
      %add3A_196 = arith.constant 256 : i32
      %add3A_197 = arith.addi %mul3A_195, %add3A_196 : i32
      %dma_wait3A_198 = arith.constant 0 : i32
      %dma_wait3A_199 = tpu.memref_slice %arg6[%add3A_197, %dma_wait3A_198] : memref<10240x128xf32, #tpu.memory_space<hbm>> -> memref<128x128xf32, #tpu.memory_space<hbm>>
      %dma_wait3A_200 = arith.constant 0 : i32
      %dma_wait3A_201 = tpu.memref_slice %arg11[%add3A_197, %dma_wait3A_200] : memref<10240x128xf32, #tpu.memory_space<vmem_shared>> -> memref<128x128xf32, #tpu.memory_space<vmem_shared>>
      tpu.wait_dma2 semaphore(%arg12 : memref<!tpu.dma_semaphore, #tpu.memory_space<semaphore_mem>>) src(%dma_wait3A_201 : memref<128x128xf32, #tpu.memory_space<vmem_shared>>) dst(%dma_wait3A_199 : memref<128x128xf32, #tpu.memory_space<hbm>>)
      %mul3A_202 = arith.constant 640 : i32
      %mul3A_203 = arith.muli %arg1, %mul3A_202 : i32
      %add3A_204 = arith.constant 384 : i32
      %add3A_205 = arith.addi %mul3A_203, %add3A_204 : i32
      %dma_wait3A_206 = arith.constant 0 : i32
      %dma_wait3A_207 = tpu.memref_slice %arg6[%add3A_205, %dma_wait3A_206] : memref<10240x128xf32, #tpu.memory_space<hbm>> -> memref<128x128xf32, #tpu.memory_space<hbm>>
      %dma_wait3A_208 = arith.constant 0 : i32
      %dma_wait3A_209 = tpu.memref_slice %arg11[%add3A_205, %dma_wait3A_208] : memref<10240x128xf32, #tpu.memory_space<vmem_shared>> -> memref<128x128xf32, #tpu.memory_space<vmem_shared>>
      tpu.wait_dma2 semaphore(%arg12 : memref<!tpu.dma_semaphore, #tpu.memory_space<semaphore_mem>>) src(%dma_wait3A_209 : memref<128x128xf32, #tpu.memory_space<vmem_shared>>) dst(%dma_wait3A_207 : memref<128x128xf32, #tpu.memory_space<hbm>>)
      %mul3A_210 = arith.constant 640 : i32
      %mul3A_211 = arith.muli %arg1, %mul3A_210 : i32
      %add3A_212 = arith.constant 512 : i32
      %add3A_213 = arith.addi %mul3A_211, %add3A_212 : i32
      %dma_wait3A_214 = arith.constant 0 : i32
      %dma_wait3A_215 = tpu.memref_slice %arg6[%add3A_213, %dma_wait3A_214] : memref<10240x128xf32, #tpu.memory_space<hbm>> -> memref<128x128xf32, #tpu.memory_space<hbm>>
      %dma_wait3A_216 = arith.constant 0 : i32
      %dma_wait3A_217 = tpu.memref_slice %arg11[%add3A_213, %dma_wait3A_216] : memref<10240x128xf32, #tpu.memory_space<vmem_shared>> -> memref<128x128xf32, #tpu.memory_space<vmem_shared>>
      tpu.wait_dma2 semaphore(%arg12 : memref<!tpu.dma_semaphore, #tpu.memory_space<semaphore_mem>>) src(%dma_wait3A_217 : memref<128x128xf32, #tpu.memory_space<vmem_shared>>) dst(%dma_wait3A_215 : memref<128x128xf32, #tpu.memory_space<hbm>>)
    } else {
    }
    return
  }
}

#map = affine_map<(d0, d1) -> (0, 0)>
module attributes {stable_mosaic.version = 14 : i64} {
  func.func @_sc_agg_body(%arg0: i32, %arg1: i32, %arg2: memref<10000x128xf32, #tpu.memory_space<hbm>>, %arg3: memref<2560x128xi32, #tpu.memory_space<hbm>>, %arg4: memref<2560x128xi32, #tpu.memory_space<hbm>>, %arg5: memref<10240x128xf32, #tpu.memory_space<hbm>>, %arg6: memref<10240x128xf32, #tpu.memory_space<hbm>>, %arg7: memref<40x128xi32, #tpu.memory_space<vmem>>, %arg8: memref<40x128xi32, #tpu.memory_space<vmem>>, %arg9: memref<128x128xf32, #tpu.memory_space<vmem>>, %arg10: memref<128x128xf32, #tpu.memory_space<vmem>>, %arg11: memref<10240x128xf32, #tpu.memory_space<vmem_shared>>, %arg12: memref<!tpu.dma_semaphore, #tpu.memory_space<semaphore_mem>>, %arg13: memref<!tpu.dma_semaphore, #tpu.memory_space<semaphore_mem>>, %arg14: memref<!tpu.dma_semaphore, #tpu.memory_space<semaphore_mem>>, %arg15: memref<!tpu.dma_semaphore, #tpu.memory_space<semaphore_mem>>) attributes {dimension_semantics = [#tpu.dimension_semantics<core_parallel>, #tpu.dimension_semantics<subcore_parallel>], iteration_bounds = array<i64: 2, 16>, scalar_prefetch = 0 : i64, scratch_operands = 9 : i64, tpu.core_type = #tpu.core_type<sc_vector_subcore>, window_params = [{transform_indices = #map}, {transform_indices = #map}, {transform_indices = #map}, {transform_indices = #map}, {transform_indices = #map}]} {
    %mul3A = arith.constant 16 : i32
    %mul3A_0 = arith.muli %arg0, %mul3A : i32
    %add3A = arith.addi %mul3A_0, %arg1 : i32
    %broadcast_in_dim3A = arith.constant 0.000000e+00 : f32
    %broadcast_in_dim3A_1 = vector.broadcast %broadcast_in_dim3A : f32 to vector<16xf32>
    %scan3A = arith.constant 0 : i32
    %scan3A_2 = arith.constant 128 : i32
    %scan3A_3 = arith.addi %scan3A, %scan3A_2 : i32
    %scan3A_4 = arith.constant 1 : i32
    scf.for %scan3A_138 = %scan3A to %scan3A_3 step %scan3A_4  : i32 {
      %swap3A = arith.index_cast %scan3A_138 : i32 to index
      %swap3A_139 = arith.constant 0 : index
      %swap3A_140 = tpu.vector_load %arg9[%swap3A, %swap3A_139] {strides = array<i32>} : memref<128x128xf32, #tpu.memory_space<vmem>>, vector<1x16xf32>,
      %swap3A_141 = vector.shape_cast %swap3A_140 : vector<1x16xf32> to vector<16xf32>
      %swap3A_142 = vector.shape_cast %broadcast_in_dim3A_1 : vector<16xf32> to vector<1x16xf32>
      tpu.vector_store %arg9[%swap3A, %swap3A_139], %swap3A_142 {strides = array<i32>} : memref<128x128xf32, #tpu.memory_space<vmem>>, vector<1x16xf32>,
      %swap3A_143 = arith.index_cast %scan3A_138 : i32 to index
      %swap3A_144 = arith.constant 16 : index
      %swap3A_145 = tpu.vector_load %arg9[%swap3A_143, %swap3A_144] {strides = array<i32>} : memref<128x128xf32, #tpu.memory_space<vmem>>, vector<1x16xf32>,
      %swap3A_146 = vector.shape_cast %swap3A_145 : vector<1x16xf32> to vector<16xf32>
      %swap3A_147 = vector.shape_cast %broadcast_in_dim3A_1 : vector<16xf32> to vector<1x16xf32>
      tpu.vector_store %arg9[%swap3A_143, %swap3A_144], %swap3A_147 {strides = array<i32>} : memref<128x128xf32, #tpu.memory_space<vmem>>, vector<1x16xf32>,
      %swap3A_148 = arith.index_cast %scan3A_138 : i32 to index
      %swap3A_149 = arith.constant 32 : index
      %swap3A_150 = tpu.vector_load %arg9[%swap3A_148, %swap3A_149] {strides = array<i32>} : memref<128x128xf32, #tpu.memory_space<vmem>>, vector<1x16xf32>,
      %swap3A_151 = vector.shape_cast %swap3A_150 : vector<1x16xf32> to vector<16xf32>
      %swap3A_152 = vector.shape_cast %broadcast_in_dim3A_1 : vector<16xf32> to vector<1x16xf32>
      tpu.vector_store %arg9[%swap3A_148, %swap3A_149], %swap3A_152 {strides = array<i32>} : memref<128x128xf32, #tpu.memory_space<vmem>>, vector<1x16xf32>,
      %swap3A_153 = arith.index_cast %scan3A_138 : i32 to index
      %swap3A_154 = arith.constant 48 : index
      %swap3A_155 = tpu.vector_load %arg9[%swap3A_153, %swap3A_154] {strides = array<i32>} : memref<128x128xf32, #tpu.memory_space<vmem>>, vector<1x16xf32>,
      %swap3A_156 = vector.shape_cast %swap3A_155 : vector<1x16xf32> to vector<16xf32>
      %swap3A_157 = vector.shape_cast %broadcast_in_dim3A_1 : vector<16xf32> to vector<1x16xf32>
      tpu.vector_store %arg9[%swap3A_153, %swap3A_154], %swap3A_157 {strides = array<i32>} : memref<128x128xf32, #tpu.memory_space<vmem>>, vector<1x16xf32>,
      %swap3A_158 = arith.index_cast %scan3A_138 : i32 to index
      %swap3A_159 = arith.constant 64 : index
      %swap3A_160 = tpu.vector_load %arg9[%swap3A_158, %swap3A_159] {strides = array<i32>} : memref<128x128xf32, #tpu.memory_space<vmem>>, vector<1x16xf32>,
      %swap3A_161 = vector.shape_cast %swap3A_160 : vector<1x16xf32> to vector<16xf32>
      %swap3A_162 = vector.shape_cast %broadcast_in_dim3A_1 : vector<16xf32> to vector<1x16xf32>
      tpu.vector_store %arg9[%swap3A_158, %swap3A_159], %swap3A_162 {strides = array<i32>} : memref<128x128xf32, #tpu.memory_space<vmem>>, vector<1x16xf32>,
      %swap3A_163 = arith.index_cast %scan3A_138 : i32 to index
      %swap3A_164 = arith.constant 80 : index
      %swap3A_165 = tpu.vector_load %arg9[%swap3A_163, %swap3A_164] {strides = array<i32>} : memref<128x128xf32, #tpu.memory_space<vmem>>, vector<1x16xf32>,
      %swap3A_166 = vector.shape_cast %swap3A_165 : vector<1x16xf32> to vector<16xf32>
      %swap3A_167 = vector.shape_cast %broadcast_in_dim3A_1 : vector<16xf32> to vector<1x16xf32>
      tpu.vector_store %arg9[%swap3A_163, %swap3A_164], %swap3A_167 {strides = array<i32>} : memref<128x128xf32, #tpu.memory_space<vmem>>, vector<1x16xf32>,
      %swap3A_168 = arith.index_cast %scan3A_138 : i32 to index
      %swap3A_169 = arith.constant 96 : index
      %swap3A_170 = tpu.vector_load %arg9[%swap3A_168, %swap3A_169] {strides = array<i32>} : memref<128x128xf32, #tpu.memory_space<vmem>>, vector<1x16xf32>,
      %swap3A_171 = vector.shape_cast %swap3A_170 : vector<1x16xf32> to vector<16xf32>
      %swap3A_172 = vector.shape_cast %broadcast_in_dim3A_1 : vector<16xf32> to vector<1x16xf32>
      tpu.vector_store %arg9[%swap3A_168, %swap3A_169], %swap3A_172 {strides = array<i32>} : memref<128x128xf32, #tpu.memory_space<vmem>>, vector<1x16xf32>,
      %swap3A_173 = arith.index_cast %scan3A_138 : i32 to index
      %swap3A_174 = arith.constant 112 : index
      %swap3A_175 = tpu.vector_load %arg9[%swap3A_173, %swap3A_174] {strides = array<i32>} : memref<128x128xf32, #tpu.memory_space<vmem>>, vector<1x16xf32>,
      %swap3A_176 = vector.shape_cast %swap3A_175 : vector<1x16xf32> to vector<16xf32>
      %swap3A_177 = vector.shape_cast %broadcast_in_dim3A_1 : vector<16xf32> to vector<1x16xf32>
      tpu.vector_store %arg9[%swap3A_173, %swap3A_174], %swap3A_177 {strides = array<i32>} : memref<128x128xf32, #tpu.memory_space<vmem>>, vector<1x16xf32>,
    }
    %scan3A_5 = arith.constant 128 : i32
    %mul3A_6 = arith.constant 640 : i32
    %mul3A_7 = arith.muli %arg1, %mul3A_6 : i32
    %add3A_8 = arith.constant 0 : i32
    %add3A_9 = arith.addi %mul3A_7, %add3A_8 : i32
    %dma_start3A = arith.constant 0 : i32
    %dma_start3A_10 = tpu.memref_slice %arg11[%add3A_9, %dma_start3A] : memref<10240x128xf32, #tpu.memory_space<vmem_shared>> -> memref<128x128xf32, #tpu.memory_space<vmem_shared>>
    %dma_start3A_11 = arith.constant 0 : i32
    %dma_start3A_12 = tpu.memref_slice %arg11[%add3A_9, %dma_start3A_11] : memref<10240x128xf32, #tpu.memory_space<vmem_shared>> -> memref<128x128xf32, #tpu.memory_space<vmem_shared>>
    tpu.enqueue_dma source(%arg9 : memref<128x128xf32, #tpu.memory_space<vmem>>) target(%dma_start3A_12 : memref<128x128xf32, #tpu.memory_space<vmem_shared>>) target_semaphore(%arg14 : memref<!tpu.dma_semaphore, #tpu.memory_space<semaphore_mem>>)
    %mul3A_13 = arith.constant 640 : i32
    %mul3A_14 = arith.muli %arg1, %mul3A_13 : i32
    %add3A_15 = arith.constant 128 : i32
    %add3A_16 = arith.addi %mul3A_14, %add3A_15 : i32
    %dma_start3A_17 = arith.constant 0 : i32
    %dma_start3A_18 = tpu.memref_slice %arg11[%add3A_16, %dma_start3A_17] : memref<10240x128xf32, #tpu.memory_space<vmem_shared>> -> memref<128x128xf32, #tpu.memory_space<vmem_shared>>
    %dma_start3A_19 = arith.constant 0 : i32
    %dma_start3A_20 = tpu.memref_slice %arg11[%add3A_16, %dma_start3A_19] : memref<10240x128xf32, #tpu.memory_space<vmem_shared>> -> memref<128x128xf32, #tpu.memory_space<vmem_shared>>
    tpu.enqueue_dma source(%arg9 : memref<128x128xf32, #tpu.memory_space<vmem>>) target(%dma_start3A_20 : memref<128x128xf32, #tpu.memory_space<vmem_shared>>) target_semaphore(%arg14 : memref<!tpu.dma_semaphore, #tpu.memory_space<semaphore_mem>>)
    %mul3A_21 = arith.constant 640 : i32
    %mul3A_22 = arith.muli %arg1, %mul3A_21 : i32
    %add3A_23 = arith.constant 256 : i32
    %add3A_24 = arith.addi %mul3A_22, %add3A_23 : i32
    %dma_start3A_25 = arith.constant 0 : i32
    %dma_start3A_26 = tpu.memref_slice %arg11[%add3A_24, %dma_start3A_25] : memref<10240x128xf32, #tpu.memory_space<vmem_shared>> -> memref<128x128xf32, #tpu.memory_space<vmem_shared>>
    %dma_start3A_27 = arith.constant 0 : i32
    %dma_start3A_28 = tpu.memref_slice %arg11[%add3A_24, %dma_start3A_27] : memref<10240x128xf32, #tpu.memory_space<vmem_shared>> -> memref<128x128xf32, #tpu.memory_space<vmem_shared>>
    tpu.enqueue_dma source(%arg9 : memref<128x128xf32, #tpu.memory_space<vmem>>) target(%dma_start3A_28 : memref<128x128xf32, #tpu.memory_space<vmem_shared>>) target_semaphore(%arg14 : memref<!tpu.dma_semaphore, #tpu.memory_space<semaphore_mem>>)
    %mul3A_29 = arith.constant 640 : i32
    %mul3A_30 = arith.muli %arg1, %mul3A_29 : i32
    %add3A_31 = arith.constant 384 : i32
    %add3A_32 = arith.addi %mul3A_30, %add3A_31 : i32
    %dma_start3A_33 = arith.constant 0 : i32
    %dma_start3A_34 = tpu.memref_slice %arg11[%add3A_32, %dma_start3A_33] : memref<10240x128xf32, #tpu.memory_space<vmem_shared>> -> memref<128x128xf32, #tpu.memory_space<vmem_shared>>
    %dma_start3A_35 = arith.constant 0 : i32
    %dma_start3A_36 = tpu.memref_slice %arg11[%add3A_32, %dma_start3A_35] : memref<10240x128xf32, #tpu.memory_space<vmem_shared>> -> memref<128x128xf32, #tpu.memory_space<vmem_shared>>
    tpu.enqueue_dma source(%arg9 : memref<128x128xf32, #tpu.memory_space<vmem>>) target(%dma_start3A_36 : memref<128x128xf32, #tpu.memory_space<vmem_shared>>) target_semaphore(%arg14 : memref<!tpu.dma_semaphore, #tpu.memory_space<semaphore_mem>>)
    %mul3A_37 = arith.constant 640 : i32
    %mul3A_38 = arith.muli %arg1, %mul3A_37 : i32
    %add3A_39 = arith.constant 512 : i32
    %add3A_40 = arith.addi %mul3A_38, %add3A_39 : i32
    %dma_start3A_41 = arith.constant 0 : i32
    %dma_start3A_42 = tpu.memref_slice %arg11[%add3A_40, %dma_start3A_41] : memref<10240x128xf32, #tpu.memory_space<vmem_shared>> -> memref<128x128xf32, #tpu.memory_space<vmem_shared>>
    %dma_start3A_43 = arith.constant 0 : i32
    %dma_start3A_44 = tpu.memref_slice %arg11[%add3A_40, %dma_start3A_43] : memref<10240x128xf32, #tpu.memory_space<vmem_shared>> -> memref<128x128xf32, #tpu.memory_space<vmem_shared>>
    tpu.enqueue_dma source(%arg9 : memref<128x128xf32, #tpu.memory_space<vmem>>) target(%dma_start3A_44 : memref<128x128xf32, #tpu.memory_space<vmem_shared>>) target_semaphore(%arg14 : memref<!tpu.dma_semaphore, #tpu.memory_space<semaphore_mem>>)
    %mul3A_45 = arith.constant 640 : i32
    %mul3A_46 = arith.muli %arg1, %mul3A_45 : i32
    %add3A_47 = arith.constant 0 : i32
    %add3A_48 = arith.addi %mul3A_46, %add3A_47 : i32
    %dma_wait3A = arith.constant 0 : i32
    %dma_wait3A_49 = tpu.memref_slice %arg11[%add3A_48, %dma_wait3A] : memref<10240x128xf32, #tpu.memory_space<vmem_shared>> -> memref<128x128xf32, #tpu.memory_space<vmem_shared>>
    %dma_wait3A_50 = arith.constant 0 : i32
    %dma_wait3A_51 = tpu.memref_slice %arg11[%add3A_48, %dma_wait3A_50] : memref<10240x128xf32, #tpu.memory_space<vmem_shared>> -> memref<128x128xf32, #tpu.memory_space<vmem_shared>>
    tpu.wait_dma2 semaphore(%arg14 : memref<!tpu.dma_semaphore, #tpu.memory_space<semaphore_mem>>) src(%arg9 : memref<128x128xf32, #tpu.memory_space<vmem>>) dst(%dma_wait3A_51 : memref<128x128xf32, #tpu.memory_space<vmem_shared>>)
    %mul3A_52 = arith.constant 640 : i32
    %mul3A_53 = arith.muli %arg1, %mul3A_52 : i32
    %add3A_54 = arith.constant 128 : i32
    %add3A_55 = arith.addi %mul3A_53, %add3A_54 : i32
    %dma_wait3A_56 = arith.constant 0 : i32
    %dma_wait3A_57 = tpu.memref_slice %arg11[%add3A_55, %dma_wait3A_56] : memref<10240x128xf32, #tpu.memory_space<vmem_shared>> -> memref<128x128xf32, #tpu.memory_space<vmem_shared>>
    %dma_wait3A_58 = arith.constant 0 : i32
    %dma_wait3A_59 = tpu.memref_slice %arg11[%add3A_55, %dma_wait3A_58] : memref<10240x128xf32, #tpu.memory_space<vmem_shared>> -> memref<128x128xf32, #tpu.memory_space<vmem_shared>>
    tpu.wait_dma2 semaphore(%arg14 : memref<!tpu.dma_semaphore, #tpu.memory_space<semaphore_mem>>) src(%arg9 : memref<128x128xf32, #tpu.memory_space<vmem>>) dst(%dma_wait3A_59 : memref<128x128xf32, #tpu.memory_space<vmem_shared>>)
    %mul3A_60 = arith.constant 640 : i32
    %mul3A_61 = arith.muli %arg1, %mul3A_60 : i32
    %add3A_62 = arith.constant 256 : i32
    %add3A_63 = arith.addi %mul3A_61, %add3A_62 : i32
    %dma_wait3A_64 = arith.constant 0 : i32
    %dma_wait3A_65 = tpu.memref_slice %arg11[%add3A_63, %dma_wait3A_64] : memref<10240x128xf32, #tpu.memory_space<vmem_shared>> -> memref<128x128xf32, #tpu.memory_space<vmem_shared>>
    %dma_wait3A_66 = arith.constant 0 : i32
    %dma_wait3A_67 = tpu.memref_slice %arg11[%add3A_63, %dma_wait3A_66] : memref<10240x128xf32, #tpu.memory_space<vmem_shared>> -> memref<128x128xf32, #tpu.memory_space<vmem_shared>>
    tpu.wait_dma2 semaphore(%arg14 : memref<!tpu.dma_semaphore, #tpu.memory_space<semaphore_mem>>) src(%arg9 : memref<128x128xf32, #tpu.memory_space<vmem>>) dst(%dma_wait3A_67 : memref<128x128xf32, #tpu.memory_space<vmem_shared>>)
    %mul3A_68 = arith.constant 640 : i32
    %mul3A_69 = arith.muli %arg1, %mul3A_68 : i32
    %add3A_70 = arith.constant 384 : i32
    %add3A_71 = arith.addi %mul3A_69, %add3A_70 : i32
    %dma_wait3A_72 = arith.constant 0 : i32
    %dma_wait3A_73 = tpu.memref_slice %arg11[%add3A_71, %dma_wait3A_72] : memref<10240x128xf32, #tpu.memory_space<vmem_shared>> -> memref<128x128xf32, #tpu.memory_space<vmem_shared>>
    %dma_wait3A_74 = arith.constant 0 : i32
    %dma_wait3A_75 = tpu.memref_slice %arg11[%add3A_71, %dma_wait3A_74] : memref<10240x128xf32, #tpu.memory_space<vmem_shared>> -> memref<128x128xf32, #tpu.memory_space<vmem_shared>>
    tpu.wait_dma2 semaphore(%arg14 : memref<!tpu.dma_semaphore, #tpu.memory_space<semaphore_mem>>) src(%arg9 : memref<128x128xf32, #tpu.memory_space<vmem>>) dst(%dma_wait3A_75 : memref<128x128xf32, #tpu.memory_space<vmem_shared>>)
    %mul3A_76 = arith.constant 640 : i32
    %mul3A_77 = arith.muli %arg1, %mul3A_76 : i32
    %add3A_78 = arith.constant 512 : i32
    %add3A_79 = arith.addi %mul3A_77, %add3A_78 : i32
    %dma_wait3A_80 = arith.constant 0 : i32
    %dma_wait3A_81 = tpu.memref_slice %arg11[%add3A_79, %dma_wait3A_80] : memref<10240x128xf32, #tpu.memory_space<vmem_shared>> -> memref<128x128xf32, #tpu.memory_space<vmem_shared>>
    %dma_wait3A_82 = arith.constant 0 : i32
    %dma_wait3A_83 = tpu.memref_slice %arg11[%add3A_79, %dma_wait3A_82] : memref<10240x128xf32, #tpu.memory_space<vmem_shared>> -> memref<128x128xf32, #tpu.memory_space<vmem_shared>>
    tpu.wait_dma2 semaphore(%arg14 : memref<!tpu.dma_semaphore, #tpu.memory_space<semaphore_mem>>) src(%arg9 : memref<128x128xf32, #tpu.memory_space<vmem>>) dst(%dma_wait3A_83 : memref<128x128xf32, #tpu.memory_space<vmem_shared>>)
    %barrier3A = arith.constant 0 : index
    tpu.barrier barrier_id(%barrier3A)
    %mul3A_84 = arith.constant 80 : i32
    %mul3A_85 = arith.muli %add3A, %mul3A_84 : i32
    %add3A_86 = arith.constant 0 : i32
    %add3A_87 = arith.addi %mul3A_85, %add3A_86 : i32
    "tpu.region"() ({
      %run_scoped3A = tpu.sem_alloc : memref<!tpu.dma_semaphore, #tpu.memory_space<semaphore_mem>>
      %dma_start3A_138 = arith.constant 0 : i32
      %dma_start3A_139 = tpu.memref_slice %arg3[%add3A_87, %dma_start3A_138] : memref<2560x128xi32, #tpu.memory_space<hbm>> -> memref<40x128xi32, #tpu.memory_space<hbm>>
      %dma_start3A_140 = arith.constant 0 : i32
      %dma_start3A_141 = tpu.memref_slice %arg3[%add3A_87, %dma_start3A_140] : memref<2560x128xi32, #tpu.memory_space<hbm>> -> memref<40x128xi32, #tpu.memory_space<hbm>>
      tpu.enqueue_dma source(%dma_start3A_141 : memref<40x128xi32, #tpu.memory_space<hbm>>) target(%arg7 : memref<40x128xi32, #tpu.memory_space<vmem>>) target_semaphore(%run_scoped3A : memref<!tpu.dma_semaphore, #tpu.memory_space<semaphore_mem>>)
      %dma_wait3A_142 = arith.constant 0 : i32
      %dma_wait3A_143 = tpu.memref_slice %arg3[%add3A_87, %dma_wait3A_142] : memref<2560x128xi32, #tpu.memory_space<hbm>> -> memref<40x128xi32, #tpu.memory_space<hbm>>
      %dma_wait3A_144 = arith.constant 0 : i32
      %dma_wait3A_145 = tpu.memref_slice %arg3[%add3A_87, %dma_wait3A_144] : memref<2560x128xi32, #tpu.memory_space<hbm>> -> memref<40x128xi32, #tpu.memory_space<hbm>>
      tpu.wait_dma2 semaphore(%run_scoped3A : memref<!tpu.dma_semaphore, #tpu.memory_space<semaphore_mem>>) src(%dma_wait3A_145 : memref<40x128xi32, #tpu.memory_space<hbm>>) dst(%arg7 : memref<40x128xi32, #tpu.memory_space<vmem>>)
      tpu.yield
    }) : () -> ()
    "tpu.region"() ({
      %run_scoped3A = tpu.sem_alloc : memref<!tpu.dma_semaphore, #tpu.memory_space<semaphore_mem>>
      %dma_start3A_138 = arith.constant 0 : i32
      %dma_start3A_139 = tpu.memref_slice %arg4[%add3A_87, %dma_start3A_138] : memref<2560x128xi32, #tpu.memory_space<hbm>> -> memref<40x128xi32, #tpu.memory_space<hbm>>
      %dma_start3A_140 = arith.constant 0 : i32
      %dma_start3A_141 = tpu.memref_slice %arg4[%add3A_87, %dma_start3A_140] : memref<2560x128xi32, #tpu.memory_space<hbm>> -> memref<40x128xi32, #tpu.memory_space<hbm>>
      tpu.enqueue_dma source(%dma_start3A_141 : memref<40x128xi32, #tpu.memory_space<hbm>>) target(%arg8 : memref<40x128xi32, #tpu.memory_space<vmem>>) target_semaphore(%run_scoped3A : memref<!tpu.dma_semaphore, #tpu.memory_space<semaphore_mem>>)
      %dma_wait3A_142 = arith.constant 0 : i32
      %dma_wait3A_143 = tpu.memref_slice %arg4[%add3A_87, %dma_wait3A_142] : memref<2560x128xi32, #tpu.memory_space<hbm>> -> memref<40x128xi32, #tpu.memory_space<hbm>>
      %dma_wait3A_144 = arith.constant 0 : i32
      %dma_wait3A_145 = tpu.memref_slice %arg4[%add3A_87, %dma_wait3A_144] : memref<2560x128xi32, #tpu.memory_space<hbm>> -> memref<40x128xi32, #tpu.memory_space<hbm>>
      tpu.wait_dma2 semaphore(%run_scoped3A : memref<!tpu.dma_semaphore, #tpu.memory_space<semaphore_mem>>) src(%dma_wait3A_145 : memref<40x128xi32, #tpu.memory_space<hbm>>) dst(%arg8 : memref<40x128xi32, #tpu.memory_space<vmem>>)
      tpu.yield
    }) : () -> ()
    %dma_start3A_88 = arith.constant 0 : i32
    %dma_start3A_89 = arith.constant 0 : i32
    %dma_start3A_90 = tpu.memref_slice %arg7[%dma_start3A_88, %dma_start3A_89] : memref<40x128xi32, #tpu.memory_space<vmem>> -> memref<1x128xi32, #tpu.memory_space<vmem>>
    %dma_start3A_91 = tpu.memref_squeeze %dma_start3A_90 : memref<1x128xi32, #tpu.memory_space<vmem>> -> memref<128xi32, #tpu.memory_space<vmem>>
    %dma_start3A_92 = arith.constant 0 : i32
    %dma_start3A_93 = arith.constant 0 : i32
    %dma_start3A_94 = tpu.memref_slice %arg2[%dma_start3A_92, %dma_start3A_93] : memref<10000x128xf32, #tpu.memory_space<hbm>> -> memref<10000x128xf32, #tpu.memory_space<hbm>>
    tpu.enqueue_indirect_dma source(%dma_start3A_94 : memref<10000x128xf32, #tpu.memory_space<hbm>>) target(%arg9 : memref<128x128xf32, #tpu.memory_space<vmem>>) offsets(%dma_start3A_91 : memref<128xi32, #tpu.memory_space<vmem>>) semaphore(%arg12 : memref<!tpu.dma_semaphore, #tpu.memory_space<semaphore_mem>>)
    %scan3A_95 = arith.constant 0 : i32
    %scan3A_96 = arith.constant 20 : i32
    %scan3A_97 = arith.addi %scan3A_95, %scan3A_96 : i32
    %scan3A_98 = arith.constant 1 : i32
    scf.for %scan3A_138 = %scan3A_95 to %scan3A_97 step %scan3A_98  : i32 {
      %mul3A_139 = arith.constant 2 : i32
      %mul3A_140 = arith.muli %mul3A_139, %scan3A_138 : i32
      %add3A_141 = arith.constant 0 : i32
      %add3A_142 = arith.addi %mul3A_140, %add3A_141 : i32
      %ge3A = arith.constant 1 : i32
      %ge3A_143 = arith.cmpi sge, %add3A_142, %ge3A : i32
      %convert_element_type3A_144 = arith.extui %ge3A_143 : i1 to i32
      %cond3A_145 = arith.constant 0 : i32
      %cond3A_146 = arith.cmpi ne, %convert_element_type3A_144, %cond3A_145 : i32
      scf.if %cond3A_146 {
        %sub3A = arith.constant 1 : i32
        %sub3A_193 = arith.subi %add3A_142, %sub3A : i32
        %dma_wait3A_194 = arith.constant 0 : i32
        %dma_wait3A_195 = tpu.memref_slice %arg8[%sub3A_193, %dma_wait3A_194] : memref<40x128xi32, #tpu.memory_space<vmem>> -> memref<1x128xi32, #tpu.memory_space<vmem>>
        %dma_wait3A_196 = tpu.memref_squeeze %dma_wait3A_195 : memref<1x128xi32, #tpu.memory_space<vmem>> -> memref<128xi32, #tpu.memory_space<vmem>>
        %dma_wait3A_197 = arith.constant 0 : i32
        %dma_wait3A_198 = arith.constant 0 : i32
        %dma_wait3A_199 = tpu.memref_slice %arg11[%dma_wait3A_197, %dma_wait3A_198] : memref<10240x128xf32, #tpu.memory_space<vmem_shared>> -> memref<10240x128xf32, #tpu.memory_space<vmem_shared>>
        tpu.wait_indirect_dma semaphore(%arg15 : memref<!tpu.dma_semaphore, #tpu.memory_space<semaphore_mem>>) src(%arg10 : memref<128x128xf32, #tpu.memory_space<vmem>>) dst(%dma_wait3A_199 : memref<10240x128xf32, #tpu.memory_space<vmem_shared>>)
      } else {
      }
      %add3A_147 = arith.constant 1 : i32
      %add3A_148 = arith.addi %add3A_142, %add3A_147 : i32
      %lt3A = arith.constant 40 : i32
      %lt3A_149 = arith.cmpi slt, %add3A_148, %lt3A : i32
      %convert_element_type3A_150 = arith.extui %lt3A_149 : i1 to i32
      %cond3A_151 = arith.constant 0 : i32
      %cond3A_152 = arith.cmpi ne, %convert_element_type3A_150, %cond3A_151 : i32
      scf.if %cond3A_152 {
        %add3A_193 = arith.constant 1 : i32
        %add3A_194 = arith.addi %add3A_142, %add3A_193 : i32
        %dma_start3A_195 = arith.constant 0 : i32
        %dma_start3A_196 = tpu.memref_slice %arg7[%add3A_194, %dma_start3A_195] : memref<40x128xi32, #tpu.memory_space<vmem>> -> memref<1x128xi32, #tpu.memory_space<vmem>>
        %dma_start3A_197 = tpu.memref_squeeze %dma_start3A_196 : memref<1x128xi32, #tpu.memory_space<vmem>> -> memref<128xi32, #tpu.memory_space<vmem>>
        %dma_start3A_198 = arith.constant 0 : i32
        %dma_start3A_199 = arith.constant 0 : i32
        %dma_start3A_200 = tpu.memref_slice %arg2[%dma_start3A_198, %dma_start3A_199] : memref<10000x128xf32, #tpu.memory_space<hbm>> -> memref<10000x128xf32, #tpu.memory_space<hbm>>
        tpu.enqueue_indirect_dma source(%dma_start3A_200 : memref<10000x128xf32, #tpu.memory_space<hbm>>) target(%arg10 : memref<128x128xf32, #tpu.memory_space<vmem>>) offsets(%dma_start3A_197 : memref<128xi32, #tpu.memory_space<vmem>>) semaphore(%arg13 : memref<!tpu.dma_semaphore, #tpu.memory_space<semaphore_mem>>)
      } else {
      }
      %dma_wait3A_153 = arith.constant 0 : i32
      %dma_wait3A_154 = tpu.memref_slice %arg7[%add3A_142, %dma_wait3A_153] : memref<40x128xi32, #tpu.memory_space<vmem>> -> memref<1x128xi32, #tpu.memory_space<vmem>>
      %dma_wait3A_155 = tpu.memref_squeeze %dma_wait3A_154 : memref<1x128xi32, #tpu.memory_space<vmem>> -> memref<128xi32, #tpu.memory_space<vmem>>
      %dma_wait3A_156 = arith.constant 0 : i32
      %dma_wait3A_157 = arith.constant 0 : i32
      %dma_wait3A_158 = tpu.memref_slice %arg2[%dma_wait3A_156, %dma_wait3A_157] : memref<10000x128xf32, #tpu.memory_space<hbm>> -> memref<10000x128xf32, #tpu.memory_space<hbm>>
      tpu.wait_indirect_dma semaphore(%arg12 : memref<!tpu.dma_semaphore, #tpu.memory_space<semaphore_mem>>) src(%dma_wait3A_158 : memref<10000x128xf32, #tpu.memory_space<hbm>>) dst(%arg9 : memref<128x128xf32, #tpu.memory_space<vmem>>)
      %dma_start3A_159 = arith.constant 0 : i32
      %dma_start3A_160 = tpu.memref_slice %arg8[%add3A_142, %dma_start3A_159] : memref<40x128xi32, #tpu.memory_space<vmem>> -> memref<1x128xi32, #tpu.memory_space<vmem>>
      %dma_start3A_161 = tpu.memref_squeeze %dma_start3A_160 : memref<1x128xi32, #tpu.memory_space<vmem>> -> memref<128xi32, #tpu.memory_space<vmem>>
      %dma_start3A_162 = arith.constant 0 : i32
      %dma_start3A_163 = arith.constant 0 : i32
      %dma_start3A_164 = tpu.memref_slice %arg11[%dma_start3A_162, %dma_start3A_163] : memref<10240x128xf32, #tpu.memory_space<vmem_shared>> -> memref<10240x128xf32, #tpu.memory_space<vmem_shared>>
      tpu.enqueue_indirect_dma source(%arg9 : memref<128x128xf32, #tpu.memory_space<vmem>>) target(%dma_start3A_164 : memref<10240x128xf32, #tpu.memory_space<vmem_shared>>) offsets(%dma_start3A_161 : memref<128xi32, #tpu.memory_space<vmem>>) semaphore(%arg14 : memref<!tpu.dma_semaphore, #tpu.memory_space<semaphore_mem>>) {add = true}
      %mul3A_165 = arith.constant 2 : i32
      %mul3A_166 = arith.muli %mul3A_165, %scan3A_138 : i32
      %add3A_167 = arith.constant 1 : i32
      %add3A_168 = arith.addi %mul3A_166, %add3A_167 : i32
      %ge3A_169 = arith.constant 1 : i32
      %ge3A_170 = arith.cmpi sge, %add3A_168, %ge3A_169 : i32
      %convert_element_type3A_171 = arith.extui %ge3A_170 : i1 to i32
      %cond3A_172 = arith.constant 0 : i32
      %cond3A_173 = arith.cmpi ne, %convert_element_type3A_171, %cond3A_172 : i32
      scf.if %cond3A_173 {
        %sub3A = arith.constant 1 : i32
        %sub3A_193 = arith.subi %add3A_168, %sub3A : i32
        %dma_wait3A_194 = arith.constant 0 : i32
        %dma_wait3A_195 = tpu.memref_slice %arg8[%sub3A_193, %dma_wait3A_194] : memref<40x128xi32, #tpu.memory_space<vmem>> -> memref<1x128xi32, #tpu.memory_space<vmem>>
        %dma_wait3A_196 = tpu.memref_squeeze %dma_wait3A_195 : memref<1x128xi32, #tpu.memory_space<vmem>> -> memref<128xi32, #tpu.memory_space<vmem>>
        %dma_wait3A_197 = arith.constant 0 : i32
        %dma_wait3A_198 = arith.constant 0 : i32
        %dma_wait3A_199 = tpu.memref_slice %arg11[%dma_wait3A_197, %dma_wait3A_198] : memref<10240x128xf32, #tpu.memory_space<vmem_shared>> -> memref<10240x128xf32, #tpu.memory_space<vmem_shared>>
        tpu.wait_indirect_dma semaphore(%arg14 : memref<!tpu.dma_semaphore, #tpu.memory_space<semaphore_mem>>) src(%arg9 : memref<128x128xf32, #tpu.memory_space<vmem>>) dst(%dma_wait3A_199 : memref<10240x128xf32, #tpu.memory_space<vmem_shared>>)
      } else {
      }
      %add3A_174 = arith.constant 1 : i32
      %add3A_175 = arith.addi %add3A_168, %add3A_174 : i32
      %lt3A_176 = arith.constant 40 : i32
      %lt3A_177 = arith.cmpi slt, %add3A_175, %lt3A_176 : i32
      %convert_element_type3A_178 = arith.extui %lt3A_177 : i1 to i32
      %cond3A_179 = arith.constant 0 : i32
      %cond3A_180 = arith.cmpi ne, %convert_element_type3A_178, %cond3A_179 : i32
      scf.if %cond3A_180 {
        %add3A_193 = arith.constant 1 : i32
        %add3A_194 = arith.addi %add3A_168, %add3A_193 : i32
        %dma_start3A_195 = arith.constant 0 : i32
        %dma_start3A_196 = tpu.memref_slice %arg7[%add3A_194, %dma_start3A_195] : memref<40x128xi32, #tpu.memory_space<vmem>> -> memref<1x128xi32, #tpu.memory_space<vmem>>
        %dma_start3A_197 = tpu.memref_squeeze %dma_start3A_196 : memref<1x128xi32, #tpu.memory_space<vmem>> -> memref<128xi32, #tpu.memory_space<vmem>>
        %dma_start3A_198 = arith.constant 0 : i32
        %dma_start3A_199 = arith.constant 0 : i32
        %dma_start3A_200 = tpu.memref_slice %arg2[%dma_start3A_198, %dma_start3A_199] : memref<10000x128xf32, #tpu.memory_space<hbm>> -> memref<10000x128xf32, #tpu.memory_space<hbm>>
        tpu.enqueue_indirect_dma source(%dma_start3A_200 : memref<10000x128xf32, #tpu.memory_space<hbm>>) target(%arg9 : memref<128x128xf32, #tpu.memory_space<vmem>>) offsets(%dma_start3A_197 : memref<128xi32, #tpu.memory_space<vmem>>) semaphore(%arg12 : memref<!tpu.dma_semaphore, #tpu.memory_space<semaphore_mem>>)
      } else {
      }
      %dma_wait3A_181 = arith.constant 0 : i32
      %dma_wait3A_182 = tpu.memref_slice %arg7[%add3A_168, %dma_wait3A_181] : memref<40x128xi32, #tpu.memory_space<vmem>> -> memref<1x128xi32, #tpu.memory_space<vmem>>
      %dma_wait3A_183 = tpu.memref_squeeze %dma_wait3A_182 : memref<1x128xi32, #tpu.memory_space<vmem>> -> memref<128xi32, #tpu.memory_space<vmem>>
      %dma_wait3A_184 = arith.constant 0 : i32
      %dma_wait3A_185 = arith.constant 0 : i32
      %dma_wait3A_186 = tpu.memref_slice %arg2[%dma_wait3A_184, %dma_wait3A_185] : memref<10000x128xf32, #tpu.memory_space<hbm>> -> memref<10000x128xf32, #tpu.memory_space<hbm>>
      tpu.wait_indirect_dma semaphore(%arg13 : memref<!tpu.dma_semaphore, #tpu.memory_space<semaphore_mem>>) src(%dma_wait3A_186 : memref<10000x128xf32, #tpu.memory_space<hbm>>) dst(%arg10 : memref<128x128xf32, #tpu.memory_space<vmem>>)
      %dma_start3A_187 = arith.constant 0 : i32
      %dma_start3A_188 = tpu.memref_slice %arg8[%add3A_168, %dma_start3A_187] : memref<40x128xi32, #tpu.memory_space<vmem>> -> memref<1x128xi32, #tpu.memory_space<vmem>>
      %dma_start3A_189 = tpu.memref_squeeze %dma_start3A_188 : memref<1x128xi32, #tpu.memory_space<vmem>> -> memref<128xi32, #tpu.memory_space<vmem>>
      %dma_start3A_190 = arith.constant 0 : i32
      %dma_start3A_191 = arith.constant 0 : i32
      %dma_start3A_192 = tpu.memref_slice %arg11[%dma_start3A_190, %dma_start3A_191] : memref<10240x128xf32, #tpu.memory_space<vmem_shared>> -> memref<10240x128xf32, #tpu.memory_space<vmem_shared>>
      tpu.enqueue_indirect_dma source(%arg10 : memref<128x128xf32, #tpu.memory_space<vmem>>) target(%dma_start3A_192 : memref<10240x128xf32, #tpu.memory_space<vmem_shared>>) offsets(%dma_start3A_189 : memref<128xi32, #tpu.memory_space<vmem>>) semaphore(%arg15 : memref<!tpu.dma_semaphore, #tpu.memory_space<semaphore_mem>>) {add = true}
    }
    %scan3A_99 = arith.constant 20 : i32
    %dma_wait3A_100 = arith.constant 39 : i32
    %dma_wait3A_101 = arith.constant 0 : i32
    %dma_wait3A_102 = tpu.memref_slice %arg8[%dma_wait3A_100, %dma_wait3A_101] : memref<40x128xi32, #tpu.memory_space<vmem>> -> memref<1x128xi32, #tpu.memory_space<vmem>>
    %dma_wait3A_103 = tpu.memref_squeeze %dma_wait3A_102 : memref<1x128xi32, #tpu.memory_space<vmem>> -> memref<128xi32, #tpu.memory_space<vmem>>
    %dma_wait3A_104 = arith.constant 0 : i32
    %dma_wait3A_105 = arith.constant 0 : i32
    %dma_wait3A_106 = tpu.memref_slice %arg11[%dma_wait3A_104, %dma_wait3A_105] : memref<10240x128xf32, #tpu.memory_space<vmem_shared>> -> memref<10240x128xf32, #tpu.memory_space<vmem_shared>>
    tpu.wait_indirect_dma semaphore(%arg15 : memref<!tpu.dma_semaphore, #tpu.memory_space<semaphore_mem>>) src(%arg10 : memref<128x128xf32, #tpu.memory_space<vmem>>) dst(%dma_wait3A_106 : memref<10240x128xf32, #tpu.memory_space<vmem_shared>>)
    %mul3A_107 = arith.constant 80 : i32
    %mul3A_108 = arith.muli %add3A, %mul3A_107 : i32
    %add3A_109 = arith.constant 40 : i32
    %add3A_110 = arith.addi %mul3A_108, %add3A_109 : i32
    "tpu.region"() ({
      %run_scoped3A = tpu.sem_alloc : memref<!tpu.dma_semaphore, #tpu.memory_space<semaphore_mem>>
      %dma_start3A_138 = arith.constant 0 : i32
      %dma_start3A_139 = tpu.memref_slice %arg3[%add3A_110, %dma_start3A_138] : memref<2560x128xi32, #tpu.memory_space<hbm>> -> memref<40x128xi32, #tpu.memory_space<hbm>>
      %dma_start3A_140 = arith.constant 0 : i32
      %dma_start3A_141 = tpu.memref_slice %arg3[%add3A_110, %dma_start3A_140] : memref<2560x128xi32, #tpu.memory_space<hbm>> -> memref<40x128xi32, #tpu.memory_space<hbm>>
      tpu.enqueue_dma source(%dma_start3A_141 : memref<40x128xi32, #tpu.memory_space<hbm>>) target(%arg7 : memref<40x128xi32, #tpu.memory_space<vmem>>) target_semaphore(%run_scoped3A : memref<!tpu.dma_semaphore, #tpu.memory_space<semaphore_mem>>)
      %dma_wait3A_142 = arith.constant 0 : i32
      %dma_wait3A_143 = tpu.memref_slice %arg3[%add3A_110, %dma_wait3A_142] : memref<2560x128xi32, #tpu.memory_space<hbm>> -> memref<40x128xi32, #tpu.memory_space<hbm>>
      %dma_wait3A_144 = arith.constant 0 : i32
      %dma_wait3A_145 = tpu.memref_slice %arg3[%add3A_110, %dma_wait3A_144] : memref<2560x128xi32, #tpu.memory_space<hbm>> -> memref<40x128xi32, #tpu.memory_space<hbm>>
      tpu.wait_dma2 semaphore(%run_scoped3A : memref<!tpu.dma_semaphore, #tpu.memory_space<semaphore_mem>>) src(%dma_wait3A_145 : memref<40x128xi32, #tpu.memory_space<hbm>>) dst(%arg7 : memref<40x128xi32, #tpu.memory_space<vmem>>)
      tpu.yield
    }) : () -> ()
    "tpu.region"() ({
      %run_scoped3A = tpu.sem_alloc : memref<!tpu.dma_semaphore, #tpu.memory_space<semaphore_mem>>
      %dma_start3A_138 = arith.constant 0 : i32
      %dma_start3A_139 = tpu.memref_slice %arg4[%add3A_110, %dma_start3A_138] : memref<2560x128xi32, #tpu.memory_space<hbm>> -> memref<40x128xi32, #tpu.memory_space<hbm>>
      %dma_start3A_140 = arith.constant 0 : i32
      %dma_start3A_141 = tpu.memref_slice %arg4[%add3A_110, %dma_start3A_140] : memref<2560x128xi32, #tpu.memory_space<hbm>> -> memref<40x128xi32, #tpu.memory_space<hbm>>
      tpu.enqueue_dma source(%dma_start3A_141 : memref<40x128xi32, #tpu.memory_space<hbm>>) target(%arg8 : memref<40x128xi32, #tpu.memory_space<vmem>>) target_semaphore(%run_scoped3A : memref<!tpu.dma_semaphore, #tpu.memory_space<semaphore_mem>>)
      %dma_wait3A_142 = arith.constant 0 : i32
      %dma_wait3A_143 = tpu.memref_slice %arg4[%add3A_110, %dma_wait3A_142] : memref<2560x128xi32, #tpu.memory_space<hbm>> -> memref<40x128xi32, #tpu.memory_space<hbm>>
      %dma_wait3A_144 = arith.constant 0 : i32
      %dma_wait3A_145 = tpu.memref_slice %arg4[%add3A_110, %dma_wait3A_144] : memref<2560x128xi32, #tpu.memory_space<hbm>> -> memref<40x128xi32, #tpu.memory_space<hbm>>
      tpu.wait_dma2 semaphore(%run_scoped3A : memref<!tpu.dma_semaphore, #tpu.memory_space<semaphore_mem>>) src(%dma_wait3A_145 : memref<40x128xi32, #tpu.memory_space<hbm>>) dst(%arg8 : memref<40x128xi32, #tpu.memory_space<vmem>>)
      tpu.yield
    }) : () -> ()
    %dma_start3A_111 = arith.constant 0 : i32
    %dma_start3A_112 = arith.constant 0 : i32
    %dma_start3A_113 = tpu.memref_slice %arg7[%dma_start3A_111, %dma_start3A_112] : memref<40x128xi32, #tpu.memory_space<vmem>> -> memref<1x128xi32, #tpu.memory_space<vmem>>
    %dma_start3A_114 = tpu.memref_squeeze %dma_start3A_113 : memref<1x128xi32, #tpu.memory_space<vmem>> -> memref<128xi32, #tpu.memory_space<vmem>>
    %dma_start3A_115 = arith.constant 0 : i32
    %dma_start3A_116 = arith.constant 0 : i32
    %dma_start3A_117 = tpu.memref_slice %arg2[%dma_start3A_115, %dma_start3A_116] : memref<10000x128xf32, #tpu.memory_space<hbm>> -> memref<10000x128xf32, #tpu.memory_space<hbm>>
    tpu.enqueue_indirect_dma source(%dma_start3A_117 : memref<10000x128xf32, #tpu.memory_space<hbm>>) target(%arg9 : memref<128x128xf32, #tpu.memory_space<vmem>>) offsets(%dma_start3A_114 : memref<128xi32, #tpu.memory_space<vmem>>) semaphore(%arg12 : memref<!tpu.dma_semaphore, #tpu.memory_space<semaphore_mem>>)
    %scan3A_118 = arith.constant 0 : i32
    %scan3A_119 = arith.constant 20 : i32
    %scan3A_120 = arith.addi %scan3A_118, %scan3A_119 : i32
    %scan3A_121 = arith.constant 1 : i32
    scf.for %scan3A_138 = %scan3A_118 to %scan3A_120 step %scan3A_121  : i32 {
      %mul3A_139 = arith.constant 2 : i32
      %mul3A_140 = arith.muli %mul3A_139, %scan3A_138 : i32
      %add3A_141 = arith.constant 0 : i32
      %add3A_142 = arith.addi %mul3A_140, %add3A_141 : i32
      %ge3A = arith.constant 1 : i32
      %ge3A_143 = arith.cmpi sge, %add3A_142, %ge3A : i32
      %convert_element_type3A_144 = arith.extui %ge3A_143 : i1 to i32
      %cond3A_145 = arith.constant 0 : i32
      %cond3A_146 = arith.cmpi ne, %convert_element_type3A_144, %cond3A_145 : i32
      scf.if %cond3A_146 {
        %sub3A = arith.constant 1 : i32
        %sub3A_193 = arith.subi %add3A_142, %sub3A : i32
        %dma_wait3A_194 = arith.constant 0 : i32
        %dma_wait3A_195 = tpu.memref_slice %arg8[%sub3A_193, %dma_wait3A_194] : memref<40x128xi32, #tpu.memory_space<vmem>> -> memref<1x128xi32, #tpu.memory_space<vmem>>
        %dma_wait3A_196 = tpu.memref_squeeze %dma_wait3A_195 : memref<1x128xi32, #tpu.memory_space<vmem>> -> memref<128xi32, #tpu.memory_space<vmem>>
        %dma_wait3A_197 = arith.constant 0 : i32
        %dma_wait3A_198 = arith.constant 0 : i32
        %dma_wait3A_199 = tpu.memref_slice %arg11[%dma_wait3A_197, %dma_wait3A_198] : memref<10240x128xf32, #tpu.memory_space<vmem_shared>> -> memref<10240x128xf32, #tpu.memory_space<vmem_shared>>
        tpu.wait_indirect_dma semaphore(%arg15 : memref<!tpu.dma_semaphore, #tpu.memory_space<semaphore_mem>>) src(%arg10 : memref<128x128xf32, #tpu.memory_space<vmem>>) dst(%dma_wait3A_199 : memref<10240x128xf32, #tpu.memory_space<vmem_shared>>)
      } else {
      }
      %add3A_147 = arith.constant 1 : i32
      %add3A_148 = arith.addi %add3A_142, %add3A_147 : i32
      %lt3A = arith.constant 40 : i32
      %lt3A_149 = arith.cmpi slt, %add3A_148, %lt3A : i32
      %convert_element_type3A_150 = arith.extui %lt3A_149 : i1 to i32
      %cond3A_151 = arith.constant 0 : i32
      %cond3A_152 = arith.cmpi ne, %convert_element_type3A_150, %cond3A_151 : i32
      scf.if %cond3A_152 {
        %add3A_193 = arith.constant 1 : i32
        %add3A_194 = arith.addi %add3A_142, %add3A_193 : i32
        %dma_start3A_195 = arith.constant 0 : i32
        %dma_start3A_196 = tpu.memref_slice %arg7[%add3A_194, %dma_start3A_195] : memref<40x128xi32, #tpu.memory_space<vmem>> -> memref<1x128xi32, #tpu.memory_space<vmem>>
        %dma_start3A_197 = tpu.memref_squeeze %dma_start3A_196 : memref<1x128xi32, #tpu.memory_space<vmem>> -> memref<128xi32, #tpu.memory_space<vmem>>
        %dma_start3A_198 = arith.constant 0 : i32
        %dma_start3A_199 = arith.constant 0 : i32
        %dma_start3A_200 = tpu.memref_slice %arg2[%dma_start3A_198, %dma_start3A_199] : memref<10000x128xf32, #tpu.memory_space<hbm>> -> memref<10000x128xf32, #tpu.memory_space<hbm>>
        tpu.enqueue_indirect_dma source(%dma_start3A_200 : memref<10000x128xf32, #tpu.memory_space<hbm>>) target(%arg10 : memref<128x128xf32, #tpu.memory_space<vmem>>) offsets(%dma_start3A_197 : memref<128xi32, #tpu.memory_space<vmem>>) semaphore(%arg13 : memref<!tpu.dma_semaphore, #tpu.memory_space<semaphore_mem>>)
      } else {
      }
      %dma_wait3A_153 = arith.constant 0 : i32
      %dma_wait3A_154 = tpu.memref_slice %arg7[%add3A_142, %dma_wait3A_153] : memref<40x128xi32, #tpu.memory_space<vmem>> -> memref<1x128xi32, #tpu.memory_space<vmem>>
      %dma_wait3A_155 = tpu.memref_squeeze %dma_wait3A_154 : memref<1x128xi32, #tpu.memory_space<vmem>> -> memref<128xi32, #tpu.memory_space<vmem>>
      %dma_wait3A_156 = arith.constant 0 : i32
      %dma_wait3A_157 = arith.constant 0 : i32
      %dma_wait3A_158 = tpu.memref_slice %arg2[%dma_wait3A_156, %dma_wait3A_157] : memref<10000x128xf32, #tpu.memory_space<hbm>> -> memref<10000x128xf32, #tpu.memory_space<hbm>>
      tpu.wait_indirect_dma semaphore(%arg12 : memref<!tpu.dma_semaphore, #tpu.memory_space<semaphore_mem>>) src(%dma_wait3A_158 : memref<10000x128xf32, #tpu.memory_space<hbm>>) dst(%arg9 : memref<128x128xf32, #tpu.memory_space<vmem>>)
      %dma_start3A_159 = arith.constant 0 : i32
      %dma_start3A_160 = tpu.memref_slice %arg8[%add3A_142, %dma_start3A_159] : memref<40x128xi32, #tpu.memory_space<vmem>> -> memref<1x128xi32, #tpu.memory_space<vmem>>
      %dma_start3A_161 = tpu.memref_squeeze %dma_start3A_160 : memref<1x128xi32, #tpu.memory_space<vmem>> -> memref<128xi32, #tpu.memory_space<vmem>>
      %dma_start3A_162 = arith.constant 0 : i32
      %dma_start3A_163 = arith.constant 0 : i32
      %dma_start3A_164 = tpu.memref_slice %arg11[%dma_start3A_162, %dma_start3A_163] : memref<10240x128xf32, #tpu.memory_space<vmem_shared>> -> memref<10240x128xf32, #tpu.memory_space<vmem_shared>>
      tpu.enqueue_indirect_dma source(%arg9 : memref<128x128xf32, #tpu.memory_space<vmem>>) target(%dma_start3A_164 : memref<10240x128xf32, #tpu.memory_space<vmem_shared>>) offsets(%dma_start3A_161 : memref<128xi32, #tpu.memory_space<vmem>>) semaphore(%arg14 : memref<!tpu.dma_semaphore, #tpu.memory_space<semaphore_mem>>) {add = true}
      %mul3A_165 = arith.constant 2 : i32
      %mul3A_166 = arith.muli %mul3A_165, %scan3A_138 : i32
      %add3A_167 = arith.constant 1 : i32
      %add3A_168 = arith.addi %mul3A_166, %add3A_167 : i32
      %ge3A_169 = arith.constant 1 : i32
      %ge3A_170 = arith.cmpi sge, %add3A_168, %ge3A_169 : i32
      %convert_element_type3A_171 = arith.extui %ge3A_170 : i1 to i32
      %cond3A_172 = arith.constant 0 : i32
      %cond3A_173 = arith.cmpi ne, %convert_element_type3A_171, %cond3A_172 : i32
      scf.if %cond3A_173 {
        %sub3A = arith.constant 1 : i32
        %sub3A_193 = arith.subi %add3A_168, %sub3A : i32
        %dma_wait3A_194 = arith.constant 0 : i32
        %dma_wait3A_195 = tpu.memref_slice %arg8[%sub3A_193, %dma_wait3A_194] : memref<40x128xi32, #tpu.memory_space<vmem>> -> memref<1x128xi32, #tpu.memory_space<vmem>>
        %dma_wait3A_196 = tpu.memref_squeeze %dma_wait3A_195 : memref<1x128xi32, #tpu.memory_space<vmem>> -> memref<128xi32, #tpu.memory_space<vmem>>
        %dma_wait3A_197 = arith.constant 0 : i32
        %dma_wait3A_198 = arith.constant 0 : i32
        %dma_wait3A_199 = tpu.memref_slice %arg11[%dma_wait3A_197, %dma_wait3A_198] : memref<10240x128xf32, #tpu.memory_space<vmem_shared>> -> memref<10240x128xf32, #tpu.memory_space<vmem_shared>>
        tpu.wait_indirect_dma semaphore(%arg14 : memref<!tpu.dma_semaphore, #tpu.memory_space<semaphore_mem>>) src(%arg9 : memref<128x128xf32, #tpu.memory_space<vmem>>) dst(%dma_wait3A_199 : memref<10240x128xf32, #tpu.memory_space<vmem_shared>>)
      } else {
      }
      %add3A_174 = arith.constant 1 : i32
      %add3A_175 = arith.addi %add3A_168, %add3A_174 : i32
      %lt3A_176 = arith.constant 40 : i32
      %lt3A_177 = arith.cmpi slt, %add3A_175, %lt3A_176 : i32
      %convert_element_type3A_178 = arith.extui %lt3A_177 : i1 to i32
      %cond3A_179 = arith.constant 0 : i32
      %cond3A_180 = arith.cmpi ne, %convert_element_type3A_178, %cond3A_179 : i32
      scf.if %cond3A_180 {
        %add3A_193 = arith.constant 1 : i32
        %add3A_194 = arith.addi %add3A_168, %add3A_193 : i32
        %dma_start3A_195 = arith.constant 0 : i32
        %dma_start3A_196 = tpu.memref_slice %arg7[%add3A_194, %dma_start3A_195] : memref<40x128xi32, #tpu.memory_space<vmem>> -> memref<1x128xi32, #tpu.memory_space<vmem>>
        %dma_start3A_197 = tpu.memref_squeeze %dma_start3A_196 : memref<1x128xi32, #tpu.memory_space<vmem>> -> memref<128xi32, #tpu.memory_space<vmem>>
        %dma_start3A_198 = arith.constant 0 : i32
        %dma_start3A_199 = arith.constant 0 : i32
        %dma_start3A_200 = tpu.memref_slice %arg2[%dma_start3A_198, %dma_start3A_199] : memref<10000x128xf32, #tpu.memory_space<hbm>> -> memref<10000x128xf32, #tpu.memory_space<hbm>>
        tpu.enqueue_indirect_dma source(%dma_start3A_200 : memref<10000x128xf32, #tpu.memory_space<hbm>>) target(%arg9 : memref<128x128xf32, #tpu.memory_space<vmem>>) offsets(%dma_start3A_197 : memref<128xi32, #tpu.memory_space<vmem>>) semaphore(%arg12 : memref<!tpu.dma_semaphore, #tpu.memory_space<semaphore_mem>>)
      } else {
      }
      %dma_wait3A_181 = arith.constant 0 : i32
      %dma_wait3A_182 = tpu.memref_slice %arg7[%add3A_168, %dma_wait3A_181] : memref<40x128xi32, #tpu.memory_space<vmem>> -> memref<1x128xi32, #tpu.memory_space<vmem>>
      %dma_wait3A_183 = tpu.memref_squeeze %dma_wait3A_182 : memref<1x128xi32, #tpu.memory_space<vmem>> -> memref<128xi32, #tpu.memory_space<vmem>>
      %dma_wait3A_184 = arith.constant 0 : i32
      %dma_wait3A_185 = arith.constant 0 : i32
      %dma_wait3A_186 = tpu.memref_slice %arg2[%dma_wait3A_184, %dma_wait3A_185] : memref<10000x128xf32, #tpu.memory_space<hbm>> -> memref<10000x128xf32, #tpu.memory_space<hbm>>
      tpu.wait_indirect_dma semaphore(%arg13 : memref<!tpu.dma_semaphore, #tpu.memory_space<semaphore_mem>>) src(%dma_wait3A_186 : memref<10000x128xf32, #tpu.memory_space<hbm>>) dst(%arg10 : memref<128x128xf32, #tpu.memory_space<vmem>>)
      %dma_start3A_187 = arith.constant 0 : i32
      %dma_start3A_188 = tpu.memref_slice %arg8[%add3A_168, %dma_start3A_187] : memref<40x128xi32, #tpu.memory_space<vmem>> -> memref<1x128xi32, #tpu.memory_space<vmem>>
      %dma_start3A_189 = tpu.memref_squeeze %dma_start3A_188 : memref<1x128xi32, #tpu.memory_space<vmem>> -> memref<128xi32, #tpu.memory_space<vmem>>
      %dma_start3A_190 = arith.constant 0 : i32
      %dma_start3A_191 = arith.constant 0 : i32
      %dma_start3A_192 = tpu.memref_slice %arg11[%dma_start3A_190, %dma_start3A_191] : memref<10240x128xf32, #tpu.memory_space<vmem_shared>> -> memref<10240x128xf32, #tpu.memory_space<vmem_shared>>
      tpu.enqueue_indirect_dma source(%arg10 : memref<128x128xf32, #tpu.memory_space<vmem>>) target(%dma_start3A_192 : memref<10240x128xf32, #tpu.memory_space<vmem_shared>>) offsets(%dma_start3A_189 : memref<128xi32, #tpu.memory_space<vmem>>) semaphore(%arg15 : memref<!tpu.dma_semaphore, #tpu.memory_space<semaphore_mem>>) {add = true}
    }
    %scan3A_122 = arith.constant 20 : i32
    %dma_wait3A_123 = arith.constant 39 : i32
    %dma_wait3A_124 = arith.constant 0 : i32
    %dma_wait3A_125 = tpu.memref_slice %arg8[%dma_wait3A_123, %dma_wait3A_124] : memref<40x128xi32, #tpu.memory_space<vmem>> -> memref<1x128xi32, #tpu.memory_space<vmem>>
    %dma_wait3A_126 = tpu.memref_squeeze %dma_wait3A_125 : memref<1x128xi32, #tpu.memory_space<vmem>> -> memref<128xi32, #tpu.memory_space<vmem>>
    %dma_wait3A_127 = arith.constant 0 : i32
    %dma_wait3A_128 = arith.constant 0 : i32
    %dma_wait3A_129 = tpu.memref_slice %arg11[%dma_wait3A_127, %dma_wait3A_128] : memref<10240x128xf32, #tpu.memory_space<vmem_shared>> -> memref<10240x128xf32, #tpu.memory_space<vmem_shared>>
    tpu.wait_indirect_dma semaphore(%arg15 : memref<!tpu.dma_semaphore, #tpu.memory_space<semaphore_mem>>) src(%arg10 : memref<128x128xf32, #tpu.memory_space<vmem>>) dst(%dma_wait3A_129 : memref<10240x128xf32, #tpu.memory_space<vmem_shared>>)
    %barrier3A_130 = arith.constant 0 : index
    tpu.barrier barrier_id(%barrier3A_130)
    %eq3A = arith.constant 0 : i32
    %eq3A_131 = arith.cmpi eq, %arg0, %eq3A : i32
    %convert_element_type3A = arith.extui %eq3A_131 : i1 to i32
    %cond3A = arith.constant 0 : i32
    %cond3A_132 = arith.cmpi ne, %convert_element_type3A, %cond3A : i32
    scf.if %cond3A_132 {
      %mul3A_138 = arith.constant 640 : i32
      %mul3A_139 = arith.muli %arg1, %mul3A_138 : i32
      %add3A_140 = arith.constant 0 : i32
      %add3A_141 = arith.addi %mul3A_139, %add3A_140 : i32
      %dma_start3A_142 = arith.constant 0 : i32
      %dma_start3A_143 = tpu.memref_slice %arg5[%add3A_141, %dma_start3A_142] : memref<10240x128xf32, #tpu.memory_space<hbm>> -> memref<128x128xf32, #tpu.memory_space<hbm>>
      %dma_start3A_144 = arith.constant 0 : i32
      %dma_start3A_145 = tpu.memref_slice %arg11[%add3A_141, %dma_start3A_144] : memref<10240x128xf32, #tpu.memory_space<vmem_shared>> -> memref<128x128xf32, #tpu.memory_space<vmem_shared>>
      tpu.enqueue_dma source(%dma_start3A_145 : memref<128x128xf32, #tpu.memory_space<vmem_shared>>) target(%dma_start3A_143 : memref<128x128xf32, #tpu.memory_space<hbm>>) target_semaphore(%arg12 : memref<!tpu.dma_semaphore, #tpu.memory_space<semaphore_mem>>)
      %mul3A_146 = arith.constant 640 : i32
      %mul3A_147 = arith.muli %arg1, %mul3A_146 : i32
      %add3A_148 = arith.constant 128 : i32
      %add3A_149 = arith.addi %mul3A_147, %add3A_148 : i32
      %dma_start3A_150 = arith.constant 0 : i32
      %dma_start3A_151 = tpu.memref_slice %arg5[%add3A_149, %dma_start3A_150] : memref<10240x128xf32, #tpu.memory_space<hbm>> -> memref<128x128xf32, #tpu.memory_space<hbm>>
      %dma_start3A_152 = arith.constant 0 : i32
      %dma_start3A_153 = tpu.memref_slice %arg11[%add3A_149, %dma_start3A_152] : memref<10240x128xf32, #tpu.memory_space<vmem_shared>> -> memref<128x128xf32, #tpu.memory_space<vmem_shared>>
      tpu.enqueue_dma source(%dma_start3A_153 : memref<128x128xf32, #tpu.memory_space<vmem_shared>>) target(%dma_start3A_151 : memref<128x128xf32, #tpu.memory_space<hbm>>) target_semaphore(%arg12 : memref<!tpu.dma_semaphore, #tpu.memory_space<semaphore_mem>>)
      %mul3A_154 = arith.constant 640 : i32
      %mul3A_155 = arith.muli %arg1, %mul3A_154 : i32
      %add3A_156 = arith.constant 256 : i32
      %add3A_157 = arith.addi %mul3A_155, %add3A_156 : i32
      %dma_start3A_158 = arith.constant 0 : i32
      %dma_start3A_159 = tpu.memref_slice %arg5[%add3A_157, %dma_start3A_158] : memref<10240x128xf32, #tpu.memory_space<hbm>> -> memref<128x128xf32, #tpu.memory_space<hbm>>
      %dma_start3A_160 = arith.constant 0 : i32
      %dma_start3A_161 = tpu.memref_slice %arg11[%add3A_157, %dma_start3A_160] : memref<10240x128xf32, #tpu.memory_space<vmem_shared>> -> memref<128x128xf32, #tpu.memory_space<vmem_shared>>
      tpu.enqueue_dma source(%dma_start3A_161 : memref<128x128xf32, #tpu.memory_space<vmem_shared>>) target(%dma_start3A_159 : memref<128x128xf32, #tpu.memory_space<hbm>>) target_semaphore(%arg12 : memref<!tpu.dma_semaphore, #tpu.memory_space<semaphore_mem>>)
      %mul3A_162 = arith.constant 640 : i32
      %mul3A_163 = arith.muli %arg1, %mul3A_162 : i32
      %add3A_164 = arith.constant 384 : i32
      %add3A_165 = arith.addi %mul3A_163, %add3A_164 : i32
      %dma_start3A_166 = arith.constant 0 : i32
      %dma_start3A_167 = tpu.memref_slice %arg5[%add3A_165, %dma_start3A_166] : memref<10240x128xf32, #tpu.memory_space<hbm>> -> memref<128x128xf32, #tpu.memory_space<hbm>>
      %dma_start3A_168 = arith.constant 0 : i32
      %dma_start3A_169 = tpu.memref_slice %arg11[%add3A_165, %dma_start3A_168] : memref<10240x128xf32, #tpu.memory_space<vmem_shared>> -> memref<128x128xf32, #tpu.memory_space<vmem_shared>>
      tpu.enqueue_dma source(%dma_start3A_169 : memref<128x128xf32, #tpu.memory_space<vmem_shared>>) target(%dma_start3A_167 : memref<128x128xf32, #tpu.memory_space<hbm>>) target_semaphore(%arg12 : memref<!tpu.dma_semaphore, #tpu.memory_space<semaphore_mem>>)
      %mul3A_170 = arith.constant 640 : i32
      %mul3A_171 = arith.muli %arg1, %mul3A_170 : i32
      %add3A_172 = arith.constant 512 : i32
      %add3A_173 = arith.addi %mul3A_171, %add3A_172 : i32
      %dma_start3A_174 = arith.constant 0 : i32
      %dma_start3A_175 = tpu.memref_slice %arg5[%add3A_173, %dma_start3A_174] : memref<10240x128xf32, #tpu.memory_space<hbm>> -> memref<128x128xf32, #tpu.memory_space<hbm>>
      %dma_start3A_176 = arith.constant 0 : i32
      %dma_start3A_177 = tpu.memref_slice %arg11[%add3A_173, %dma_start3A_176] : memref<10240x128xf32, #tpu.memory_space<vmem_shared>> -> memref<128x128xf32, #tpu.memory_space<vmem_shared>>
      tpu.enqueue_dma source(%dma_start3A_177 : memref<128x128xf32, #tpu.memory_space<vmem_shared>>) target(%dma_start3A_175 : memref<128x128xf32, #tpu.memory_space<hbm>>) target_semaphore(%arg12 : memref<!tpu.dma_semaphore, #tpu.memory_space<semaphore_mem>>)
      %mul3A_178 = arith.constant 640 : i32
      %mul3A_179 = arith.muli %arg1, %mul3A_178 : i32
      %add3A_180 = arith.constant 0 : i32
      %add3A_181 = arith.addi %mul3A_179, %add3A_180 : i32
      %dma_wait3A_182 = arith.constant 0 : i32
      %dma_wait3A_183 = tpu.memref_slice %arg5[%add3A_181, %dma_wait3A_182] : memref<10240x128xf32, #tpu.memory_space<hbm>> -> memref<128x128xf32, #tpu.memory_space<hbm>>
      %dma_wait3A_184 = arith.constant 0 : i32
      %dma_wait3A_185 = tpu.memref_slice %arg11[%add3A_181, %dma_wait3A_184] : memref<10240x128xf32, #tpu.memory_space<vmem_shared>> -> memref<128x128xf32, #tpu.memory_space<vmem_shared>>
      tpu.wait_dma2 semaphore(%arg12 : memref<!tpu.dma_semaphore, #tpu.memory_space<semaphore_mem>>) src(%dma_wait3A_185 : memref<128x128xf32, #tpu.memory_space<vmem_shared>>) dst(%dma_wait3A_183 : memref<128x128xf32, #tpu.memory_space<hbm>>)
      %mul3A_186 = arith.constant 640 : i32
      %mul3A_187 = arith.muli %arg1, %mul3A_186 : i32
      %add3A_188 = arith.constant 128 : i32
      %add3A_189 = arith.addi %mul3A_187, %add3A_188 : i32
      %dma_wait3A_190 = arith.constant 0 : i32
      %dma_wait3A_191 = tpu.memref_slice %arg5[%add3A_189, %dma_wait3A_190] : memref<10240x128xf32, #tpu.memory_space<hbm>> -> memref<128x128xf32, #tpu.memory_space<hbm>>
      %dma_wait3A_192 = arith.constant 0 : i32
      %dma_wait3A_193 = tpu.memref_slice %arg11[%add3A_189, %dma_wait3A_192] : memref<10240x128xf32, #tpu.memory_space<vmem_shared>> -> memref<128x128xf32, #tpu.memory_space<vmem_shared>>
      tpu.wait_dma2 semaphore(%arg12 : memref<!tpu.dma_semaphore, #tpu.memory_space<semaphore_mem>>) src(%dma_wait3A_193 : memref<128x128xf32, #tpu.memory_space<vmem_shared>>) dst(%dma_wait3A_191 : memref<128x128xf32, #tpu.memory_space<hbm>>)
      %mul3A_194 = arith.constant 640 : i32
      %mul3A_195 = arith.muli %arg1, %mul3A_194 : i32
      %add3A_196 = arith.constant 256 : i32
      %add3A_197 = arith.addi %mul3A_195, %add3A_196 : i32
      %dma_wait3A_198 = arith.constant 0 : i32
      %dma_wait3A_199 = tpu.memref_slice %arg5[%add3A_197, %dma_wait3A_198] : memref<10240x128xf32, #tpu.memory_space<hbm>> -> memref<128x128xf32, #tpu.memory_space<hbm>>
      %dma_wait3A_200 = arith.constant 0 : i32
      %dma_wait3A_201 = tpu.memref_slice %arg11[%add3A_197, %dma_wait3A_200] : memref<10240x128xf32, #tpu.memory_space<vmem_shared>> -> memref<128x128xf32, #tpu.memory_space<vmem_shared>>
      tpu.wait_dma2 semaphore(%arg12 : memref<!tpu.dma_semaphore, #tpu.memory_space<semaphore_mem>>) src(%dma_wait3A_201 : memref<128x128xf32, #tpu.memory_space<vmem_shared>>) dst(%dma_wait3A_199 : memref<128x128xf32, #tpu.memory_space<hbm>>)
      %mul3A_202 = arith.constant 640 : i32
      %mul3A_203 = arith.muli %arg1, %mul3A_202 : i32
      %add3A_204 = arith.constant 384 : i32
      %add3A_205 = arith.addi %mul3A_203, %add3A_204 : i32
      %dma_wait3A_206 = arith.constant 0 : i32
      %dma_wait3A_207 = tpu.memref_slice %arg5[%add3A_205, %dma_wait3A_206] : memref<10240x128xf32, #tpu.memory_space<hbm>> -> memref<128x128xf32, #tpu.memory_space<hbm>>
      %dma_wait3A_208 = arith.constant 0 : i32
      %dma_wait3A_209 = tpu.memref_slice %arg11[%add3A_205, %dma_wait3A_208] : memref<10240x128xf32, #tpu.memory_space<vmem_shared>> -> memref<128x128xf32, #tpu.memory_space<vmem_shared>>
      tpu.wait_dma2 semaphore(%arg12 : memref<!tpu.dma_semaphore, #tpu.memory_space<semaphore_mem>>) src(%dma_wait3A_209 : memref<128x128xf32, #tpu.memory_space<vmem_shared>>) dst(%dma_wait3A_207 : memref<128x128xf32, #tpu.memory_space<hbm>>)
      %mul3A_210 = arith.constant 640 : i32
      %mul3A_211 = arith.muli %arg1, %mul3A_210 : i32
      %add3A_212 = arith.constant 512 : i32
      %add3A_213 = arith.addi %mul3A_211, %add3A_212 : i32
      %dma_wait3A_214 = arith.constant 0 : i32
      %dma_wait3A_215 = tpu.memref_slice %arg5[%add3A_213, %dma_wait3A_214] : memref<10240x128xf32, #tpu.memory_space<hbm>> -> memref<128x128xf32, #tpu.memory_space<hbm>>
      %dma_wait3A_216 = arith.constant 0 : i32
      %dma_wait3A_217 = tpu.memref_slice %arg11[%add3A_213, %dma_wait3A_216] : memref<10240x128xf32, #tpu.memory_space<vmem_shared>> -> memref<128x128xf32, #tpu.memory_space<vmem_shared>>
      tpu.wait_dma2 semaphore(%arg12 : memref<!tpu.dma_semaphore, #tpu.memory_space<semaphore_mem>>) src(%dma_wait3A_217 : memref<128x128xf32, #tpu.memory_space<vmem_shared>>) dst(%dma_wait3A_215 : memref<128x128xf32, #tpu.memory_space<hbm>>)
    } else {
    }
    %eq3A_133 = arith.constant 1 : i32
    %eq3A_134 = arith.cmpi eq, %arg0, %eq3A_133 : i32
    %convert_element_type3A_135 = arith.extui %eq3A_134 : i1 to i32
    %cond3A_136 = arith.constant 0 : i32
    %cond3A_137 = arith.cmpi ne, %convert_element_type3A_135, %cond3A_136 : i32
    scf.if %cond3A_137 {
      %mul3A_138 = arith.constant 640 : i32
      %mul3A_139 = arith.muli %arg1, %mul3A_138 : i32
      %add3A_140 = arith.constant 0 : i32
      %add3A_141 = arith.addi %mul3A_139, %add3A_140 : i32
      %dma_start3A_142 = arith.constant 0 : i32
      %dma_start3A_143 = tpu.memref_slice %arg6[%add3A_141, %dma_start3A_142] : memref<10240x128xf32, #tpu.memory_space<hbm>> -> memref<128x128xf32, #tpu.memory_space<hbm>>
      %dma_start3A_144 = arith.constant 0 : i32
      %dma_start3A_145 = tpu.memref_slice %arg11[%add3A_141, %dma_start3A_144] : memref<10240x128xf32, #tpu.memory_space<vmem_shared>> -> memref<128x128xf32, #tpu.memory_space<vmem_shared>>
      tpu.enqueue_dma source(%dma_start3A_145 : memref<128x128xf32, #tpu.memory_space<vmem_shared>>) target(%dma_start3A_143 : memref<128x128xf32, #tpu.memory_space<hbm>>) target_semaphore(%arg12 : memref<!tpu.dma_semaphore, #tpu.memory_space<semaphore_mem>>)
      %mul3A_146 = arith.constant 640 : i32
      %mul3A_147 = arith.muli %arg1, %mul3A_146 : i32
      %add3A_148 = arith.constant 128 : i32
      %add3A_149 = arith.addi %mul3A_147, %add3A_148 : i32
      %dma_start3A_150 = arith.constant 0 : i32
      %dma_start3A_151 = tpu.memref_slice %arg6[%add3A_149, %dma_start3A_150] : memref<10240x128xf32, #tpu.memory_space<hbm>> -> memref<128x128xf32, #tpu.memory_space<hbm>>
      %dma_start3A_152 = arith.constant 0 : i32
      %dma_start3A_153 = tpu.memref_slice %arg11[%add3A_149, %dma_start3A_152] : memref<10240x128xf32, #tpu.memory_space<vmem_shared>> -> memref<128x128xf32, #tpu.memory_space<vmem_shared>>
      tpu.enqueue_dma source(%dma_start3A_153 : memref<128x128xf32, #tpu.memory_space<vmem_shared>>) target(%dma_start3A_151 : memref<128x128xf32, #tpu.memory_space<hbm>>) target_semaphore(%arg12 : memref<!tpu.dma_semaphore, #tpu.memory_space<semaphore_mem>>)
      %mul3A_154 = arith.constant 640 : i32
      %mul3A_155 = arith.muli %arg1, %mul3A_154 : i32
      %add3A_156 = arith.constant 256 : i32
      %add3A_157 = arith.addi %mul3A_155, %add3A_156 : i32
      %dma_start3A_158 = arith.constant 0 : i32
      %dma_start3A_159 = tpu.memref_slice %arg6[%add3A_157, %dma_start3A_158] : memref<10240x128xf32, #tpu.memory_space<hbm>> -> memref<128x128xf32, #tpu.memory_space<hbm>>
      %dma_start3A_160 = arith.constant 0 : i32
      %dma_start3A_161 = tpu.memref_slice %arg11[%add3A_157, %dma_start3A_160] : memref<10240x128xf32, #tpu.memory_space<vmem_shared>> -> memref<128x128xf32, #tpu.memory_space<vmem_shared>>
      tpu.enqueue_dma source(%dma_start3A_161 : memref<128x128xf32, #tpu.memory_space<vmem_shared>>) target(%dma_start3A_159 : memref<128x128xf32, #tpu.memory_space<hbm>>) target_semaphore(%arg12 : memref<!tpu.dma_semaphore, #tpu.memory_space<semaphore_mem>>)
      %mul3A_162 = arith.constant 640 : i32
      %mul3A_163 = arith.muli %arg1, %mul3A_162 : i32
      %add3A_164 = arith.constant 384 : i32
      %add3A_165 = arith.addi %mul3A_163, %add3A_164 : i32
      %dma_start3A_166 = arith.constant 0 : i32
      %dma_start3A_167 = tpu.memref_slice %arg6[%add3A_165, %dma_start3A_166] : memref<10240x128xf32, #tpu.memory_space<hbm>> -> memref<128x128xf32, #tpu.memory_space<hbm>>
      %dma_start3A_168 = arith.constant 0 : i32
      %dma_start3A_169 = tpu.memref_slice %arg11[%add3A_165, %dma_start3A_168] : memref<10240x128xf32, #tpu.memory_space<vmem_shared>> -> memref<128x128xf32, #tpu.memory_space<vmem_shared>>
      tpu.enqueue_dma source(%dma_start3A_169 : memref<128x128xf32, #tpu.memory_space<vmem_shared>>) target(%dma_start3A_167 : memref<128x128xf32, #tpu.memory_space<hbm>>) target_semaphore(%arg12 : memref<!tpu.dma_semaphore, #tpu.memory_space<semaphore_mem>>)
      %mul3A_170 = arith.constant 640 : i32
      %mul3A_171 = arith.muli %arg1, %mul3A_170 : i32
      %add3A_172 = arith.constant 512 : i32
      %add3A_173 = arith.addi %mul3A_171, %add3A_172 : i32
      %dma_start3A_174 = arith.constant 0 : i32
      %dma_start3A_175 = tpu.memref_slice %arg6[%add3A_173, %dma_start3A_174] : memref<10240x128xf32, #tpu.memory_space<hbm>> -> memref<128x128xf32, #tpu.memory_space<hbm>>
      %dma_start3A_176 = arith.constant 0 : i32
      %dma_start3A_177 = tpu.memref_slice %arg11[%add3A_173, %dma_start3A_176] : memref<10240x128xf32, #tpu.memory_space<vmem_shared>> -> memref<128x128xf32, #tpu.memory_space<vmem_shared>>
      tpu.enqueue_dma source(%dma_start3A_177 : memref<128x128xf32, #tpu.memory_space<vmem_shared>>) target(%dma_start3A_175 : memref<128x128xf32, #tpu.memory_space<hbm>>) target_semaphore(%arg12 : memref<!tpu.dma_semaphore, #tpu.memory_space<semaphore_mem>>)
      %mul3A_178 = arith.constant 640 : i32
      %mul3A_179 = arith.muli %arg1, %mul3A_178 : i32
      %add3A_180 = arith.constant 0 : i32
      %add3A_181 = arith.addi %mul3A_179, %add3A_180 : i32
      %dma_wait3A_182 = arith.constant 0 : i32
      %dma_wait3A_183 = tpu.memref_slice %arg6[%add3A_181, %dma_wait3A_182] : memref<10240x128xf32, #tpu.memory_space<hbm>> -> memref<128x128xf32, #tpu.memory_space<hbm>>
      %dma_wait3A_184 = arith.constant 0 : i32
      %dma_wait3A_185 = tpu.memref_slice %arg11[%add3A_181, %dma_wait3A_184] : memref<10240x128xf32, #tpu.memory_space<vmem_shared>> -> memref<128x128xf32, #tpu.memory_space<vmem_shared>>
      tpu.wait_dma2 semaphore(%arg12 : memref<!tpu.dma_semaphore, #tpu.memory_space<semaphore_mem>>) src(%dma_wait3A_185 : memref<128x128xf32, #tpu.memory_space<vmem_shared>>) dst(%dma_wait3A_183 : memref<128x128xf32, #tpu.memory_space<hbm>>)
      %mul3A_186 = arith.constant 640 : i32
      %mul3A_187 = arith.muli %arg1, %mul3A_186 : i32
      %add3A_188 = arith.constant 128 : i32
      %add3A_189 = arith.addi %mul3A_187, %add3A_188 : i32
      %dma_wait3A_190 = arith.constant 0 : i32
      %dma_wait3A_191 = tpu.memref_slice %arg6[%add3A_189, %dma_wait3A_190] : memref<10240x128xf32, #tpu.memory_space<hbm>> -> memref<128x128xf32, #tpu.memory_space<hbm>>
      %dma_wait3A_192 = arith.constant 0 : i32
      %dma_wait3A_193 = tpu.memref_slice %arg11[%add3A_189, %dma_wait3A_192] : memref<10240x128xf32, #tpu.memory_space<vmem_shared>> -> memref<128x128xf32, #tpu.memory_space<vmem_shared>>
      tpu.wait_dma2 semaphore(%arg12 : memref<!tpu.dma_semaphore, #tpu.memory_space<semaphore_mem>>) src(%dma_wait3A_193 : memref<128x128xf32, #tpu.memory_space<vmem_shared>>) dst(%dma_wait3A_191 : memref<128x128xf32, #tpu.memory_space<hbm>>)
      %mul3A_194 = arith.constant 640 : i32
      %mul3A_195 = arith.muli %arg1, %mul3A_194 : i32
      %add3A_196 = arith.constant 256 : i32
      %add3A_197 = arith.addi %mul3A_195, %add3A_196 : i32
      %dma_wait3A_198 = arith.constant 0 : i32
      %dma_wait3A_199 = tpu.memref_slice %arg6[%add3A_197, %dma_wait3A_198] : memref<10240x128xf32, #tpu.memory_space<hbm>> -> memref<128x128xf32, #tpu.memory_space<hbm>>
      %dma_wait3A_200 = arith.constant 0 : i32
      %dma_wait3A_201 = tpu.memref_slice %arg11[%add3A_197, %dma_wait3A_200] : memref<10240x128xf32, #tpu.memory_space<vmem_shared>> -> memref<128x128xf32, #tpu.memory_space<vmem_shared>>
      tpu.wait_dma2 semaphore(%arg12 : memref<!tpu.dma_semaphore, #tpu.memory_space<semaphore_mem>>) src(%dma_wait3A_201 : memref<128x128xf32, #tpu.memory_space<vmem_shared>>) dst(%dma_wait3A_199 : memref<128x128xf32, #tpu.memory_space<hbm>>)
      %mul3A_202 = arith.constant 640 : i32
      %mul3A_203 = arith.muli %arg1, %mul3A_202 : i32
      %add3A_204 = arith.constant 384 : i32
      %add3A_205 = arith.addi %mul3A_203, %add3A_204 : i32
      %dma_wait3A_206 = arith.constant 0 : i32
      %dma_wait3A_207 = tpu.memref_slice %arg6[%add3A_205, %dma_wait3A_206] : memref<10240x128xf32, #tpu.memory_space<hbm>> -> memref<128x128xf32, #tpu.memory_space<hbm>>
      %dma_wait3A_208 = arith.constant 0 : i32
      %dma_wait3A_209 = tpu.memref_slice %arg11[%add3A_205, %dma_wait3A_208] : memref<10240x128xf32, #tpu.memory_space<vmem_shared>> -> memref<128x128xf32, #tpu.memory_space<vmem_shared>>
      tpu.wait_dma2 semaphore(%arg12 : memref<!tpu.dma_semaphore, #tpu.memory_space<semaphore_mem>>) src(%dma_wait3A_209 : memref<128x128xf32, #tpu.memory_space<vmem_shared>>) dst(%dma_wait3A_207 : memref<128x128xf32, #tpu.memory_space<hbm>>)
      %mul3A_210 = arith.constant 640 : i32
      %mul3A_211 = arith.muli %arg1, %mul3A_210 : i32
      %add3A_212 = arith.constant 512 : i32
      %add3A_213 = arith.addi %mul3A_211, %add3A_212 : i32
      %dma_wait3A_214 = arith.constant 0 : i32
      %dma_wait3A_215 = tpu.memref_slice %arg6[%add3A_213, %dma_wait3A_214] : memref<10240x128xf32, #tpu.memory_space<hbm>> -> memref<128x128xf32, #tpu.memory_space<hbm>>
      %dma_wait3A_216 = arith.constant 0 : i32
      %dma_wait3A_217 = tpu.memref_slice %arg11[%add3A_213, %dma_wait3A_216] : memref<10240x128xf32, #tpu.memory_space<vmem_shared>> -> memref<128x128xf32, #tpu.memory_space<vmem_shared>>
      tpu.wait_dma2 semaphore(%arg12 : memref<!tpu.dma_semaphore, #tpu.memory_space<semaphore_mem>>) src(%dma_wait3A_217 : memref<128x128xf32, #tpu.memory_space<vmem_shared>>) dst(%dma_wait3A_215 : memref<128x128xf32, #tpu.memory_space<hbm>>)
    } else {
    }
    return
  }
}

module attributes {stable_mosaic.version = 14 : i64} {
  func.func @_tc_first_body(%arg0: i32, %arg1: memref<2000x128xf32, #tpu.memory_space<vmem>>, %arg2: memref<128x128xf32, #tpu.memory_space<vmem>>, %arg3: memref<2000x1xf32, #tpu.memory_space<vmem>>, %arg4: memref<2000x1xf32, #tpu.memory_space<vmem>>, %arg5: memref<2000x128xf32, #tpu.memory_space<vmem>>) attributes {dimension_semantics = [#tpu.dimension_semantics<arbitrary>], iteration_bounds = array<i64: 5>, scalar_prefetch = 0 : i64, scratch_operands = 0 : i64, tpu.core_type = #tpu.core_type<tc>, window_params = [{transform_indices = @transform_0, window_bounds = array<i64: 2000, 128>}, {pipeline_mode = #tpu.pipeline_mode<synchronous>, transform_indices = @transform_1, window_bounds = array<i64: 128, 128>}, {transform_indices = @transform_2, window_bounds = array<i64: 2000, 1>}, {transform_indices = @transform_3, window_bounds = array<i64: 2000, 1>}, {transform_indices = @transform_4, window_bounds = array<i64: 2000, 128>}]} {
    %get3A = arith.constant 0 : index
    %get3A_0 = arith.constant 0 : index
    %get3A_1 = vector.load %arg1[%get3A, %get3A_0] : memref<2000x128xf32, #tpu.memory_space<vmem>>, vector<2000x128xf32>
    %get3A_2 = arith.constant 0 : index
    %get3A_3 = arith.constant 0 : index
    %get3A_4 = vector.load %arg2[%get3A_2, %get3A_3] : memref<128x128xf32, #tpu.memory_space<vmem>>, vector<128x128xf32>
    %dot_general3A = arith.constant dense<0.000000e+00> : vector<2000x128xf32>
    %dot_general3A_5 = tpu.matmul %get3A_1, %get3A_4, %dot_general3A {dimension_numbers = #tpu.dot_dimension_numbers<[1], [0], [0], [1], [0, 0, 1, 1], [], []>, transpose_lhs_hint = false} : vector<2000x128xf32>, vector<128x128xf32>, vector<2000x128xf32> -> vector<2000x128xf32>
    %get3A_6 = arith.constant 0 : index
    %get3A_7 = arith.constant 0 : index
    %get3A_8 = vector.load %arg3[%get3A_6, %get3A_7] : memref<2000x1xf32, #tpu.memory_space<vmem>>, vector<2000x1xf32>
    %get3A_9 = arith.constant 0 : index
    %get3A_10 = arith.constant 0 : index
    %get3A_11 = vector.load %arg4[%get3A_9, %get3A_10] : memref<2000x1xf32, #tpu.memory_space<vmem>>, vector<2000x1xf32>
    %add3A = arith.addf %get3A_8, %get3A_11 : vector<2000x1xf32>
    %add3A_12 = arith.constant 1.000000e+00 : f32
    %add3A_13 = vector.broadcast %add3A_12 : f32 to vector<2000x1xf32>
    %add3A_14 = arith.addf %add3A, %add3A_13 : vector<2000x1xf32>
    %rsqrt3A = math.rsqrt %add3A_14 : vector<2000x1xf32>
    %mul3A = vector.broadcast %rsqrt3A : vector<2000x1xf32> to vector<2000x128xf32>
    %mul3A_15 = arith.mulf %dot_general3A_5, %mul3A : vector<2000x128xf32>
    %swap3A = arith.constant 0 : index
    %swap3A_16 = arith.constant 0 : index
    %swap3A_17 = vector.load %arg5[%swap3A, %swap3A_16] : memref<2000x128xf32, #tpu.memory_space<vmem>>, vector<2000x128xf32>
    tpu.vector_store %arg5[%swap3A, %swap3A_16], %mul3A_15 {strides = array<i32>} : memref<2000x128xf32, #tpu.memory_space<vmem>>, vector<2000x128xf32>,
    return
  }
  func.func @transform_0(%arg0: i32) -> (i32, i32) {
    %c0_i32 = arith.constant 0 : i32
    %c0_i32_0 = arith.constant 0 : i32
    return %arg0, %c0_i32 : i32, i32
  }
  func.func @transform_1(%arg0: i32) -> (i32, i32) {
    %c0_i32 = arith.constant 0 : i32
    %c0_i32_0 = arith.constant 0 : i32
    %c0_i32_1 = arith.constant 0 : i32
    return %c0_i32, %c0_i32_0 : i32, i32
  }
  func.func @transform_2(%arg0: i32) -> (i32, i32) {
    %c0_i32 = arith.constant 0 : i32
    %c0_i32_0 = arith.constant 0 : i32
    return %arg0, %c0_i32 : i32, i32
  }
  func.func @transform_3(%arg0: i32) -> (i32, i32) {
    %c0_i32 = arith.constant 0 : i32
    %c0_i32_0 = arith.constant 0 : i32
    return %arg0, %c0_i32 : i32, i32
  }
  func.func @transform_4(%arg0: i32) -> (i32, i32) {
    %c0_i32 = arith.constant 0 : i32
    %c0_i32_0 = arith.constant 0 : i32
    return %arg0, %c0_i32 : i32, i32
  }
}

module attributes {stable_mosaic.version = 14 : i64} {
  func.func @_tc_last_body(%arg0: i32, %arg1: memref<2000x128xf32, #tpu.memory_space<vmem>>, %arg2: memref<2000x128xf32, #tpu.memory_space<vmem>>, %arg3: memref<2000x128xf32, #tpu.memory_space<vmem>>, %arg4: memref<2000x1xf32, #tpu.memory_space<vmem>>, %arg5: memref<2000x1xf32, #tpu.memory_space<vmem>>, %arg6: memref<1x128xf32, #tpu.memory_space<vmem>>, %arg7: memref<2000x128xf32, #tpu.memory_space<vmem>>) attributes {dimension_semantics = [#tpu.dimension_semantics<arbitrary>], iteration_bounds = array<i64: 5>, scalar_prefetch = 0 : i64, scratch_operands = 0 : i64, tpu.core_type = #tpu.core_type<tc>, window_params = [{transform_indices = @transform_0, window_bounds = array<i64: 2000, 128>}, {transform_indices = @transform_1, window_bounds = array<i64: 2000, 128>}, {transform_indices = @transform_2, window_bounds = array<i64: 2000, 128>}, {transform_indices = @transform_3, window_bounds = array<i64: 2000, 1>}, {transform_indices = @transform_4, window_bounds = array<i64: 2000, 1>}, {pipeline_mode = #tpu.pipeline_mode<synchronous>, transform_indices = @transform_5, window_bounds = array<i64: 1, 128>}, {transform_indices = @transform_6, window_bounds = array<i64: 2000, 128>}]} {
    %get3A = arith.constant 0 : index
    %get3A_0 = arith.constant 0 : index
    %get3A_1 = vector.load %arg4[%get3A, %get3A_0] : memref<2000x1xf32, #tpu.memory_space<vmem>>, vector<2000x1xf32>
    %get3A_2 = arith.constant 0 : index
    %get3A_3 = arith.constant 0 : index
    %get3A_4 = vector.load %arg5[%get3A_2, %get3A_3] : memref<2000x1xf32, #tpu.memory_space<vmem>>, vector<2000x1xf32>
    %add3A = arith.addf %get3A_1, %get3A_4 : vector<2000x1xf32>
    %add3A_5 = arith.constant 1.000000e+00 : f32
    %add3A_6 = vector.broadcast %add3A_5 : f32 to vector<2000x1xf32>
    %add3A_7 = arith.addf %add3A, %add3A_6 : vector<2000x1xf32>
    %rsqrt3A = math.rsqrt %add3A_7 : vector<2000x1xf32>
    %get3A_8 = arith.constant 0 : index
    %get3A_9 = arith.constant 0 : index
    %get3A_10 = vector.load %arg2[%get3A_8, %get3A_9] : memref<2000x128xf32, #tpu.memory_space<vmem>>, vector<2000x128xf32>
    %get3A_11 = arith.constant 0 : index
    %get3A_12 = arith.constant 0 : index
    %get3A_13 = vector.load %arg3[%get3A_11, %get3A_12] : memref<2000x128xf32, #tpu.memory_space<vmem>>, vector<2000x128xf32>
    %add3A_14 = arith.addf %get3A_10, %get3A_13 : vector<2000x128xf32>
    %get3A_15 = arith.constant 0 : index
    %get3A_16 = arith.constant 0 : index
    %get3A_17 = vector.load %arg1[%get3A_15, %get3A_16] : memref<2000x128xf32, #tpu.memory_space<vmem>>, vector<2000x128xf32>
    %add3A_18 = arith.addf %add3A_14, %get3A_17 : vector<2000x128xf32>
    %mul3A = vector.broadcast %rsqrt3A : vector<2000x1xf32> to vector<2000x128xf32>
    %mul3A_19 = arith.mulf %mul3A, %add3A_18 : vector<2000x128xf32>
    %get3A_20 = arith.constant 0 : index
    %get3A_21 = arith.constant 0 : index
    %get3A_22 = vector.load %arg6[%get3A_20, %get3A_21] : memref<1x128xf32, #tpu.memory_space<vmem>>, vector<1x128xf32>
    %add3A_23 = vector.broadcast %get3A_22 : vector<1x128xf32> to vector<2000x128xf32>
    %add3A_24 = arith.addf %mul3A_19, %add3A_23 : vector<2000x128xf32>
    %swap3A = arith.constant 0 : index
    %swap3A_25 = arith.constant 0 : index
    %swap3A_26 = vector.load %arg7[%swap3A, %swap3A_25] : memref<2000x128xf32, #tpu.memory_space<vmem>>, vector<2000x128xf32>
    tpu.vector_store %arg7[%swap3A, %swap3A_25], %add3A_24 {strides = array<i32>} : memref<2000x128xf32, #tpu.memory_space<vmem>>, vector<2000x128xf32>,
    return
  }
  func.func @transform_0(%arg0: i32) -> (i32, i32) {
    %c0_i32 = arith.constant 0 : i32
    %c0_i32_0 = arith.constant 0 : i32
    return %arg0, %c0_i32 : i32, i32
  }
  func.func @transform_1(%arg0: i32) -> (i32, i32) {
    %c0_i32 = arith.constant 0 : i32
    %c0_i32_0 = arith.constant 0 : i32
    return %arg0, %c0_i32 : i32, i32
  }
  func.func @transform_2(%arg0: i32) -> (i32, i32) {
    %c0_i32 = arith.constant 0 : i32
    %c0_i32_0 = arith.constant 0 : i32
    return %arg0, %c0_i32 : i32, i32
  }
  func.func @transform_3(%arg0: i32) -> (i32, i32) {
    %c0_i32 = arith.constant 0 : i32
    %c0_i32_0 = arith.constant 0 : i32
    return %arg0, %c0_i32 : i32, i32
  }
  func.func @transform_4(%arg0: i32) -> (i32, i32) {
    %c0_i32 = arith.constant 0 : i32
    %c0_i32_0 = arith.constant 0 : i32
    return %arg0, %c0_i32 : i32, i32
  }
  func.func @transform_5(%arg0: i32) -> (i32, i32) {
    %c0_i32 = arith.constant 0 : i32
    %c0_i32_0 = arith.constant 0 : i32
    %c0_i32_1 = arith.constant 0 : i32
    return %c0_i32, %c0_i32_0 : i32, i32
  }
  func.func @transform_6(%arg0: i32) -> (i32, i32) {
    %c0_i32 = arith.constant 0 : i32
    %c0_i32_0 = arith.constant 0 : i32
    return %arg0, %c0_i32 : i32, i32
  }
}

module attributes {stable_mosaic.version = 14 : i64} {
  func.func @_tc_mid_body(%arg0: i32, %arg1: memref<2000x128xf32, #tpu.memory_space<vmem>>, %arg2: memref<2000x128xf32, #tpu.memory_space<vmem>>, %arg3: memref<2000x128xf32, #tpu.memory_space<vmem>>, %arg4: memref<2000x1xf32, #tpu.memory_space<vmem>>, %arg5: memref<2000x1xf32, #tpu.memory_space<vmem>>, %arg6: memref<1x128xf32, #tpu.memory_space<vmem>>, %arg7: memref<128x128xf32, #tpu.memory_space<vmem>>, %arg8: memref<2000x128xf32, #tpu.memory_space<vmem>>) attributes {dimension_semantics = [#tpu.dimension_semantics<arbitrary>], iteration_bounds = array<i64: 5>, scalar_prefetch = 0 : i64, scratch_operands = 0 : i64, tpu.core_type = #tpu.core_type<tc>, window_params = [{transform_indices = @transform_0, window_bounds = array<i64: 2000, 128>}, {transform_indices = @transform_1, window_bounds = array<i64: 2000, 128>}, {transform_indices = @transform_2, window_bounds = array<i64: 2000, 128>}, {transform_indices = @transform_3, window_bounds = array<i64: 2000, 1>}, {transform_indices = @transform_4, window_bounds = array<i64: 2000, 1>}, {pipeline_mode = #tpu.pipeline_mode<synchronous>, transform_indices = @transform_5, window_bounds = array<i64: 1, 128>}, {pipeline_mode = #tpu.pipeline_mode<synchronous>, transform_indices = @transform_6, window_bounds = array<i64: 128, 128>}, {transform_indices = @transform_7, window_bounds = array<i64: 2000, 128>}]} {
    %get3A = arith.constant 0 : index
    %get3A_0 = arith.constant 0 : index
    %get3A_1 = vector.load %arg4[%get3A, %get3A_0] : memref<2000x1xf32, #tpu.memory_space<vmem>>, vector<2000x1xf32>
    %get3A_2 = arith.constant 0 : index
    %get3A_3 = arith.constant 0 : index
    %get3A_4 = vector.load %arg5[%get3A_2, %get3A_3] : memref<2000x1xf32, #tpu.memory_space<vmem>>, vector<2000x1xf32>
    %add3A = arith.addf %get3A_1, %get3A_4 : vector<2000x1xf32>
    %add3A_5 = arith.constant 1.000000e+00 : f32
    %add3A_6 = vector.broadcast %add3A_5 : f32 to vector<2000x1xf32>
    %add3A_7 = arith.addf %add3A, %add3A_6 : vector<2000x1xf32>
    %rsqrt3A = math.rsqrt %add3A_7 : vector<2000x1xf32>
    %get3A_8 = arith.constant 0 : index
    %get3A_9 = arith.constant 0 : index
    %get3A_10 = vector.load %arg2[%get3A_8, %get3A_9] : memref<2000x128xf32, #tpu.memory_space<vmem>>, vector<2000x128xf32>
    %get3A_11 = arith.constant 0 : index
    %get3A_12 = arith.constant 0 : index
    %get3A_13 = vector.load %arg3[%get3A_11, %get3A_12] : memref<2000x128xf32, #tpu.memory_space<vmem>>, vector<2000x128xf32>
    %add3A_14 = arith.addf %get3A_10, %get3A_13 : vector<2000x128xf32>
    %get3A_15 = arith.constant 0 : index
    %get3A_16 = arith.constant 0 : index
    %get3A_17 = vector.load %arg1[%get3A_15, %get3A_16] : memref<2000x128xf32, #tpu.memory_space<vmem>>, vector<2000x128xf32>
    %add3A_18 = arith.addf %add3A_14, %get3A_17 : vector<2000x128xf32>
    %mul3A = vector.broadcast %rsqrt3A : vector<2000x1xf32> to vector<2000x128xf32>
    %mul3A_19 = arith.mulf %mul3A, %add3A_18 : vector<2000x128xf32>
    %get3A_20 = arith.constant 0 : index
    %get3A_21 = arith.constant 0 : index
    %get3A_22 = vector.load %arg6[%get3A_20, %get3A_21] : memref<1x128xf32, #tpu.memory_space<vmem>>, vector<1x128xf32>
    %add3A_23 = vector.broadcast %get3A_22 : vector<1x128xf32> to vector<2000x128xf32>
    %add3A_24 = arith.addf %mul3A_19, %add3A_23 : vector<2000x128xf32>
    %max3A = arith.constant 0.000000e+00 : f32
    %max3A_25 = vector.broadcast %max3A : f32 to vector<2000x128xf32>
    %max3A_26 = arith.maximumf %add3A_24, %max3A_25 : vector<2000x128xf32>
    %get3A_27 = arith.constant 0 : index
    %get3A_28 = arith.constant 0 : index
    %get3A_29 = vector.load %arg7[%get3A_27, %get3A_28] : memref<128x128xf32, #tpu.memory_space<vmem>>, vector<128x128xf32>
    %dot_general3A = arith.constant dense<0.000000e+00> : vector<2000x128xf32>
    %dot_general3A_30 = tpu.matmul %max3A_26, %get3A_29, %dot_general3A {dimension_numbers = #tpu.dot_dimension_numbers<[1], [0], [0], [1], [0, 0, 1, 1], [], []>, transpose_lhs_hint = false} : vector<2000x128xf32>, vector<128x128xf32>, vector<2000x128xf32> -> vector<2000x128xf32>
    %mul3A_31 = vector.broadcast %rsqrt3A : vector<2000x1xf32> to vector<2000x128xf32>
    %mul3A_32 = arith.mulf %dot_general3A_30, %mul3A_31 : vector<2000x128xf32>
    %swap3A = arith.constant 0 : index
    %swap3A_33 = arith.constant 0 : index
    %swap3A_34 = vector.load %arg8[%swap3A, %swap3A_33] : memref<2000x128xf32, #tpu.memory_space<vmem>>, vector<2000x128xf32>
    tpu.vector_store %arg8[%swap3A, %swap3A_33], %mul3A_32 {strides = array<i32>} : memref<2000x128xf32, #tpu.memory_space<vmem>>, vector<2000x128xf32>,
    return
  }
  func.func @transform_0(%arg0: i32) -> (i32, i32) {
    %c0_i32 = arith.constant 0 : i32
    %c0_i32_0 = arith.constant 0 : i32
    return %arg0, %c0_i32 : i32, i32
  }
  func.func @transform_1(%arg0: i32) -> (i32, i32) {
    %c0_i32 = arith.constant 0 : i32
    %c0_i32_0 = arith.constant 0 : i32
    return %arg0, %c0_i32 : i32, i32
  }
  func.func @transform_2(%arg0: i32) -> (i32, i32) {
    %c0_i32 = arith.constant 0 : i32
    %c0_i32_0 = arith.constant 0 : i32
    return %arg0, %c0_i32 : i32, i32
  }
  func.func @transform_3(%arg0: i32) -> (i32, i32) {
    %c0_i32 = arith.constant 0 : i32
    %c0_i32_0 = arith.constant 0 : i32
    return %arg0, %c0_i32 : i32, i32
  }
  func.func @transform_4(%arg0: i32) -> (i32, i32) {
    %c0_i32 = arith.constant 0 : i32
    %c0_i32_0 = arith.constant 0 : i32
    return %arg0, %c0_i32 : i32, i32
  }
  func.func @transform_5(%arg0: i32) -> (i32, i32) {
    %c0_i32 = arith.constant 0 : i32
    %c0_i32_0 = arith.constant 0 : i32
    %c0_i32_1 = arith.constant 0 : i32
    return %c0_i32, %c0_i32_0 : i32, i32
  }
  func.func @transform_6(%arg0: i32) -> (i32, i32) {
    %c0_i32 = arith.constant 0 : i32
    %c0_i32_0 = arith.constant 0 : i32
    %c0_i32_1 = arith.constant 0 : i32
    return %c0_i32, %c0_i32_0 : i32, i32
  }
  func.func @transform_7(%arg0: i32) -> (i32, i32) {
    %c0_i32 = arith.constant 0 : i32
    %c0_i32_0 = arith.constant 0 : i32
    return %arg0, %c0_i32 : i32, i32
  }
}

</mosaic_0001>

<sc_bundles>
// kernel: kernel.10.cloned.1.call-start
scs
__scs_entry_jumppad:
0x0: {  	(pc) =	sbr.rel $0x88, $3  }
0x1: {  	(tag) =	ssettag $0x0;
	lr =	simm.s32 $0x1  }
0x2: {  	[smem:$0x3F99] =	sst lr;
	_ =	strace $0xD0000000  }
0x3: {  	_ = 	snop  }
0x4: {  	_ = 	snop  }
0x5: {  	_ = 	snop  }
0x6: {  	_ = 	snop  }
0x7: {  	_ = 	snop  }
__scs_overlays_trampoline_lowered:
0x8: {  	[smem:$0x3FA8] =	sst s0  }
0x9: {  	[smem:$0x3FA9] =	sst s1  }
0xa: {  	[smem:$0x3FAA] =	sst s2  }
0xb: {  	[smem:$0x3FAB] =	sst s3  }
0xc: {  	[smem:$0x3FAC] =	sst s4  }
0xd: {  	[smem:$0x3FAD] =	sst s5  }
0xe: {  	[smem:$0x3FAE] =	sst s6  }
0xf: {  	[smem:$0x3FAF] =	sst s7  }
0x10: {  	[smem:$0x3FB0] =	sst s8  }
0x11: {  	[smem:$0x3FB1] =	sst s9;
	s0 =	simm.s32 @!p0 $0x0  }
0x12: {  	s1 =	sld [smem:$0x3F97];
	s0 =	simm.s32 @p0 $0x1  }
0x13: {  	[smem:$0x3FB2] =	sst s0;
	s0 =	simm.s32 @!p1 $0x0  }
0x14: {  	s2 =	sld [smem:$0x3F96];
	s0 =	simm.s32 @p1 $0x1  }
0x15: {  	[smem:$0x3FB3] =	sst s0;
	s0 =	simm.s32 @!p2 $0x0  }
0x16: {  	s3 =	sld [smem:$0x3FDB];
	s0 =	simm.s32 @p2 $0x1  }
0x17: {  	s4 =	simm.s32 $0x1BF5;
	[smem:$0x3FB5] =	sst s0  }
0x18: {  	s0 =	sld [smem:$0x3F98];
	_ =	swait.ge [sflag:s4], $0x0  }
0x19: {  	s7 =	sld [smem:$0x3F99]  }
0x1a: {  	s8 =	sadd.s32 $0xFFFFE003, lr  }
0x1b: {  	s9 =	sadd.s32 $0xFFFFFEF7, lr;
	s5 =	simm.s32 $0xFFFFFFFF;
	p2 =	slt.u32 s8, $0xFFFFF086  }
0x1c: {  	p1 =	slt.u32 s9, $0xF7A;
	s5 =	simm.s32 @!p2 $0x0  }
0x1d: {  	s5 =	simm.s32 @p1 $0x1;
	p0 =	seq.s32 s7, s2  }
0x1e: {  	s7 =	smul.u32 @!p0 $0xF7A, s2;
	p2 =	seq.s32 @!p0 s5, $0x0  }
0x1f: {  	s9 =	smul.u32 $0xF7A, s1;
	s8 =	simm.s32 @!p0 $0x1BF5;
	p2 =	por !p2, p0  }
0x20: {  	[sflag:s8] =	ssyncset.s32 @!p0 $0xFFFFF086;
	s6 =	sadd.s32 @!p0 s3, s7;
	s7 =	simm.s32 @!p0 $0x108  }
0x21: {  	s3 =	sadd.s32 s3, s9;
	s6 =	sadd.s32 @!p0 $0x88, s6;
	s7 =	simm.s32 @p2 $0x1082  }
0x22: {  	[simem:s7], [sflag:s8] =	dma.local @!p0 [hbm:s6], $0xF7A  }
0x23: {  	s9 =	sor.u32 $0xD0000000, s2;
	s6 =	simm.s32 $0x108;
	_ =	swait.ge @!p0 [sflag:s8], $0x0  }
0x24: {  	s3 =	sadd.s32 $0x88, s3;
	s6 =	simm.s32 @!p1 $0x1082;
	[sflag:s4] =	ssyncset.s32 $0xFFFFF086  }
0x25: {  	[simem:s6], [sflag:s4] =	dma.local [hbm:s3], $0xF7A  }
0x26: {  	[smem:$0x3F99] =	sst s1;
	(tag) =	ssettag s2;
	_ =	strace s9  }
0x27: {  	s1 =	sld [smem:$0x3FA9]  }
0x28: {  	s2 =	sld [smem:$0x3FAA]  }
0x29: {  	s4 =	sld [smem:$0x3FAC]  }
0x2a: {  	p0 =	seq.s32 s5, $0x0;
	s5 =	sld [smem:$0x3FAD]  }
0x2b: {  	s6 =	sld [smem:$0x3FAE]  }
0x2c: {  	s7 =	sld [smem:$0x3FAF]  }
0x2d: {  	s3 =	simm.s32 $0x108;
	s8 =	sld [smem:$0x3FB0]  }
0x2e: {  	s3 =	simm.s32 @!p0 $0x1082;
	s9 =	sld [smem:$0x3FB1]  }
0x2f: {  	lr =	sadd.s32 s0, s3;
	s0 =	sld [smem:$0x3FA8]  }
0x30: {  	s3 =	sld [smem:$0x3FAB]  }
0x31: {  	[smem:$0x3FB4] =	sst s10  }
0x32: {  	s10 =	sld [smem:$0x3FB2];
	_ =	sdelay $0x3  }
0x33: {  	p0 =	seq.s32 s10, $0x1;
	s10 =	sld [smem:$0x3FB4];
	_ =	sdelay $0x3  }
0x34: {  	[smem:$0x3FB4] =	sst s10  }
0x35: {  	s10 =	sld [smem:$0x3FB3];
	_ =	sdelay $0x3  }
0x36: {  	p1 =	seq.s32 s10, $0x1;
	s10 =	sld [smem:$0x3FB4];
	_ =	sdelay $0x3  }
0x37: {  	[smem:$0x3FB4] =	sst s10  }
0x38: {  	s10 =	sld [smem:$0x3FB5]  }
0x39: {  	_ = 	snop;
	(pc) =	sbr.ind lr, $3  }
0x3a: {  	_ = 	snop  }
0x3b: {  	_ = 	snop  }
0x3c: {  	p2 =	seq.s32 s10, $0x1;
	s10 =	sld [smem:$0x3FB4]  }
0x3d: {  	_ =	shalt  }
0x3e: {  	_ =	shalt  }
0x3f: {  	_ =	shalt  }
0x40: {  	_ =	shalt  }
0x41: {  	_ =	shalt  }
0x42: {  	_ =	shalt  }
0x43: {  	_ =	shalt  }
0x44: {  	_ =	shalt  }
0x45: {  	_ =	shalt  }
0x46: {  	_ =	shalt  }
0x47: {  	_ =	shalt  }
0x48: {  	_ =	shalt  }
0x49: {  	_ =	shalt  }
0x4a: {  	_ =	shalt  }
0x4b: {  	_ =	shalt  }
0x4c: {  	_ =	shalt  }
0x4d: {  	_ =	shalt  }
0x4e: {  	_ =	shalt  }
0x4f: {  	_ =	shalt  }
0x50: {  	_ =	shalt  }
0x51: {  	_ =	shalt  }
0x52: {  	_ =	shalt  }
0x53: {  	_ =	shalt  }
0x54: {  	_ =	shalt  }
0x55: {  	_ =	shalt  }
0x56: {  	_ =	shalt  }
0x57: {  	_ =	shalt  }
0x58: {  	_ =	shalt  }
0x59: {  	_ =	shalt  }
0x5a: {  	_ =	shalt  }
0x5b: {  	_ =	shalt  }
0x5c: {  	_ =	shalt  }
0x5d: {  	_ =	shalt  }
0x5e: {  	_ =	shalt  }
0x5f: {  	_ =	shalt  }
0x60: {  	_ =	shalt  }
0x61: {  	_ =	shalt  }
0x62: {  	_ =	shalt  }
0x63: {  	_ =	shalt  }
0x64: {  	_ =	shalt  }
0x65: {  	_ =	shalt  }
0x66: {  	_ =	shalt  }
0x67: {  	_ =	shalt  }
0x68: {  	_ =	shalt  }
0x69: {  	_ =	shalt  }
0x6a: {  	_ =	shalt  }
0x6b: {  	_ =	shalt  }
0x6c: {  	_ =	shalt  }
0x6d: {  	_ =	shalt  }
0x6e: {  	_ =	shalt  }
0x6f: {  	_ =	shalt  }
0x70: {  	_ =	shalt  }
0x71: {  	_ =	shalt  }
0x72: {  	_ =	shalt  }
0x73: {  	_ =	shalt  }
0x74: {  	_ =	shalt  }
0x75: {  	_ =	shalt  }
0x76: {  	_ =	shalt  }
0x77: {  	_ =	shalt  }
0x78: {  	_ =	shalt  }
0x79: {  	_ =	shalt  }
0x7a: {  	_ =	shalt  }
0x7b: {  	_ =	shalt  }
0x7c: {  	_ =	shalt  }
0x7d: {  	_ =	shalt  }
0x7e: {  	_ =	shalt  }
0x7f: {  	_ =	shalt  }
0x80: {  	_ =	shalt  }
0x81: {  	_ =	shalt  }
0x82: {  	_ =	shalt  }
0x83: {  	_ =	shalt  }
0x84: {  	_ =	shalt  }
0x85: {  	_ =	shalt  }
0x86: {  	_ =	shalt  }
0x87: {  	_ =	shalt  }
.Lfunc_end0:
.L_simem_size_0:
called_computation_lowered:
.L_overlay_start_0:
0x88: {  	s2 =	sld [smem:$0x3FD9]  }
0x89: {  	s3 =	sld [smem:$0x3FFE];
	_ =	sdelay $0x1  }
0x8a: {  	s1 =	srdreg.scid  }
0x8b: {  	s0 =	sand.u32 $0x1, s1  }
0x8c: {  	s17 =	sshll.u32 s0, $0xA;
	s2 =	sadd.s32 s3, s2  }
0x8d: {  	s2 =	sadd.s32 s2, s17  }
0x8e: {  	[smem:$0x3FC0] =	sst s2  }
0x8f: {  	_ = 	snop  }
0x90: {  	s2 =	sld [smem:$0x3FD0];
	(tm) =	ssettm $0x1  }
0x91: {  	s18 =	sld [smem:$0x3FFB];
	_ =	sdelay $0x3  }
0x92: {  	_ =	strace s18  }
0x93: {  	s3 =	sld [smem:$0x3FFC];
	_ =	sdelay $0x3  }
0x94: {  	_ =	strace s3  }
0x95: {  	s3 =	sld [smem:$0x3FFD];
	_ =	sdelay $0x3  }
0x96: {  	_ =	strace s3  }
0x97: {  	_ =	strace $0x8FFFFFFF  }
0x98: {  	s19 =	sld [smem:$0x3FDB];
	_ =	sdelay $0x1  }
0x99: {  	s4 =	simm.s32 $_scs_section_size  }
0x9a: {  	s5 =	simm.s32 $_size__tile_overlayer_lowered;
	s6 =	simm.s32 $_tile_overlayer_lowered  }
0x9b: {  	s22 =	simm.s32 $0x1BFF;
	s21 =	sshll.u32 s6, $0x1;
	s3 =	sadd.s32 s4, s19  }
0x9c: {  	s7 =	simm.s32 $0x0;
	s20 =	sshll.u32 s5, $0x1;
	s5 =	sadd.s32 s21, s3  }
0x9d: {  	[timem:s7], [sflag:s22] =	dma.local [hbm:s5], s20  }
0x9e: {  	_ =	swait.ge [sflag:s22], s20  }
0x9f: {  	s4 =	ssub.s32 $0x0, s20;
	[sflag:s22] =	ssyncset.done $0x0  }
0xa0: {  	[sflag:s22] =	ssyncadd.s32 s4;
	_ =	sdelay $0x1  }
0xa1: {  	s23 =	simm.s32 $0x1B8B  }
0xa2: {  	_ =	swait.ge [sflag:s23], $0x1  }
0xa3: {  	[sflag:s23] =	ssyncset.done $0x0  }
0xa4: {  	s25 =	simm.s32 $0x1B8E;
	s24 =	sld [smem:$0x3FFE];
	[sflag:s23] =	ssyncadd.s32 $0xFFFFFFFF  }
0xa5: {  	s26 =	simm.s32 $execute0_lowered;
	[smem:$0x3FD2] =	sst s25  }
0xa6: {  	s5 =	sshll.u32 s26, $0x1;
	_ =	strace $0x80000046;
	[dreg:$0x1] =	wrdreg $0xFFFFFFFF  }
0xa7: {  	s28 =	simm.s32 $_size_execute0_lowered;
	s3 =	sadd.s32 s3, s5;
	[dreg:$0x0] =	wrdreg $0x0  }
0xa8: {  	s5 =	sshll.u32 s28, $0x1;
	[dreg:$0x2] =	wrdreg s3  }
0xa9: {  	[dreg:$0x3] =	wrdreg s5  }
0xaa: {  	[dreg:$0x4] =	wrdreg $0xC0  }
0xab: {  	_ =	task [dreg:s7], $0x5FFFF  }
0xac: {  	[dreg:$0x1] =	wrdreg $0xFFFFFFFF  }
0xad: {  	[dreg:$0x0] =	wrdreg $0x60  }
0xae: {  	[dreg:$0x2] =	wrdreg s24  }
0xaf: {  	[dreg:$0x3] =	wrdreg s2  }
0xb0: {  	[dreg:$0x4] =	wrdreg $0x29000  }
0xb1: {  	[dreg:$0x5] =	wrdreg $0x9  }
0xb2: {  	_ =	task.clear_ibuf [dreg:s7], $0x6FFFF;
	_ =	strace $0x90000046  }
0xb3: {  	s29 =	simm.s32 $0x9;
	_ =	strace $0x80000048  }
0xb4: {  	_ =	swait.ge [sflag:s29], $0x1  }
0xb5: {  	[sflag:s29] =	ssyncadd.s32 $0xFFFFFFFF  }
0xb6: {  	_ =	strace $0x90000048  }
0xb7: {  	_ =	sfence  }
0xb8: {  	s30 =	sld [smem:$0x0];
	_ =	sdelay $0x2  }
0xb9: {  	s31 =	sshll.u32 s1, $0xD;
	s1 =	sshrl.u32 s1, $0x2  }
0xba: {  	s3 =	sand.u32 $0x4000, s31;
	s1 =	sadd.s32 s1, s30  }
0xbb: {  	s0 =	sor.u32 s3, s0;
	s1 =	sshll.u32 s1, $0x11  }
0xbc: {  	s0 =	sor.u32 s1, s0  }
0xbd: {  	s0 =	sadd.s32 $0x8F2B, s0  }
0xbe: {  	[sflag:s0] =	ssyncadd.remote.s32 $0x1  }
0xbf: {  	_ =	sfence.sel $0xFFFF  }
0xc0: {  	[dreg:$0x0] =	wrdreg $0xFFFFFFFF;
	(pc) =	sbr.abs _section_cstart, $3  }
0xc1: {  	[dreg:$0x1] =	wrdreg $0xFFFFFFFF  }
0xc2: {  	_ =	task.clear_ibuf [dreg:s7], $0x2FFFF;
	_ =	strace $0x9FFFFFFF  }
0xc3: {  	(tm) =	ssettm $0x7FFFFFFF  }
tec
execute0_lowered:
.L_overlay_start_1:
0x0: {  	(tag) =	ssettag $0x1  }
0x1: {  	s4 =	rddreg [dreg:$0x0]  }
0x2: {  	s11 =	rddreg [dreg:$0x1]  }
0x3: {  	s0 =	srdreg.scid;
	s2 =	rddreg [dreg:$0x2];
	s3 =	simm.s32 $0x0  }
0x4: {  	s15 =	simm.s32 $0x80;
	s16 =	simm.s32 $0x2800;
	s17 =	simm.s32 $0x100  }
0x5: {  	s18 =	simm.s32 $0x180;
	s19 =	simm.s32 $0x3;
	s20 =	simm.s32 $0x4  }
0x6: {  	s23 =	simm.s32 $0x5;
	s24 =	simm.s32 $0x0;
	s10 =	sand.u32 $0x1, s0  }
0x7: {  	s0 =	stileid.u32;
	[smem:$0x7FF] =	sst s3;
	s13 =	sadd.s32 $0x19A00, s4  }
0x8: {  	s1 =	sshll.u32 s10, $0x4;
	s6 =	ssub.s32 $0x2, s10;
	s12 =	smul.u32 $0x280, s0  }
0x9: {  	p0 =	seq.s32 s10, $0x1;
	s21 =	sshll.u32 s0, $0x6;
	s5 =	sor.u32 s0, s1  }
0xa: {  	s1 =	rddreg [dreg:$0x3];
	_ =	strace $0x80000047;
	s7 =	sshrl.u32 s6, $0x1  }
0xb: {  	s11 =	smov.u32 @p0 s13;
	s5 =	smul.u32 $0x500, s5;
	s14 =	ssub.s32 s6, s7  }
0xc: {  	s13 =	simm.s32 $0x2;
	s21 =	sor.u32 $0x1C05, s21;
	s10 =	smax.u32 s14, $0x1  }
0xd: {  	s14 =	simm.s32 $0x1;
	s5 =	sadd.s32 s5, s4;
	s4 =	sadd.s32 s12, s2  }
0xe: {  	s12 =	sshrl.u32 s12, $0x3;
	s5 =	sadd.s32 $0x5A00, s5;
	s6 =	sadd.s32 $0x80, s4  }
0xf: {  	s7 =	sadd.s32 $0x100, s4;
	s8 =	sadd.s32 $0x180, s4;
	s9 =	sadd.s32 $0x200, s4  }
0x10: {  	v0 =	vimm.f32 $1.000000000e+00;
	v1 =	vimm.f32 $0.0e+00;
	s11 =	sadd.s32 s11, s12;
	s12 =	simm.s32 $0x2880;
	s22 =	sshrl.u32 s4, $0x3  }
.LBB2_1:
0x11: {  	[tilespmem:s3], [sflag:$0x1] =	stream.linear.gather [hbm4b:s5+s3], $0x2800, $0x38;
	[tilespmem:$0x2B80] =	vst v63  }
0x12: {  	[tilespmem:$0x2800] =	vst v0  }
0x13: {  	[tilespmem:$0x2880] =	vst v1  }
0x14: {  	[tilespmem:$0x2810] =	vst v0  }
0x15: {  	[tilespmem:$0x2890] =	vst v1  }
0x16: {  	[tilespmem:$0x2820] =	vst v0  }
0x17: {  	[tilespmem:$0x28A0] =	vst v1  }
0x18: {  	[tilespmem:$0x2830] =	vst v0  }
0x19: {  	[tilespmem:$0x28B0] =	vst v1  }
0x1a: {  	[tilespmem:$0x2840] =	vst v0  }
0x1b: {  	[tilespmem:$0x28C0] =	vst v1  }
0x1c: {  	[tilespmem:$0x2850] =	vst v0  }
0x1d: {  	[tilespmem:$0x28D0] =	vst v1  }
0x1e: {  	[tilespmem:$0x2860] =	vst v0  }
0x1f: {  	[tilespmem:$0x28E0] =	vst v1  }
0x20: {  	[tilespmem:$0x2870] =	vst v0  }
0x21: {  	[tilespmem:$0x28F0] =	vst v1  }
0x22: {  	[spmem:s4] =	stream.linear.scatter [tilespmem:s12], [sflag:$0x2], $0x80, $0x38;
	[tilespmem:$0x2B80] =	vst v63  }
0x23: {  	_ = 	snop  }
0x24: {  	[spmem:s6] =	stream.linear.scatter [tilespmem:s12], [sflag:$0x2], $0x80, $0x38;
	[tilespmem:$0x2B80] =	vst v63  }
0x25: {  	_ = 	snop  }
0x26: {  	[spmem:s7] =	stream.linear.scatter [tilespmem:s12], [sflag:$0x2], $0x80, $0x38;
	[tilespmem:$0x2B80] =	vst v63  }
0x27: {  	_ = 	snop  }
0x28: {  	[spmem:s8] =	stream.linear.scatter [tilespmem:s12], [sflag:$0x2], $0x80, $0x38;
	[tilespmem:$0x2B80] =	vst v63  }
0x29: {  	_ = 	snop  }
0x2a: {  	[spmem:s9] =	stream.linear.scatter [tilespmem:s12], [sflag:$0x2], $0x80, $0x38;
	[tilespmem:$0x2B80] =	vst v63  }
0x2b: {  	_ =	swait.ge [sflag:s13], $0x80  }
0x2c: {  	[sflag:s13] =	ssyncset.done $0x0  }
0x2d: {  	[sflag:s13] =	ssyncadd.s32 $0xFFFFFF80  }
0x2e: {  	_ =	swait.ge [sflag:s13], $0x80  }
0x2f: {  	[sflag:s13] =	ssyncset.done $0x0  }
0x30: {  	[sflag:s13] =	ssyncadd.s32 $0xFFFFFF80  }
0x31: {  	_ =	swait.ge [sflag:s13], $0x80  }
0x32: {  	[sflag:s13] =	ssyncset.done $0x0  }
0x33: {  	[sflag:s13] =	ssyncadd.s32 $0xFFFFFF80  }
0x34: {  	_ =	swait.ge [sflag:s13], $0x80  }
0x35: {  	[sflag:s13] =	ssyncset.done $0x0  }
0x36: {  	[sflag:s13] =	ssyncadd.s32 $0xFFFFFF80  }
0x37: {  	_ =	swait.ge [sflag:s13], $0x80  }
0x38: {  	[sflag:s13] =	ssyncset.done $0x0  }
0x39: {  	[sflag:s13] =	ssyncadd.s32 $0xFFFFFF80  }
0x3a: {  	_ =	swait.ge [sflag:s14], $0x2800  }
0x3b: {  	[sflag:s14] =	ssyncset.done $0x0  }
0x3c: {  	[sflag:s14] =	ssyncadd.s32 $0xFFFFD800  }
0x3d: {  	[bflag:$0x0] =	sbarrier.arrive $0xFFFF  }
0x3e: {  	[spmem:s2] =	stream.indirect.scatter.add.f32 [tilespmem:s16], [sflag:$0x1], $0x1, s3, s15, $0xb8;
	[tilespmem:$0x2B80] =	vst v63  }
0x3f: {  	_ = 	snop  }
0x40: {  	[spmem:s2] =	stream.indirect.scatter.add.f32 [tilespmem:s16], [sflag:$0x2], $0x1, s15, s15, $0xb8;
	[tilespmem:$0x2B80] =	vst v63  }
0x41: {  	_ = 	snop  }
0x42: {  	[spmem:s2] =	stream.indirect.scatter.add.f32 [tilespmem:s16], [sflag:$0x3], $0x1, s17, s15, $0xb8;
	[tilespmem:$0x2B80] =	vst v63  }
0x43: {  	_ = 	snop  }
0x44: {  	[spmem:s2] =	stream.indirect.scatter.add.f32 [tilespmem:s16], [sflag:$0x4], $0x1, s18, s15, $0xb8;
	[tilespmem:$0x2B80] =	vst v63  }
0x45: {  	_ =	swait.ge [sflag:s14], $0x80  }
0x46: {  	[sflag:s14] =	ssyncset.done $0x0  }
0x47: {  	s25 =	simm.s32 $0x200;
	[sflag:s14] =	ssyncadd.s32 $0xFFFFFF80  }
0x48: {  	[spmem:s2] =	stream.indirect.scatter.add.f32 [tilespmem:s16], [sflag:$0x1], $0x1, s25, s15, $0xb8;
	[tilespmem:$0x2B80] =	vst v63  }
0x49: {  	_ =	swait.ge [sflag:s13], $0x80  }
0x4a: {  	[sflag:s13] =	ssyncset.done $0x0  }
0x4b: {  	s30 =	simm.s32 $0x280;
	[sflag:s13] =	ssyncadd.s32 $0xFFFFFF80  }
0x4c: {  	[spmem:s2] =	stream.indirect.scatter.add.f32 [tilespmem:s16], [sflag:$0x2], $0x1, s30, s15, $0xb8;
	[tilespmem:$0x2B80] =	vst v63  }
0x4d: {  	_ =	swait.ge [sflag:s19], $0x80  }
0x4e: {  	[sflag:s19] =	ssyncset.done $0x0  }
0x4f: {  	s31 =	simm.s32 $0x300;
	[sflag:s19] =	ssyncadd.s32 $0xFFFFFF80  }
0x50: {  	[spmem:s2] =	stream.indirect.scatter.add.f32 [tilespmem:s16], [sflag:$0x3], $0x1, s31, s15, $0xb8;
	[tilespmem:$0x2B80] =	vst v63  }
0x51: {  	_ =	swait.ge [sflag:s20], $0x80  }
0x52: {  	[sflag:s20] =	ssyncset.done $0x0  }
0x53: {  	s26 =	simm.s32 $0x380;
	s25 =	simm.s32 $0xFFFF7000;
	[sflag:s20] =	ssyncadd.s32 $0xFFFFFF80  }
.LBB2_2:
0x54: {  	[spmem:s2] =	stream.indirect.scatter.add.f32 [tilespmem:s16], [sflag:$0x4], $0x1, s26, s15, $0xb8;
	[tilespmem:$0x2B80] =	vst v63  }
0x55: {  	s26 =	smov.u32 s25  }
0x56: {  	p0 =	sne.s32 s25, $0xFFFFF800;
	s25 =	sadd.s32 $0x800, s25;
	_ =	swait.ge [sflag:s14], $0x80  }
0x57: {  	s26 =	sshra.s32 s26, $0x2;
	[sflag:s14] =	ssyncset.done $0x0  }
0x58: {  	s28 =	sadd.s32 $0x2800, s26;
	[sflag:s14] =	ssyncadd.s32 $0xFFFFFF80  }
0x59: {  	[spmem:s2] =	stream.indirect.scatter.add.f32 [tilespmem:s16], [sflag:$0x1], $0x1, s28, s15, $0xb8;
	[tilespmem:$0x2B80] =	vst v63  }
0x5a: {  	_ =	swait.ge [sflag:s13], $0x80  }
0x5b: {  	[sflag:s13] =	ssyncset.done $0x0  }
0x5c: {  	s28 =	sadd.s32 $0x2880, s26;
	[sflag:s13] =	ssyncadd.s32 $0xFFFFFF80  }
0x5d: {  	[spmem:s2] =	stream.indirect.scatter.add.f32 [tilespmem:s16], [sflag:$0x2], $0x1, s28, s15, $0xb8;
	[tilespmem:$0x2B80] =	vst v63  }
0x5e: {  	_ =	swait.ge [sflag:s19], $0x80  }
0x5f: {  	[sflag:s19] =	ssyncset.done $0x0  }
.Ltmp0:
0x60: {  	s28 =	sadd.s32 $0x2900, s26;
	[sflag:s19] =	ssyncadd.s32 $0xFFFFFF80;
	(pc) =	sbr.rel @p0 .LBB2_2-.Ltmp0, $4  }
0x61: {  	[spmem:s2] =	stream.indirect.scatter.add.f32 [tilespmem:s16], [sflag:$0x3], $0x1, s28, s15, $0xb8;
	[tilespmem:$0x2B80] =	vst v63  }
0x62: {  	_ =	swait.ge [sflag:s20], $0x80  }
0x63: {  	[sflag:s20] =	ssyncset.done $0x0  }
0x64: {  	s26 =	sadd.s32 $0x2980, s26;
	[sflag:s20] =	ssyncadd.s32 $0xFFFFFF80  }
0x65: {  	[spmem:s2] =	stream.indirect.scatter.add.f32 [tilespmem:s16], [sflag:$0x4], $0x1, s26, s15, $0xb8;
	[tilespmem:$0x2B80] =	vst v63  }
0x66: {  	_ =	swait.ge [sflag:s14], $0x80  }
0x67: {  	[sflag:s14] =	ssyncset.done $0x0  }
0x68: {  	[sflag:s14] =	ssyncadd.s32 $0xFFFFFF80  }
0x69: {  	_ =	swait.ge [sflag:s13], $0x80  }
0x6a: {  	[sflag:s13] =	ssyncset.done $0x0  }
0x6b: {  	[sflag:s13] =	ssyncadd.s32 $0xFFFFFF80  }
0x6c: {  	_ =	swait.ge [sflag:s19], $0x80  }
0x6d: {  	[sflag:s19] =	ssyncset.done $0x0  }
0x6e: {  	[sflag:s19] =	ssyncadd.s32 $0xFFFFFF80  }
0x6f: {  	_ =	swait.ge [sflag:s20], $0x80  }
0x70: {  	s24 =	sadd.s32 $0x1, s24;
	[sflag:s20] =	ssyncset.done $0x0  }
0x71: {  	p0 =	sne.s32 s24, s10;
	[sflag:s20] =	ssyncadd.s32 $0xFFFFFF80  }
.Ltmp1:
0x72: {  	[bflag:$0x0] =	sbarrier.arrive $0xFFFF;
	(pc) =	sbr.rel @p0 .LBB2_1-.Ltmp1, $4  }
0x73: {  	[hbm:s11], [sflag:s21] =	dma.local [spmem:s22], $0x50  }
0x74: {  	_ =	swait.ge [sflag:s23], $0x50  }
0x75: {  	[sflag:s23] =	ssyncset.done $0x0  }
0x76: {  	[sflag:s23] =	ssyncadd.s32 $0xFFFFFFB0  }
0x77: {  	_ =	sfence.sel $0x180000  }
0x78: {  	[bflag:$0x0] =	sbarrier.arrive $0xFFFF  }
0x79: {  	p0 =	sne.s32 s0, $0x0;
	_ =	strace $0x90000047  }
0x7a: {  	s0 =	sadd.s32 @!p0 $0x100000, s1;
	[bflag:$0x2] =	sbarrier.arrive $0xFFFF  }
0x7b: {  	[sflag:s0] =	ssyncadd.tile.s32 @!p0 $0x1;
	_ =	shalt  }
.Lfunc_end2:
_tile_overlayer_lowered:
.L_overlay_start_2:
0x7c: {  	(tag) =	ssettag $0x2  }
0x7d: {  	s0 =	rddreg [dreg:$0x0];
	s2 =	stileid.u32  }
0x7e: {  	s1 =	rddreg [dreg:$0x1];
	p0 =	sne.s32 s2, $0x0  }
0x7f: {  	s3 =	rddreg [dreg:$0x2];
	[bflag:$0x3] =	sbarrier.arrive $0xFFFF;
	s2 =	simm.s32 @!p0 $0x1C05  }
0x80: {  	[timem:s3], [sflag:s2] =	dma.local @!p0 [hbm:s0], s1  }
0x81: {  	s0 =	simm.s32 @!p0 $0x5  }
0x82: {  	_ =	swait.ge @!p0 [sflag:s0], s1  }
0x83: {  	s1 =	ssub.s32 @!p0 $0x0, s1;
	[sflag:s0] =	ssyncset.done @!p0 $0x0  }
0x84: {  	[sflag:s0] =	ssyncadd.s32 @!p0 s1  }
0x85: {  	[bflag:$0x3] =	sbarrier.arrive $0xFFFF  }
0x86: {  	_ =	shalt  }

// kernel: kernel.13.cloned.1.call-start
scs
__scs_entry_jumppad:
0x0: {  	(pc) =	sbr.rel $0x88, $3  }
0x1: {  	(tag) =	ssettag $0x0;
	lr =	simm.s32 $0x1  }
0x2: {  	[smem:$0x3F99] =	sst lr;
	_ =	strace $0xD0000000  }
0x3: {  	_ = 	snop  }
0x4: {  	_ = 	snop  }
0x5: {  	_ = 	snop  }
0x6: {  	_ = 	snop  }
0x7: {  	_ = 	snop  }
__scs_overlays_trampoline_lowered:
0x8: {  	[smem:$0x3FA8] =	sst s0  }
0x9: {  	[smem:$0x3FA9] =	sst s1  }
0xa: {  	[smem:$0x3FAA] =	sst s2  }
0xb: {  	[smem:$0x3FAB] =	sst s3  }
0xc: {  	[smem:$0x3FAC] =	sst s4  }
0xd: {  	[smem:$0x3FAD] =	sst s5  }
0xe: {  	[smem:$0x3FAE] =	sst s6  }
0xf: {  	[smem:$0x3FAF] =	sst s7  }
0x10: {  	[smem:$0x3FB0] =	sst s8  }
0x11: {  	[smem:$0x3FB1] =	sst s9;
	s0 =	simm.s32 @!p0 $0x0  }
0x12: {  	s1 =	sld [smem:$0x3F97];
	s0 =	simm.s32 @p0 $0x1  }
0x13: {  	[smem:$0x3FB2] =	sst s0;
	s0 =	simm.s32 @!p1 $0x0  }
0x14: {  	s2 =	sld [smem:$0x3F96];
	s0 =	simm.s32 @p1 $0x1  }
0x15: {  	[smem:$0x3FB3] =	sst s0;
	s0 =	simm.s32 @!p2 $0x0  }
0x16: {  	s3 =	sld [smem:$0x3FDB];
	s0 =	simm.s32 @p2 $0x1  }
0x17: {  	s4 =	simm.s32 $0x1BF5;
	[smem:$0x3FB5] =	sst s0  }
0x18: {  	s0 =	sld [smem:$0x3F98];
	_ =	swait.ge [sflag:s4], $0x0  }
0x19: {  	s7 =	sld [smem:$0x3F99]  }
0x1a: {  	s8 =	sadd.s32 $0xFFFFE003, lr  }
0x1b: {  	s9 =	sadd.s32 $0xFFFFFEF7, lr;
	s5 =	simm.s32 $0xFFFFFFFF;
	p2 =	slt.u32 s8, $0xFFFFF086  }
0x1c: {  	p1 =	slt.u32 s9, $0xF7A;
	s5 =	simm.s32 @!p2 $0x0  }
0x1d: {  	s5 =	simm.s32 @p1 $0x1;
	p0 =	seq.s32 s7, s2  }
0x1e: {  	s7 =	smul.u32 @!p0 $0xF7A, s2;
	p2 =	seq.s32 @!p0 s5, $0x0  }
0x1f: {  	s9 =	smul.u32 $0xF7A, s1;
	s8 =	simm.s32 @!p0 $0x1BF5;
	p2 =	por !p2, p0  }
0x20: {  	[sflag:s8] =	ssyncset.s32 @!p0 $0xFFFFF086;
	s6 =	sadd.s32 @!p0 s3, s7;
	s7 =	simm.s32 @!p0 $0x108  }
0x21: {  	s3 =	sadd.s32 s3, s9;
	s6 =	sadd.s32 @!p0 $0x88, s6;
	s7 =	simm.s32 @p2 $0x1082  }
0x22: {  	[simem:s7], [sflag:s8] =	dma.local @!p0 [hbm:s6], $0xF7A  }
0x23: {  	s9 =	sor.u32 $0xD0000000, s2;
	s6 =	simm.s32 $0x108;
	_ =	swait.ge @!p0 [sflag:s8], $0x0  }
0x24: {  	s3 =	sadd.s32 $0x88, s3;
	s6 =	simm.s32 @!p1 $0x1082;
	[sflag:s4] =	ssyncset.s32 $0xFFFFF086  }
0x25: {  	[simem:s6], [sflag:s4] =	dma.local [hbm:s3], $0xF7A  }
0x26: {  	[smem:$0x3F99] =	sst s1;
	(tag) =	ssettag s2;
	_ =	strace s9  }
0x27: {  	s1 =	sld [smem:$0x3FA9]  }
0x28: {  	s2 =	sld [smem:$0x3FAA]  }
0x29: {  	s4 =	sld [smem:$0x3FAC]  }
0x2a: {  	p0 =	seq.s32 s5, $0x0;
	s5 =	sld [smem:$0x3FAD]  }
0x2b: {  	s6 =	sld [smem:$0x3FAE]  }
0x2c: {  	s7 =	sld [smem:$0x3FAF]  }
0x2d: {  	s3 =	simm.s32 $0x108;
	s8 =	sld [smem:$0x3FB0]  }
0x2e: {  	s3 =	simm.s32 @!p0 $0x1082;
	s9 =	sld [smem:$0x3FB1]  }
0x2f: {  	lr =	sadd.s32 s0, s3;
	s0 =	sld [smem:$0x3FA8]  }
0x30: {  	s3 =	sld [smem:$0x3FAB]  }
0x31: {  	[smem:$0x3FB4] =	sst s10  }
0x32: {  	s10 =	sld [smem:$0x3FB2];
	_ =	sdelay $0x3  }
0x33: {  	p0 =	seq.s32 s10, $0x1;
	s10 =	sld [smem:$0x3FB4];
	_ =	sdelay $0x3  }
0x34: {  	[smem:$0x3FB4] =	sst s10  }
0x35: {  	s10 =	sld [smem:$0x3FB3];
	_ =	sdelay $0x3  }
0x36: {  	p1 =	seq.s32 s10, $0x1;
	s10 =	sld [smem:$0x3FB4];
	_ =	sdelay $0x3  }
0x37: {  	[smem:$0x3FB4] =	sst s10  }
0x38: {  	s10 =	sld [smem:$0x3FB5]  }
0x39: {  	_ = 	snop;
	(pc) =	sbr.ind lr, $3  }
0x3a: {  	_ = 	snop  }
0x3b: {  	_ = 	snop  }
0x3c: {  	p2 =	seq.s32 s10, $0x1;
	s10 =	sld [smem:$0x3FB4]  }
0x3d: {  	_ =	shalt  }
0x3e: {  	_ =	shalt  }
0x3f: {  	_ =	shalt  }
0x40: {  	_ =	shalt  }
0x41: {  	_ =	shalt  }
0x42: {  	_ =	shalt  }
0x43: {  	_ =	shalt  }
0x44: {  	_ =	shalt  }
0x45: {  	_ =	shalt  }
0x46: {  	_ =	shalt  }
0x47: {  	_ =	shalt  }
0x48: {  	_ =	shalt  }
0x49: {  	_ =	shalt  }
0x4a: {  	_ =	shalt  }
0x4b: {  	_ =	shalt  }
0x4c: {  	_ =	shalt  }
0x4d: {  	_ =	shalt  }
0x4e: {  	_ =	shalt  }
0x4f: {  	_ =	shalt  }
0x50: {  	_ =	shalt  }
0x51: {  	_ =	shalt  }
0x52: {  	_ =	shalt  }
0x53: {  	_ =	shalt  }
0x54: {  	_ =	shalt  }
0x55: {  	_ =	shalt  }
0x56: {  	_ =	shalt  }
0x57: {  	_ =	shalt  }
0x58: {  	_ =	shalt  }
0x59: {  	_ =	shalt  }
0x5a: {  	_ =	shalt  }
0x5b: {  	_ =	shalt  }
0x5c: {  	_ =	shalt  }
0x5d: {  	_ =	shalt  }
0x5e: {  	_ =	shalt  }
0x5f: {  	_ =	shalt  }
0x60: {  	_ =	shalt  }
0x61: {  	_ =	shalt  }
0x62: {  	_ =	shalt  }
0x63: {  	_ =	shalt  }
0x64: {  	_ =	shalt  }
0x65: {  	_ =	shalt  }
0x66: {  	_ =	shalt  }
0x67: {  	_ =	shalt  }
0x68: {  	_ =	shalt  }
0x69: {  	_ =	shalt  }
0x6a: {  	_ =	shalt  }
0x6b: {  	_ =	shalt  }
0x6c: {  	_ =	shalt  }
0x6d: {  	_ =	shalt  }
0x6e: {  	_ =	shalt  }
0x6f: {  	_ =	shalt  }
0x70: {  	_ =	shalt  }
0x71: {  	_ =	shalt  }
0x72: {  	_ =	shalt  }
0x73: {  	_ =	shalt  }
0x74: {  	_ =	shalt  }
0x75: {  	_ =	shalt  }
0x76: {  	_ =	shalt  }
0x77: {  	_ =	shalt  }
0x78: {  	_ =	shalt  }
0x79: {  	_ =	shalt  }
0x7a: {  	_ =	shalt  }
0x7b: {  	_ =	shalt  }
0x7c: {  	_ =	shalt  }
0x7d: {  	_ =	shalt  }
0x7e: {  	_ =	shalt  }
0x7f: {  	_ =	shalt  }
0x80: {  	_ =	shalt  }
0x81: {  	_ =	shalt  }
0x82: {  	_ =	shalt  }
0x83: {  	_ =	shalt  }
0x84: {  	_ =	shalt  }
0x85: {  	_ =	shalt  }
0x86: {  	_ =	shalt  }
0x87: {  	_ =	shalt  }
.Lfunc_end0:
.L_simem_size_0:
called_computation.1_lowered:
.L_overlay_start_0:
0x88: {  	s2 =	sld [smem:$0x3FD9]  }
0x89: {  	s3 =	sld [smem:$0x3FFE];
	_ =	sdelay $0x1  }
0x8a: {  	s1 =	srdreg.scid  }
0x8b: {  	s0 =	sand.u32 $0x1, s1  }
0x8c: {  	s17 =	sshll.u32 s0, $0xA;
	s2 =	sadd.s32 s3, s2  }
0x8d: {  	s2 =	sadd.s32 s2, s17  }
0x8e: {  	[smem:$0x3FC0] =	sst s2  }
0x8f: {  	_ = 	snop  }
0x90: {  	s2 =	sld [smem:$0x3FD0];
	(tm) =	ssettm $0x1  }
0x91: {  	s18 =	sld [smem:$0x3FFB];
	_ =	sdelay $0x3  }
0x92: {  	_ =	strace s18  }
0x93: {  	s3 =	sld [smem:$0x3FFC];
	_ =	sdelay $0x3  }
0x94: {  	_ =	strace s3  }
0x95: {  	s3 =	sld [smem:$0x3FFD];
	_ =	sdelay $0x3  }
0x96: {  	_ =	strace s3  }
0x97: {  	_ =	strace $0x8FFFFFFF  }
0x98: {  	s19 =	sld [smem:$0x3FDB];
	_ =	sdelay $0x1  }
0x99: {  	s4 =	simm.s32 $_scs_section_size  }
0x9a: {  	s5 =	simm.s32 $_size__tile_overlayer_lowered;
	s6 =	simm.s32 $_tile_overlayer_lowered  }
0x9b: {  	s22 =	simm.s32 $0x1BFF;
	s21 =	sshll.u32 s6, $0x1;
	s3 =	sadd.s32 s4, s19  }
0x9c: {  	s7 =	simm.s32 $0x0;
	s20 =	sshll.u32 s5, $0x1;
	s5 =	sadd.s32 s21, s3  }
0x9d: {  	[timem:s7], [sflag:s22] =	dma.local [hbm:s5], s20  }
0x9e: {  	_ =	swait.ge [sflag:s22], s20  }
0x9f: {  	s4 =	ssub.s32 $0x0, s20;
	[sflag:s22] =	ssyncset.done $0x0  }
0xa0: {  	[sflag:s22] =	ssyncadd.s32 s4;
	_ =	sdelay $0x1  }
0xa1: {  	s23 =	simm.s32 $0x1B8B  }
0xa2: {  	_ =	swait.ge [sflag:s23], $0x1  }
0xa3: {  	[sflag:s23] =	ssyncset.done $0x0  }
0xa4: {  	s25 =	simm.s32 $0x1B8E;
	s24 =	sld [smem:$0x3FFE];
	[sflag:s23] =	ssyncadd.s32 $0xFFFFFFFF  }
0xa5: {  	s26 =	simm.s32 $execute0_lowered;
	[smem:$0x3FD2] =	sst s25  }
0xa6: {  	s5 =	sshll.u32 s26, $0x1;
	_ =	strace $0x80000049;
	[dreg:$0x1] =	wrdreg $0xFFFFFFFF  }
0xa7: {  	s28 =	simm.s32 $_size_execute0_lowered;
	s3 =	sadd.s32 s3, s5;
	[dreg:$0x0] =	wrdreg $0x0  }
0xa8: {  	s5 =	sshll.u32 s28, $0x1;
	[dreg:$0x2] =	wrdreg s3  }
0xa9: {  	[dreg:$0x3] =	wrdreg s5  }
0xaa: {  	[dreg:$0x4] =	wrdreg $0xC0  }
0xab: {  	_ =	task [dreg:s7], $0x5FFFF  }
0xac: {  	[dreg:$0x1] =	wrdreg $0xFFFFFFFF  }
0xad: {  	[dreg:$0x0] =	wrdreg $0x60  }
0xae: {  	[dreg:$0x2] =	wrdreg s2  }
0xaf: {  	[dreg:$0x3] =	wrdreg s24  }
0xb0: {  	[dreg:$0x4] =	wrdreg $0xA8000  }
0xb1: {  	[dreg:$0x5] =	wrdreg $0x9  }
0xb2: {  	_ =	task.clear_ibuf [dreg:s7], $0x6FFFF;
	_ =	strace $0x90000049  }
0xb3: {  	s29 =	simm.s32 $0x9;
	_ =	strace $0x8000004B  }
0xb4: {  	_ =	swait.ge [sflag:s29], $0x1  }
0xb5: {  	[sflag:s29] =	ssyncadd.s32 $0xFFFFFFFF  }
0xb6: {  	_ =	strace $0x9000004B  }
0xb7: {  	_ =	sfence  }
0xb8: {  	s30 =	sld [smem:$0x0];
	_ =	sdelay $0x2  }
0xb9: {  	s31 =	sshll.u32 s1, $0xD;
	s1 =	sshrl.u32 s1, $0x2  }
0xba: {  	s3 =	sand.u32 $0x4000, s31;
	s1 =	sadd.s32 s1, s30  }
0xbb: {  	s0 =	sor.u32 s3, s0;
	s1 =	sshll.u32 s1, $0x11  }
0xbc: {  	s0 =	sor.u32 s1, s0  }
0xbd: {  	s0 =	sadd.s32 $0x8F2B, s0  }
0xbe: {  	[sflag:s0] =	ssyncadd.remote.s32 $0x1  }
0xbf: {  	_ =	sfence.sel $0xFFFF  }
0xc0: {  	[dreg:$0x0] =	wrdreg $0xFFFFFFFF;
	(pc) =	sbr.abs _section_cstart, $3  }
0xc1: {  	[dreg:$0x1] =	wrdreg $0xFFFFFFFF  }
0xc2: {  	_ =	task.clear_ibuf [dreg:s7], $0x2FFFF;
	_ =	strace $0x9FFFFFFF  }
0xc3: {  	(tm) =	ssettm $0x7FFFFFFF  }
tec
execute0_lowered:
.L_overlay_start_1:
0x0: {  	(tag) =	ssettag $0x1  }
0x1: {  	s1 =	rddreg [dreg:$0x0]  }
0x2: {  	s0 =	rddreg [dreg:$0x1]  }
0x3: {  	s2 =	rddreg [dreg:$0x2]  }
0x4: {  	s3 =	simm.s32 $0x0;
	s4 =	srdreg.scid;
	s20 =	stileid.u32  }
0x5: {  	s28 =	simm.s32 $0x100;
	s29 =	simm.s32 $0x2;
	s30 =	simm.s32 $0x1480  }
0x6: {  	s31 =	simm.s32 $0x4;
	[smem:$0x7FF] =	sst s3;
	s10 =	sadd.s32 $0xFA00, s0  }
0x7: {  	s4 =	sand.u32 $0x1, s4;
	s11 =	sadd.s32 $0x5A00, s0;
	s8 =	smul.u32 $0x280, s20  }
0x8: {  	s9 =	smul.u32 $0x50000, s20;
	_ =	strace $0x8000004A;
	s5 =	ssub.s32 $0x2, s4  }
0x9: {  	s7 =	sshll.u32 s4, $0x4;
	p0 =	seq.s32 s4, $0x1;
	s4 =	simm.s32 $0x2700  }
0xa: {  	s6 =	sshrl.u32 s5, $0x1;
	s13 =	sor.u32 s20, s7;
	s14 =	sadd.s32 $0x80, s8  }
0xb: {  	s19 =	sshrl.u32 s9, $0x2;
	s15 =	sadd.s32 $0x100, s8;
	s16 =	sadd.s32 $0x180, s8  }
0xc: {  	s18 =	sadd.s32 $0x200, s8;
	s12 =	ssub.s32 s5, s6;
	s21 =	sshll.u32 s14, $0x7  }
0xd: {  	s5 =	sadd.s32 s19, s2;
	s22 =	sshll.u32 s15, $0x7;
	s23 =	smul.u32 $0x2800, s13  }
0xe: {  	s17 =	sshll.u32 s16, $0x7;
	s13 =	smul.u32 $0x500, s13;
	s24 =	sshll.u32 s18, $0x7  }
0xf: {  	s6 =	sadd.s32 s21, s2;
	s7 =	sadd.s32 s22, s2;
	s8 =	sadd.s32 s17, s2  }
0x10: {  	s9 =	sadd.s32 s24, s2;
	s21 =	smul.u32 $0x2800, s20;
	s22 =	sshll.u32 s14, $0x4  }
0x11: {  	s24 =	sshll.u32 s16, $0x4;
	s20 =	simm.s32 $0x2800;
	s25 =	sadd.s32 s10, s13  }
0x12: {  	s19 =	sshrl.u32 s23, $0x3;
	s13 =	sadd.s32 s11, s13;
	[dreg:$0x4] =	wrdreg s25  }
0x13: {  	s23 =	sshll.u32 s15, $0x4;
	s26 =	sadd.s32 $0x280, s19;
	[dreg:$0x5] =	wrdreg s13  }
0x14: {  	s25 =	sshll.u32 s18, $0x4;
	s10 =	sadd.s32 s10, s26;
	s19 =	sadd.s32 s11, s26  }
0x15: {  	s26 =	smax.u32 s12, $0x1;
	[dreg:$0x6] =	wrdreg s10;
	s10 =	simm.s32 $0x91A00  }
0x16: {  	s11 =	simm.s32 $0x0;
	[dreg:$0x7] =	wrdreg s19;
	s10 =	simm.s32 @!p0 $0x69A00  }
0x17: {  	[dreg:$0x8] =	wrdreg s26;
	s26 =	simm.s32 $0x1;
	s0 =	sadd.s32 s10, s0  }
0x18: {  	s10 =	simm.s32 $0x2780;
	s15 =	sadd.s32 s0, s21;
	s16 =	sadd.s32 s0, s22  }
0x19: {  	s17 =	sadd.s32 s0, s23;
	s18 =	sadd.s32 s0, s24;
	s19 =	sadd.s32 s0, s25  }
0x1a: {  	s21 =	simm.s32 $0x3;
	s22 =	simm.s32 $0x5;
	s23 =	simm.s32 $0x1400  }
0x1b: {  	v0 =	vimm.f32 $0.0e+00;
	s24 =	simm.s32 $0x80;
	s25 =	simm.s32 $0x6800;
	s0 =	simm.s32 $0x1380  }
.LBB2_1:
0x1c: {  	s12 =	simm.s32 $0x0;
	s13 =	simm.s32 $0x200  }
.LBB2_2:
0x1d: {  	p0 =	sne.s32 s13, $0xFE00;
	[tilespmem:s12+$0x2870] =	vst v0  }
0x1e: {  	[tilespmem:s12+$0x2800] =	vst v0  }
0x1f: {  	[tilespmem:s12+$0x2810] =	vst v0  }
.Ltmp0:
0x20: {  	[tilespmem:s12+$0x2820] =	vst v0;
	(pc) =	sbr.rel @p0 .LBB2_2-.Ltmp0, $4  }
0x21: {  	[tilespmem:s12+$0x2830] =	vst v0  }
0x22: {  	[tilespmem:s12+$0x2840] =	vst v0  }
0x23: {  	[tilespmem:s12+$0x2850] =	vst v0  }
0x24: {  	[tilespmem:s12+$0x2860] =	vst v0;
	s12 =	sshra.s32 s13, $0x2;
	s13 =	sadd.s32 $0x200, s13  }
0x25: {  	[tilespmem:s12+$0x2870] =	vst v0  }
0x26: {  	[tilespmem:s12+$0x2800] =	vst v0  }
0x27: {  	[tilespmem:s12+$0x2810] =	vst v0  }
0x28: {  	[tilespmem:s12+$0x2820] =	vst v0  }
0x29: {  	[tilespmem:s12+$0x2830] =	vst v0  }
0x2a: {  	[tilespmem:s12+$0x2840] =	vst v0  }
0x2b: {  	[tilespmem:s12+$0x2850] =	vst v0  }
0x2c: {  	[tilespmem:s12+$0x2860] =	vst v0  }
0x2d: {  	[spmem:s5] =	stream.linear.scatter [tilespmem:s20], [sflag:$0x3], $0x4000, $0x38;
	[tilespmem:$0x1E800] =	vst v63  }
0x2e: {  	_ = 	snop  }
0x2f: {  	[spmem:s6] =	stream.linear.scatter [tilespmem:s20], [sflag:$0x3], $0x4000, $0x38;
	[tilespmem:$0x1E800] =	vst v63  }
0x30: {  	_ = 	snop  }
0x31: {  	[spmem:s7] =	stream.linear.scatter [tilespmem:s20], [sflag:$0x3], $0x4000, $0x38;
	[tilespmem:$0x1E800] =	vst v63  }
0x32: {  	_ = 	snop  }
0x33: {  	[spmem:s8] =	stream.linear.scatter [tilespmem:s20], [sflag:$0x3], $0x4000, $0x38;
	[tilespmem:$0x1E800] =	vst v63  }
0x34: {  	_ = 	snop  }
0x35: {  	[spmem:s9] =	stream.linear.scatter [tilespmem:s20], [sflag:$0x3], $0x4000, $0x38;
	[tilespmem:$0x1E800] =	vst v63  }
0x36: {  	_ =	swait.ge [sflag:s21], $0x4000  }
0x37: {  	[sflag:s21] =	ssyncset.done $0x0  }
0x38: {  	[sflag:s21] =	ssyncadd.s32 $0xFFFFC000  }
0x39: {  	_ =	swait.ge [sflag:s21], $0x4000  }
0x3a: {  	[sflag:s21] =	ssyncset.done $0x0  }
0x3b: {  	[sflag:s21] =	ssyncadd.s32 $0xFFFFC000  }
0x3c: {  	_ =	swait.ge [sflag:s21], $0x4000  }
0x3d: {  	[sflag:s21] =	ssyncset.done $0x0  }
0x3e: {  	[sflag:s21] =	ssyncadd.s32 $0xFFFFC000  }
0x3f: {  	_ =	swait.ge [sflag:s21], $0x4000  }
0x40: {  	[sflag:s21] =	ssyncset.done $0x0  }
0x41: {  	[sflag:s21] =	ssyncadd.s32 $0xFFFFC000  }
0x42: {  	_ =	swait.ge [sflag:s21], $0x4000  }
0x43: {  	[sflag:s21] =	ssyncset.done $0x0  }
0x44: {  	[sflag:s21] =	ssyncadd.s32 $0xFFFFC000  }
0x45: {  	[bflag:$0x0] =	sbarrier.arrive $0xFFFF  }
0x46: {  	s14 =	rddreg [dreg:$0x4]  }
0x47: {  	[tilespmem:s3], [sflag:$0x5] =	stream.linear.gather [hbm4b:s14+s3], $0x1400, $0x38;
	[tilespmem:$0x1E800] =	vst v63  }
0x48: {  	_ =	swait.ge [sflag:s22], $0x1400  }
0x49: {  	[sflag:s22] =	ssyncset.done $0x0  }
0x4a: {  	s13 =	rddreg [dreg:$0x5];
	[sflag:s22] =	ssyncadd.s32 $0xFFFFEC00  }
0x4b: {  	[tilespmem:s23], [sflag:$0x5] =	stream.linear.gather [hbm4b:s13+s3], $0x1400, $0x38;
	[tilespmem:$0x1E800] =	vst v63  }
0x4c: {  	_ =	swait.ge [sflag:s22], $0x1400  }
0x4d: {  	[sflag:s22] =	ssyncset.done $0x0  }
0x4e: {  	[sflag:s22] =	ssyncadd.s32 $0xFFFFEC00  }
0x4f: {  	[tilespmem:s20], [sflag:$0x1] =	stream.indirect.gather [hbm4b:s1+s24], $0x80, s3, s24, $0xb8;
	[tilespmem:$0x1E800] =	vst v63  }
0x50: {  	_ = 	snop  }
0x51: {  	[tilespmem:s25], [sflag:$0x2] =	stream.indirect.gather [hbm4b:s1+s24], $0x80, s24, s24, $0xb8;
	[tilespmem:$0x1E800] =	vst v63  }
0x52: {  	_ =	swait.ge [sflag:s26], $0x4000  }
0x53: {  	[sflag:s26] =	ssyncset.done $0x0  }
0x54: {  	[sflag:s26] =	ssyncadd.s32 $0xFFFFC000  }
0x55: {  	[spmem:s2] =	stream.indirect.scatter.add.f32 [tilespmem:s20], [sflag:$0x3], $0x80, s23, s24, $0xb8;
	[tilespmem:$0x1E800] =	vst v63  }
0x56: {  	_ =	swait.ge [sflag:s21], $0x4000  }
0x57: {  	[sflag:s21] =	ssyncset.done $0x0  }
0x58: {  	[sflag:s21] =	ssyncadd.s32 $0xFFFFC000  }
0x59: {  	[tilespmem:s20], [sflag:$0x1] =	stream.indirect.gather [hbm4b:s1+s24], $0x80, s28, s24, $0xb8;
	[tilespmem:$0x1E800] =	vst v63  }
0x5a: {  	_ =	swait.ge [sflag:s29], $0x4000  }
0x5b: {  	[sflag:s29] =	ssyncset.done $0x0  }
0x5c: {  	[sflag:s29] =	ssyncadd.s32 $0xFFFFC000  }
0x5d: {  	[spmem:s2] =	stream.indirect.scatter.add.f32 [tilespmem:s25], [sflag:$0x4], $0x80, s30, s24, $0xb8;
	[tilespmem:$0x1E800] =	vst v63  }
0x5e: {  	_ =	swait.ge [sflag:s31], $0x4000  }
0x5f: {  	[sflag:s31] =	ssyncset.done $0x0  }
0x60: {  	s14 =	simm.s32 $0x180;
	[sflag:s31] =	ssyncadd.s32 $0xFFFFC000  }
0x61: {  	[tilespmem:s25], [sflag:$0x2] =	stream.indirect.gather [hbm4b:s1+s24], $0x80, s14, s24, $0xb8;
	[tilespmem:$0x1E800] =	vst v63  }
0x62: {  	_ =	swait.ge [sflag:s26], $0x4000  }
0x63: {  	[sflag:s26] =	ssyncset.done $0x0  }
0x64: {  	s13 =	simm.s32 $0x1500;
	[sflag:s26] =	ssyncadd.s32 $0xFFFFC000  }
0x65: {  	[spmem:s2] =	stream.indirect.scatter.add.f32 [tilespmem:s20], [sflag:$0x3], $0x80, s13, s24, $0xb8;
	[tilespmem:$0x1E800] =	vst v63  }
0x66: {  	_ =	swait.ge [sflag:s21], $0x4000  }
0x67: {  	[sflag:s21] =	ssyncset.done $0x0  }
0x68: {  	s14 =	simm.s32 $0x200;
	[sflag:s21] =	ssyncadd.s32 $0xFFFFC000  }
0x69: {  	[tilespmem:s20], [sflag:$0x1] =	stream.indirect.gather [hbm4b:s1+s24], $0x80, s14, s24, $0xb8;
	[tilespmem:$0x1E800] =	vst v63  }
0x6a: {  	_ =	swait.ge [sflag:s29], $0x4000  }
0x6b: {  	[sflag:s29] =	ssyncset.done $0x0  }
0x6c: {  	s12 =	simm.s32 $0xFFFFBC00;
	s13 =	simm.s32 $0x1580;
	[sflag:s29] =	ssyncadd.s32 $0xFFFFC000  }
.LBB2_4:
0x6d: {  	[spmem:s2] =	stream.indirect.scatter.add.f32 [tilespmem:s25], [sflag:$0x4], $0x80, s13, s24, $0xb8;
	[tilespmem:$0x1E800] =	vst v63  }
0x6e: {  	s13 =	smov.u32 s12  }
0x6f: {  	p0 =	sne.s32 s12, $0xFFFFFC00;
	s12 =	sadd.s32 $0x400, s12;
	_ =	swait.ge [sflag:s31], $0x4000  }
0x70: {  	s13 =	sshra.s32 s13, $0x2;
	[sflag:s31] =	ssyncset.done $0x0  }
0x71: {  	s14 =	sadd.s32 $0x1380, s13;
	[sflag:s31] =	ssyncadd.s32 $0xFFFFC000  }
0x72: {  	[tilespmem:s25], [sflag:$0x2] =	stream.indirect.gather [hbm4b:s1+s24], $0x80, s14, s24, $0xb8;
	[tilespmem:$0x1E800] =	vst v63  }
0x73: {  	_ =	swait.ge [sflag:s26], $0x4000  }
0x74: {  	[sflag:s26] =	ssyncset.done $0x0  }
0x75: {  	s14 =	sadd.s32 $0x2700, s13;
	[sflag:s26] =	ssyncadd.s32 $0xFFFFC000  }
0x76: {  	[spmem:s2] =	stream.indirect.scatter.add.f32 [tilespmem:s20], [sflag:$0x3], $0x80, s14, s24, $0xb8;
	[tilespmem:$0x1E800] =	vst v63  }
0x77: {  	_ =	swait.ge [sflag:s21], $0x4000  }
0x78: {  	[sflag:s21] =	ssyncset.done $0x0  }
.Ltmp1:
0x79: {  	s14 =	sadd.s32 $0x1400, s13;
	[sflag:s21] =	ssyncadd.s32 $0xFFFFC000;
	(pc) =	sbr.rel @p0 .LBB2_4-.Ltmp1, $4  }
0x7a: {  	[tilespmem:s20], [sflag:$0x1] =	stream.indirect.gather [hbm4b:s1+s24], $0x80, s14, s24, $0xb8;
	[tilespmem:$0x1E800] =	vst v63  }
0x7b: {  	_ =	swait.ge [sflag:s29], $0x4000  }
0x7c: {  	[sflag:s29] =	ssyncset.done $0x0  }
0x7d: {  	s13 =	sadd.s32 $0x2780, s13;
	[sflag:s29] =	ssyncadd.s32 $0xFFFFC000  }
0x7e: {  	[spmem:s2] =	stream.indirect.scatter.add.f32 [tilespmem:s25], [sflag:$0x4], $0x80, s13, s24, $0xb8;
	[tilespmem:$0x1E800] =	vst v63  }
0x7f: {  	_ =	swait.ge [sflag:s31], $0x4000  }
0x80: {  	[sflag:s31] =	ssyncset.done $0x0  }
0x81: {  	[sflag:s31] =	ssyncadd.s32 $0xFFFFC000  }
0x82: {  	[tilespmem:s25], [sflag:$0x2] =	stream.indirect.gather [hbm4b:s1+s24], $0x80, s0, s24, $0xb8;
	[tilespmem:$0x1E800] =	vst v63  }
0x83: {  	_ =	swait.ge [sflag:s26], $0x4000  }
0x84: {  	[sflag:s26] =	ssyncset.done $0x0  }
0x85: {  	[sflag:s26] =	ssyncadd.s32 $0xFFFFC000  }
0x86: {  	[spmem:s2] =	stream.indirect.scatter.add.f32 [tilespmem:s20], [sflag:$0x3], $0x80, s4, s24, $0xb8;
	[tilespmem:$0x1E800] =	vst v63  }
0x87: {  	_ =	swait.ge [sflag:s21], $0x4000  }
0x88: {  	[sflag:s21] =	ssyncset.done $0x0  }
0x89: {  	[sflag:s21] =	ssyncadd.s32 $0xFFFFC000  }
0x8a: {  	_ =	swait.ge [sflag:s29], $0x4000  }
0x8b: {  	[sflag:s29] =	ssyncset.done $0x0  }
0x8c: {  	[sflag:s29] =	ssyncadd.s32 $0xFFFFC000  }
0x8d: {  	[spmem:s2] =	stream.indirect.scatter.add.f32 [tilespmem:s25], [sflag:$0x4], $0x80, s10, s24, $0xb8;
	[tilespmem:$0x1E800] =	vst v63  }
0x8e: {  	_ =	swait.ge [sflag:s31], $0x4000  }
0x8f: {  	[sflag:s31] =	ssyncset.done $0x0  }
0x90: {  	s12 =	rddreg [dreg:$0x6];
	[sflag:s31] =	ssyncadd.s32 $0xFFFFC000  }
0x91: {  	[tilespmem:s3], [sflag:$0x5] =	stream.linear.gather [hbm4b:s12+s3], $0x1400, $0x38;
	[tilespmem:$0x1E800] =	vst v63  }
0x92: {  	_ =	swait.ge [sflag:s22], $0x1400  }
0x93: {  	[sflag:s22] =	ssyncset.done $0x0  }
0x94: {  	s13 =	rddreg [dreg:$0x7];
	[sflag:s22] =	ssyncadd.s32 $0xFFFFEC00  }
0x95: {  	[tilespmem:s23], [sflag:$0x5] =	stream.linear.gather [hbm4b:s13+s3], $0x1400, $0x38;
	[tilespmem:$0x1E800] =	vst v63  }
0x96: {  	_ =	swait.ge [sflag:s22], $0x1400  }
0x97: {  	[sflag:s22] =	ssyncset.done $0x0  }
0x98: {  	[sflag:s22] =	ssyncadd.s32 $0xFFFFEC00  }
0x99: {  	[tilespmem:s20], [sflag:$0x1] =	stream.indirect.gather [hbm4b:s1+s24], $0x80, s3, s24, $0xb8;
	[tilespmem:$0x1E800] =	vst v63  }
0x9a: {  	_ = 	snop  }
0x9b: {  	[tilespmem:s25], [sflag:$0x2] =	stream.indirect.gather [hbm4b:s1+s24], $0x80, s24, s24, $0xb8;
	[tilespmem:$0x1E800] =	vst v63  }
0x9c: {  	_ =	swait.ge [sflag:s26], $0x4000  }
0x9d: {  	[sflag:s26] =	ssyncset.done $0x0  }
0x9e: {  	[sflag:s26] =	ssyncadd.s32 $0xFFFFC000  }
0x9f: {  	[spmem:s2] =	stream.indirect.scatter.add.f32 [tilespmem:s20], [sflag:$0x3], $0x80, s23, s24, $0xb8;
	[tilespmem:$0x1E800] =	vst v63  }
0xa0: {  	_ =	swait.ge [sflag:s21], $0x4000  }
0xa1: {  	[sflag:s21] =	ssyncset.done $0x0  }
0xa2: {  	[sflag:s21] =	ssyncadd.s32 $0xFFFFC000  }
0xa3: {  	[tilespmem:s20], [sflag:$0x1] =	stream.indirect.gather [hbm4b:s1+s24], $0x80, s28, s24, $0xb8;
	[tilespmem:$0x1E800] =	vst v63  }
0xa4: {  	_ =	swait.ge [sflag:s29], $0x4000  }
0xa5: {  	[sflag:s29] =	ssyncset.done $0x0  }
0xa6: {  	[sflag:s29] =	ssyncadd.s32 $0xFFFFC000  }
0xa7: {  	[spmem:s2] =	stream.indirect.scatter.add.f32 [tilespmem:s25], [sflag:$0x4], $0x80, s30, s24, $0xb8;
	[tilespmem:$0x1E800] =	vst v63  }
0xa8: {  	_ =	swait.ge [sflag:s31], $0x4000  }
0xa9: {  	[sflag:s31] =	ssyncset.done $0x0  }
0xaa: {  	s14 =	simm.s32 $0x180;
	[sflag:s31] =	ssyncadd.s32 $0xFFFFC000  }
0xab: {  	[tilespmem:s25], [sflag:$0x2] =	stream.indirect.gather [hbm4b:s1+s24], $0x80, s14, s24, $0xb8;
	[tilespmem:$0x1E800] =	vst v63  }
0xac: {  	_ =	swait.ge [sflag:s26], $0x4000  }
0xad: {  	[sflag:s26] =	ssyncset.done $0x0  }
0xae: {  	s13 =	simm.s32 $0x1500;
	[sflag:s26] =	ssyncadd.s32 $0xFFFFC000  }
0xaf: {  	[spmem:s2] =	stream.indirect.scatter.add.f32 [tilespmem:s20], [sflag:$0x3], $0x80, s13, s24, $0xb8;
	[tilespmem:$0x1E800] =	vst v63  }
0xb0: {  	_ =	swait.ge [sflag:s21], $0x4000  }
0xb1: {  	[sflag:s21] =	ssyncset.done $0x0  }
0xb2: {  	s14 =	simm.s32 $0x200;
	[sflag:s21] =	ssyncadd.s32 $0xFFFFC000  }
0xb3: {  	[tilespmem:s20], [sflag:$0x1] =	stream.indirect.gather [hbm4b:s1+s24], $0x80, s14, s24, $0xb8;
	[tilespmem:$0x1E800] =	vst v63  }
0xb4: {  	_ =	swait.ge [sflag:s29], $0x4000  }
0xb5: {  	[sflag:s29] =	ssyncset.done $0x0  }
0xb6: {  	s12 =	simm.s32 $0xFFFFBC00;
	s13 =	simm.s32 $0x1580;
	[sflag:s29] =	ssyncadd.s32 $0xFFFFC000  }
.LBB2_6:
0xb7: {  	[spmem:s2] =	stream.indirect.scatter.add.f32 [tilespmem:s25], [sflag:$0x4], $0x80, s13, s24, $0xb8;
	[tilespmem:$0x1E800] =	vst v63  }
0xb8: {  	s13 =	smov.u32 s12  }
0xb9: {  	p0 =	sne.s32 s12, $0xFFFFFC00;
	s12 =	sadd.s32 $0x400, s12;
	_ =	swait.ge [sflag:s31], $0x4000  }
0xba: {  	s13 =	sshra.s32 s13, $0x2;
	[sflag:s31] =	ssyncset.done $0x0  }
0xbb: {  	s14 =	sadd.s32 $0x1380, s13;
	[sflag:s31] =	ssyncadd.s32 $0xFFFFC000  }
0xbc: {  	[tilespmem:s25], [sflag:$0x2] =	stream.indirect.gather [hbm4b:s1+s24], $0x80, s14, s24, $0xb8;
	[tilespmem:$0x1E800] =	vst v63  }
0xbd: {  	_ =	swait.ge [sflag:s26], $0x4000  }
0xbe: {  	[sflag:s26] =	ssyncset.done $0x0  }
0xbf: {  	s14 =	sadd.s32 $0x2700, s13;
	[sflag:s26] =	ssyncadd.s32 $0xFFFFC000  }
0xc0: {  	[spmem:s2] =	stream.indirect.scatter.add.f32 [tilespmem:s20], [sflag:$0x3], $0x80, s14, s24, $0xb8;
	[tilespmem:$0x1E800] =	vst v63  }
0xc1: {  	_ =	swait.ge [sflag:s21], $0x4000  }
0xc2: {  	[sflag:s21] =	ssyncset.done $0x0  }
.Ltmp2:
0xc3: {  	s14 =	sadd.s32 $0x1400, s13;
	[sflag:s21] =	ssyncadd.s32 $0xFFFFC000;
	(pc) =	sbr.rel @p0 .LBB2_6-.Ltmp2, $4  }
0xc4: {  	[tilespmem:s20], [sflag:$0x1] =	stream.indirect.gather [hbm4b:s1+s24], $0x80, s14, s24, $0xb8;
	[tilespmem:$0x1E800] =	vst v63  }
0xc5: {  	_ =	swait.ge [sflag:s29], $0x4000  }
0xc6: {  	[sflag:s29] =	ssyncset.done $0x0  }
0xc7: {  	s13 =	sadd.s32 $0x2780, s13;
	[sflag:s29] =	ssyncadd.s32 $0xFFFFC000  }
0xc8: {  	[spmem:s2] =	stream.indirect.scatter.add.f32 [tilespmem:s25], [sflag:$0x4], $0x80, s13, s24, $0xb8;
	[tilespmem:$0x1E800] =	vst v63  }
0xc9: {  	_ =	swait.ge [sflag:s31], $0x4000  }
0xca: {  	[sflag:s31] =	ssyncset.done $0x0  }
0xcb: {  	[sflag:s31] =	ssyncadd.s32 $0xFFFFC000  }
0xcc: {  	[tilespmem:s25], [sflag:$0x2] =	stream.indirect.gather [hbm4b:s1+s24], $0x80, s0, s24, $0xb8;
	[tilespmem:$0x1E800] =	vst v63  }
0xcd: {  	_ =	swait.ge [sflag:s26], $0x4000  }
0xce: {  	[sflag:s26] =	ssyncset.done $0x0  }
0xcf: {  	[sflag:s26] =	ssyncadd.s32 $0xFFFFC000  }
0xd0: {  	[spmem:s2] =	stream.indirect.scatter.add.f32 [tilespmem:s20], [sflag:$0x3], $0x80, s4, s24, $0xb8;
	[tilespmem:$0x1E800] =	vst v63  }
0xd1: {  	_ =	swait.ge [sflag:s21], $0x4000  }
0xd2: {  	[sflag:s21] =	ssyncset.done $0x0  }
0xd3: {  	[sflag:s21] =	ssyncadd.s32 $0xFFFFC000  }
0xd4: {  	_ =	swait.ge [sflag:s29], $0x4000  }
0xd5: {  	[sflag:s29] =	ssyncset.done $0x0  }
0xd6: {  	[sflag:s29] =	ssyncadd.s32 $0xFFFFC000  }
0xd7: {  	[spmem:s2] =	stream.indirect.scatter.add.f32 [tilespmem:s25], [sflag:$0x4], $0x80, s10, s24, $0xb8;
	[tilespmem:$0x1E800] =	vst v63  }
0xd8: {  	_ =	swait.ge [sflag:s31], $0x4000  }
0xd9: {  	s12 =	stileid.u32;
	[sflag:s31] =	ssyncset.done $0x0  }
0xda: {  	s12 =	sshll.u32 s12, $0x6;
	[sflag:s31] =	ssyncadd.s32 $0xFFFFC000  }
0xdb: {  	s14 =	sshrl.u32 s5, $0x3;
	s12 =	sor.u32 $0x1C01, s12;
	[bflag:$0x0] =	sbarrier.arrive $0xFFFF  }
0xdc: {  	[hbm:s15], [sflag:s12] =	dma.local [spmem:s14], $0x800  }
0xdd: {  	s14 =	sshrl.u32 s6, $0x3  }
0xde: {  	[hbm:s16], [sflag:s12] =	dma.local [spmem:s14], $0x800  }
0xdf: {  	s14 =	sshrl.u32 s7, $0x3  }
0xe0: {  	[hbm:s17], [sflag:s12] =	dma.local [spmem:s14], $0x800  }
0xe1: {  	s14 =	sshrl.u32 s8, $0x3  }
0xe2: {  	[hbm:s18], [sflag:s12] =	dma.local [spmem:s14], $0x800  }
0xe3: {  	s14 =	sshrl.u32 s9, $0x3  }
0xe4: {  	[hbm:s19], [sflag:s12] =	dma.local [spmem:s14], $0x800  }
0xe5: {  	_ =	swait.ge [sflag:s26], $0x800  }
0xe6: {  	[sflag:s26] =	ssyncset.done $0x0  }
0xe7: {  	[sflag:s26] =	ssyncadd.s32 $0xFFFFF800  }
0xe8: {  	_ =	swait.ge [sflag:s26], $0x800  }
0xe9: {  	[sflag:s26] =	ssyncset.done $0x0  }
0xea: {  	[sflag:s26] =	ssyncadd.s32 $0xFFFFF800  }
0xeb: {  	_ =	swait.ge [sflag:s26], $0x800  }
0xec: {  	[sflag:s26] =	ssyncset.done $0x0  }
0xed: {  	[sflag:s26] =	ssyncadd.s32 $0xFFFFF800  }
0xee: {  	_ =	swait.ge [sflag:s26], $0x800  }
0xef: {  	[sflag:s26] =	ssyncset.done $0x0  }
0xf0: {  	[sflag:s26] =	ssyncadd.s32 $0xFFFFF800  }
0xf1: {  	_ =	swait.ge [sflag:s26], $0x800  }
0xf2: {  	s11 =	sadd.s32 $0x1, s11;
	s14 =	rddreg [dreg:$0x8]  }
0xf3: {  	p0 =	sne.s32 s11, s14  }
.Ltmp3:
0xf4: {  	_ = 	snop;
	(pc) =	sbr.rel @p0 .LBB2_1-.Ltmp3, $3  }
0xf5: {  	_ =	sdelay $0x1  }
0xf6: {  	[sflag:s26] =	ssyncset.done $0x0  }
0xf7: {  	[sflag:s26] =	ssyncadd.s32 $0xFFFFF800  }
0xf8: {  	_ =	sfence.sel $0x180000  }
0xf9: {  	[bflag:$0x0] =	sbarrier.arrive $0xFFFF  }
0xfa: {  	_ =	strace $0x9000004A  }
0xfb: {  	s0 =	stileid.u32;
	[bflag:$0x2] =	sbarrier.arrive $0xFFFF  }
0xfc: {  	p0 =	sne.s32 s0, $0x0;
	s0 =	rddreg [dreg:$0x3]  }
0xfd: {  	s0 =	sadd.s32 @!p0 $0x100000, s0  }
0xfe: {  	[sflag:s0] =	ssyncadd.tile.s32 @!p0 $0x1;
	_ =	shalt  }
.Lfunc_end2:
_tile_overlayer_lowered:
.L_overlay_start_2:
0xff: {  	(tag) =	ssettag $0x2  }
0x100: {  	s0 =	rddreg [dreg:$0x0];
	s2 =	stileid.u32  }
0x101: {  	s1 =	rddreg [dreg:$0x1];
	p0 =	sne.s32 s2, $0x0  }
0x102: {  	s3 =	rddreg [dreg:$0x2];
	[bflag:$0x3] =	sbarrier.arrive $0xFFFF;
	s2 =	simm.s32 @!p0 $0x1C05  }
0x103: {  	[timem:s3], [sflag:s2] =	dma.local @!p0 [hbm:s0], s1  }
0x104: {  	s0 =	simm.s32 @!p0 $0x5  }
0x105: {  	_ =	swait.ge @!p0 [sflag:s0], s1  }
0x106: {  	s1 =	ssub.s32 @!p0 $0x0, s1;
	[sflag:s0] =	ssyncset.done @!p0 $0x0  }
0x107: {  	[sflag:s0] =	ssyncadd.s32 @!p0 s1  }
0x108: {  	[bflag:$0x3] =	sbarrier.arrive $0xFFFF  }
0x109: {  	_ =	shalt  }

// kernel: kernel.16.cloned.1.call-start
scs
__scs_entry_jumppad:
0x0: {  	(pc) =	sbr.rel $0x88, $3  }
0x1: {  	(tag) =	ssettag $0x0;
	lr =	simm.s32 $0x1  }
0x2: {  	[smem:$0x3F99] =	sst lr;
	_ =	strace $0xD0000000  }
0x3: {  	_ = 	snop  }
0x4: {  	_ = 	snop  }
0x5: {  	_ = 	snop  }
0x6: {  	_ = 	snop  }
0x7: {  	_ = 	snop  }
__scs_overlays_trampoline_lowered:
0x8: {  	[smem:$0x3FA8] =	sst s0  }
0x9: {  	[smem:$0x3FA9] =	sst s1  }
0xa: {  	[smem:$0x3FAA] =	sst s2  }
0xb: {  	[smem:$0x3FAB] =	sst s3  }
0xc: {  	[smem:$0x3FAC] =	sst s4  }
0xd: {  	[smem:$0x3FAD] =	sst s5  }
0xe: {  	[smem:$0x3FAE] =	sst s6  }
0xf: {  	[smem:$0x3FAF] =	sst s7  }
0x10: {  	[smem:$0x3FB0] =	sst s8  }
0x11: {  	[smem:$0x3FB1] =	sst s9;
	s0 =	simm.s32 @!p0 $0x0  }
0x12: {  	s1 =	sld [smem:$0x3F97];
	s0 =	simm.s32 @p0 $0x1  }
0x13: {  	[smem:$0x3FB2] =	sst s0;
	s0 =	simm.s32 @!p1 $0x0  }
0x14: {  	s2 =	sld [smem:$0x3F96];
	s0 =	simm.s32 @p1 $0x1  }
0x15: {  	[smem:$0x3FB3] =	sst s0;
	s0 =	simm.s32 @!p2 $0x0  }
0x16: {  	s3 =	sld [smem:$0x3FDB];
	s0 =	simm.s32 @p2 $0x1  }
0x17: {  	s4 =	simm.s32 $0x1BF5;
	[smem:$0x3FB5] =	sst s0  }
0x18: {  	s0 =	sld [smem:$0x3F98];
	_ =	swait.ge [sflag:s4], $0x0  }
0x19: {  	s7 =	sld [smem:$0x3F99]  }
0x1a: {  	s8 =	sadd.s32 $0xFFFFE003, lr  }
0x1b: {  	s9 =	sadd.s32 $0xFFFFFEF7, lr;
	s5 =	simm.s32 $0xFFFFFFFF;
	p2 =	slt.u32 s8, $0xFFFFF086  }
0x1c: {  	p1 =	slt.u32 s9, $0xF7A;
	s5 =	simm.s32 @!p2 $0x0  }
0x1d: {  	s5 =	simm.s32 @p1 $0x1;
	p0 =	seq.s32 s7, s2  }
0x1e: {  	s7 =	smul.u32 @!p0 $0xF7A, s2;
	p2 =	seq.s32 @!p0 s5, $0x0  }
0x1f: {  	s9 =	smul.u32 $0xF7A, s1;
	s8 =	simm.s32 @!p0 $0x1BF5;
	p2 =	por !p2, p0  }
0x20: {  	[sflag:s8] =	ssyncset.s32 @!p0 $0xFFFFF086;
	s6 =	sadd.s32 @!p0 s3, s7;
	s7 =	simm.s32 @!p0 $0x108  }
0x21: {  	s3 =	sadd.s32 s3, s9;
	s6 =	sadd.s32 @!p0 $0x88, s6;
	s7 =	simm.s32 @p2 $0x1082  }
0x22: {  	[simem:s7], [sflag:s8] =	dma.local @!p0 [hbm:s6], $0xF7A  }
0x23: {  	s9 =	sor.u32 $0xD0000000, s2;
	s6 =	simm.s32 $0x108;
	_ =	swait.ge @!p0 [sflag:s8], $0x0  }
0x24: {  	s3 =	sadd.s32 $0x88, s3;
	s6 =	simm.s32 @!p1 $0x1082;
	[sflag:s4] =	ssyncset.s32 $0xFFFFF086  }
0x25: {  	[simem:s6], [sflag:s4] =	dma.local [hbm:s3], $0xF7A  }
0x26: {  	[smem:$0x3F99] =	sst s1;
	(tag) =	ssettag s2;
	_ =	strace s9  }
0x27: {  	s1 =	sld [smem:$0x3FA9]  }
0x28: {  	s2 =	sld [smem:$0x3FAA]  }
0x29: {  	s4 =	sld [smem:$0x3FAC]  }
0x2a: {  	p0 =	seq.s32 s5, $0x0;
	s5 =	sld [smem:$0x3FAD]  }
0x2b: {  	s6 =	sld [smem:$0x3FAE]  }
0x2c: {  	s7 =	sld [smem:$0x3FAF]  }
0x2d: {  	s3 =	simm.s32 $0x108;
	s8 =	sld [smem:$0x3FB0]  }
0x2e: {  	s3 =	simm.s32 @!p0 $0x1082;
	s9 =	sld [smem:$0x3FB1]  }
0x2f: {  	lr =	sadd.s32 s0, s3;
	s0 =	sld [smem:$0x3FA8]  }
0x30: {  	s3 =	sld [smem:$0x3FAB]  }
0x31: {  	[smem:$0x3FB4] =	sst s10  }
0x32: {  	s10 =	sld [smem:$0x3FB2];
	_ =	sdelay $0x3  }
0x33: {  	p0 =	seq.s32 s10, $0x1;
	s10 =	sld [smem:$0x3FB4];
	_ =	sdelay $0x3  }
0x34: {  	[smem:$0x3FB4] =	sst s10  }
0x35: {  	s10 =	sld [smem:$0x3FB3];
	_ =	sdelay $0x3  }
0x36: {  	p1 =	seq.s32 s10, $0x1;
	s10 =	sld [smem:$0x3FB4];
	_ =	sdelay $0x3  }
0x37: {  	[smem:$0x3FB4] =	sst s10  }
0x38: {  	s10 =	sld [smem:$0x3FB5]  }
0x39: {  	_ = 	snop;
	(pc) =	sbr.ind lr, $3  }
0x3a: {  	_ = 	snop  }
0x3b: {  	_ = 	snop  }
0x3c: {  	p2 =	seq.s32 s10, $0x1;
	s10 =	sld [smem:$0x3FB4]  }
0x3d: {  	_ =	shalt  }
0x3e: {  	_ =	shalt  }
0x3f: {  	_ =	shalt  }
0x40: {  	_ =	shalt  }
0x41: {  	_ =	shalt  }
0x42: {  	_ =	shalt  }
0x43: {  	_ =	shalt  }
0x44: {  	_ =	shalt  }
0x45: {  	_ =	shalt  }
0x46: {  	_ =	shalt  }
0x47: {  	_ =	shalt  }
0x48: {  	_ =	shalt  }
0x49: {  	_ =	shalt  }
0x4a: {  	_ =	shalt  }
0x4b: {  	_ =	shalt  }
0x4c: {  	_ =	shalt  }
0x4d: {  	_ =	shalt  }
0x4e: {  	_ =	shalt  }
0x4f: {  	_ =	shalt  }
0x50: {  	_ =	shalt  }
0x51: {  	_ =	shalt  }
0x52: {  	_ =	shalt  }
0x53: {  	_ =	shalt  }
0x54: {  	_ =	shalt  }
0x55: {  	_ =	shalt  }
0x56: {  	_ =	shalt  }
0x57: {  	_ =	shalt  }
0x58: {  	_ =	shalt  }
0x59: {  	_ =	shalt  }
0x5a: {  	_ =	shalt  }
0x5b: {  	_ =	shalt  }
0x5c: {  	_ =	shalt  }
0x5d: {  	_ =	shalt  }
0x5e: {  	_ =	shalt  }
0x5f: {  	_ =	shalt  }
0x60: {  	_ =	shalt  }
0x61: {  	_ =	shalt  }
0x62: {  	_ =	shalt  }
0x63: {  	_ =	shalt  }
0x64: {  	_ =	shalt  }
0x65: {  	_ =	shalt  }
0x66: {  	_ =	shalt  }
0x67: {  	_ =	shalt  }
0x68: {  	_ =	shalt  }
0x69: {  	_ =	shalt  }
0x6a: {  	_ =	shalt  }
0x6b: {  	_ =	shalt  }
0x6c: {  	_ =	shalt  }
0x6d: {  	_ =	shalt  }
0x6e: {  	_ =	shalt  }
0x6f: {  	_ =	shalt  }
0x70: {  	_ =	shalt  }
0x71: {  	_ =	shalt  }
0x72: {  	_ =	shalt  }
0x73: {  	_ =	shalt  }
0x74: {  	_ =	shalt  }
0x75: {  	_ =	shalt  }
0x76: {  	_ =	shalt  }
0x77: {  	_ =	shalt  }
0x78: {  	_ =	shalt  }
0x79: {  	_ =	shalt  }
0x7a: {  	_ =	shalt  }
0x7b: {  	_ =	shalt  }
0x7c: {  	_ =	shalt  }
0x7d: {  	_ =	shalt  }
0x7e: {  	_ =	shalt  }
0x7f: {  	_ =	shalt  }
0x80: {  	_ =	shalt  }
0x81: {  	_ =	shalt  }
0x82: {  	_ =	shalt  }
0x83: {  	_ =	shalt  }
0x84: {  	_ =	shalt  }
0x85: {  	_ =	shalt  }
0x86: {  	_ =	shalt  }
0x87: {  	_ =	shalt  }
.Lfunc_end0:
.L_simem_size_0:
called_computation.2_lowered:
.L_overlay_start_0:
0x88: {  	s2 =	sld [smem:$0x3FD9]  }
0x89: {  	s3 =	sld [smem:$0x3FFE];
	_ =	sdelay $0x1  }
0x8a: {  	s1 =	srdreg.scid  }
0x8b: {  	s0 =	sand.u32 $0x1, s1  }
0x8c: {  	s17 =	sshll.u32 s0, $0xA;
	s2 =	sadd.s32 s3, s2  }
0x8d: {  	s2 =	sadd.s32 s2, s17  }
0x8e: {  	[smem:$0x3FC0] =	sst s2  }
0x8f: {  	_ = 	snop  }
0x90: {  	s2 =	sld [smem:$0x3FD0];
	(tm) =	ssettm $0x1  }
0x91: {  	s18 =	sld [smem:$0x3FFB];
	_ =	sdelay $0x3  }
0x92: {  	_ =	strace s18  }
0x93: {  	s3 =	sld [smem:$0x3FFC];
	_ =	sdelay $0x3  }
0x94: {  	_ =	strace s3  }
0x95: {  	s3 =	sld [smem:$0x3FFD];
	_ =	sdelay $0x3  }
0x96: {  	_ =	strace s3  }
0x97: {  	_ =	strace $0x8FFFFFFF  }
0x98: {  	s19 =	sld [smem:$0x3FDB];
	_ =	sdelay $0x1  }
0x99: {  	s4 =	simm.s32 $_scs_section_size  }
0x9a: {  	s5 =	simm.s32 $_size__tile_overlayer_lowered;
	s6 =	simm.s32 $_tile_overlayer_lowered  }
0x9b: {  	s22 =	simm.s32 $0x1BFF;
	s21 =	sshll.u32 s6, $0x1;
	s3 =	sadd.s32 s4, s19  }
0x9c: {  	s7 =	simm.s32 $0x0;
	s20 =	sshll.u32 s5, $0x1;
	s5 =	sadd.s32 s21, s3  }
0x9d: {  	[timem:s7], [sflag:s22] =	dma.local [hbm:s5], s20  }
0x9e: {  	_ =	swait.ge [sflag:s22], s20  }
0x9f: {  	s4 =	ssub.s32 $0x0, s20;
	[sflag:s22] =	ssyncset.done $0x0  }
0xa0: {  	[sflag:s22] =	ssyncadd.s32 s4;
	_ =	sdelay $0x1  }
0xa1: {  	s23 =	simm.s32 $0x1B8B  }
0xa2: {  	_ =	swait.ge [sflag:s23], $0x1  }
0xa3: {  	[sflag:s23] =	ssyncset.done $0x0  }
0xa4: {  	s25 =	simm.s32 $0x1B8E;
	s24 =	sld [smem:$0x3FFE];
	[sflag:s23] =	ssyncadd.s32 $0xFFFFFFFF  }
0xa5: {  	s26 =	simm.s32 $execute0_lowered;
	[smem:$0x3FD2] =	sst s25  }
0xa6: {  	s5 =	sshll.u32 s26, $0x1;
	_ =	strace $0x8000004C;
	[dreg:$0x1] =	wrdreg $0xFFFFFFFF  }
0xa7: {  	s28 =	simm.s32 $_size_execute0_lowered;
	s3 =	sadd.s32 s3, s5;
	[dreg:$0x0] =	wrdreg $0x0  }
0xa8: {  	s5 =	sshll.u32 s28, $0x1;
	[dreg:$0x2] =	wrdreg s3  }
0xa9: {  	[dreg:$0x3] =	wrdreg s5  }
0xaa: {  	[dreg:$0x4] =	wrdreg $0xC0  }
0xab: {  	_ =	task [dreg:s7], $0x5FFFF  }
0xac: {  	[dreg:$0x1] =	wrdreg $0xFFFFFFFF  }
0xad: {  	[dreg:$0x0] =	wrdreg $0x60  }
0xae: {  	[dreg:$0x2] =	wrdreg s2  }
0xaf: {  	[dreg:$0x3] =	wrdreg s24  }
0xb0: {  	[dreg:$0x4] =	wrdreg $0xA8000  }
0xb1: {  	[dreg:$0x5] =	wrdreg $0x9  }
0xb2: {  	_ =	task.clear_ibuf [dreg:s7], $0x6FFFF;
	_ =	strace $0x9000004C  }
0xb3: {  	s29 =	simm.s32 $0x9;
	_ =	strace $0x8000004E  }
0xb4: {  	_ =	swait.ge [sflag:s29], $0x1  }
0xb5: {  	[sflag:s29] =	ssyncadd.s32 $0xFFFFFFFF  }
0xb6: {  	_ =	strace $0x9000004E  }
0xb7: {  	_ =	sfence  }
0xb8: {  	s30 =	sld [smem:$0x0];
	_ =	sdelay $0x2  }
0xb9: {  	s31 =	sshll.u32 s1, $0xD;
	s1 =	sshrl.u32 s1, $0x2  }
0xba: {  	s3 =	sand.u32 $0x4000, s31;
	s1 =	sadd.s32 s1, s30  }
0xbb: {  	s0 =	sor.u32 s3, s0;
	s1 =	sshll.u32 s1, $0x11  }
0xbc: {  	s0 =	sor.u32 s1, s0  }
0xbd: {  	s0 =	sadd.s32 $0x8F2B, s0  }
0xbe: {  	[sflag:s0] =	ssyncadd.remote.s32 $0x1  }
0xbf: {  	_ =	sfence.sel $0xFFFF  }
0xc0: {  	[dreg:$0x0] =	wrdreg $0xFFFFFFFF;
	(pc) =	sbr.abs _section_cstart, $3  }
0xc1: {  	[dreg:$0x1] =	wrdreg $0xFFFFFFFF  }
0xc2: {  	_ =	task.clear_ibuf [dreg:s7], $0x2FFFF;
	_ =	strace $0x9FFFFFFF  }
0xc3: {  	(tm) =	ssettm $0x7FFFFFFF  }
tec
execute0_lowered:
.L_overlay_start_1:
0x0: {  	(tag) =	ssettag $0x1  }
0x1: {  	s1 =	rddreg [dreg:$0x0]  }
0x2: {  	s0 =	rddreg [dreg:$0x1]  }
0x3: {  	s2 =	rddreg [dreg:$0x2]  }
0x4: {  	s3 =	simm.s32 $0x0;
	s4 =	srdreg.scid;
	s20 =	stileid.u32  }
0x5: {  	s28 =	simm.s32 $0x100;
	s29 =	simm.s32 $0x2;
	s30 =	simm.s32 $0x1480  }
0x6: {  	s31 =	simm.s32 $0x4;
	[smem:$0x7FF] =	sst s3;
	s10 =	sadd.s32 $0xFA00, s0  }
0x7: {  	s4 =	sand.u32 $0x1, s4;
	s11 =	sadd.s32 $0x5A00, s0;
	s8 =	smul.u32 $0x280, s20  }
0x8: {  	s9 =	smul.u32 $0x50000, s20;
	_ =	strace $0x8000004D;
	s5 =	ssub.s32 $0x2, s4  }
0x9: {  	s7 =	sshll.u32 s4, $0x4;
	p0 =	seq.s32 s4, $0x1;
	s4 =	simm.s32 $0x2700  }
0xa: {  	s6 =	sshrl.u32 s5, $0x1;
	s13 =	sor.u32 s20, s7;
	s14 =	sadd.s32 $0x80, s8  }
0xb: {  	s19 =	sshrl.u32 s9, $0x2;
	s15 =	sadd.s32 $0x100, s8;
	s16 =	sadd.s32 $0x180, s8  }
0xc: {  	s18 =	sadd.s32 $0x200, s8;
	s12 =	ssub.s32 s5, s6;
	s21 =	sshll.u32 s14, $0x7  }
0xd: {  	s5 =	sadd.s32 s19, s2;
	s22 =	sshll.u32 s15, $0x7;
	s23 =	smul.u32 $0x2800, s13  }
0xe: {  	s17 =	sshll.u32 s16, $0x7;
	s13 =	smul.u32 $0x500, s13;
	s24 =	sshll.u32 s18, $0x7  }
0xf: {  	s6 =	sadd.s32 s21, s2;
	s7 =	sadd.s32 s22, s2;
	s8 =	sadd.s32 s17, s2  }
0x10: {  	s9 =	sadd.s32 s24, s2;
	s21 =	smul.u32 $0x2800, s20;
	s22 =	sshll.u32 s14, $0x4  }
0x11: {  	s24 =	sshll.u32 s16, $0x4;
	s20 =	simm.s32 $0x2800;
	s25 =	sadd.s32 s10, s13  }
0x12: {  	s19 =	sshrl.u32 s23, $0x3;
	s13 =	sadd.s32 s11, s13;
	[dreg:$0x4] =	wrdreg s25  }
0x13: {  	s23 =	sshll.u32 s15, $0x4;
	s26 =	sadd.s32 $0x280, s19;
	[dreg:$0x5] =	wrdreg s13  }
0x14: {  	s25 =	sshll.u32 s18, $0x4;
	s10 =	sadd.s32 s10, s26;
	s19 =	sadd.s32 s11, s26  }
0x15: {  	s26 =	smax.u32 s12, $0x1;
	[dreg:$0x6] =	wrdreg s10;
	s10 =	simm.s32 $0x91A00  }
0x16: {  	s11 =	simm.s32 $0x0;
	[dreg:$0x7] =	wrdreg s19;
	s10 =	simm.s32 @!p0 $0x69A00  }
0x17: {  	[dreg:$0x8] =	wrdreg s26;
	s26 =	simm.s32 $0x1;
	s0 =	sadd.s32 s10, s0  }
0x18: {  	s10 =	simm.s32 $0x2780;
	s15 =	sadd.s32 s0, s21;
	s16 =	sadd.s32 s0, s22  }
0x19: {  	s17 =	sadd.s32 s0, s23;
	s18 =	sadd.s32 s0, s24;
	s19 =	sadd.s32 s0, s25  }
0x1a: {  	s21 =	simm.s32 $0x3;
	s22 =	simm.s32 $0x5;
	s23 =	simm.s32 $0x1400  }
0x1b: {  	v0 =	vimm.f32 $0.0e+00;
	s24 =	simm.s32 $0x80;
	s25 =	simm.s32 $0x6800;
	s0 =	simm.s32 $0x1380  }
.LBB2_1:
0x1c: {  	s12 =	simm.s32 $0x0;
	s13 =	simm.s32 $0x200  }
.LBB2_2:
0x1d: {  	p0 =	sne.s32 s13, $0xFE00;
	[tilespmem:s12+$0x2870] =	vst v0  }
0x1e: {  	[tilespmem:s12+$0x2800] =	vst v0  }
0x1f: {  	[tilespmem:s12+$0x2810] =	vst v0  }
.Ltmp0:
0x20: {  	[tilespmem:s12+$0x2820] =	vst v0;
	(pc) =	sbr.rel @p0 .LBB2_2-.Ltmp0, $4  }
0x21: {  	[tilespmem:s12+$0x2830] =	vst v0  }
0x22: {  	[tilespmem:s12+$0x2840] =	vst v0  }
0x23: {  	[tilespmem:s12+$0x2850] =	vst v0  }
0x24: {  	[tilespmem:s12+$0x2860] =	vst v0;
	s12 =	sshra.s32 s13, $0x2;
	s13 =	sadd.s32 $0x200, s13  }
0x25: {  	[tilespmem:s12+$0x2870] =	vst v0  }
0x26: {  	[tilespmem:s12+$0x2800] =	vst v0  }
0x27: {  	[tilespmem:s12+$0x2810] =	vst v0  }
0x28: {  	[tilespmem:s12+$0x2820] =	vst v0  }
0x29: {  	[tilespmem:s12+$0x2830] =	vst v0  }
0x2a: {  	[tilespmem:s12+$0x2840] =	vst v0  }
0x2b: {  	[tilespmem:s12+$0x2850] =	vst v0  }
0x2c: {  	[tilespmem:s12+$0x2860] =	vst v0  }
0x2d: {  	[spmem:s5] =	stream.linear.scatter [tilespmem:s20], [sflag:$0x3], $0x4000, $0x38;
	[tilespmem:$0x1E800] =	vst v63  }
0x2e: {  	_ = 	snop  }
0x2f: {  	[spmem:s6] =	stream.linear.scatter [tilespmem:s20], [sflag:$0x3], $0x4000, $0x38;
	[tilespmem:$0x1E800] =	vst v63  }
0x30: {  	_ = 	snop  }
0x31: {  	[spmem:s7] =	stream.linear.scatter [tilespmem:s20], [sflag:$0x3], $0x4000, $0x38;
	[tilespmem:$0x1E800] =	vst v63  }
0x32: {  	_ = 	snop  }
0x33: {  	[spmem:s8] =	stream.linear.scatter [tilespmem:s20], [sflag:$0x3], $0x4000, $0x38;
	[tilespmem:$0x1E800] =	vst v63  }
0x34: {  	_ = 	snop  }
0x35: {  	[spmem:s9] =	stream.linear.scatter [tilespmem:s20], [sflag:$0x3], $0x4000, $0x38;
	[tilespmem:$0x1E800] =	vst v63  }
0x36: {  	_ =	swait.ge [sflag:s21], $0x4000  }
0x37: {  	[sflag:s21] =	ssyncset.done $0x0  }
0x38: {  	[sflag:s21] =	ssyncadd.s32 $0xFFFFC000  }
0x39: {  	_ =	swait.ge [sflag:s21], $0x4000  }
0x3a: {  	[sflag:s21] =	ssyncset.done $0x0  }
0x3b: {  	[sflag:s21] =	ssyncadd.s32 $0xFFFFC000  }
0x3c: {  	_ =	swait.ge [sflag:s21], $0x4000  }
0x3d: {  	[sflag:s21] =	ssyncset.done $0x0  }
0x3e: {  	[sflag:s21] =	ssyncadd.s32 $0xFFFFC000  }
0x3f: {  	_ =	swait.ge [sflag:s21], $0x4000  }
0x40: {  	[sflag:s21] =	ssyncset.done $0x0  }
0x41: {  	[sflag:s21] =	ssyncadd.s32 $0xFFFFC000  }
0x42: {  	_ =	swait.ge [sflag:s21], $0x4000  }
0x43: {  	[sflag:s21] =	ssyncset.done $0x0  }
0x44: {  	[sflag:s21] =	ssyncadd.s32 $0xFFFFC000  }
0x45: {  	[bflag:$0x0] =	sbarrier.arrive $0xFFFF  }
0x46: {  	s14 =	rddreg [dreg:$0x4]  }
0x47: {  	[tilespmem:s3], [sflag:$0x5] =	stream.linear.gather [hbm4b:s14+s3], $0x1400, $0x38;
	[tilespmem:$0x1E800] =	vst v63  }
0x48: {  	_ =	swait.ge [sflag:s22], $0x1400  }
0x49: {  	[sflag:s22] =	ssyncset.done $0x0  }
0x4a: {  	s13 =	rddreg [dreg:$0x5];
	[sflag:s22] =	ssyncadd.s32 $0xFFFFEC00  }
0x4b: {  	[tilespmem:s23], [sflag:$0x5] =	stream.linear.gather [hbm4b:s13+s3], $0x1400, $0x38;
	[tilespmem:$0x1E800] =	vst v63  }
0x4c: {  	_ =	swait.ge [sflag:s22], $0x1400  }
0x4d: {  	[sflag:s22] =	ssyncset.done $0x0  }
0x4e: {  	[sflag:s22] =	ssyncadd.s32 $0xFFFFEC00  }
0x4f: {  	[tilespmem:s20], [sflag:$0x1] =	stream.indirect.gather [hbm4b:s1+s24], $0x80, s3, s24, $0xb8;
	[tilespmem:$0x1E800] =	vst v63  }
0x50: {  	_ = 	snop  }
0x51: {  	[tilespmem:s25], [sflag:$0x2] =	stream.indirect.gather [hbm4b:s1+s24], $0x80, s24, s24, $0xb8;
	[tilespmem:$0x1E800] =	vst v63  }
0x52: {  	_ =	swait.ge [sflag:s26], $0x4000  }
0x53: {  	[sflag:s26] =	ssyncset.done $0x0  }
0x54: {  	[sflag:s26] =	ssyncadd.s32 $0xFFFFC000  }
0x55: {  	[spmem:s2] =	stream.indirect.scatter.add.f32 [tilespmem:s20], [sflag:$0x3], $0x80, s23, s24, $0xb8;
	[tilespmem:$0x1E800] =	vst v63  }
0x56: {  	_ =	swait.ge [sflag:s21], $0x4000  }
0x57: {  	[sflag:s21] =	ssyncset.done $0x0  }
0x58: {  	[sflag:s21] =	ssyncadd.s32 $0xFFFFC000  }
0x59: {  	[tilespmem:s20], [sflag:$0x1] =	stream.indirect.gather [hbm4b:s1+s24], $0x80, s28, s24, $0xb8;
	[tilespmem:$0x1E800] =	vst v63  }
0x5a: {  	_ =	swait.ge [sflag:s29], $0x4000  }
0x5b: {  	[sflag:s29] =	ssyncset.done $0x0  }
0x5c: {  	[sflag:s29] =	ssyncadd.s32 $0xFFFFC000  }
0x5d: {  	[spmem:s2] =	stream.indirect.scatter.add.f32 [tilespmem:s25], [sflag:$0x4], $0x80, s30, s24, $0xb8;
	[tilespmem:$0x1E800] =	vst v63  }
0x5e: {  	_ =	swait.ge [sflag:s31], $0x4000  }
0x5f: {  	[sflag:s31] =	ssyncset.done $0x0  }
0x60: {  	s14 =	simm.s32 $0x180;
	[sflag:s31] =	ssyncadd.s32 $0xFFFFC000  }
0x61: {  	[tilespmem:s25], [sflag:$0x2] =	stream.indirect.gather [hbm4b:s1+s24], $0x80, s14, s24, $0xb8;
	[tilespmem:$0x1E800] =	vst v63  }
0x62: {  	_ =	swait.ge [sflag:s26], $0x4000  }
0x63: {  	[sflag:s26] =	ssyncset.done $0x0  }
0x64: {  	s13 =	simm.s32 $0x1500;
	[sflag:s26] =	ssyncadd.s32 $0xFFFFC000  }
0x65: {  	[spmem:s2] =	stream.indirect.scatter.add.f32 [tilespmem:s20], [sflag:$0x3], $0x80, s13, s24, $0xb8;
	[tilespmem:$0x1E800] =	vst v63  }
0x66: {  	_ =	swait.ge [sflag:s21], $0x4000  }
0x67: {  	[sflag:s21] =	ssyncset.done $0x0  }
0x68: {  	s14 =	simm.s32 $0x200;
	[sflag:s21] =	ssyncadd.s32 $0xFFFFC000  }
0x69: {  	[tilespmem:s20], [sflag:$0x1] =	stream.indirect.gather [hbm4b:s1+s24], $0x80, s14, s24, $0xb8;
	[tilespmem:$0x1E800] =	vst v63  }
0x6a: {  	_ =	swait.ge [sflag:s29], $0x4000  }
0x6b: {  	[sflag:s29] =	ssyncset.done $0x0  }
0x6c: {  	s12 =	simm.s32 $0xFFFFBC00;
	s13 =	simm.s32 $0x1580;
	[sflag:s29] =	ssyncadd.s32 $0xFFFFC000  }
.LBB2_4:
0x6d: {  	[spmem:s2] =	stream.indirect.scatter.add.f32 [tilespmem:s25], [sflag:$0x4], $0x80, s13, s24, $0xb8;
	[tilespmem:$0x1E800] =	vst v63  }
0x6e: {  	s13 =	smov.u32 s12  }
0x6f: {  	p0 =	sne.s32 s12, $0xFFFFFC00;
	s12 =	sadd.s32 $0x400, s12;
	_ =	swait.ge [sflag:s31], $0x4000  }
0x70: {  	s13 =	sshra.s32 s13, $0x2;
	[sflag:s31] =	ssyncset.done $0x0  }
0x71: {  	s14 =	sadd.s32 $0x1380, s13;
	[sflag:s31] =	ssyncadd.s32 $0xFFFFC000  }
0x72: {  	[tilespmem:s25], [sflag:$0x2] =	stream.indirect.gather [hbm4b:s1+s24], $0x80, s14, s24, $0xb8;
	[tilespmem:$0x1E800] =	vst v63  }
0x73: {  	_ =	swait.ge [sflag:s26], $0x4000  }
0x74: {  	[sflag:s26] =	ssyncset.done $0x0  }
0x75: {  	s14 =	sadd.s32 $0x2700, s13;
	[sflag:s26] =	ssyncadd.s32 $0xFFFFC000  }
0x76: {  	[spmem:s2] =	stream.indirect.scatter.add.f32 [tilespmem:s20], [sflag:$0x3], $0x80, s14, s24, $0xb8;
	[tilespmem:$0x1E800] =	vst v63  }
0x77: {  	_ =	swait.ge [sflag:s21], $0x4000  }
0x78: {  	[sflag:s21] =	ssyncset.done $0x0  }
.Ltmp1:
0x79: {  	s14 =	sadd.s32 $0x1400, s13;
	[sflag:s21] =	ssyncadd.s32 $0xFFFFC000;
	(pc) =	sbr.rel @p0 .LBB2_4-.Ltmp1, $4  }
0x7a: {  	[tilespmem:s20], [sflag:$0x1] =	stream.indirect.gather [hbm4b:s1+s24], $0x80, s14, s24, $0xb8;
	[tilespmem:$0x1E800] =	vst v63  }
0x7b: {  	_ =	swait.ge [sflag:s29], $0x4000  }
0x7c: {  	[sflag:s29] =	ssyncset.done $0x0  }
0x7d: {  	s13 =	sadd.s32 $0x2780, s13;
	[sflag:s29] =	ssyncadd.s32 $0xFFFFC000  }
0x7e: {  	[spmem:s2] =	stream.indirect.scatter.add.f32 [tilespmem:s25], [sflag:$0x4], $0x80, s13, s24, $0xb8;
	[tilespmem:$0x1E800] =	vst v63  }
0x7f: {  	_ =	swait.ge [sflag:s31], $0x4000  }
0x80: {  	[sflag:s31] =	ssyncset.done $0x0  }
0x81: {  	[sflag:s31] =	ssyncadd.s32 $0xFFFFC000  }
0x82: {  	[tilespmem:s25], [sflag:$0x2] =	stream.indirect.gather [hbm4b:s1+s24], $0x80, s0, s24, $0xb8;
	[tilespmem:$0x1E800] =	vst v63  }
0x83: {  	_ =	swait.ge [sflag:s26], $0x4000  }
0x84: {  	[sflag:s26] =	ssyncset.done $0x0  }
0x85: {  	[sflag:s26] =	ssyncadd.s32 $0xFFFFC000  }
0x86: {  	[spmem:s2] =	stream.indirect.scatter.add.f32 [tilespmem:s20], [sflag:$0x3], $0x80, s4, s24, $0xb8;
	[tilespmem:$0x1E800] =	vst v63  }
0x87: {  	_ =	swait.ge [sflag:s21], $0x4000  }
0x88: {  	[sflag:s21] =	ssyncset.done $0x0  }
0x89: {  	[sflag:s21] =	ssyncadd.s32 $0xFFFFC000  }
0x8a: {  	_ =	swait.ge [sflag:s29], $0x4000  }
0x8b: {  	[sflag:s29] =	ssyncset.done $0x0  }
0x8c: {  	[sflag:s29] =	ssyncadd.s32 $0xFFFFC000  }
0x8d: {  	[spmem:s2] =	stream.indirect.scatter.add.f32 [tilespmem:s25], [sflag:$0x4], $0x80, s10, s24, $0xb8;
	[tilespmem:$0x1E800] =	vst v63  }
0x8e: {  	_ =	swait.ge [sflag:s31], $0x4000  }
0x8f: {  	[sflag:s31] =	ssyncset.done $0x0  }
0x90: {  	s12 =	rddreg [dreg:$0x6];
	[sflag:s31] =	ssyncadd.s32 $0xFFFFC000  }
0x91: {  	[tilespmem:s3], [sflag:$0x5] =	stream.linear.gather [hbm4b:s12+s3], $0x1400, $0x38;
	[tilespmem:$0x1E800] =	vst v63  }
0x92: {  	_ =	swait.ge [sflag:s22], $0x1400  }
0x93: {  	[sflag:s22] =	ssyncset.done $0x0  }
0x94: {  	s13 =	rddreg [dreg:$0x7];
	[sflag:s22] =	ssyncadd.s32 $0xFFFFEC00  }
0x95: {  	[tilespmem:s23], [sflag:$0x5] =	stream.linear.gather [hbm4b:s13+s3], $0x1400, $0x38;
	[tilespmem:$0x1E800] =	vst v63  }
0x96: {  	_ =	swait.ge [sflag:s22], $0x1400  }
0x97: {  	[sflag:s22] =	ssyncset.done $0x0  }
0x98: {  	[sflag:s22] =	ssyncadd.s32 $0xFFFFEC00  }
0x99: {  	[tilespmem:s20], [sflag:$0x1] =	stream.indirect.gather [hbm4b:s1+s24], $0x80, s3, s24, $0xb8;
	[tilespmem:$0x1E800] =	vst v63  }
0x9a: {  	_ = 	snop  }
0x9b: {  	[tilespmem:s25], [sflag:$0x2] =	stream.indirect.gather [hbm4b:s1+s24], $0x80, s24, s24, $0xb8;
	[tilespmem:$0x1E800] =	vst v63  }
0x9c: {  	_ =	swait.ge [sflag:s26], $0x4000  }
0x9d: {  	[sflag:s26] =	ssyncset.done $0x0  }
0x9e: {  	[sflag:s26] =	ssyncadd.s32 $0xFFFFC000  }
0x9f: {  	[spmem:s2] =	stream.indirect.scatter.add.f32 [tilespmem:s20], [sflag:$0x3], $0x80, s23, s24, $0xb8;
	[tilespmem:$0x1E800] =	vst v63  }
0xa0: {  	_ =	swait.ge [sflag:s21], $0x4000  }
0xa1: {  	[sflag:s21] =	ssyncset.done $0x0  }
0xa2: {  	[sflag:s21] =	ssyncadd.s32 $0xFFFFC000  }
0xa3: {  	[tilespmem:s20], [sflag:$0x1] =	stream.indirect.gather [hbm4b:s1+s24], $0x80, s28, s24, $0xb8;
	[tilespmem:$0x1E800] =	vst v63  }
0xa4: {  	_ =	swait.ge [sflag:s29], $0x4000  }
0xa5: {  	[sflag:s29] =	ssyncset.done $0x0  }
0xa6: {  	[sflag:s29] =	ssyncadd.s32 $0xFFFFC000  }
0xa7: {  	[spmem:s2] =	stream.indirect.scatter.add.f32 [tilespmem:s25], [sflag:$0x4], $0x80, s30, s24, $0xb8;
	[tilespmem:$0x1E800] =	vst v63  }
0xa8: {  	_ =	swait.ge [sflag:s31], $0x4000  }
0xa9: {  	[sflag:s31] =	ssyncset.done $0x0  }
0xaa: {  	s14 =	simm.s32 $0x180;
	[sflag:s31] =	ssyncadd.s32 $0xFFFFC000  }
0xab: {  	[tilespmem:s25], [sflag:$0x2] =	stream.indirect.gather [hbm4b:s1+s24], $0x80, s14, s24, $0xb8;
	[tilespmem:$0x1E800] =	vst v63  }
0xac: {  	_ =	swait.ge [sflag:s26], $0x4000  }
0xad: {  	[sflag:s26] =	ssyncset.done $0x0  }
0xae: {  	s13 =	simm.s32 $0x1500;
	[sflag:s26] =	ssyncadd.s32 $0xFFFFC000  }
0xaf: {  	[spmem:s2] =	stream.indirect.scatter.add.f32 [tilespmem:s20], [sflag:$0x3], $0x80, s13, s24, $0xb8;
	[tilespmem:$0x1E800] =	vst v63  }
0xb0: {  	_ =	swait.ge [sflag:s21], $0x4000  }
0xb1: {  	[sflag:s21] =	ssyncset.done $0x0  }
0xb2: {  	s14 =	simm.s32 $0x200;
	[sflag:s21] =	ssyncadd.s32 $0xFFFFC000  }
0xb3: {  	[tilespmem:s20], [sflag:$0x1] =	stream.indirect.gather [hbm4b:s1+s24], $0x80, s14, s24, $0xb8;
	[tilespmem:$0x1E800] =	vst v63  }
0xb4: {  	_ =	swait.ge [sflag:s29], $0x4000  }
0xb5: {  	[sflag:s29] =	ssyncset.done $0x0  }
0xb6: {  	s12 =	simm.s32 $0xFFFFBC00;
	s13 =	simm.s32 $0x1580;
	[sflag:s29] =	ssyncadd.s32 $0xFFFFC000  }
.LBB2_6:
0xb7: {  	[spmem:s2] =	stream.indirect.scatter.add.f32 [tilespmem:s25], [sflag:$0x4], $0x80, s13, s24, $0xb8;
	[tilespmem:$0x1E800] =	vst v63  }
0xb8: {  	s13 =	smov.u32 s12  }
0xb9: {  	p0 =	sne.s32 s12, $0xFFFFFC00;
	s12 =	sadd.s32 $0x400, s12;
	_ =	swait.ge [sflag:s31], $0x4000  }
0xba: {  	s13 =	sshra.s32 s13, $0x2;
	[sflag:s31] =	ssyncset.done $0x0  }
0xbb: {  	s14 =	sadd.s32 $0x1380, s13;
	[sflag:s31] =	ssyncadd.s32 $0xFFFFC000  }
0xbc: {  	[tilespmem:s25], [sflag:$0x2] =	stream.indirect.gather [hbm4b:s1+s24], $0x80, s14, s24, $0xb8;
	[tilespmem:$0x1E800] =	vst v63  }
0xbd: {  	_ =	swait.ge [sflag:s26], $0x4000  }
0xbe: {  	[sflag:s26] =	ssyncset.done $0x0  }
0xbf: {  	s14 =	sadd.s32 $0x2700, s13;
	[sflag:s26] =	ssyncadd.s32 $0xFFFFC000  }
0xc0: {  	[spmem:s2] =	stream.indirect.scatter.add.f32 [tilespmem:s20], [sflag:$0x3], $0x80, s14, s24, $0xb8;
	[tilespmem:$0x1E800] =	vst v63  }
0xc1: {  	_ =	swait.ge [sflag:s21], $0x4000  }
0xc2: {  	[sflag:s21] =	ssyncset.done $0x0  }
.Ltmp2:
0xc3: {  	s14 =	sadd.s32 $0x1400, s13;
	[sflag:s21] =	ssyncadd.s32 $0xFFFFC000;
	(pc) =	sbr.rel @p0 .LBB2_6-.Ltmp2, $4  }
0xc4: {  	[tilespmem:s20], [sflag:$0x1] =	stream.indirect.gather [hbm4b:s1+s24], $0x80, s14, s24, $0xb8;
	[tilespmem:$0x1E800] =	vst v63  }
0xc5: {  	_ =	swait.ge [sflag:s29], $0x4000  }
0xc6: {  	[sflag:s29] =	ssyncset.done $0x0  }
0xc7: {  	s13 =	sadd.s32 $0x2780, s13;
	[sflag:s29] =	ssyncadd.s32 $0xFFFFC000  }
0xc8: {  	[spmem:s2] =	stream.indirect.scatter.add.f32 [tilespmem:s25], [sflag:$0x4], $0x80, s13, s24, $0xb8;
	[tilespmem:$0x1E800] =	vst v63  }
0xc9: {  	_ =	swait.ge [sflag:s31], $0x4000  }
0xca: {  	[sflag:s31] =	ssyncset.done $0x0  }
0xcb: {  	[sflag:s31] =	ssyncadd.s32 $0xFFFFC000  }
0xcc: {  	[tilespmem:s25], [sflag:$0x2] =	stream.indirect.gather [hbm4b:s1+s24], $0x80, s0, s24, $0xb8;
	[tilespmem:$0x1E800] =	vst v63  }
0xcd: {  	_ =	swait.ge [sflag:s26], $0x4000  }
0xce: {  	[sflag:s26] =	ssyncset.done $0x0  }
0xcf: {  	[sflag:s26] =	ssyncadd.s32 $0xFFFFC000  }
0xd0: {  	[spmem:s2] =	stream.indirect.scatter.add.f32 [tilespmem:s20], [sflag:$0x3], $0x80, s4, s24, $0xb8;
	[tilespmem:$0x1E800] =	vst v63  }
0xd1: {  	_ =	swait.ge [sflag:s21], $0x4000  }
0xd2: {  	[sflag:s21] =	ssyncset.done $0x0  }
0xd3: {  	[sflag:s21] =	ssyncadd.s32 $0xFFFFC000  }
0xd4: {  	_ =	swait.ge [sflag:s29], $0x4000  }
0xd5: {  	[sflag:s29] =	ssyncset.done $0x0  }
0xd6: {  	[sflag:s29] =	ssyncadd.s32 $0xFFFFC000  }
0xd7: {  	[spmem:s2] =	stream.indirect.scatter.add.f32 [tilespmem:s25], [sflag:$0x4], $0x80, s10, s24, $0xb8;
	[tilespmem:$0x1E800] =	vst v63  }
0xd8: {  	_ =	swait.ge [sflag:s31], $0x4000  }
0xd9: {  	s12 =	stileid.u32;
	[sflag:s31] =	ssyncset.done $0x0  }
0xda: {  	s12 =	sshll.u32 s12, $0x6;
	[sflag:s31] =	ssyncadd.s32 $0xFFFFC000  }
0xdb: {  	s14 =	sshrl.u32 s5, $0x3;
	s12 =	sor.u32 $0x1C01, s12;
	[bflag:$0x0] =	sbarrier.arrive $0xFFFF  }
0xdc: {  	[hbm:s15], [sflag:s12] =	dma.local [spmem:s14], $0x800  }
0xdd: {  	s14 =	sshrl.u32 s6, $0x3  }
0xde: {  	[hbm:s16], [sflag:s12] =	dma.local [spmem:s14], $0x800  }
0xdf: {  	s14 =	sshrl.u32 s7, $0x3  }
0xe0: {  	[hbm:s17], [sflag:s12] =	dma.local [spmem:s14], $0x800  }
0xe1: {  	s14 =	sshrl.u32 s8, $0x3  }
0xe2: {  	[hbm:s18], [sflag:s12] =	dma.local [spmem:s14], $0x800  }
0xe3: {  	s14 =	sshrl.u32 s9, $0x3  }
0xe4: {  	[hbm:s19], [sflag:s12] =	dma.local [spmem:s14], $0x800  }
0xe5: {  	_ =	swait.ge [sflag:s26], $0x800  }
0xe6: {  	[sflag:s26] =	ssyncset.done $0x0  }
0xe7: {  	[sflag:s26] =	ssyncadd.s32 $0xFFFFF800  }
0xe8: {  	_ =	swait.ge [sflag:s26], $0x800  }
0xe9: {  	[sflag:s26] =	ssyncset.done $0x0  }
0xea: {  	[sflag:s26] =	ssyncadd.s32 $0xFFFFF800  }
0xeb: {  	_ =	swait.ge [sflag:s26], $0x800  }
0xec: {  	[sflag:s26] =	ssyncset.done $0x0  }
0xed: {  	[sflag:s26] =	ssyncadd.s32 $0xFFFFF800  }
0xee: {  	_ =	swait.ge [sflag:s26], $0x800  }
0xef: {  	[sflag:s26] =	ssyncset.done $0x0  }
0xf0: {  	[sflag:s26] =	ssyncadd.s32 $0xFFFFF800  }
0xf1: {  	_ =	swait.ge [sflag:s26], $0x800  }
0xf2: {  	s11 =	sadd.s32 $0x1, s11;
	s14 =	rddreg [dreg:$0x8]  }
0xf3: {  	p0 =	sne.s32 s11, s14  }
.Ltmp3:
0xf4: {  	_ = 	snop;
	(pc) =	sbr.rel @p0 .LBB2_1-.Ltmp3, $3  }
0xf5: {  	_ =	sdelay $0x1  }
0xf6: {  	[sflag:s26] =	ssyncset.done $0x0  }
0xf7: {  	[sflag:s26] =	ssyncadd.s32 $0xFFFFF800  }
0xf8: {  	_ =	sfence.sel $0x180000  }
0xf9: {  	[bflag:$0x0] =	sbarrier.arrive $0xFFFF  }
0xfa: {  	_ =	strace $0x9000004D  }
0xfb: {  	s0 =	stileid.u32;
	[bflag:$0x2] =	sbarrier.arrive $0xFFFF  }
0xfc: {  	p0 =	sne.s32 s0, $0x0;
	s0 =	rddreg [dreg:$0x3]  }
0xfd: {  	s0 =	sadd.s32 @!p0 $0x100000, s0  }
0xfe: {  	[sflag:s0] =	ssyncadd.tile.s32 @!p0 $0x1;
	_ =	shalt  }
.Lfunc_end2:
_tile_overlayer_lowered:
.L_overlay_start_2:
0xff: {  	(tag) =	ssettag $0x2  }
0x100: {  	s0 =	rddreg [dreg:$0x0];
	s2 =	stileid.u32  }
0x101: {  	s1 =	rddreg [dreg:$0x1];
	p0 =	sne.s32 s2, $0x0  }
0x102: {  	s3 =	rddreg [dreg:$0x2];
	[bflag:$0x3] =	sbarrier.arrive $0xFFFF;
	s2 =	simm.s32 @!p0 $0x1C05  }
0x103: {  	[timem:s3], [sflag:s2] =	dma.local @!p0 [hbm:s0], s1  }
0x104: {  	s0 =	simm.s32 @!p0 $0x5  }
0x105: {  	_ =	swait.ge @!p0 [sflag:s0], s1  }
0x106: {  	s1 =	ssub.s32 @!p0 $0x0, s1;
	[sflag:s0] =	ssyncset.done @!p0 $0x0  }
0x107: {  	[sflag:s0] =	ssyncadd.s32 @!p0 s1  }
0x108: {  	[bflag:$0x3] =	sbarrier.arrive $0xFFFF  }
0x109: {  	_ =	shalt  }

// kernel: kernel.19.cloned.1.call-start
scs
__scs_entry_jumppad:
0x0: {  	(pc) =	sbr.rel $0x88, $3  }
0x1: {  	(tag) =	ssettag $0x0;
	lr =	simm.s32 $0x1  }
0x2: {  	[smem:$0x3F99] =	sst lr;
	_ =	strace $0xD0000000  }
0x3: {  	_ = 	snop  }
0x4: {  	_ = 	snop  }
0x5: {  	_ = 	snop  }
0x6: {  	_ = 	snop  }
0x7: {  	_ = 	snop  }
__scs_overlays_trampoline_lowered:
0x8: {  	[smem:$0x3FA8] =	sst s0  }
0x9: {  	[smem:$0x3FA9] =	sst s1  }
0xa: {  	[smem:$0x3FAA] =	sst s2  }
0xb: {  	[smem:$0x3FAB] =	sst s3  }
0xc: {  	[smem:$0x3FAC] =	sst s4  }
0xd: {  	[smem:$0x3FAD] =	sst s5  }
0xe: {  	[smem:$0x3FAE] =	sst s6  }
0xf: {  	[smem:$0x3FAF] =	sst s7  }
0x10: {  	[smem:$0x3FB0] =	sst s8  }
0x11: {  	[smem:$0x3FB1] =	sst s9;
	s0 =	simm.s32 @!p0 $0x0  }
0x12: {  	s1 =	sld [smem:$0x3F97];
	s0 =	simm.s32 @p0 $0x1  }
0x13: {  	[smem:$0x3FB2] =	sst s0;
	s0 =	simm.s32 @!p1 $0x0  }
0x14: {  	s2 =	sld [smem:$0x3F96];
	s0 =	simm.s32 @p1 $0x1  }
0x15: {  	[smem:$0x3FB3] =	sst s0;
	s0 =	simm.s32 @!p2 $0x0  }
0x16: {  	s3 =	sld [smem:$0x3FDB];
	s0 =	simm.s32 @p2 $0x1  }
0x17: {  	s4 =	simm.s32 $0x1BF5;
	[smem:$0x3FB5] =	sst s0  }
0x18: {  	s0 =	sld [smem:$0x3F98];
	_ =	swait.ge [sflag:s4], $0x0  }
0x19: {  	s7 =	sld [smem:$0x3F99]  }
0x1a: {  	s8 =	sadd.s32 $0xFFFFE003, lr  }
0x1b: {  	s9 =	sadd.s32 $0xFFFFFEF7, lr;
	s5 =	simm.s32 $0xFFFFFFFF;
	p2 =	slt.u32 s8, $0xFFFFF086  }
0x1c: {  	p1 =	slt.u32 s9, $0xF7A;
	s5 =	simm.s32 @!p2 $0x0  }
0x1d: {  	s5 =	simm.s32 @p1 $0x1;
	p0 =	seq.s32 s7, s2  }
0x1e: {  	s7 =	smul.u32 @!p0 $0xF7A, s2;
	p2 =	seq.s32 @!p0 s5, $0x0  }
0x1f: {  	s9 =	smul.u32 $0xF7A, s1;
	s8 =	simm.s32 @!p0 $0x1BF5;
	p2 =	por !p2, p0  }
0x20: {  	[sflag:s8] =	ssyncset.s32 @!p0 $0xFFFFF086;
	s6 =	sadd.s32 @!p0 s3, s7;
	s7 =	simm.s32 @!p0 $0x108  }
0x21: {  	s3 =	sadd.s32 s3, s9;
	s6 =	sadd.s32 @!p0 $0x88, s6;
	s7 =	simm.s32 @p2 $0x1082  }
0x22: {  	[simem:s7], [sflag:s8] =	dma.local @!p0 [hbm:s6], $0xF7A  }
0x23: {  	s9 =	sor.u32 $0xD0000000, s2;
	s6 =	simm.s32 $0x108;
	_ =	swait.ge @!p0 [sflag:s8], $0x0  }
0x24: {  	s3 =	sadd.s32 $0x88, s3;
	s6 =	simm.s32 @!p1 $0x1082;
	[sflag:s4] =	ssyncset.s32 $0xFFFFF086  }
0x25: {  	[simem:s6], [sflag:s4] =	dma.local [hbm:s3], $0xF7A  }
0x26: {  	[smem:$0x3F99] =	sst s1;
	(tag) =	ssettag s2;
	_ =	strace s9  }
0x27: {  	s1 =	sld [smem:$0x3FA9]  }
0x28: {  	s2 =	sld [smem:$0x3FAA]  }
0x29: {  	s4 =	sld [smem:$0x3FAC]  }
0x2a: {  	p0 =	seq.s32 s5, $0x0;
	s5 =	sld [smem:$0x3FAD]  }
0x2b: {  	s6 =	sld [smem:$0x3FAE]  }
0x2c: {  	s7 =	sld [smem:$0x3FAF]  }
0x2d: {  	s3 =	simm.s32 $0x108;
	s8 =	sld [smem:$0x3FB0]  }
0x2e: {  	s3 =	simm.s32 @!p0 $0x1082;
	s9 =	sld [smem:$0x3FB1]  }
0x2f: {  	lr =	sadd.s32 s0, s3;
	s0 =	sld [smem:$0x3FA8]  }
0x30: {  	s3 =	sld [smem:$0x3FAB]  }
0x31: {  	[smem:$0x3FB4] =	sst s10  }
0x32: {  	s10 =	sld [smem:$0x3FB2];
	_ =	sdelay $0x3  }
0x33: {  	p0 =	seq.s32 s10, $0x1;
	s10 =	sld [smem:$0x3FB4];
	_ =	sdelay $0x3  }
0x34: {  	[smem:$0x3FB4] =	sst s10  }
0x35: {  	s10 =	sld [smem:$0x3FB3];
	_ =	sdelay $0x3  }
0x36: {  	p1 =	seq.s32 s10, $0x1;
	s10 =	sld [smem:$0x3FB4];
	_ =	sdelay $0x3  }
0x37: {  	[smem:$0x3FB4] =	sst s10  }
0x38: {  	s10 =	sld [smem:$0x3FB5]  }
0x39: {  	_ = 	snop;
	(pc) =	sbr.ind lr, $3  }
0x3a: {  	_ = 	snop  }
0x3b: {  	_ = 	snop  }
0x3c: {  	p2 =	seq.s32 s10, $0x1;
	s10 =	sld [smem:$0x3FB4]  }
0x3d: {  	_ =	shalt  }
0x3e: {  	_ =	shalt  }
0x3f: {  	_ =	shalt  }
0x40: {  	_ =	shalt  }
0x41: {  	_ =	shalt  }
0x42: {  	_ =	shalt  }
0x43: {  	_ =	shalt  }
0x44: {  	_ =	shalt  }
0x45: {  	_ =	shalt  }
0x46: {  	_ =	shalt  }
0x47: {  	_ =	shalt  }
0x48: {  	_ =	shalt  }
0x49: {  	_ =	shalt  }
0x4a: {  	_ =	shalt  }
0x4b: {  	_ =	shalt  }
0x4c: {  	_ =	shalt  }
0x4d: {  	_ =	shalt  }
0x4e: {  	_ =	shalt  }
0x4f: {  	_ =	shalt  }
0x50: {  	_ =	shalt  }
0x51: {  	_ =	shalt  }
0x52: {  	_ =	shalt  }
0x53: {  	_ =	shalt  }
0x54: {  	_ =	shalt  }
0x55: {  	_ =	shalt  }
0x56: {  	_ =	shalt  }
0x57: {  	_ =	shalt  }
0x58: {  	_ =	shalt  }
0x59: {  	_ =	shalt  }
0x5a: {  	_ =	shalt  }
0x5b: {  	_ =	shalt  }
0x5c: {  	_ =	shalt  }
0x5d: {  	_ =	shalt  }
0x5e: {  	_ =	shalt  }
0x5f: {  	_ =	shalt  }
0x60: {  	_ =	shalt  }
0x61: {  	_ =	shalt  }
0x62: {  	_ =	shalt  }
0x63: {  	_ =	shalt  }
0x64: {  	_ =	shalt  }
0x65: {  	_ =	shalt  }
0x66: {  	_ =	shalt  }
0x67: {  	_ =	shalt  }
0x68: {  	_ =	shalt  }
0x69: {  	_ =	shalt  }
0x6a: {  	_ =	shalt  }
0x6b: {  	_ =	shalt  }
0x6c: {  	_ =	shalt  }
0x6d: {  	_ =	shalt  }
0x6e: {  	_ =	shalt  }
0x6f: {  	_ =	shalt  }
0x70: {  	_ =	shalt  }
0x71: {  	_ =	shalt  }
0x72: {  	_ =	shalt  }
0x73: {  	_ =	shalt  }
0x74: {  	_ =	shalt  }
0x75: {  	_ =	shalt  }
0x76: {  	_ =	shalt  }
0x77: {  	_ =	shalt  }
0x78: {  	_ =	shalt  }
0x79: {  	_ =	shalt  }
0x7a: {  	_ =	shalt  }
0x7b: {  	_ =	shalt  }
0x7c: {  	_ =	shalt  }
0x7d: {  	_ =	shalt  }
0x7e: {  	_ =	shalt  }
0x7f: {  	_ =	shalt  }
0x80: {  	_ =	shalt  }
0x81: {  	_ =	shalt  }
0x82: {  	_ =	shalt  }
0x83: {  	_ =	shalt  }
0x84: {  	_ =	shalt  }
0x85: {  	_ =	shalt  }
0x86: {  	_ =	shalt  }
0x87: {  	_ =	shalt  }
.Lfunc_end0:
.L_simem_size_0:
called_computation.3_lowered:
.L_overlay_start_0:
0x88: {  	s2 =	sld [smem:$0x3FD9]  }
0x89: {  	s3 =	sld [smem:$0x3FFE];
	_ =	sdelay $0x1  }
0x8a: {  	s1 =	srdreg.scid  }
0x8b: {  	s0 =	sand.u32 $0x1, s1  }
0x8c: {  	s17 =	sshll.u32 s0, $0xA;
	s2 =	sadd.s32 s3, s2  }
0x8d: {  	s2 =	sadd.s32 s2, s17  }
0x8e: {  	[smem:$0x3FC0] =	sst s2  }
0x8f: {  	_ = 	snop  }
0x90: {  	s2 =	sld [smem:$0x3FD0];
	(tm) =	ssettm $0x1  }
0x91: {  	s18 =	sld [smem:$0x3FFB];
	_ =	sdelay $0x3  }
0x92: {  	_ =	strace s18  }
0x93: {  	s3 =	sld [smem:$0x3FFC];
	_ =	sdelay $0x3  }
0x94: {  	_ =	strace s3  }
0x95: {  	s3 =	sld [smem:$0x3FFD];
	_ =	sdelay $0x3  }
0x96: {  	_ =	strace s3  }
0x97: {  	_ =	strace $0x8FFFFFFF  }
0x98: {  	s19 =	sld [smem:$0x3FDB];
	_ =	sdelay $0x1  }
0x99: {  	s4 =	simm.s32 $_scs_section_size  }
0x9a: {  	s5 =	simm.s32 $_size__tile_overlayer_lowered;
	s6 =	simm.s32 $_tile_overlayer_lowered  }
0x9b: {  	s22 =	simm.s32 $0x1BFF;
	s21 =	sshll.u32 s6, $0x1;
	s3 =	sadd.s32 s4, s19  }
0x9c: {  	s7 =	simm.s32 $0x0;
	s20 =	sshll.u32 s5, $0x1;
	s5 =	sadd.s32 s21, s3  }
0x9d: {  	[timem:s7], [sflag:s22] =	dma.local [hbm:s5], s20  }
0x9e: {  	_ =	swait.ge [sflag:s22], s20  }
0x9f: {  	s4 =	ssub.s32 $0x0, s20;
	[sflag:s22] =	ssyncset.done $0x0  }
0xa0: {  	[sflag:s22] =	ssyncadd.s32 s4;
	_ =	sdelay $0x1  }
0xa1: {  	s23 =	simm.s32 $0x1B8B  }
0xa2: {  	_ =	swait.ge [sflag:s23], $0x1  }
0xa3: {  	[sflag:s23] =	ssyncset.done $0x0  }
0xa4: {  	s25 =	simm.s32 $0x1B8E;
	s24 =	sld [smem:$0x3FFE];
	[sflag:s23] =	ssyncadd.s32 $0xFFFFFFFF  }
0xa5: {  	s26 =	simm.s32 $execute0_lowered;
	[smem:$0x3FD2] =	sst s25  }
0xa6: {  	s5 =	sshll.u32 s26, $0x1;
	_ =	strace $0x8000004F;
	[dreg:$0x1] =	wrdreg $0xFFFFFFFF  }
0xa7: {  	s28 =	simm.s32 $_size_execute0_lowered;
	s3 =	sadd.s32 s3, s5;
	[dreg:$0x0] =	wrdreg $0x0  }
0xa8: {  	s5 =	sshll.u32 s28, $0x1;
	[dreg:$0x2] =	wrdreg s3  }
0xa9: {  	[dreg:$0x3] =	wrdreg s5  }
0xaa: {  	[dreg:$0x4] =	wrdreg $0xC0  }
0xab: {  	_ =	task [dreg:s7], $0x5FFFF  }
0xac: {  	[dreg:$0x1] =	wrdreg $0xFFFFFFFF  }
0xad: {  	[dreg:$0x0] =	wrdreg $0x60  }
0xae: {  	[dreg:$0x2] =	wrdreg s2  }
0xaf: {  	[dreg:$0x3] =	wrdreg s24  }
0xb0: {  	[dreg:$0x4] =	wrdreg $0xA8000  }
0xb1: {  	[dreg:$0x5] =	wrdreg $0x9  }
0xb2: {  	_ =	task.clear_ibuf [dreg:s7], $0x6FFFF;
	_ =	strace $0x9000004F  }
0xb3: {  	s29 =	simm.s32 $0x9;
	_ =	strace $0x80000051  }
0xb4: {  	_ =	swait.ge [sflag:s29], $0x1  }
0xb5: {  	[sflag:s29] =	ssyncadd.s32 $0xFFFFFFFF  }
0xb6: {  	_ =	strace $0x90000051  }
0xb7: {  	_ =	sfence  }
0xb8: {  	s30 =	sld [smem:$0x0];
	_ =	sdelay $0x2  }
0xb9: {  	s31 =	sshll.u32 s1, $0xD;
	s1 =	sshrl.u32 s1, $0x2  }
0xba: {  	s3 =	sand.u32 $0x4000, s31;
	s1 =	sadd.s32 s1, s30  }
0xbb: {  	s0 =	sor.u32 s3, s0;
	s1 =	sshll.u32 s1, $0x11  }
0xbc: {  	s0 =	sor.u32 s1, s0  }
0xbd: {  	s0 =	sadd.s32 $0x8F2B, s0  }
0xbe: {  	[sflag:s0] =	ssyncadd.remote.s32 $0x1  }
0xbf: {  	_ =	sfence.sel $0xFFFF  }
0xc0: {  	[dreg:$0x0] =	wrdreg $0xFFFFFFFF;
	(pc) =	sbr.abs _section_cstart, $3  }
0xc1: {  	[dreg:$0x1] =	wrdreg $0xFFFFFFFF  }
0xc2: {  	_ =	task.clear_ibuf [dreg:s7], $0x2FFFF;
	_ =	strace $0x9FFFFFFF  }
0xc3: {  	(tm) =	ssettm $0x7FFFFFFF  }
tec
execute0_lowered:
.L_overlay_start_1:
0x0: {  	(tag) =	ssettag $0x1  }
0x1: {  	s1 =	rddreg [dreg:$0x0]  }
0x2: {  	s0 =	rddreg [dreg:$0x1]  }
0x3: {  	s2 =	rddreg [dreg:$0x2]  }
0x4: {  	s3 =	simm.s32 $0x0;
	s4 =	srdreg.scid;
	s20 =	stileid.u32  }
0x5: {  	s28 =	simm.s32 $0x100;
	s29 =	simm.s32 $0x2;
	s30 =	simm.s32 $0x1480  }
0x6: {  	s31 =	simm.s32 $0x4;
	[smem:$0x7FF] =	sst s3;
	s10 =	sadd.s32 $0xFA00, s0  }
0x7: {  	s4 =	sand.u32 $0x1, s4;
	s11 =	sadd.s32 $0x5A00, s0;
	s8 =	smul.u32 $0x280, s20  }
0x8: {  	s9 =	smul.u32 $0x50000, s20;
	_ =	strace $0x80000050;
	s5 =	ssub.s32 $0x2, s4  }
0x9: {  	s7 =	sshll.u32 s4, $0x4;
	p0 =	seq.s32 s4, $0x1;
	s4 =	simm.s32 $0x2700  }
0xa: {  	s6 =	sshrl.u32 s5, $0x1;
	s13 =	sor.u32 s20, s7;
	s14 =	sadd.s32 $0x80, s8  }
0xb: {  	s19 =	sshrl.u32 s9, $0x2;
	s15 =	sadd.s32 $0x100, s8;
	s16 =	sadd.s32 $0x180, s8  }
0xc: {  	s18 =	sadd.s32 $0x200, s8;
	s12 =	ssub.s32 s5, s6;
	s21 =	sshll.u32 s14, $0x7  }
0xd: {  	s5 =	sadd.s32 s19, s2;
	s22 =	sshll.u32 s15, $0x7;
	s23 =	smul.u32 $0x2800, s13  }
0xe: {  	s17 =	sshll.u32 s16, $0x7;
	s13 =	smul.u32 $0x500, s13;
	s24 =	sshll.u32 s18, $0x7  }
0xf: {  	s6 =	sadd.s32 s21, s2;
	s7 =	sadd.s32 s22, s2;
	s8 =	sadd.s32 s17, s2  }
0x10: {  	s9 =	sadd.s32 s24, s2;
	s21 =	smul.u32 $0x2800, s20;
	s22 =	sshll.u32 s14, $0x4  }
0x11: {  	s24 =	sshll.u32 s16, $0x4;
	s20 =	simm.s32 $0x2800;
	s25 =	sadd.s32 s10, s13  }
0x12: {  	s19 =	sshrl.u32 s23, $0x3;
	s13 =	sadd.s32 s11, s13;
	[dreg:$0x4] =	wrdreg s25  }
0x13: {  	s23 =	sshll.u32 s15, $0x4;
	s26 =	sadd.s32 $0x280, s19;
	[dreg:$0x5] =	wrdreg s13  }
0x14: {  	s25 =	sshll.u32 s18, $0x4;
	s10 =	sadd.s32 s10, s26;
	s19 =	sadd.s32 s11, s26  }
0x15: {  	s26 =	smax.u32 s12, $0x1;
	[dreg:$0x6] =	wrdreg s10;
	s10 =	simm.s32 $0x91A00  }
0x16: {  	s11 =	simm.s32 $0x0;
	[dreg:$0x7] =	wrdreg s19;
	s10 =	simm.s32 @!p0 $0x69A00  }
0x17: {  	[dreg:$0x8] =	wrdreg s26;
	s26 =	simm.s32 $0x1;
	s0 =	sadd.s32 s10, s0  }
0x18: {  	s10 =	simm.s32 $0x2780;
	s15 =	sadd.s32 s0, s21;
	s16 =	sadd.s32 s0, s22  }
0x19: {  	s17 =	sadd.s32 s0, s23;
	s18 =	sadd.s32 s0, s24;
	s19 =	sadd.s32 s0, s25  }
0x1a: {  	s21 =	simm.s32 $0x3;
	s22 =	simm.s32 $0x5;
	s23 =	simm.s32 $0x1400  }
0x1b: {  	v0 =	vimm.f32 $0.0e+00;
	s24 =	simm.s32 $0x80;
	s25 =	simm.s32 $0x6800;
	s0 =	simm.s32 $0x1380  }
.LBB2_1:
0x1c: {  	s12 =	simm.s32 $0x0;
	s13 =	simm.s32 $0x200  }
.LBB2_2:
0x1d: {  	p0 =	sne.s32 s13, $0xFE00;
	[tilespmem:s12+$0x2870] =	vst v0  }
0x1e: {  	[tilespmem:s12+$0x2800] =	vst v0  }
0x1f: {  	[tilespmem:s12+$0x2810] =	vst v0  }
.Ltmp0:
0x20: {  	[tilespmem:s12+$0x2820] =	vst v0;
	(pc) =	sbr.rel @p0 .LBB2_2-.Ltmp0, $4  }
0x21: {  	[tilespmem:s12+$0x2830] =	vst v0  }
0x22: {  	[tilespmem:s12+$0x2840] =	vst v0  }
0x23: {  	[tilespmem:s12+$0x2850] =	vst v0  }
0x24: {  	[tilespmem:s12+$0x2860] =	vst v0;
	s12 =	sshra.s32 s13, $0x2;
	s13 =	sadd.s32 $0x200, s13  }
0x25: {  	[tilespmem:s12+$0x2870] =	vst v0  }
0x26: {  	[tilespmem:s12+$0x2800] =	vst v0  }
0x27: {  	[tilespmem:s12+$0x2810] =	vst v0  }
0x28: {  	[tilespmem:s12+$0x2820] =	vst v0  }
0x29: {  	[tilespmem:s12+$0x2830] =	vst v0  }
0x2a: {  	[tilespmem:s12+$0x2840] =	vst v0  }
0x2b: {  	[tilespmem:s12+$0x2850] =	vst v0  }
0x2c: {  	[tilespmem:s12+$0x2860] =	vst v0  }
0x2d: {  	[spmem:s5] =	stream.linear.scatter [tilespmem:s20], [sflag:$0x3], $0x4000, $0x38;
	[tilespmem:$0x1E800] =	vst v63  }
0x2e: {  	_ = 	snop  }
0x2f: {  	[spmem:s6] =	stream.linear.scatter [tilespmem:s20], [sflag:$0x3], $0x4000, $0x38;
	[tilespmem:$0x1E800] =	vst v63  }
0x30: {  	_ = 	snop  }
0x31: {  	[spmem:s7] =	stream.linear.scatter [tilespmem:s20], [sflag:$0x3], $0x4000, $0x38;
	[tilespmem:$0x1E800] =	vst v63  }
0x32: {  	_ = 	snop  }
0x33: {  	[spmem:s8] =	stream.linear.scatter [tilespmem:s20], [sflag:$0x3], $0x4000, $0x38;
	[tilespmem:$0x1E800] =	vst v63  }
0x34: {  	_ = 	snop  }
0x35: {  	[spmem:s9] =	stream.linear.scatter [tilespmem:s20], [sflag:$0x3], $0x4000, $0x38;
	[tilespmem:$0x1E800] =	vst v63  }
0x36: {  	_ =	swait.ge [sflag:s21], $0x4000  }
0x37: {  	[sflag:s21] =	ssyncset.done $0x0  }
0x38: {  	[sflag:s21] =	ssyncadd.s32 $0xFFFFC000  }
0x39: {  	_ =	swait.ge [sflag:s21], $0x4000  }
0x3a: {  	[sflag:s21] =	ssyncset.done $0x0  }
0x3b: {  	[sflag:s21] =	ssyncadd.s32 $0xFFFFC000  }
0x3c: {  	_ =	swait.ge [sflag:s21], $0x4000  }
0x3d: {  	[sflag:s21] =	ssyncset.done $0x0  }
0x3e: {  	[sflag:s21] =	ssyncadd.s32 $0xFFFFC000  }
0x3f: {  	_ =	swait.ge [sflag:s21], $0x4000  }
0x40: {  	[sflag:s21] =	ssyncset.done $0x0  }
0x41: {  	[sflag:s21] =	ssyncadd.s32 $0xFFFFC000  }
0x42: {  	_ =	swait.ge [sflag:s21], $0x4000  }
0x43: {  	[sflag:s21] =	ssyncset.done $0x0  }
0x44: {  	[sflag:s21] =	ssyncadd.s32 $0xFFFFC000  }
0x45: {  	[bflag:$0x0] =	sbarrier.arrive $0xFFFF  }
0x46: {  	s14 =	rddreg [dreg:$0x4]  }
0x47: {  	[tilespmem:s3], [sflag:$0x5] =	stream.linear.gather [hbm4b:s14+s3], $0x1400, $0x38;
	[tilespmem:$0x1E800] =	vst v63  }
0x48: {  	_ =	swait.ge [sflag:s22], $0x1400  }
0x49: {  	[sflag:s22] =	ssyncset.done $0x0  }
0x4a: {  	s13 =	rddreg [dreg:$0x5];
	[sflag:s22] =	ssyncadd.s32 $0xFFFFEC00  }
0x4b: {  	[tilespmem:s23], [sflag:$0x5] =	stream.linear.gather [hbm4b:s13+s3], $0x1400, $0x38;
	[tilespmem:$0x1E800] =	vst v63  }
0x4c: {  	_ =	swait.ge [sflag:s22], $0x1400  }
0x4d: {  	[sflag:s22] =	ssyncset.done $0x0  }
0x4e: {  	[sflag:s22] =	ssyncadd.s32 $0xFFFFEC00  }
0x4f: {  	[tilespmem:s20], [sflag:$0x1] =	stream.indirect.gather [hbm4b:s1+s24], $0x80, s3, s24, $0xb8;
	[tilespmem:$0x1E800] =	vst v63  }
0x50: {  	_ = 	snop  }
0x51: {  	[tilespmem:s25], [sflag:$0x2] =	stream.indirect.gather [hbm4b:s1+s24], $0x80, s24, s24, $0xb8;
	[tilespmem:$0x1E800] =	vst v63  }
0x52: {  	_ =	swait.ge [sflag:s26], $0x4000  }
0x53: {  	[sflag:s26] =	ssyncset.done $0x0  }
0x54: {  	[sflag:s26] =	ssyncadd.s32 $0xFFFFC000  }
0x55: {  	[spmem:s2] =	stream.indirect.scatter.add.f32 [tilespmem:s20], [sflag:$0x3], $0x80, s23, s24, $0xb8;
	[tilespmem:$0x1E800] =	vst v63  }
0x56: {  	_ =	swait.ge [sflag:s21], $0x4000  }
0x57: {  	[sflag:s21] =	ssyncset.done $0x0  }
0x58: {  	[sflag:s21] =	ssyncadd.s32 $0xFFFFC000  }
0x59: {  	[tilespmem:s20], [sflag:$0x1] =	stream.indirect.gather [hbm4b:s1+s24], $0x80, s28, s24, $0xb8;
	[tilespmem:$0x1E800] =	vst v63  }
0x5a: {  	_ =	swait.ge [sflag:s29], $0x4000  }
0x5b: {  	[sflag:s29] =	ssyncset.done $0x0  }
0x5c: {  	[sflag:s29] =	ssyncadd.s32 $0xFFFFC000  }
0x5d: {  	[spmem:s2] =	stream.indirect.scatter.add.f32 [tilespmem:s25], [sflag:$0x4], $0x80, s30, s24, $0xb8;
	[tilespmem:$0x1E800] =	vst v63  }
0x5e: {  	_ =	swait.ge [sflag:s31], $0x4000  }
0x5f: {  	[sflag:s31] =	ssyncset.done $0x0  }
0x60: {  	s14 =	simm.s32 $0x180;
	[sflag:s31] =	ssyncadd.s32 $0xFFFFC000  }
0x61: {  	[tilespmem:s25], [sflag:$0x2] =	stream.indirect.gather [hbm4b:s1+s24], $0x80, s14, s24, $0xb8;
	[tilespmem:$0x1E800] =	vst v63  }
0x62: {  	_ =	swait.ge [sflag:s26], $0x4000  }
0x63: {  	[sflag:s26] =	ssyncset.done $0x0  }
0x64: {  	s13 =	simm.s32 $0x1500;
	[sflag:s26] =	ssyncadd.s32 $0xFFFFC000  }
0x65: {  	[spmem:s2] =	stream.indirect.scatter.add.f32 [tilespmem:s20], [sflag:$0x3], $0x80, s13, s24, $0xb8;
	[tilespmem:$0x1E800] =	vst v63  }
0x66: {  	_ =	swait.ge [sflag:s21], $0x4000  }
0x67: {  	[sflag:s21] =	ssyncset.done $0x0  }
0x68: {  	s14 =	simm.s32 $0x200;
	[sflag:s21] =	ssyncadd.s32 $0xFFFFC000  }
0x69: {  	[tilespmem:s20], [sflag:$0x1] =	stream.indirect.gather [hbm4b:s1+s24], $0x80, s14, s24, $0xb8;
	[tilespmem:$0x1E800] =	vst v63  }
0x6a: {  	_ =	swait.ge [sflag:s29], $0x4000  }
0x6b: {  	[sflag:s29] =	ssyncset.done $0x0  }
0x6c: {  	s12 =	simm.s32 $0xFFFFBC00;
	s13 =	simm.s32 $0x1580;
	[sflag:s29] =	ssyncadd.s32 $0xFFFFC000  }
.LBB2_4:
0x6d: {  	[spmem:s2] =	stream.indirect.scatter.add.f32 [tilespmem:s25], [sflag:$0x4], $0x80, s13, s24, $0xb8;
	[tilespmem:$0x1E800] =	vst v63  }
0x6e: {  	s13 =	smov.u32 s12  }
0x6f: {  	p0 =	sne.s32 s12, $0xFFFFFC00;
	s12 =	sadd.s32 $0x400, s12;
	_ =	swait.ge [sflag:s31], $0x4000  }
0x70: {  	s13 =	sshra.s32 s13, $0x2;
	[sflag:s31] =	ssyncset.done $0x0  }
0x71: {  	s14 =	sadd.s32 $0x1380, s13;
	[sflag:s31] =	ssyncadd.s32 $0xFFFFC000  }
0x72: {  	[tilespmem:s25], [sflag:$0x2] =	stream.indirect.gather [hbm4b:s1+s24], $0x80, s14, s24, $0xb8;
	[tilespmem:$0x1E800] =	vst v63  }
0x73: {  	_ =	swait.ge [sflag:s26], $0x4000  }
0x74: {  	[sflag:s26] =	ssyncset.done $0x0  }
0x75: {  	s14 =	sadd.s32 $0x2700, s13;
	[sflag:s26] =	ssyncadd.s32 $0xFFFFC000  }
0x76: {  	[spmem:s2] =	stream.indirect.scatter.add.f32 [tilespmem:s20], [sflag:$0x3], $0x80, s14, s24, $0xb8;
	[tilespmem:$0x1E800] =	vst v63  }
0x77: {  	_ =	swait.ge [sflag:s21], $0x4000  }
0x78: {  	[sflag:s21] =	ssyncset.done $0x0  }
.Ltmp1:
0x79: {  	s14 =	sadd.s32 $0x1400, s13;
	[sflag:s21] =	ssyncadd.s32 $0xFFFFC000;
	(pc) =	sbr.rel @p0 .LBB2_4-.Ltmp1, $4  }
0x7a: {  	[tilespmem:s20], [sflag:$0x1] =	stream.indirect.gather [hbm4b:s1+s24], $0x80, s14, s24, $0xb8;
	[tilespmem:$0x1E800] =	vst v63  }
0x7b: {  	_ =	swait.ge [sflag:s29], $0x4000  }
0x7c: {  	[sflag:s29] =	ssyncset.done $0x0  }
0x7d: {  	s13 =	sadd.s32 $0x2780, s13;
	[sflag:s29] =	ssyncadd.s32 $0xFFFFC000  }
0x7e: {  	[spmem:s2] =	stream.indirect.scatter.add.f32 [tilespmem:s25], [sflag:$0x4], $0x80, s13, s24, $0xb8;
	[tilespmem:$0x1E800] =	vst v63  }
0x7f: {  	_ =	swait.ge [sflag:s31], $0x4000  }
0x80: {  	[sflag:s31] =	ssyncset.done $0x0  }
0x81: {  	[sflag:s31] =	ssyncadd.s32 $0xFFFFC000  }
0x82: {  	[tilespmem:s25], [sflag:$0x2] =	stream.indirect.gather [hbm4b:s1+s24], $0x80, s0, s24, $0xb8;
	[tilespmem:$0x1E800] =	vst v63  }
0x83: {  	_ =	swait.ge [sflag:s26], $0x4000  }
0x84: {  	[sflag:s26] =	ssyncset.done $0x0  }
0x85: {  	[sflag:s26] =	ssyncadd.s32 $0xFFFFC000  }
0x86: {  	[spmem:s2] =	stream.indirect.scatter.add.f32 [tilespmem:s20], [sflag:$0x3], $0x80, s4, s24, $0xb8;
	[tilespmem:$0x1E800] =	vst v63  }
0x87: {  	_ =	swait.ge [sflag:s21], $0x4000  }
0x88: {  	[sflag:s21] =	ssyncset.done $0x0  }
0x89: {  	[sflag:s21] =	ssyncadd.s32 $0xFFFFC000  }
0x8a: {  	_ =	swait.ge [sflag:s29], $0x4000  }
0x8b: {  	[sflag:s29] =	ssyncset.done $0x0  }
0x8c: {  	[sflag:s29] =	ssyncadd.s32 $0xFFFFC000  }
0x8d: {  	[spmem:s2] =	stream.indirect.scatter.add.f32 [tilespmem:s25], [sflag:$0x4], $0x80, s10, s24, $0xb8;
	[tilespmem:$0x1E800] =	vst v63  }
0x8e: {  	_ =	swait.ge [sflag:s31], $0x4000  }
0x8f: {  	[sflag:s31] =	ssyncset.done $0x0  }
0x90: {  	s12 =	rddreg [dreg:$0x6];
	[sflag:s31] =	ssyncadd.s32 $0xFFFFC000  }
0x91: {  	[tilespmem:s3], [sflag:$0x5] =	stream.linear.gather [hbm4b:s12+s3], $0x1400, $0x38;
	[tilespmem:$0x1E800] =	vst v63  }
0x92: {  	_ =	swait.ge [sflag:s22], $0x1400  }
0x93: {  	[sflag:s22] =	ssyncset.done $0x0  }
0x94: {  	s13 =	rddreg [dreg:$0x7];
	[sflag:s22] =	ssyncadd.s32 $0xFFFFEC00  }
0x95: {  	[tilespmem:s23], [sflag:$0x5] =	stream.linear.gather [hbm4b:s13+s3], $0x1400, $0x38;
	[tilespmem:$0x1E800] =	vst v63  }
0x96: {  	_ =	swait.ge [sflag:s22], $0x1400  }
0x97: {  	[sflag:s22] =	ssyncset.done $0x0  }
0x98: {  	[sflag:s22] =	ssyncadd.s32 $0xFFFFEC00  }
0x99: {  	[tilespmem:s20], [sflag:$0x1] =	stream.indirect.gather [hbm4b:s1+s24], $0x80, s3, s24, $0xb8;
	[tilespmem:$0x1E800] =	vst v63  }
0x9a: {  	_ = 	snop  }
0x9b: {  	[tilespmem:s25], [sflag:$0x2] =	stream.indirect.gather [hbm4b:s1+s24], $0x80, s24, s24, $0xb8;
	[tilespmem:$0x1E800] =	vst v63  }
0x9c: {  	_ =	swait.ge [sflag:s26], $0x4000  }
0x9d: {  	[sflag:s26] =	ssyncset.done $0x0  }
0x9e: {  	[sflag:s26] =	ssyncadd.s32 $0xFFFFC000  }
0x9f: {  	[spmem:s2] =	stream.indirect.scatter.add.f32 [tilespmem:s20], [sflag:$0x3], $0x80, s23, s24, $0xb8;
	[tilespmem:$0x1E800] =	vst v63  }
0xa0: {  	_ =	swait.ge [sflag:s21], $0x4000  }
0xa1: {  	[sflag:s21] =	ssyncset.done $0x0  }
0xa2: {  	[sflag:s21] =	ssyncadd.s32 $0xFFFFC000  }
0xa3: {  	[tilespmem:s20], [sflag:$0x1] =	stream.indirect.gather [hbm4b:s1+s24], $0x80, s28, s24, $0xb8;
	[tilespmem:$0x1E800] =	vst v63  }
0xa4: {  	_ =	swait.ge [sflag:s29], $0x4000  }
0xa5: {  	[sflag:s29] =	ssyncset.done $0x0  }
0xa6: {  	[sflag:s29] =	ssyncadd.s32 $0xFFFFC000  }
0xa7: {  	[spmem:s2] =	stream.indirect.scatter.add.f32 [tilespmem:s25], [sflag:$0x4], $0x80, s30, s24, $0xb8;
	[tilespmem:$0x1E800] =	vst v63  }
0xa8: {  	_ =	swait.ge [sflag:s31], $0x4000  }
0xa9: {  	[sflag:s31] =	ssyncset.done $0x0  }
0xaa: {  	s14 =	simm.s32 $0x180;
	[sflag:s31] =	ssyncadd.s32 $0xFFFFC000  }
0xab: {  	[tilespmem:s25], [sflag:$0x2] =	stream.indirect.gather [hbm4b:s1+s24], $0x80, s14, s24, $0xb8;
	[tilespmem:$0x1E800] =	vst v63  }
0xac: {  	_ =	swait.ge [sflag:s26], $0x4000  }
0xad: {  	[sflag:s26] =	ssyncset.done $0x0  }
0xae: {  	s13 =	simm.s32 $0x1500;
	[sflag:s26] =	ssyncadd.s32 $0xFFFFC000  }
0xaf: {  	[spmem:s2] =	stream.indirect.scatter.add.f32 [tilespmem:s20], [sflag:$0x3], $0x80, s13, s24, $0xb8;
	[tilespmem:$0x1E800] =	vst v63  }
0xb0: {  	_ =	swait.ge [sflag:s21], $0x4000  }
0xb1: {  	[sflag:s21] =	ssyncset.done $0x0  }
0xb2: {  	s14 =	simm.s32 $0x200;
	[sflag:s21] =	ssyncadd.s32 $0xFFFFC000  }
0xb3: {  	[tilespmem:s20], [sflag:$0x1] =	stream.indirect.gather [hbm4b:s1+s24], $0x80, s14, s24, $0xb8;
	[tilespmem:$0x1E800] =	vst v63  }
0xb4: {  	_ =	swait.ge [sflag:s29], $0x4000  }
0xb5: {  	[sflag:s29] =	ssyncset.done $0x0  }
0xb6: {  	s12 =	simm.s32 $0xFFFFBC00;
	s13 =	simm.s32 $0x1580;
	[sflag:s29] =	ssyncadd.s32 $0xFFFFC000  }
.LBB2_6:
0xb7: {  	[spmem:s2] =	stream.indirect.scatter.add.f32 [tilespmem:s25], [sflag:$0x4], $0x80, s13, s24, $0xb8;
	[tilespmem:$0x1E800] =	vst v63  }
0xb8: {  	s13 =	smov.u32 s12  }
0xb9: {  	p0 =	sne.s32 s12, $0xFFFFFC00;
	s12 =	sadd.s32 $0x400, s12;
	_ =	swait.ge [sflag:s31], $0x4000  }
0xba: {  	s13 =	sshra.s32 s13, $0x2;
	[sflag:s31] =	ssyncset.done $0x0  }
0xbb: {  	s14 =	sadd.s32 $0x1380, s13;
	[sflag:s31] =	ssyncadd.s32 $0xFFFFC000  }
0xbc: {  	[tilespmem:s25], [sflag:$0x2] =	stream.indirect.gather [hbm4b:s1+s24], $0x80, s14, s24, $0xb8;
	[tilespmem:$0x1E800] =	vst v63  }
0xbd: {  	_ =	swait.ge [sflag:s26], $0x4000  }
0xbe: {  	[sflag:s26] =	ssyncset.done $0x0  }
0xbf: {  	s14 =	sadd.s32 $0x2700, s13;
	[sflag:s26] =	ssyncadd.s32 $0xFFFFC000  }
0xc0: {  	[spmem:s2] =	stream.indirect.scatter.add.f32 [tilespmem:s20], [sflag:$0x3], $0x80, s14, s24, $0xb8;
	[tilespmem:$0x1E800] =	vst v63  }
0xc1: {  	_ =	swait.ge [sflag:s21], $0x4000  }
0xc2: {  	[sflag:s21] =	ssyncset.done $0x0  }
.Ltmp2:
0xc3: {  	s14 =	sadd.s32 $0x1400, s13;
	[sflag:s21] =	ssyncadd.s32 $0xFFFFC000;
	(pc) =	sbr.rel @p0 .LBB2_6-.Ltmp2, $4  }
0xc4: {  	[tilespmem:s20], [sflag:$0x1] =	stream.indirect.gather [hbm4b:s1+s24], $0x80, s14, s24, $0xb8;
	[tilespmem:$0x1E800] =	vst v63  }
0xc5: {  	_ =	swait.ge [sflag:s29], $0x4000  }
0xc6: {  	[sflag:s29] =	ssyncset.done $0x0  }
0xc7: {  	s13 =	sadd.s32 $0x2780, s13;
	[sflag:s29] =	ssyncadd.s32 $0xFFFFC000  }
0xc8: {  	[spmem:s2] =	stream.indirect.scatter.add.f32 [tilespmem:s25], [sflag:$0x4], $0x80, s13, s24, $0xb8;
	[tilespmem:$0x1E800] =	vst v63  }
0xc9: {  	_ =	swait.ge [sflag:s31], $0x4000  }
0xca: {  	[sflag:s31] =	ssyncset.done $0x0  }
0xcb: {  	[sflag:s31] =	ssyncadd.s32 $0xFFFFC000  }
0xcc: {  	[tilespmem:s25], [sflag:$0x2] =	stream.indirect.gather [hbm4b:s1+s24], $0x80, s0, s24, $0xb8;
	[tilespmem:$0x1E800] =	vst v63  }
0xcd: {  	_ =	swait.ge [sflag:s26], $0x4000  }
0xce: {  	[sflag:s26] =	ssyncset.done $0x0  }
0xcf: {  	[sflag:s26] =	ssyncadd.s32 $0xFFFFC000  }
0xd0: {  	[spmem:s2] =	stream.indirect.scatter.add.f32 [tilespmem:s20], [sflag:$0x3], $0x80, s4, s24, $0xb8;
	[tilespmem:$0x1E800] =	vst v63  }
0xd1: {  	_ =	swait.ge [sflag:s21], $0x4000  }
0xd2: {  	[sflag:s21] =	ssyncset.done $0x0  }
0xd3: {  	[sflag:s21] =	ssyncadd.s32 $0xFFFFC000  }
0xd4: {  	_ =	swait.ge [sflag:s29], $0x4000  }
0xd5: {  	[sflag:s29] =	ssyncset.done $0x0  }
0xd6: {  	[sflag:s29] =	ssyncadd.s32 $0xFFFFC000  }
0xd7: {  	[spmem:s2] =	stream.indirect.scatter.add.f32 [tilespmem:s25], [sflag:$0x4], $0x80, s10, s24, $0xb8;
	[tilespmem:$0x1E800] =	vst v63  }
0xd8: {  	_ =	swait.ge [sflag:s31], $0x4000  }
0xd9: {  	s12 =	stileid.u32;
	[sflag:s31] =	ssyncset.done $0x0  }
0xda: {  	s12 =	sshll.u32 s12, $0x6;
	[sflag:s31] =	ssyncadd.s32 $0xFFFFC000  }
0xdb: {  	s14 =	sshrl.u32 s5, $0x3;
	s12 =	sor.u32 $0x1C01, s12;
	[bflag:$0x0] =	sbarrier.arrive $0xFFFF  }
0xdc: {  	[hbm:s15], [sflag:s12] =	dma.local [spmem:s14], $0x800  }
0xdd: {  	s14 =	sshrl.u32 s6, $0x3  }
0xde: {  	[hbm:s16], [sflag:s12] =	dma.local [spmem:s14], $0x800  }
0xdf: {  	s14 =	sshrl.u32 s7, $0x3  }
0xe0: {  	[hbm:s17], [sflag:s12] =	dma.local [spmem:s14], $0x800  }
0xe1: {  	s14 =	sshrl.u32 s8, $0x3  }
0xe2: {  	[hbm:s18], [sflag:s12] =	dma.local [spmem:s14], $0x800  }
0xe3: {  	s14 =	sshrl.u32 s9, $0x3  }
0xe4: {  	[hbm:s19], [sflag:s12] =	dma.local [spmem:s14], $0x800  }
0xe5: {  	_ =	swait.ge [sflag:s26], $0x800  }
0xe6: {  	[sflag:s26] =	ssyncset.done $0x0  }
0xe7: {  	[sflag:s26] =	ssyncadd.s32 $0xFFFFF800  }
0xe8: {  	_ =	swait.ge [sflag:s26], $0x800  }
0xe9: {  	[sflag:s26] =	ssyncset.done $0x0  }
0xea: {  	[sflag:s26] =	ssyncadd.s32 $0xFFFFF800  }
0xeb: {  	_ =	swait.ge [sflag:s26], $0x800  }
0xec: {  	[sflag:s26] =	ssyncset.done $0x0  }
0xed: {  	[sflag:s26] =	ssyncadd.s32 $0xFFFFF800  }
0xee: {  	_ =	swait.ge [sflag:s26], $0x800  }
0xef: {  	[sflag:s26] =	ssyncset.done $0x0  }
0xf0: {  	[sflag:s26] =	ssyncadd.s32 $0xFFFFF800  }
0xf1: {  	_ =	swait.ge [sflag:s26], $0x800  }
0xf2: {  	s11 =	sadd.s32 $0x1, s11;
	s14 =	rddreg [dreg:$0x8]  }
0xf3: {  	p0 =	sne.s32 s11, s14  }
.Ltmp3:
0xf4: {  	_ = 	snop;
	(pc) =	sbr.rel @p0 .LBB2_1-.Ltmp3, $3  }
0xf5: {  	_ =	sdelay $0x1  }
0xf6: {  	[sflag:s26] =	ssyncset.done $0x0  }
0xf7: {  	[sflag:s26] =	ssyncadd.s32 $0xFFFFF800  }
0xf8: {  	_ =	sfence.sel $0x180000  }
0xf9: {  	[bflag:$0x0] =	sbarrier.arrive $0xFFFF  }
0xfa: {  	_ =	strace $0x90000050  }
0xfb: {  	s0 =	stileid.u32;
	[bflag:$0x2] =	sbarrier.arrive $0xFFFF  }
0xfc: {  	p0 =	sne.s32 s0, $0x0;
	s0 =	rddreg [dreg:$0x3]  }
0xfd: {  	s0 =	sadd.s32 @!p0 $0x100000, s0  }
0xfe: {  	[sflag:s0] =	ssyncadd.tile.s32 @!p0 $0x1;
	_ =	shalt  }
.Lfunc_end2:
_tile_overlayer_lowered:
.L_overlay_start_2:
0xff: {  	(tag) =	ssettag $0x2  }
0x100: {  	s0 =	rddreg [dreg:$0x0];
	s2 =	stileid.u32  }
0x101: {  	s1 =	rddreg [dreg:$0x1];
	p0 =	sne.s32 s2, $0x0  }
0x102: {  	s3 =	rddreg [dreg:$0x2];
	[bflag:$0x3] =	sbarrier.arrive $0xFFFF;
	s2 =	simm.s32 @!p0 $0x1C05  }
0x103: {  	[timem:s3], [sflag:s2] =	dma.local @!p0 [hbm:s0], s1  }
0x104: {  	s0 =	simm.s32 @!p0 $0x5  }
0x105: {  	_ =	swait.ge @!p0 [sflag:s0], s1  }
0x106: {  	s1 =	ssub.s32 @!p0 $0x0, s1;
	[sflag:s0] =	ssyncset.done @!p0 $0x0  }
0x107: {  	[sflag:s0] =	ssyncadd.s32 @!p0 s1  }
0x108: {  	[bflag:$0x3] =	sbarrier.arrive $0xFFFF  }
0x109: {  	_ =	shalt  }

</sc_bundles>
